<compile_context>
chip_gen: v7x
topology: tpu7x:2x2x1
jax: 0.10.2.dev20260603
libtpu: 0.0.44.dev20260713+nightly
codegen_flags: <defaults>
</compile_context>

<pallas_src>
import functools

import jax
import jax.numpy as jnp
from jax import lax
from jax.experimental import pallas as pl
from jax.experimental.pallas import tpu as pltpu
from jax.experimental.pallas import tpu_sc as plsc

D = 256
BATCH = 128
CLIPS = 4
BS = BATCH * CLIPS
NCOL = 1 + (BATCH - 1) * CLIPS
OUTPUT_SIZE = 100000
T = 0.07
MEM_M = 0.5

_HI = lax.Precision.HIGHEST


def _tc_body(x_ref, idx_ref, outs_ref, np_ref, cm2_ref):
    f32 = jnp.float32
    x = x_ref[...]
    pr = lax.broadcasted_iota(jnp.int32, (BS, BS), 0)
    pc = lax.broadcasted_iota(jnp.int32, (BS, BS), 1)
    perm = (pc == (pr % CLIPS) * BATCH + pr // CLIPS).astype(f32)
    xp = lax.dot_general(perm, x, (((1,), (0,)), ((), ())),
                         preferred_element_type=f32)

    g = x[0:128] + x[128:256] + x[256:384] + x[384:512]
    gt = jnp.concatenate([g, g, g, g], axis=0)
    pos_sum = jnp.sum(x * gt, axis=1, keepdims=True)
    selfdot = jnp.sum(x * x, axis=1, keepdims=True)
    pos_mean = (pos_sum - selfdot) * (1.0 / 3.0)
    pos_e = jnp.exp(pos_mean * (1.0 / T))

    sp = lax.dot_general(x, xp, (((1,), (1,)), ((), ())),
                         preferred_element_type=f32)
    e = jnp.exp(sp * (1.0 / T))

    u = lax.broadcasted_iota(jnp.int32, (BS, BS), 1)
    fv = 4 * (lax.broadcasted_iota(jnp.int32, (BS, BS), 0) % BATCH)
    r1 = jnp.concatenate([e[:, BS - 1:BS], e[:, :BS - 1]], axis=1)
    m3 = jnp.concatenate([e[:, 3:], e[:, :3]], axis=1)
    p = jnp.where(u == 0, pos_e, jnp.where(u - 1 < fv, r1, m3))
    p = jnp.where(u < NCOL, p, 0.0)
    z = jnp.sum(p) * (1.0 / (BS * NCOL)) * OUTPUT_SIZE
    outs = p / z
    outs_ref[...] = outs[:, :NCOL]
    rs = jnp.sum(outs, axis=1, keepdims=True)
    np_ref[...] = jnp.mean(outs[:, 0:1] / rs).reshape(1, 1)

    ii = idx_ref[...].astype(f32)
    ri = lax.broadcasted_iota(jnp.int32, (BATCH, BATCH), 0)
    ci = lax.broadcasted_iota(jnp.int32, (BATCH, BATCH), 1)
    eye = (ri == ci).astype(f32)
    idx_col = lax.dot_general(eye, ii, (((1,), (1,)), ((), ())),
                              precision=_HI)
    eqm = idx_col == jnp.broadcast_to(ii, (BATCH, BATCH))
    j = ci.astype(f32)
    last = jnp.max(jnp.where(eqm, j, -1.0), axis=1, keepdims=True)
    oh = (j == last).astype(f32)
    cm2 = lax.dot_general(oh, g, (((1,), (0,)), ((), ())),
                          precision=_HI) * 0.125
    cm2_ref[...] = cm2


_NW = 16
_BPW = BATCH // _NW


def _sc_body(mem_in, idx_hbm, cm2_hbm, bank, idx_v, rows_v, cm_v, sem, sem2):
    wid = lax.axis_index("s")

    pltpu.sync_copy(idx_hbm.at[pl.ds(wid * _BPW, _BPW)], idx_v)
    cm_cp = pltpu.async_copy(cm2_hbm.at[pl.ds(wid * _BPW, _BPW)], cm_v, sem2)
    pltpu.async_copy(mem_in.at[idx_v], rows_v, sem).wait()
    cm_cp.wait()
    for r in range(_BPW):
        ss = jnp.zeros((16,), jnp.float32)
        for k in range(D // 16):
            sl = pl.ds(k * 16, 16)
            v = rows_v[r, sl] * MEM_M + cm_v[r, sl]
            rows_v[r, sl] = v
            ss = ss + v * v
        tot = jnp.broadcast_to(jnp.sum(ss), (16,))
        ih = plsc.bitcast(tot, jnp.int32)
        y = plsc.bitcast(jnp.int32(0x5F3759DF) - (ih >> 1), jnp.float32)
        for _ in range(4):
            y = y * (1.5 - 0.5 * tot * y * y)
        for k in range(D // 16):
            sl = pl.ds(k * 16, 16)
            rows_v[r, sl] = rows_v[r, sl] * y
    pltpu.async_copy(rows_v, bank.at[idx_v], sem).wait()


@functools.cache
def _sc_update():
    return pl.kernel(
        _sc_body,
        mesh=plsc.VectorSubcoreMesh(core_axis_name="c", subcore_axis_name="s",
                                    num_cores=1),
        compiler_params=pltpu.CompilerParams(needs_layout_passes=False),
        scratch_types=[
            pltpu.VMEM((_BPW,), jnp.int32),
            pltpu.VMEM((_BPW, D), jnp.float32),
            pltpu.VMEM((_BPW, D), jnp.float32),
            pltpu.SemaphoreType.DMA,
            pltpu.SemaphoreType.DMA,
        ],
    )


@jax.jit
def kernel(x, memory, idxs, i):
    del i
    idx_tc = idxs.reshape(1, BATCH)
    outs, np11, cm2 = pl.pallas_call(
        _tc_body,
        out_shape=[
            jax.ShapeDtypeStruct((BS, NCOL), jnp.float32),
            jax.ShapeDtypeStruct((1, 1), jnp.float32),
            jax.ShapeDtypeStruct((BATCH, D), jnp.float32),
        ],
    )(x, idx_tc)
    normed_probs = np11.reshape(())

    bank = jax.new_ref(memory)
    _sc_update()(memory, idxs, cm2, bank)
    new_memory = jax.freeze(bank)
    return outs, normed_probs, new_memory

# --- scband reference (transcript-rebuilt; emitter-appended) ---
"""Pipeline reference for scband-nceaverage-88227218195014 (READ-ONLY COPY).

The authoritative reference and input builder live on the scoring server;
editing this copy changes nothing except your own understanding.
"""

import jax, jax.numpy as jnp
import numpy as np

INPUT_SIZE = 256
OUTPUT_SIZE = 100000
CLIPS_NUM = 4
BATCH_SIZE = 128
BS = BATCH_SIZE * CLIPS_NUM
T = 0.07
Z_MOMENTUM = 0.9
MEM_MOMENTUM = 0.5


def _build_indices():
    indices = np.arange(BS).reshape(CLIPS_NUM, BATCH_SIZE).T.copy()
    indices_temp = [[i + ii * BATCH_SIZE for ii in range(CLIPS_NUM)] for i in range(BATCH_SIZE)]
    pos = np.zeros((BS, CLIPS_NUM - 1), dtype=np.int32)
    neg = np.zeros((BS, (BATCH_SIZE - 1) * CLIPS_NUM), dtype=np.int32)
    for i in range(BS):
        pt = list(indices_temp[i % BATCH_SIZE])
        pt.remove(i)
        nt = [v for j, row in enumerate(indices_temp) if j != (i % BATCH_SIZE) for v in row]
        pos[i, :] = np.array(pt, dtype=np.int32)
        neg[i, :] = np.array(nt, dtype=np.int32)
    return indices, pos, neg


def setup_inputs(seed: int = 0) -> dict:
    key = jax.random.key(seed)
    k1, k2, k3 = jax.random.split(key, 3)
    x = jax.random.normal(k1, (BS, INPUT_SIZE), dtype=jnp.float32)
    idxs = jax.random.randint(k2, (BATCH_SIZE,), 0, OUTPUT_SIZE)
    stdv = 1.0 / np.sqrt(INPUT_SIZE / 3.0)
    memory = jax.random.uniform(k3, (OUTPUT_SIZE, INPUT_SIZE), dtype=jnp.float32) * (2 * stdv) - stdv
    return {"x": x, "memory": memory, "idxs": idxs, "i": 0}


def reference(x, memory, idxs, i):
    indices, pos_idx, neg_idx = _build_indices()
    emb = x
    # positive logits: mean cosine-sim with the other clips of the same video
    positives = jnp.take(emb, jnp.asarray(pos_idx), axis=0)  # [BS, clips_num-1, d]
    pos_logits = jnp.mean(jnp.einsum('bkd,bd->bk', positives, emb), axis=1, keepdims=True)  # [BS, 1]
    # negative logits: all clips from other videos in the batch
    negatives = jnp.take(emb, jnp.asarray(neg_idx), axis=0)  # [BS, (batch_size-1)*clips_num, d]
    neg_logits = jnp.einsum('bkd,bd->bk', negatives, emb)
    logits = jnp.concatenate([pos_logits, neg_logits], axis=-1)
    outs = jnp.exp(logits / T)
    # Z initialized to -1, so first forward sets Z = mean(outs) * outputSize
    Z = jnp.mean(outs) * OUTPUT_SIZE
    outs = outs / Z
    probs_mat = outs / jnp.sum(outs, axis=1, keepdims=True)
    normed_probs = jnp.mean(probs_mat[:, 0])
    # memory bank update (no-grad in torch): scatter-overwrite rows idxs
    data_memory = jnp.take(memory, idxs, axis=0)  # [batch_size, d]
    clip_means = jnp.mean(jnp.take(emb, jnp.asarray(indices), axis=0), axis=1)  # [batch_size, d]
    new_data_memory = data_memory * MEM_MOMENTUM + (1.0 - MEM_MOMENTUM) * clip_means
    new_data_memory = new_data_memory / jnp.linalg.norm(new_data_memory, axis=1, keepdims=True)
    new_memory = memory.at[idxs].set(new_data_memory)
    return (outs, normed_probs, new_memory)

if __name__ == "__main__":
    import jax
    _d = setup_inputs()
    print(jax.jit(kernel)(*tuple(_d.values())))

</pallas_src>

<mosaic_0001>
#map = affine_map<(d0, d1) -> (0, 0)>
#map1 = affine_map<(d0, d1) -> (0)>
module attributes {stable_mosaic.version = 14 : i64} {
  func.func @new_body(%arg0: i32, %arg1: i32, %arg2: memref<100000x256xf32, #tpu.memory_space<hbm>>, %arg3: memref<128xi32, #tpu.memory_space<hbm>>, %arg4: memref<128x256xf32, #tpu.memory_space<hbm>>, %arg5: memref<100000x256xf32, #tpu.memory_space<hbm>>, %arg6: memref<100000x256xf32, #tpu.memory_space<hbm>>, %arg7: memref<8xi32, #tpu.memory_space<vmem>>, %arg8: memref<8x256xf32, #tpu.memory_space<vmem>>, %arg9: memref<8x256xf32, #tpu.memory_space<vmem>>, %arg10: memref<!tpu.dma_semaphore, #tpu.memory_space<semaphore_mem>>, %arg11: memref<!tpu.dma_semaphore, #tpu.memory_space<semaphore_mem>>) attributes {dimension_semantics = [#tpu.dimension_semantics<core_parallel>, #tpu.dimension_semantics<subcore_parallel>], iteration_bounds = array<i64: 1, 16>, scalar_prefetch = 0 : i64, scratch_operands = 5 : i64, tpu.core_type = #tpu.core_type<sc_vector_subcore>, window_params = [{transform_indices = #map}, {transform_indices = #map1}, {transform_indices = #map}, {transform_indices = #map}, {transform_indices = #map}]} {
    %mul3A = arith.constant 8 : i32
    %mul3A_0 = arith.muli %arg1, %mul3A : i32
    "tpu.region"() ({
      %run_scoped3A = tpu.sem_alloc : memref<!tpu.dma_semaphore, #tpu.memory_space<semaphore_mem>>
      %dma_start3A_3877 = tpu.memref_slice %arg3[%mul3A_0] : memref<128xi32, #tpu.memory_space<hbm>> -> memref<8xi32, #tpu.memory_space<hbm>>
      %dma_start3A_3878 = tpu.memref_slice %arg3[%mul3A_0] : memref<128xi32, #tpu.memory_space<hbm>> -> memref<8xi32, #tpu.memory_space<hbm>>
      tpu.enqueue_dma source(%dma_start3A_3878 : memref<8xi32, #tpu.memory_space<hbm>>) target(%arg7 : memref<8xi32, #tpu.memory_space<vmem>>) target_semaphore(%run_scoped3A : memref<!tpu.dma_semaphore, #tpu.memory_space<semaphore_mem>>)
      %dma_wait3A_3879 = tpu.memref_slice %arg3[%mul3A_0] : memref<128xi32, #tpu.memory_space<hbm>> -> memref<8xi32, #tpu.memory_space<hbm>>
      %dma_wait3A_3880 = tpu.memref_slice %arg3[%mul3A_0] : memref<128xi32, #tpu.memory_space<hbm>> -> memref<8xi32, #tpu.memory_space<hbm>>
      tpu.wait_dma2 semaphore(%run_scoped3A : memref<!tpu.dma_semaphore, #tpu.memory_space<semaphore_mem>>) src(%dma_wait3A_3880 : memref<8xi32, #tpu.memory_space<hbm>>) dst(%arg7 : memref<8xi32, #tpu.memory_space<vmem>>)
      tpu.yield
    }) : () -> ()
    %mul3A_1 = arith.constant 8 : i32
    %mul3A_2 = arith.muli %arg1, %mul3A_1 : i32
    %dma_start3A = arith.constant 0 : i32
    %dma_start3A_3 = tpu.memref_slice %arg4[%mul3A_2, %dma_start3A] : memref<128x256xf32, #tpu.memory_space<hbm>> -> memref<8x256xf32, #tpu.memory_space<hbm>>
    %dma_start3A_4 = arith.constant 0 : i32
    %dma_start3A_5 = tpu.memref_slice %arg4[%mul3A_2, %dma_start3A_4] : memref<128x256xf32, #tpu.memory_space<hbm>> -> memref<8x256xf32, #tpu.memory_space<hbm>>
    tpu.enqueue_dma source(%dma_start3A_5 : memref<8x256xf32, #tpu.memory_space<hbm>>) target(%arg9 : memref<8x256xf32, #tpu.memory_space<vmem>>) target_semaphore(%arg11 : memref<!tpu.dma_semaphore, #tpu.memory_space<semaphore_mem>>)
    %dma_start3A_6 = arith.constant 0 : i32
    %dma_start3A_7 = arith.constant 0 : i32
    %dma_start3A_8 = tpu.memref_slice %arg2[%dma_start3A_6, %dma_start3A_7] : memref<100000x256xf32, #tpu.memory_space<hbm>> -> memref<100000x256xf32, #tpu.memory_space<hbm>>
    tpu.enqueue_indirect_dma source(%dma_start3A_8 : memref<100000x256xf32, #tpu.memory_space<hbm>>) target(%arg8 : memref<8x256xf32, #tpu.memory_space<vmem>>) offsets(%arg7 : memref<8xi32, #tpu.memory_space<vmem>>) semaphore(%arg10 : memref<!tpu.dma_semaphore, #tpu.memory_space<semaphore_mem>>)
    %dma_wait3A = arith.constant 0 : i32
    %dma_wait3A_9 = arith.constant 0 : i32
    %dma_wait3A_10 = tpu.memref_slice %arg2[%dma_wait3A, %dma_wait3A_9] : memref<100000x256xf32, #tpu.memory_space<hbm>> -> memref<100000x256xf32, #tpu.memory_space<hbm>>
    tpu.wait_indirect_dma semaphore(%arg10 : memref<!tpu.dma_semaphore, #tpu.memory_space<semaphore_mem>>) src(%dma_wait3A_10 : memref<100000x256xf32, #tpu.memory_space<hbm>>) dst(%arg8 : memref<8x256xf32, #tpu.memory_space<vmem>>)
    %dma_wait3A_11 = arith.constant 0 : i32
    %dma_wait3A_12 = tpu.memref_slice %arg4[%mul3A_2, %dma_wait3A_11] : memref<128x256xf32, #tpu.memory_space<hbm>> -> memref<8x256xf32, #tpu.memory_space<hbm>>
    %dma_wait3A_13 = arith.constant 0 : i32
    %dma_wait3A_14 = tpu.memref_slice %arg4[%mul3A_2, %dma_wait3A_13] : memref<128x256xf32, #tpu.memory_space<hbm>> -> memref<8x256xf32, #tpu.memory_space<hbm>>
    tpu.wait_dma2 semaphore(%arg11 : memref<!tpu.dma_semaphore, #tpu.memory_space<semaphore_mem>>) src(%dma_wait3A_14 : memref<8x256xf32, #tpu.memory_space<hbm>>) dst(%arg9 : memref<8x256xf32, #tpu.memory_space<vmem>>)
    %broadcast_in_dim3A = arith.constant 0.000000e+00 : f32
    %broadcast_in_dim3A_15 = vector.broadcast %broadcast_in_dim3A : f32 to vector<16xf32>
    %get3A = arith.constant 0 : i32
    %get3A_16 = arith.index_cast %get3A : i32 to index
    %get3A_17 = arith.constant 0 : index
    %get3A_18 = tpu.vector_load %arg8[%get3A_16, %get3A_17] {strides = array<i32>} : memref<8x256xf32, #tpu.memory_space<vmem>>, vector<16xf32>,
    %mul3A_19 = arith.constant 5.000000e-01 : f32
    %mul3A_20 = vector.broadcast %mul3A_19 : f32 to vector<16xf32>
    %mul3A_21 = arith.mulf %get3A_18, %mul3A_20 : vector<16xf32>
    %get3A_22 = arith.constant 0 : i32
    %get3A_23 = arith.index_cast %get3A_22 : i32 to index
    %get3A_24 = arith.constant 0 : index
    %get3A_25 = tpu.vector_load %arg9[%get3A_23, %get3A_24] {strides = array<i32>} : memref<8x256xf32, #tpu.memory_space<vmem>>, vector<16xf32>,
    %add3A = arith.addf %mul3A_21, %get3A_25 : vector<16xf32>
    %swap3A = arith.constant 0 : i32
    %swap3A_26 = arith.index_cast %swap3A : i32 to index
    %swap3A_27 = arith.constant 0 : index
    %swap3A_28 = tpu.vector_load %arg8[%swap3A_26, %swap3A_27] {strides = array<i32>} : memref<8x256xf32, #tpu.memory_space<vmem>>, vector<16xf32>,
    tpu.vector_store %arg8[%swap3A_26, %swap3A_27], %add3A {strides = array<i32>} : memref<8x256xf32, #tpu.memory_space<vmem>>, vector<16xf32>,
    %mul3A_29 = arith.mulf %add3A, %add3A : vector<16xf32>
    %add3A_30 = arith.addf %broadcast_in_dim3A_15, %mul3A_29 : vector<16xf32>
    %get3A_31 = arith.constant 0 : i32
    %get3A_32 = arith.index_cast %get3A_31 : i32 to index
    %get3A_33 = arith.constant 16 : index
    %get3A_34 = tpu.vector_load %arg8[%get3A_32, %get3A_33] {strides = array<i32>} : memref<8x256xf32, #tpu.memory_space<vmem>>, vector<16xf32>,
    %mul3A_35 = arith.constant 5.000000e-01 : f32
    %mul3A_36 = vector.broadcast %mul3A_35 : f32 to vector<16xf32>
    %mul3A_37 = arith.mulf %get3A_34, %mul3A_36 : vector<16xf32>
    %get3A_38 = arith.constant 0 : i32
    %get3A_39 = arith.index_cast %get3A_38 : i32 to index
    %get3A_40 = arith.constant 16 : index
    %get3A_41 = tpu.vector_load %arg9[%get3A_39, %get3A_40] {strides = array<i32>} : memref<8x256xf32, #tpu.memory_space<vmem>>, vector<16xf32>,
    %add3A_42 = arith.addf %mul3A_37, %get3A_41 : vector<16xf32>
    %swap3A_43 = arith.constant 0 : i32
    %swap3A_44 = arith.index_cast %swap3A_43 : i32 to index
    %swap3A_45 = arith.constant 16 : index
    %swap3A_46 = tpu.vector_load %arg8[%swap3A_44, %swap3A_45] {strides = array<i32>} : memref<8x256xf32, #tpu.memory_space<vmem>>, vector<16xf32>,
    tpu.vector_store %arg8[%swap3A_44, %swap3A_45], %add3A_42 {strides = array<i32>} : memref<8x256xf32, #tpu.memory_space<vmem>>, vector<16xf32>,
    %mul3A_47 = arith.mulf %add3A_42, %add3A_42 : vector<16xf32>
    %add3A_48 = arith.addf %add3A_30, %mul3A_47 : vector<16xf32>
    %get3A_49 = arith.constant 0 : i32
    %get3A_50 = arith.index_cast %get3A_49 : i32 to index
    %get3A_51 = arith.constant 32 : index
    %get3A_52 = tpu.vector_load %arg8[%get3A_50, %get3A_51] {strides = array<i32>} : memref<8x256xf32, #tpu.memory_space<vmem>>, vector<16xf32>,
    %mul3A_53 = arith.constant 5.000000e-01 : f32
    %mul3A_54 = vector.broadcast %mul3A_53 : f32 to vector<16xf32>
    %mul3A_55 = arith.mulf %get3A_52, %mul3A_54 : vector<16xf32>
    %get3A_56 = arith.constant 0 : i32
    %get3A_57 = arith.index_cast %get3A_56 : i32 to index
    %get3A_58 = arith.constant 32 : index
    %get3A_59 = tpu.vector_load %arg9[%get3A_57, %get3A_58] {strides = array<i32>} : memref<8x256xf32, #tpu.memory_space<vmem>>, vector<16xf32>,
    %add3A_60 = arith.addf %mul3A_55, %get3A_59 : vector<16xf32>
    %swap3A_61 = arith.constant 0 : i32
    %swap3A_62 = arith.index_cast %swap3A_61 : i32 to index
    %swap3A_63 = arith.constant 32 : index
    %swap3A_64 = tpu.vector_load %arg8[%swap3A_62, %swap3A_63] {strides = array<i32>} : memref<8x256xf32, #tpu.memory_space<vmem>>, vector<16xf32>,
    tpu.vector_store %arg8[%swap3A_62, %swap3A_63], %add3A_60 {strides = array<i32>} : memref<8x256xf32, #tpu.memory_space<vmem>>, vector<16xf32>,
    %mul3A_65 = arith.mulf %add3A_60, %add3A_60 : vector<16xf32>
    %add3A_66 = arith.addf %add3A_48, %mul3A_65 : vector<16xf32>
    %get3A_67 = arith.constant 0 : i32
    %get3A_68 = arith.index_cast %get3A_67 : i32 to index
    %get3A_69 = arith.constant 48 : index
    %get3A_70 = tpu.vector_load %arg8[%get3A_68, %get3A_69] {strides = array<i32>} : memref<8x256xf32, #tpu.memory_space<vmem>>, vector<16xf32>,
    %mul3A_71 = arith.constant 5.000000e-01 : f32
    %mul3A_72 = vector.broadcast %mul3A_71 : f32 to vector<16xf32>
    %mul3A_73 = arith.mulf %get3A_70, %mul3A_72 : vector<16xf32>
    %get3A_74 = arith.constant 0 : i32
    %get3A_75 = arith.index_cast %get3A_74 : i32 to index
    %get3A_76 = arith.constant 48 : index
    %get3A_77 = tpu.vector_load %arg9[%get3A_75, %get3A_76] {strides = array<i32>} : memref<8x256xf32, #tpu.memory_space<vmem>>, vector<16xf32>,
    %add3A_78 = arith.addf %mul3A_73, %get3A_77 : vector<16xf32>
    %swap3A_79 = arith.constant 0 : i32
    %swap3A_80 = arith.index_cast %swap3A_79 : i32 to index
    %swap3A_81 = arith.constant 48 : index
    %swap3A_82 = tpu.vector_load %arg8[%swap3A_80, %swap3A_81] {strides = array<i32>} : memref<8x256xf32, #tpu.memory_space<vmem>>, vector<16xf32>,
    tpu.vector_store %arg8[%swap3A_80, %swap3A_81], %add3A_78 {strides = array<i32>} : memref<8x256xf32, #tpu.memory_space<vmem>>, vector<16xf32>,
    %mul3A_83 = arith.mulf %add3A_78, %add3A_78 : vector<16xf32>
    %add3A_84 = arith.addf %add3A_66, %mul3A_83 : vector<16xf32>
    %get3A_85 = arith.constant 0 : i32
    %get3A_86 = arith.index_cast %get3A_85 : i32 to index
    %get3A_87 = arith.constant 64 : index
    %get3A_88 = tpu.vector_load %arg8[%get3A_86, %get3A_87] {strides = array<i32>} : memref<8x256xf32, #tpu.memory_space<vmem>>, vector<16xf32>,
    %mul3A_89 = arith.constant 5.000000e-01 : f32
    %mul3A_90 = vector.broadcast %mul3A_89 : f32 to vector<16xf32>
    %mul3A_91 = arith.mulf %get3A_88, %mul3A_90 : vector<16xf32>
    %get3A_92 = arith.constant 0 : i32
    %get3A_93 = arith.index_cast %get3A_92 : i32 to index
    %get3A_94 = arith.constant 64 : index
    %get3A_95 = tpu.vector_load %arg9[%get3A_93, %get3A_94] {strides = array<i32>} : memref<8x256xf32, #tpu.memory_space<vmem>>, vector<16xf32>,
    %add3A_96 = arith.addf %mul3A_91, %get3A_95 : vector<16xf32>
    %swap3A_97 = arith.constant 0 : i32
    %swap3A_98 = arith.index_cast %swap3A_97 : i32 to index
    %swap3A_99 = arith.constant 64 : index
    %swap3A_100 = tpu.vector_load %arg8[%swap3A_98, %swap3A_99] {strides = array<i32>} : memref<8x256xf32, #tpu.memory_space<vmem>>, vector<16xf32>,
    tpu.vector_store %arg8[%swap3A_98, %swap3A_99], %add3A_96 {strides = array<i32>} : memref<8x256xf32, #tpu.memory_space<vmem>>, vector<16xf32>,
    %mul3A_101 = arith.mulf %add3A_96, %add3A_96 : vector<16xf32>
    %add3A_102 = arith.addf %add3A_84, %mul3A_101 : vector<16xf32>
    %get3A_103 = arith.constant 0 : i32
    %get3A_104 = arith.index_cast %get3A_103 : i32 to index
    %get3A_105 = arith.constant 80 : index
    %get3A_106 = tpu.vector_load %arg8[%get3A_104, %get3A_105] {strides = array<i32>} : memref<8x256xf32, #tpu.memory_space<vmem>>, vector<16xf32>,
    %mul3A_107 = arith.constant 5.000000e-01 : f32
    %mul3A_108 = vector.broadcast %mul3A_107 : f32 to vector<16xf32>
    %mul3A_109 = arith.mulf %get3A_106, %mul3A_108 : vector<16xf32>
    %get3A_110 = arith.constant 0 : i32
    %get3A_111 = arith.index_cast %get3A_110 : i32 to index
    %get3A_112 = arith.constant 80 : index
    %get3A_113 = tpu.vector_load %arg9[%get3A_111, %get3A_112] {strides = array<i32>} : memref<8x256xf32, #tpu.memory_space<vmem>>, vector<16xf32>,
    %add3A_114 = arith.addf %mul3A_109, %get3A_113 : vector<16xf32>
    %swap3A_115 = arith.constant 0 : i32
    %swap3A_116 = arith.index_cast %swap3A_115 : i32 to index
    %swap3A_117 = arith.constant 80 : index
    %swap3A_118 = tpu.vector_load %arg8[%swap3A_116, %swap3A_117] {strides = array<i32>} : memref<8x256xf32, #tpu.memory_space<vmem>>, vector<16xf32>,
    tpu.vector_store %arg8[%swap3A_116, %swap3A_117], %add3A_114 {strides = array<i32>} : memref<8x256xf32, #tpu.memory_space<vmem>>, vector<16xf32>,
    %mul3A_119 = arith.mulf %add3A_114, %add3A_114 : vector<16xf32>
    %add3A_120 = arith.addf %add3A_102, %mul3A_119 : vector<16xf32>
    %get3A_121 = arith.constant 0 : i32
    %get3A_122 = arith.index_cast %get3A_121 : i32 to index
    %get3A_123 = arith.constant 96 : index
    %get3A_124 = tpu.vector_load %arg8[%get3A_122, %get3A_123] {strides = array<i32>} : memref<8x256xf32, #tpu.memory_space<vmem>>, vector<16xf32>,
    %mul3A_125 = arith.constant 5.000000e-01 : f32
    %mul3A_126 = vector.broadcast %mul3A_125 : f32 to vector<16xf32>
    %mul3A_127 = arith.mulf %get3A_124, %mul3A_126 : vector<16xf32>
    %get3A_128 = arith.constant 0 : i32
    %get3A_129 = arith.index_cast %get3A_128 : i32 to index
    %get3A_130 = arith.constant 96 : index
    %get3A_131 = tpu.vector_load %arg9[%get3A_129, %get3A_130] {strides = array<i32>} : memref<8x256xf32, #tpu.memory_space<vmem>>, vector<16xf32>,
    %add3A_132 = arith.addf %mul3A_127, %get3A_131 : vector<16xf32>
    %swap3A_133 = arith.constant 0 : i32
    %swap3A_134 = arith.index_cast %swap3A_133 : i32 to index
    %swap3A_135 = arith.constant 96 : index
    %swap3A_136 = tpu.vector_load %arg8[%swap3A_134, %swap3A_135] {strides = array<i32>} : memref<8x256xf32, #tpu.memory_space<vmem>>, vector<16xf32>,
    tpu.vector_store %arg8[%swap3A_134, %swap3A_135], %add3A_132 {strides = array<i32>} : memref<8x256xf32, #tpu.memory_space<vmem>>, vector<16xf32>,
    %mul3A_137 = arith.mulf %add3A_132, %add3A_132 : vector<16xf32>
    %add3A_138 = arith.addf %add3A_120, %mul3A_137 : vector<16xf32>
    %get3A_139 = arith.constant 0 : i32
    %get3A_140 = arith.index_cast %get3A_139 : i32 to index
    %get3A_141 = arith.constant 112 : index
    %get3A_142 = tpu.vector_load %arg8[%get3A_140, %get3A_141] {strides = array<i32>} : memref<8x256xf32, #tpu.memory_space<vmem>>, vector<16xf32>,
    %mul3A_143 = arith.constant 5.000000e-01 : f32
    %mul3A_144 = vector.broadcast %mul3A_143 : f32 to vector<16xf32>
    %mul3A_145 = arith.mulf %get3A_142, %mul3A_144 : vector<16xf32>
    %get3A_146 = arith.constant 0 : i32
    %get3A_147 = arith.index_cast %get3A_146 : i32 to index
    %get3A_148 = arith.constant 112 : index
    %get3A_149 = tpu.vector_load %arg9[%get3A_147, %get3A_148] {strides = array<i32>} : memref<8x256xf32, #tpu.memory_space<vmem>>, vector<16xf32>,
    %add3A_150 = arith.addf %mul3A_145, %get3A_149 : vector<16xf32>
    %swap3A_151 = arith.constant 0 : i32
    %swap3A_152 = arith.index_cast %swap3A_151 : i32 to index
    %swap3A_153 = arith.constant 112 : index
    %swap3A_154 = tpu.vector_load %arg8[%swap3A_152, %swap3A_153] {strides = array<i32>} : memref<8x256xf32, #tpu.memory_space<vmem>>, vector<16xf32>,
    tpu.vector_store %arg8[%swap3A_152, %swap3A_153], %add3A_150 {strides = array<i32>} : memref<8x256xf32, #tpu.memory_space<vmem>>, vector<16xf32>,
    %mul3A_155 = arith.mulf %add3A_150, %add3A_150 : vector<16xf32>
    %add3A_156 = arith.addf %add3A_138, %mul3A_155 : vector<16xf32>
    %get3A_157 = arith.constant 0 : i32
    %get3A_158 = arith.index_cast %get3A_157 : i32 to index
    %get3A_159 = arith.constant 128 : index
    %get3A_160 = tpu.vector_load %arg8[%get3A_158, %get3A_159] {strides = array<i32>} : memref<8x256xf32, #tpu.memory_space<vmem>>, vector<16xf32>,
    %mul3A_161 = arith.constant 5.000000e-01 : f32
    %mul3A_162 = vector.broadcast %mul3A_161 : f32 to vector<16xf32>
    %mul3A_163 = arith.mulf %get3A_160, %mul3A_162 : vector<16xf32>
    %get3A_164 = arith.constant 0 : i32
    %get3A_165 = arith.index_cast %get3A_164 : i32 to index
    %get3A_166 = arith.constant 128 : index
    %get3A_167 = tpu.vector_load %arg9[%get3A_165, %get3A_166] {strides = array<i32>} : memref<8x256xf32, #tpu.memory_space<vmem>>, vector<16xf32>,
    %add3A_168 = arith.addf %mul3A_163, %get3A_167 : vector<16xf32>
    %swap3A_169 = arith.constant 0 : i32
    %swap3A_170 = arith.index_cast %swap3A_169 : i32 to index
    %swap3A_171 = arith.constant 128 : index
    %swap3A_172 = tpu.vector_load %arg8[%swap3A_170, %swap3A_171] {strides = array<i32>} : memref<8x256xf32, #tpu.memory_space<vmem>>, vector<16xf32>,
    tpu.vector_store %arg8[%swap3A_170, %swap3A_171], %add3A_168 {strides = array<i32>} : memref<8x256xf32, #tpu.memory_space<vmem>>, vector<16xf32>,
    %mul3A_173 = arith.mulf %add3A_168, %add3A_168 : vector<16xf32>
    %add3A_174 = arith.addf %add3A_156, %mul3A_173 : vector<16xf32>
    %get3A_175 = arith.constant 0 : i32
    %get3A_176 = arith.index_cast %get3A_175 : i32 to index
    %get3A_177 = arith.constant 144 : index
    %get3A_178 = tpu.vector_load %arg8[%get3A_176, %get3A_177] {strides = array<i32>} : memref<8x256xf32, #tpu.memory_space<vmem>>, vector<16xf32>,
    %mul3A_179 = arith.constant 5.000000e-01 : f32
    %mul3A_180 = vector.broadcast %mul3A_179 : f32 to vector<16xf32>
    %mul3A_181 = arith.mulf %get3A_178, %mul3A_180 : vector<16xf32>
    %get3A_182 = arith.constant 0 : i32
    %get3A_183 = arith.index_cast %get3A_182 : i32 to index
    %get3A_184 = arith.constant 144 : index
    %get3A_185 = tpu.vector_load %arg9[%get3A_183, %get3A_184] {strides = array<i32>} : memref<8x256xf32, #tpu.memory_space<vmem>>, vector<16xf32>,
    %add3A_186 = arith.addf %mul3A_181, %get3A_185 : vector<16xf32>
    %swap3A_187 = arith.constant 0 : i32
    %swap3A_188 = arith.index_cast %swap3A_187 : i32 to index
    %swap3A_189 = arith.constant 144 : index
    %swap3A_190 = tpu.vector_load %arg8[%swap3A_188, %swap3A_189] {strides = array<i32>} : memref<8x256xf32, #tpu.memory_space<vmem>>, vector<16xf32>,
    tpu.vector_store %arg8[%swap3A_188, %swap3A_189], %add3A_186 {strides = array<i32>} : memref<8x256xf32, #tpu.memory_space<vmem>>, vector<16xf32>,
    %mul3A_191 = arith.mulf %add3A_186, %add3A_186 : vector<16xf32>
    %add3A_192 = arith.addf %add3A_174, %mul3A_191 : vector<16xf32>
    %get3A_193 = arith.constant 0 : i32
    %get3A_194 = arith.index_cast %get3A_193 : i32 to index
    %get3A_195 = arith.constant 160 : index
    %get3A_196 = tpu.vector_load %arg8[%get3A_194, %get3A_195] {strides = array<i32>} : memref<8x256xf32, #tpu.memory_space<vmem>>, vector<16xf32>,
    %mul3A_197 = arith.constant 5.000000e-01 : f32
    %mul3A_198 = vector.broadcast %mul3A_197 : f32 to vector<16xf32>
    %mul3A_199 = arith.mulf %get3A_196, %mul3A_198 : vector<16xf32>
    %get3A_200 = arith.constant 0 : i32
    %get3A_201 = arith.index_cast %get3A_200 : i32 to index
    %get3A_202 = arith.constant 160 : index
    %get3A_203 = tpu.vector_load %arg9[%get3A_201, %get3A_202] {strides = array<i32>} : memref<8x256xf32, #tpu.memory_space<vmem>>, vector<16xf32>,
    %add3A_204 = arith.addf %mul3A_199, %get3A_203 : vector<16xf32>
    %swap3A_205 = arith.constant 0 : i32
    %swap3A_206 = arith.index_cast %swap3A_205 : i32 to index
    %swap3A_207 = arith.constant 160 : index
    %swap3A_208 = tpu.vector_load %arg8[%swap3A_206, %swap3A_207] {strides = array<i32>} : memref<8x256xf32, #tpu.memory_space<vmem>>, vector<16xf32>,
    tpu.vector_store %arg8[%swap3A_206, %swap3A_207], %add3A_204 {strides = array<i32>} : memref<8x256xf32, #tpu.memory_space<vmem>>, vector<16xf32>,
    %mul3A_209 = arith.mulf %add3A_204, %add3A_204 : vector<16xf32>
    %add3A_210 = arith.addf %add3A_192, %mul3A_209 : vector<16xf32>
    %get3A_211 = arith.constant 0 : i32
    %get3A_212 = arith.index_cast %get3A_211 : i32 to index
    %get3A_213 = arith.constant 176 : index
    %get3A_214 = tpu.vector_load %arg8[%get3A_212, %get3A_213] {strides = array<i32>} : memref<8x256xf32, #tpu.memory_space<vmem>>, vector<16xf32>,
    %mul3A_215 = arith.constant 5.000000e-01 : f32
    %mul3A_216 = vector.broadcast %mul3A_215 : f32 to vector<16xf32>
    %mul3A_217 = arith.mulf %get3A_214, %mul3A_216 : vector<16xf32>
    %get3A_218 = arith.constant 0 : i32
    %get3A_219 = arith.index_cast %get3A_218 : i32 to index
    %get3A_220 = arith.constant 176 : index
    %get3A_221 = tpu.vector_load %arg9[%get3A_219, %get3A_220] {strides = array<i32>} : memref<8x256xf32, #tpu.memory_space<vmem>>, vector<16xf32>,
    %add3A_222 = arith.addf %mul3A_217, %get3A_221 : vector<16xf32>
    %swap3A_223 = arith.constant 0 : i32
    %swap3A_224 = arith.index_cast %swap3A_223 : i32 to index
    %swap3A_225 = arith.constant 176 : index
    %swap3A_226 = tpu.vector_load %arg8[%swap3A_224, %swap3A_225] {strides = array<i32>} : memref<8x256xf32, #tpu.memory_space<vmem>>, vector<16xf32>,
    tpu.vector_store %arg8[%swap3A_224, %swap3A_225], %add3A_222 {strides = array<i32>} : memref<8x256xf32, #tpu.memory_space<vmem>>, vector<16xf32>,
    %mul3A_227 = arith.mulf %add3A_222, %add3A_222 : vector<16xf32>
    %add3A_228 = arith.addf %add3A_210, %mul3A_227 : vector<16xf32>
    %get3A_229 = arith.constant 0 : i32
    %get3A_230 = arith.index_cast %get3A_229 : i32 to index
    %get3A_231 = arith.constant 192 : index
    %get3A_232 = tpu.vector_load %arg8[%get3A_230, %get3A_231] {strides = array<i32>} : memref<8x256xf32, #tpu.memory_space<vmem>>, vector<16xf32>,
    %mul3A_233 = arith.constant 5.000000e-01 : f32
    %mul3A_234 = vector.broadcast %mul3A_233 : f32 to vector<16xf32>
    %mul3A_235 = arith.mulf %get3A_232, %mul3A_234 : vector<16xf32>
    %get3A_236 = arith.constant 0 : i32
    %get3A_237 = arith.index_cast %get3A_236 : i32 to index
    %get3A_238 = arith.constant 192 : index
    %get3A_239 = tpu.vector_load %arg9[%get3A_237, %get3A_238] {strides = array<i32>} : memref<8x256xf32, #tpu.memory_space<vmem>>, vector<16xf32>,
    %add3A_240 = arith.addf %mul3A_235, %get3A_239 : vector<16xf32>
    %swap3A_241 = arith.constant 0 : i32
    %swap3A_242 = arith.index_cast %swap3A_241 : i32 to index
    %swap3A_243 = arith.constant 192 : index
    %swap3A_244 = tpu.vector_load %arg8[%swap3A_242, %swap3A_243] {strides = array<i32>} : memref<8x256xf32, #tpu.memory_space<vmem>>, vector<16xf32>,
    tpu.vector_store %arg8[%swap3A_242, %swap3A_243], %add3A_240 {strides = array<i32>} : memref<8x256xf32, #tpu.memory_space<vmem>>, vector<16xf32>,
    %mul3A_245 = arith.mulf %add3A_240, %add3A_240 : vector<16xf32>
    %add3A_246 = arith.addf %add3A_228, %mul3A_245 : vector<16xf32>
    %get3A_247 = arith.constant 0 : i32
    %get3A_248 = arith.index_cast %get3A_247 : i32 to index
    %get3A_249 = arith.constant 208 : index
    %get3A_250 = tpu.vector_load %arg8[%get3A_248, %get3A_249] {strides = array<i32>} : memref<8x256xf32, #tpu.memory_space<vmem>>, vector<16xf32>,
    %mul3A_251 = arith.constant 5.000000e-01 : f32
    %mul3A_252 = vector.broadcast %mul3A_251 : f32 to vector<16xf32>
    %mul3A_253 = arith.mulf %get3A_250, %mul3A_252 : vector<16xf32>
    %get3A_254 = arith.constant 0 : i32
    %get3A_255 = arith.index_cast %get3A_254 : i32 to index
    %get3A_256 = arith.constant 208 : index
    %get3A_257 = tpu.vector_load %arg9[%get3A_255, %get3A_256] {strides = array<i32>} : memref<8x256xf32, #tpu.memory_space<vmem>>, vector<16xf32>,
    %add3A_258 = arith.addf %mul3A_253, %get3A_257 : vector<16xf32>
    %swap3A_259 = arith.constant 0 : i32
    %swap3A_260 = arith.index_cast %swap3A_259 : i32 to index
    %swap3A_261 = arith.constant 208 : index
    %swap3A_262 = tpu.vector_load %arg8[%swap3A_260, %swap3A_261] {strides = array<i32>} : memref<8x256xf32, #tpu.memory_space<vmem>>, vector<16xf32>,
    tpu.vector_store %arg8[%swap3A_260, %swap3A_261], %add3A_258 {strides = array<i32>} : memref<8x256xf32, #tpu.memory_space<vmem>>, vector<16xf32>,
    %mul3A_263 = arith.mulf %add3A_258, %add3A_258 : vector<16xf32>
    %add3A_264 = arith.addf %add3A_246, %mul3A_263 : vector<16xf32>
    %get3A_265 = arith.constant 0 : i32
    %get3A_266 = arith.index_cast %get3A_265 : i32 to index
    %get3A_267 = arith.constant 224 : index
    %get3A_268 = tpu.vector_load %arg8[%get3A_266, %get3A_267] {strides = array<i32>} : memref<8x256xf32, #tpu.memory_space<vmem>>, vector<16xf32>,
    %mul3A_269 = arith.constant 5.000000e-01 : f32
    %mul3A_270 = vector.broadcast %mul3A_269 : f32 to vector<16xf32>
    %mul3A_271 = arith.mulf %get3A_268, %mul3A_270 : vector<16xf32>
    %get3A_272 = arith.constant 0 : i32
    %get3A_273 = arith.index_cast %get3A_272 : i32 to index
    %get3A_274 = arith.constant 224 : index
    %get3A_275 = tpu.vector_load %arg9[%get3A_273, %get3A_274] {strides = array<i32>} : memref<8x256xf32, #tpu.memory_space<vmem>>, vector<16xf32>,
    %add3A_276 = arith.addf %mul3A_271, %get3A_275 : vector<16xf32>
    %swap3A_277 = arith.constant 0 : i32
    %swap3A_278 = arith.index_cast %swap3A_277 : i32 to index
    %swap3A_279 = arith.constant 224 : index
    %swap3A_280 = tpu.vector_load %arg8[%swap3A_278, %swap3A_279] {strides = array<i32>} : memref<8x256xf32, #tpu.memory_space<vmem>>, vector<16xf32>,
    tpu.vector_store %arg8[%swap3A_278, %swap3A_279], %add3A_276 {strides = array<i32>} : memref<8x256xf32, #tpu.memory_space<vmem>>, vector<16xf32>,
    %mul3A_281 = arith.mulf %add3A_276, %add3A_276 : vector<16xf32>
    %add3A_282 = arith.addf %add3A_264, %mul3A_281 : vector<16xf32>
    %get3A_283 = arith.constant 0 : i32
    %get3A_284 = arith.index_cast %get3A_283 : i32 to index
    %get3A_285 = arith.constant 240 : index
    %get3A_286 = tpu.vector_load %arg8[%get3A_284, %get3A_285] {strides = array<i32>} : memref<8x256xf32, #tpu.memory_space<vmem>>, vector<16xf32>,
    %mul3A_287 = arith.constant 5.000000e-01 : f32
    %mul3A_288 = vector.broadcast %mul3A_287 : f32 to vector<16xf32>
    %mul3A_289 = arith.mulf %get3A_286, %mul3A_288 : vector<16xf32>
    %get3A_290 = arith.constant 0 : i32
    %get3A_291 = arith.index_cast %get3A_290 : i32 to index
    %get3A_292 = arith.constant 240 : index
    %get3A_293 = tpu.vector_load %arg9[%get3A_291, %get3A_292] {strides = array<i32>} : memref<8x256xf32, #tpu.memory_space<vmem>>, vector<16xf32>,
    %add3A_294 = arith.addf %mul3A_289, %get3A_293 : vector<16xf32>
    %swap3A_295 = arith.constant 0 : i32
    %swap3A_296 = arith.index_cast %swap3A_295 : i32 to index
    %swap3A_297 = arith.constant 240 : index
    %swap3A_298 = tpu.vector_load %arg8[%swap3A_296, %swap3A_297] {strides = array<i32>} : memref<8x256xf32, #tpu.memory_space<vmem>>, vector<16xf32>,
    tpu.vector_store %arg8[%swap3A_296, %swap3A_297], %add3A_294 {strides = array<i32>} : memref<8x256xf32, #tpu.memory_space<vmem>>, vector<16xf32>,
    %mul3A_299 = arith.mulf %add3A_294, %add3A_294 : vector<16xf32>
    %add3A_300 = arith.addf %add3A_282, %mul3A_299 : vector<16xf32>
    %reduce_sum3A = arith.constant true
    %reduce_sum3A_301 = vector.broadcast %reduce_sum3A : i1 to vector<16xi1>
    %reduce_sum3A_302 = tpu.scan <sum>, %add3A_300 masked %reduce_sum3A_301 : vector<16xf32>, vector<16xi1> -> vector<16xf32>
    %reduce_sum3A_303 = vector.extract %reduce_sum3A_302[15] : f32 from vector<16xf32>
    %broadcast_in_dim3A_304 = vector.broadcast %reduce_sum3A_303 : f32 to vector<16xf32>
    %bitcast3A = vector.bitcast %broadcast_in_dim3A_304 : vector<16xf32> to vector<16xi32>
    %shift_right_arithmetic3A = arith.constant 1 : i32
    %shift_right_arithmetic3A_305 = vector.broadcast %shift_right_arithmetic3A : i32 to vector<16xi32>
    %shift_right_arithmetic3A_306 = arith.shrsi %bitcast3A, %shift_right_arithmetic3A_305 : vector<16xi32>
    %sub3A = arith.constant 1597463007 : i32
    %sub3A_307 = vector.broadcast %sub3A : i32 to vector<16xi32>
    %sub3A_308 = arith.subi %sub3A_307, %shift_right_arithmetic3A_306 : vector<16xi32>
    %bitcast3A_309 = vector.bitcast %sub3A_308 : vector<16xi32> to vector<16xf32>
    %mul3A_310 = arith.constant 5.000000e-01 : f32
    %mul3A_311 = vector.broadcast %mul3A_310 : f32 to vector<16xf32>
    %mul3A_312 = arith.mulf %mul3A_311, %broadcast_in_dim3A_304 : vector<16xf32>
    %mul3A_313 = arith.mulf %mul3A_312, %bitcast3A_309 : vector<16xf32>
    %mul3A_314 = arith.mulf %mul3A_313, %bitcast3A_309 : vector<16xf32>
    %sub3A_315 = arith.constant 1.500000e+00 : f32
    %sub3A_316 = vector.broadcast %sub3A_315 : f32 to vector<16xf32>
    %sub3A_317 = arith.subf %sub3A_316, %mul3A_314 : vector<16xf32>
    %mul3A_318 = arith.mulf %bitcast3A_309, %sub3A_317 : vector<16xf32>
    %mul3A_319 = arith.constant 5.000000e-01 : f32
    %mul3A_320 = vector.broadcast %mul3A_319 : f32 to vector<16xf32>
    %mul3A_321 = arith.mulf %mul3A_320, %broadcast_in_dim3A_304 : vector<16xf32>
    %mul3A_322 = arith.mulf %mul3A_321, %mul3A_318 : vector<16xf32>
    %mul3A_323 = arith.mulf %mul3A_322, %mul3A_318 : vector<16xf32>
    %sub3A_324 = arith.constant 1.500000e+00 : f32
    %sub3A_325 = vector.broadcast %sub3A_324 : f32 to vector<16xf32>
    %sub3A_326 = arith.subf %sub3A_325, %mul3A_323 : vector<16xf32>
    %mul3A_327 = arith.mulf %mul3A_318, %sub3A_326 : vector<16xf32>
    %mul3A_328 = arith.constant 5.000000e-01 : f32
    %mul3A_329 = vector.broadcast %mul3A_328 : f32 to vector<16xf32>
    %mul3A_330 = arith.mulf %mul3A_329, %broadcast_in_dim3A_304 : vector<16xf32>
    %mul3A_331 = arith.mulf %mul3A_330, %mul3A_327 : vector<16xf32>
    %mul3A_332 = arith.mulf %mul3A_331, %mul3A_327 : vector<16xf32>
    %sub3A_333 = arith.constant 1.500000e+00 : f32
    %sub3A_334 = vector.broadcast %sub3A_333 : f32 to vector<16xf32>
    %sub3A_335 = arith.subf %sub3A_334, %mul3A_332 : vector<16xf32>
    %mul3A_336 = arith.mulf %mul3A_327, %sub3A_335 : vector<16xf32>
    %mul3A_337 = arith.constant 5.000000e-01 : f32
    %mul3A_338 = vector.broadcast %mul3A_337 : f32 to vector<16xf32>
    %mul3A_339 = arith.mulf %mul3A_338, %broadcast_in_dim3A_304 : vector<16xf32>
    %mul3A_340 = arith.mulf %mul3A_339, %mul3A_336 : vector<16xf32>
    %mul3A_341 = arith.mulf %mul3A_340, %mul3A_336 : vector<16xf32>
    %sub3A_342 = arith.constant 1.500000e+00 : f32
    %sub3A_343 = vector.broadcast %sub3A_342 : f32 to vector<16xf32>
    %sub3A_344 = arith.subf %sub3A_343, %mul3A_341 : vector<16xf32>
    %mul3A_345 = arith.mulf %mul3A_336, %sub3A_344 : vector<16xf32>
    %get3A_346 = arith.constant 0 : i32
    %get3A_347 = arith.index_cast %get3A_346 : i32 to index
    %get3A_348 = arith.constant 0 : index
    %get3A_349 = tpu.vector_load %arg8[%get3A_347, %get3A_348] {strides = array<i32>} : memref<8x256xf32, #tpu.memory_space<vmem>>, vector<16xf32>,
    %mul3A_350 = arith.mulf %get3A_349, %mul3A_345 : vector<16xf32>
    %swap3A_351 = arith.constant 0 : i32
    %swap3A_352 = arith.index_cast %swap3A_351 : i32 to index
    %swap3A_353 = arith.constant 0 : index
    %swap3A_354 = tpu.vector_load %arg8[%swap3A_352, %swap3A_353] {strides = array<i32>} : memref<8x256xf32, #tpu.memory_space<vmem>>, vector<16xf32>,
    tpu.vector_store %arg8[%swap3A_352, %swap3A_353], %mul3A_350 {strides = array<i32>} : memref<8x256xf32, #tpu.memory_space<vmem>>, vector<16xf32>,
    %get3A_355 = arith.constant 0 : i32
    %get3A_356 = arith.index_cast %get3A_355 : i32 to index
    %get3A_357 = arith.constant 16 : index
    %get3A_358 = tpu.vector_load %arg8[%get3A_356, %get3A_357] {strides = array<i32>} : memref<8x256xf32, #tpu.memory_space<vmem>>, vector<16xf32>,
    %mul3A_359 = arith.mulf %get3A_358, %mul3A_345 : vector<16xf32>
    %swap3A_360 = arith.constant 0 : i32
    %swap3A_361 = arith.index_cast %swap3A_360 : i32 to index
    %swap3A_362 = arith.constant 16 : index
    %swap3A_363 = tpu.vector_load %arg8[%swap3A_361, %swap3A_362] {strides = array<i32>} : memref<8x256xf32, #tpu.memory_space<vmem>>, vector<16xf32>,
    tpu.vector_store %arg8[%swap3A_361, %swap3A_362], %mul3A_359 {strides = array<i32>} : memref<8x256xf32, #tpu.memory_space<vmem>>, vector<16xf32>,
    %get3A_364 = arith.constant 0 : i32
    %get3A_365 = arith.index_cast %get3A_364 : i32 to index
    %get3A_366 = arith.constant 32 : index
    %get3A_367 = tpu.vector_load %arg8[%get3A_365, %get3A_366] {strides = array<i32>} : memref<8x256xf32, #tpu.memory_space<vmem>>, vector<16xf32>,
    %mul3A_368 = arith.mulf %get3A_367, %mul3A_345 : vector<16xf32>
    %swap3A_369 = arith.constant 0 : i32
    %swap3A_370 = arith.index_cast %swap3A_369 : i32 to index
    %swap3A_371 = arith.constant 32 : index
    %swap3A_372 = tpu.vector_load %arg8[%swap3A_370, %swap3A_371] {strides = array<i32>} : memref<8x256xf32, #tpu.memory_space<vmem>>, vector<16xf32>,
    tpu.vector_store %arg8[%swap3A_370, %swap3A_371], %mul3A_368 {strides = array<i32>} : memref<8x256xf32, #tpu.memory_space<vmem>>, vector<16xf32>,
    %get3A_373 = arith.constant 0 : i32
    %get3A_374 = arith.index_cast %get3A_373 : i32 to index
    %get3A_375 = arith.constant 48 : index
    %get3A_376 = tpu.vector_load %arg8[%get3A_374, %get3A_375] {strides = array<i32>} : memref<8x256xf32, #tpu.memory_space<vmem>>, vector<16xf32>,
    %mul3A_377 = arith.mulf %get3A_376, %mul3A_345 : vector<16xf32>
    %swap3A_378 = arith.constant 0 : i32
    %swap3A_379 = arith.index_cast %swap3A_378 : i32 to index
    %swap3A_380 = arith.constant 48 : index
    %swap3A_381 = tpu.vector_load %arg8[%swap3A_379, %swap3A_380] {strides = array<i32>} : memref<8x256xf32, #tpu.memory_space<vmem>>, vector<16xf32>,
    tpu.vector_store %arg8[%swap3A_379, %swap3A_380], %mul3A_377 {strides = array<i32>} : memref<8x256xf32, #tpu.memory_space<vmem>>, vector<16xf32>,
    %get3A_382 = arith.constant 0 : i32
    %get3A_383 = arith.index_cast %get3A_382 : i32 to index
    %get3A_384 = arith.constant 64 : index
    %get3A_385 = tpu.vector_load %arg8[%get3A_383, %get3A_384] {strides = array<i32>} : memref<8x256xf32, #tpu.memory_space<vmem>>, vector<16xf32>,
    %mul3A_386 = arith.mulf %get3A_385, %mul3A_345 : vector<16xf32>
    %swap3A_387 = arith.constant 0 : i32
    %swap3A_388 = arith.index_cast %swap3A_387 : i32 to index
    %swap3A_389 = arith.constant 64 : index
    %swap3A_390 = tpu.vector_load %arg8[%swap3A_388, %swap3A_389] {strides = array<i32>} : memref<8x256xf32, #tpu.memory_space<vmem>>, vector<16xf32>,
    tpu.vector_store %arg8[%swap3A_388, %swap3A_389], %mul3A_386 {strides = array<i32>} : memref<8x256xf32, #tpu.memory_space<vmem>>, vector<16xf32>,
    %get3A_391 = arith.constant 0 : i32
    %get3A_392 = arith.index_cast %get3A_391 : i32 to index
    %get3A_393 = arith.constant 80 : index
    %get3A_394 = tpu.vector_load %arg8[%get3A_392, %get3A_393] {strides = array<i32>} : memref<8x256xf32, #tpu.memory_space<vmem>>, vector<16xf32>,
    %mul3A_395 = arith.mulf %get3A_394, %mul3A_345 : vector<16xf32>
    %swap3A_396 = arith.constant 0 : i32
    %swap3A_397 = arith.index_cast %swap3A_396 : i32 to index
    %swap3A_398 = arith.constant 80 : index
    %swap3A_399 = tpu.vector_load %arg8[%swap3A_397, %swap3A_398] {strides = array<i32>} : memref<8x256xf32, #tpu.memory_space<vmem>>, vector<16xf32>,
    tpu.vector_store %arg8[%swap3A_397, %swap3A_398], %mul3A_395 {strides = array<i32>} : memref<8x256xf32, #tpu.memory_space<vmem>>, vector<16xf32>,
    %get3A_400 = arith.constant 0 : i32
    %get3A_401 = arith.index_cast %get3A_400 : i32 to index
    %get3A_402 = arith.constant 96 : index
    %get3A_403 = tpu.vector_load %arg8[%get3A_401, %get3A_402] {strides = array<i32>} : memref<8x256xf32, #tpu.memory_space<vmem>>, vector<16xf32>,
    %mul3A_404 = arith.mulf %get3A_403, %mul3A_345 : vector<16xf32>
    %swap3A_405 = arith.constant 0 : i32
    %swap3A_406 = arith.index_cast %swap3A_405 : i32 to index
    %swap3A_407 = arith.constant 96 : index
    %swap3A_408 = tpu.vector_load %arg8[%swap3A_406, %swap3A_407] {strides = array<i32>} : memref<8x256xf32, #tpu.memory_space<vmem>>, vector<16xf32>,
    tpu.vector_store %arg8[%swap3A_406, %swap3A_407], %mul3A_404 {strides = array<i32>} : memref<8x256xf32, #tpu.memory_space<vmem>>, vector<16xf32>,
    %get3A_409 = arith.constant 0 : i32
    %get3A_410 = arith.index_cast %get3A_409 : i32 to index
    %get3A_411 = arith.constant 112 : index
    %get3A_412 = tpu.vector_load %arg8[%get3A_410, %get3A_411] {strides = array<i32>} : memref<8x256xf32, #tpu.memory_space<vmem>>, vector<16xf32>,
    %mul3A_413 = arith.mulf %get3A_412, %mul3A_345 : vector<16xf32>
    %swap3A_414 = arith.constant 0 : i32
    %swap3A_415 = arith.index_cast %swap3A_414 : i32 to index
    %swap3A_416 = arith.constant 112 : index
    %swap3A_417 = tpu.vector_load %arg8[%swap3A_415, %swap3A_416] {strides = array<i32>} : memref<8x256xf32, #tpu.memory_space<vmem>>, vector<16xf32>,
    tpu.vector_store %arg8[%swap3A_415, %swap3A_416], %mul3A_413 {strides = array<i32>} : memref<8x256xf32, #tpu.memory_space<vmem>>, vector<16xf32>,
    %get3A_418 = arith.constant 0 : i32
    %get3A_419 = arith.index_cast %get3A_418 : i32 to index
    %get3A_420 = arith.constant 128 : index
    %get3A_421 = tpu.vector_load %arg8[%get3A_419, %get3A_420] {strides = array<i32>} : memref<8x256xf32, #tpu.memory_space<vmem>>, vector<16xf32>,
    %mul3A_422 = arith.mulf %get3A_421, %mul3A_345 : vector<16xf32>
    %swap3A_423 = arith.constant 0 : i32
    %swap3A_424 = arith.index_cast %swap3A_423 : i32 to index
    %swap3A_425 = arith.constant 128 : index
    %swap3A_426 = tpu.vector_load %arg8[%swap3A_424, %swap3A_425] {strides = array<i32>} : memref<8x256xf32, #tpu.memory_space<vmem>>, vector<16xf32>,
    tpu.vector_store %arg8[%swap3A_424, %swap3A_425], %mul3A_422 {strides = array<i32>} : memref<8x256xf32, #tpu.memory_space<vmem>>, vector<16xf32>,
    %get3A_427 = arith.constant 0 : i32
    %get3A_428 = arith.index_cast %get3A_427 : i32 to index
    %get3A_429 = arith.constant 144 : index
    %get3A_430 = tpu.vector_load %arg8[%get3A_428, %get3A_429] {strides = array<i32>} : memref<8x256xf32, #tpu.memory_space<vmem>>, vector<16xf32>,
    %mul3A_431 = arith.mulf %get3A_430, %mul3A_345 : vector<16xf32>
    %swap3A_432 = arith.constant 0 : i32
    %swap3A_433 = arith.index_cast %swap3A_432 : i32 to index
    %swap3A_434 = arith.constant 144 : index
    %swap3A_435 = tpu.vector_load %arg8[%swap3A_433, %swap3A_434] {strides = array<i32>} : memref<8x256xf32, #tpu.memory_space<vmem>>, vector<16xf32>,
    tpu.vector_store %arg8[%swap3A_433, %swap3A_434], %mul3A_431 {strides = array<i32>} : memref<8x256xf32, #tpu.memory_space<vmem>>, vector<16xf32>,
    %get3A_436 = arith.constant 0 : i32
    %get3A_437 = arith.index_cast %get3A_436 : i32 to index
    %get3A_438 = arith.constant 160 : index
    %get3A_439 = tpu.vector_load %arg8[%get3A_437, %get3A_438] {strides = array<i32>} : memref<8x256xf32, #tpu.memory_space<vmem>>, vector<16xf32>,
    %mul3A_440 = arith.mulf %get3A_439, %mul3A_345 : vector<16xf32>
    %swap3A_441 = arith.constant 0 : i32
    %swap3A_442 = arith.index_cast %swap3A_441 : i32 to index
    %swap3A_443 = arith.constant 160 : index
    %swap3A_444 = tpu.vector_load %arg8[%swap3A_442, %swap3A_443] {strides = array<i32>} : memref<8x256xf32, #tpu.memory_space<vmem>>, vector<16xf32>,
    tpu.vector_store %arg8[%swap3A_442, %swap3A_443], %mul3A_440 {strides = array<i32>} : memref<8x256xf32, #tpu.memory_space<vmem>>, vector<16xf32>,
    %get3A_445 = arith.constant 0 : i32
    %get3A_446 = arith.index_cast %get3A_445 : i32 to index
    %get3A_447 = arith.constant 176 : index
    %get3A_448 = tpu.vector_load %arg8[%get3A_446, %get3A_447] {strides = array<i32>} : memref<8x256xf32, #tpu.memory_space<vmem>>, vector<16xf32>,
    %mul3A_449 = arith.mulf %get3A_448, %mul3A_345 : vector<16xf32>
    %swap3A_450 = arith.constant 0 : i32
    %swap3A_451 = arith.index_cast %swap3A_450 : i32 to index
    %swap3A_452 = arith.constant 176 : index
    %swap3A_453 = tpu.vector_load %arg8[%swap3A_451, %swap3A_452] {strides = array<i32>} : memref<8x256xf32, #tpu.memory_space<vmem>>, vector<16xf32>,
    tpu.vector_store %arg8[%swap3A_451, %swap3A_452], %mul3A_449 {strides = array<i32>} : memref<8x256xf32, #tpu.memory_space<vmem>>, vector<16xf32>,
    %get3A_454 = arith.constant 0 : i32
    %get3A_455 = arith.index_cast %get3A_454 : i32 to index
    %get3A_456 = arith.constant 192 : index
    %get3A_457 = tpu.vector_load %arg8[%get3A_455, %get3A_456] {strides = array<i32>} : memref<8x256xf32, #tpu.memory_space<vmem>>, vector<16xf32>,
    %mul3A_458 = arith.mulf %get3A_457, %mul3A_345 : vector<16xf32>
    %swap3A_459 = arith.constant 0 : i32
    %swap3A_460 = arith.index_cast %swap3A_459 : i32 to index
    %swap3A_461 = arith.constant 192 : index
    %swap3A_462 = tpu.vector_load %arg8[%swap3A_460, %swap3A_461] {strides = array<i32>} : memref<8x256xf32, #tpu.memory_space<vmem>>, vector<16xf32>,
    tpu.vector_store %arg8[%swap3A_460, %swap3A_461], %mul3A_458 {strides = array<i32>} : memref<8x256xf32, #tpu.memory_space<vmem>>, vector<16xf32>,
    %get3A_463 = arith.constant 0 : i32
    %get3A_464 = arith.index_cast %get3A_463 : i32 to index
    %get3A_465 = arith.constant 208 : index
    %get3A_466 = tpu.vector_load %arg8[%get3A_464, %get3A_465] {strides = array<i32>} : memref<8x256xf32, #tpu.memory_space<vmem>>, vector<16xf32>,
    %mul3A_467 = arith.mulf %get3A_466, %mul3A_345 : vector<16xf32>
    %swap3A_468 = arith.constant 0 : i32
    %swap3A_469 = arith.index_cast %swap3A_468 : i32 to index
    %swap3A_470 = arith.constant 208 : index
    %swap3A_471 = tpu.vector_load %arg8[%swap3A_469, %swap3A_470] {strides = array<i32>} : memref<8x256xf32, #tpu.memory_space<vmem>>, vector<16xf32>,
    tpu.vector_store %arg8[%swap3A_469, %swap3A_470], %mul3A_467 {strides = array<i32>} : memref<8x256xf32, #tpu.memory_space<vmem>>, vector<16xf32>,
    %get3A_472 = arith.constant 0 : i32
    %get3A_473 = arith.index_cast %get3A_472 : i32 to index
    %get3A_474 = arith.constant 224 : index
    %get3A_475 = tpu.vector_load %arg8[%get3A_473, %get3A_474] {strides = array<i32>} : memref<8x256xf32, #tpu.memory_space<vmem>>, vector<16xf32>,
    %mul3A_476 = arith.mulf %get3A_475, %mul3A_345 : vector<16xf32>
    %swap3A_477 = arith.constant 0 : i32
    %swap3A_478 = arith.index_cast %swap3A_477 : i32 to index
    %swap3A_479 = arith.constant 224 : index
    %swap3A_480 = tpu.vector_load %arg8[%swap3A_478, %swap3A_479] {strides = array<i32>} : memref<8x256xf32, #tpu.memory_space<vmem>>, vector<16xf32>,
    tpu.vector_store %arg8[%swap3A_478, %swap3A_479], %mul3A_476 {strides = array<i32>} : memref<8x256xf32, #tpu.memory_space<vmem>>, vector<16xf32>,
    %get3A_481 = arith.constant 0 : i32
    %get3A_482 = arith.index_cast %get3A_481 : i32 to index
    %get3A_483 = arith.constant 240 : index
    %get3A_484 = tpu.vector_load %arg8[%get3A_482, %get3A_483] {strides = array<i32>} : memref<8x256xf32, #tpu.memory_space<vmem>>, vector<16xf32>,
    %mul3A_485 = arith.mulf %get3A_484, %mul3A_345 : vector<16xf32>
    %swap3A_486 = arith.constant 0 : i32
    %swap3A_487 = arith.index_cast %swap3A_486 : i32 to index
    %swap3A_488 = arith.constant 240 : index
    %swap3A_489 = tpu.vector_load %arg8[%swap3A_487, %swap3A_488] {strides = array<i32>} : memref<8x256xf32, #tpu.memory_space<vmem>>, vector<16xf32>,
    tpu.vector_store %arg8[%swap3A_487, %swap3A_488], %mul3A_485 {strides = array<i32>} : memref<8x256xf32, #tpu.memory_space<vmem>>, vector<16xf32>,
    %broadcast_in_dim3A_490 = arith.constant 0.000000e+00 : f32
    %broadcast_in_dim3A_491 = vector.broadcast %broadcast_in_dim3A_490 : f32 to vector<16xf32>
    %get3A_492 = arith.constant 1 : i32
    %get3A_493 = arith.index_cast %get3A_492 : i32 to index
    %get3A_494 = arith.constant 0 : index
    %get3A_495 = tpu.vector_load %arg8[%get3A_493, %get3A_494] {strides = array<i32>} : memref<8x256xf32, #tpu.memory_space<vmem>>, vector<16xf32>,
    %mul3A_496 = arith.constant 5.000000e-01 : f32
    %mul3A_497 = vector.broadcast %mul3A_496 : f32 to vector<16xf32>
    %mul3A_498 = arith.mulf %get3A_495, %mul3A_497 : vector<16xf32>
    %get3A_499 = arith.constant 1 : i32
    %get3A_500 = arith.index_cast %get3A_499 : i32 to index
    %get3A_501 = arith.constant 0 : index
    %get3A_502 = tpu.vector_load %arg9[%get3A_500, %get3A_501] {strides = array<i32>} : memref<8x256xf32, #tpu.memory_space<vmem>>, vector<16xf32>,
    %add3A_503 = arith.addf %mul3A_498, %get3A_502 : vector<16xf32>
    %swap3A_504 = arith.constant 1 : i32
    %swap3A_505 = arith.index_cast %swap3A_504 : i32 to index
    %swap3A_506 = arith.constant 0 : index
    %swap3A_507 = tpu.vector_load %arg8[%swap3A_505, %swap3A_506] {strides = array<i32>} : memref<8x256xf32, #tpu.memory_space<vmem>>, vector<16xf32>,
    tpu.vector_store %arg8[%swap3A_505, %swap3A_506], %add3A_503 {strides = array<i32>} : memref<8x256xf32, #tpu.memory_space<vmem>>, vector<16xf32>,
    %mul3A_508 = arith.mulf %add3A_503, %add3A_503 : vector<16xf32>
    %add3A_509 = arith.addf %broadcast_in_dim3A_491, %mul3A_508 : vector<16xf32>
    %get3A_510 = arith.constant 1 : i32
    %get3A_511 = arith.index_cast %get3A_510 : i32 to index
    %get3A_512 = arith.constant 16 : index
    %get3A_513 = tpu.vector_load %arg8[%get3A_511, %get3A_512] {strides = array<i32>} : memref<8x256xf32, #tpu.memory_space<vmem>>, vector<16xf32>,
    %mul3A_514 = arith.constant 5.000000e-01 : f32
    %mul3A_515 = vector.broadcast %mul3A_514 : f32 to vector<16xf32>
    %mul3A_516 = arith.mulf %get3A_513, %mul3A_515 : vector<16xf32>
    %get3A_517 = arith.constant 1 : i32
    %get3A_518 = arith.index_cast %get3A_517 : i32 to index
    %get3A_519 = arith.constant 16 : index
    %get3A_520 = tpu.vector_load %arg9[%get3A_518, %get3A_519] {strides = array<i32>} : memref<8x256xf32, #tpu.memory_space<vmem>>, vector<16xf32>,
    %add3A_521 = arith.addf %mul3A_516, %get3A_520 : vector<16xf32>
    %swap3A_522 = arith.constant 1 : i32
    %swap3A_523 = arith.index_cast %swap3A_522 : i32 to index
    %swap3A_524 = arith.constant 16 : index
    %swap3A_525 = tpu.vector_load %arg8[%swap3A_523, %swap3A_524] {strides = array<i32>} : memref<8x256xf32, #tpu.memory_space<vmem>>, vector<16xf32>,
    tpu.vector_store %arg8[%swap3A_523, %swap3A_524], %add3A_521 {strides = array<i32>} : memref<8x256xf32, #tpu.memory_space<vmem>>, vector<16xf32>,
    %mul3A_526 = arith.mulf %add3A_521, %add3A_521 : vector<16xf32>
    %add3A_527 = arith.addf %add3A_509, %mul3A_526 : vector<16xf32>
    %get3A_528 = arith.constant 1 : i32
    %get3A_529 = arith.index_cast %get3A_528 : i32 to index
    %get3A_530 = arith.constant 32 : index
    %get3A_531 = tpu.vector_load %arg8[%get3A_529, %get3A_530] {strides = array<i32>} : memref<8x256xf32, #tpu.memory_space<vmem>>, vector<16xf32>,
    %mul3A_532 = arith.constant 5.000000e-01 : f32
    %mul3A_533 = vector.broadcast %mul3A_532 : f32 to vector<16xf32>
    %mul3A_534 = arith.mulf %get3A_531, %mul3A_533 : vector<16xf32>
    %get3A_535 = arith.constant 1 : i32
    %get3A_536 = arith.index_cast %get3A_535 : i32 to index
    %get3A_537 = arith.constant 32 : index
    %get3A_538 = tpu.vector_load %arg9[%get3A_536, %get3A_537] {strides = array<i32>} : memref<8x256xf32, #tpu.memory_space<vmem>>, vector<16xf32>,
    %add3A_539 = arith.addf %mul3A_534, %get3A_538 : vector<16xf32>
    %swap3A_540 = arith.constant 1 : i32
    %swap3A_541 = arith.index_cast %swap3A_540 : i32 to index
    %swap3A_542 = arith.constant 32 : index
    %swap3A_543 = tpu.vector_load %arg8[%swap3A_541, %swap3A_542] {strides = array<i32>} : memref<8x256xf32, #tpu.memory_space<vmem>>, vector<16xf32>,
    tpu.vector_store %arg8[%swap3A_541, %swap3A_542], %add3A_539 {strides = array<i32>} : memref<8x256xf32, #tpu.memory_space<vmem>>, vector<16xf32>,
    %mul3A_544 = arith.mulf %add3A_539, %add3A_539 : vector<16xf32>
    %add3A_545 = arith.addf %add3A_527, %mul3A_544 : vector<16xf32>
    %get3A_546 = arith.constant 1 : i32
    %get3A_547 = arith.index_cast %get3A_546 : i32 to index
    %get3A_548 = arith.constant 48 : index
    %get3A_549 = tpu.vector_load %arg8[%get3A_547, %get3A_548] {strides = array<i32>} : memref<8x256xf32, #tpu.memory_space<vmem>>, vector<16xf32>,
    %mul3A_550 = arith.constant 5.000000e-01 : f32
    %mul3A_551 = vector.broadcast %mul3A_550 : f32 to vector<16xf32>
    %mul3A_552 = arith.mulf %get3A_549, %mul3A_551 : vector<16xf32>
    %get3A_553 = arith.constant 1 : i32
    %get3A_554 = arith.index_cast %get3A_553 : i32 to index
    %get3A_555 = arith.constant 48 : index
    %get3A_556 = tpu.vector_load %arg9[%get3A_554, %get3A_555] {strides = array<i32>} : memref<8x256xf32, #tpu.memory_space<vmem>>, vector<16xf32>,
    %add3A_557 = arith.addf %mul3A_552, %get3A_556 : vector<16xf32>
    %swap3A_558 = arith.constant 1 : i32
    %swap3A_559 = arith.index_cast %swap3A_558 : i32 to index
    %swap3A_560 = arith.constant 48 : index
    %swap3A_561 = tpu.vector_load %arg8[%swap3A_559, %swap3A_560] {strides = array<i32>} : memref<8x256xf32, #tpu.memory_space<vmem>>, vector<16xf32>,
    tpu.vector_store %arg8[%swap3A_559, %swap3A_560], %add3A_557 {strides = array<i32>} : memref<8x256xf32, #tpu.memory_space<vmem>>, vector<16xf32>,
    %mul3A_562 = arith.mulf %add3A_557, %add3A_557 : vector<16xf32>
    %add3A_563 = arith.addf %add3A_545, %mul3A_562 : vector<16xf32>
    %get3A_564 = arith.constant 1 : i32
    %get3A_565 = arith.index_cast %get3A_564 : i32 to index
    %get3A_566 = arith.constant 64 : index
    %get3A_567 = tpu.vector_load %arg8[%get3A_565, %get3A_566] {strides = array<i32>} : memref<8x256xf32, #tpu.memory_space<vmem>>, vector<16xf32>,
    %mul3A_568 = arith.constant 5.000000e-01 : f32
    %mul3A_569 = vector.broadcast %mul3A_568 : f32 to vector<16xf32>
    %mul3A_570 = arith.mulf %get3A_567, %mul3A_569 : vector<16xf32>
    %get3A_571 = arith.constant 1 : i32
    %get3A_572 = arith.index_cast %get3A_571 : i32 to index
    %get3A_573 = arith.constant 64 : index
    %get3A_574 = tpu.vector_load %arg9[%get3A_572, %get3A_573] {strides = array<i32>} : memref<8x256xf32, #tpu.memory_space<vmem>>, vector<16xf32>,
    %add3A_575 = arith.addf %mul3A_570, %get3A_574 : vector<16xf32>
    %swap3A_576 = arith.constant 1 : i32
    %swap3A_577 = arith.index_cast %swap3A_576 : i32 to index
    %swap3A_578 = arith.constant 64 : index
    %swap3A_579 = tpu.vector_load %arg8[%swap3A_577, %swap3A_578] {strides = array<i32>} : memref<8x256xf32, #tpu.memory_space<vmem>>, vector<16xf32>,
    tpu.vector_store %arg8[%swap3A_577, %swap3A_578], %add3A_575 {strides = array<i32>} : memref<8x256xf32, #tpu.memory_space<vmem>>, vector<16xf32>,
    %mul3A_580 = arith.mulf %add3A_575, %add3A_575 : vector<16xf32>
    %add3A_581 = arith.addf %add3A_563, %mul3A_580 : vector<16xf32>
    %get3A_582 = arith.constant 1 : i32
    %get3A_583 = arith.index_cast %get3A_582 : i32 to index
    %get3A_584 = arith.constant 80 : index
    %get3A_585 = tpu.vector_load %arg8[%get3A_583, %get3A_584] {strides = array<i32>} : memref<8x256xf32, #tpu.memory_space<vmem>>, vector<16xf32>,
    %mul3A_586 = arith.constant 5.000000e-01 : f32
    %mul3A_587 = vector.broadcast %mul3A_586 : f32 to vector<16xf32>
    %mul3A_588 = arith.mulf %get3A_585, %mul3A_587 : vector<16xf32>
    %get3A_589 = arith.constant 1 : i32
    %get3A_590 = arith.index_cast %get3A_589 : i32 to index
    %get3A_591 = arith.constant 80 : index
    %get3A_592 = tpu.vector_load %arg9[%get3A_590, %get3A_591] {strides = array<i32>} : memref<8x256xf32, #tpu.memory_space<vmem>>, vector<16xf32>,
    %add3A_593 = arith.addf %mul3A_588, %get3A_592 : vector<16xf32>
    %swap3A_594 = arith.constant 1 : i32
    %swap3A_595 = arith.index_cast %swap3A_594 : i32 to index
    %swap3A_596 = arith.constant 80 : index
    %swap3A_597 = tpu.vector_load %arg8[%swap3A_595, %swap3A_596] {strides = array<i32>} : memref<8x256xf32, #tpu.memory_space<vmem>>, vector<16xf32>,
    tpu.vector_store %arg8[%swap3A_595, %swap3A_596], %add3A_593 {strides = array<i32>} : memref<8x256xf32, #tpu.memory_space<vmem>>, vector<16xf32>,
    %mul3A_598 = arith.mulf %add3A_593, %add3A_593 : vector<16xf32>
    %add3A_599 = arith.addf %add3A_581, %mul3A_598 : vector<16xf32>
    %get3A_600 = arith.constant 1 : i32
    %get3A_601 = arith.index_cast %get3A_600 : i32 to index
    %get3A_602 = arith.constant 96 : index
    %get3A_603 = tpu.vector_load %arg8[%get3A_601, %get3A_602] {strides = array<i32>} : memref<8x256xf32, #tpu.memory_space<vmem>>, vector<16xf32>,
    %mul3A_604 = arith.constant 5.000000e-01 : f32
    %mul3A_605 = vector.broadcast %mul3A_604 : f32 to vector<16xf32>
    %mul3A_606 = arith.mulf %get3A_603, %mul3A_605 : vector<16xf32>
    %get3A_607 = arith.constant 1 : i32
    %get3A_608 = arith.index_cast %get3A_607 : i32 to index
    %get3A_609 = arith.constant 96 : index
    %get3A_610 = tpu.vector_load %arg9[%get3A_608, %get3A_609] {strides = array<i32>} : memref<8x256xf32, #tpu.memory_space<vmem>>, vector<16xf32>,
    %add3A_611 = arith.addf %mul3A_606, %get3A_610 : vector<16xf32>
    %swap3A_612 = arith.constant 1 : i32
    %swap3A_613 = arith.index_cast %swap3A_612 : i32 to index
    %swap3A_614 = arith.constant 96 : index
    %swap3A_615 = tpu.vector_load %arg8[%swap3A_613, %swap3A_614] {strides = array<i32>} : memref<8x256xf32, #tpu.memory_space<vmem>>, vector<16xf32>,
    tpu.vector_store %arg8[%swap3A_613, %swap3A_614], %add3A_611 {strides = array<i32>} : memref<8x256xf32, #tpu.memory_space<vmem>>, vector<16xf32>,
    %mul3A_616 = arith.mulf %add3A_611, %add3A_611 : vector<16xf32>
    %add3A_617 = arith.addf %add3A_599, %mul3A_616 : vector<16xf32>
    %get3A_618 = arith.constant 1 : i32
    %get3A_619 = arith.index_cast %get3A_618 : i32 to index
    %get3A_620 = arith.constant 112 : index
    %get3A_621 = tpu.vector_load %arg8[%get3A_619, %get3A_620] {strides = array<i32>} : memref<8x256xf32, #tpu.memory_space<vmem>>, vector<16xf32>,
    %mul3A_622 = arith.constant 5.000000e-01 : f32
    %mul3A_623 = vector.broadcast %mul3A_622 : f32 to vector<16xf32>
    %mul3A_624 = arith.mulf %get3A_621, %mul3A_623 : vector<16xf32>
    %get3A_625 = arith.constant 1 : i32
    %get3A_626 = arith.index_cast %get3A_625 : i32 to index
    %get3A_627 = arith.constant 112 : index
    %get3A_628 = tpu.vector_load %arg9[%get3A_626, %get3A_627] {strides = array<i32>} : memref<8x256xf32, #tpu.memory_space<vmem>>, vector<16xf32>,
    %add3A_629 = arith.addf %mul3A_624, %get3A_628 : vector<16xf32>
    %swap3A_630 = arith.constant 1 : i32
    %swap3A_631 = arith.index_cast %swap3A_630 : i32 to index
    %swap3A_632 = arith.constant 112 : index
    %swap3A_633 = tpu.vector_load %arg8[%swap3A_631, %swap3A_632] {strides = array<i32>} : memref<8x256xf32, #tpu.memory_space<vmem>>, vector<16xf32>,
    tpu.vector_store %arg8[%swap3A_631, %swap3A_632], %add3A_629 {strides = array<i32>} : memref<8x256xf32, #tpu.memory_space<vmem>>, vector<16xf32>,
    %mul3A_634 = arith.mulf %add3A_629, %add3A_629 : vector<16xf32>
    %add3A_635 = arith.addf %add3A_617, %mul3A_634 : vector<16xf32>
    %get3A_636 = arith.constant 1 : i32
    %get3A_637 = arith.index_cast %get3A_636 : i32 to index
    %get3A_638 = arith.constant 128 : index
    %get3A_639 = tpu.vector_load %arg8[%get3A_637, %get3A_638] {strides = array<i32>} : memref<8x256xf32, #tpu.memory_space<vmem>>, vector<16xf32>,
    %mul3A_640 = arith.constant 5.000000e-01 : f32
    %mul3A_641 = vector.broadcast %mul3A_640 : f32 to vector<16xf32>
    %mul3A_642 = arith.mulf %get3A_639, %mul3A_641 : vector<16xf32>
    %get3A_643 = arith.constant 1 : i32
    %get3A_644 = arith.index_cast %get3A_643 : i32 to index
    %get3A_645 = arith.constant 128 : index
    %get3A_646 = tpu.vector_load %arg9[%get3A_644, %get3A_645] {strides = array<i32>} : memref<8x256xf32, #tpu.memory_space<vmem>>, vector<16xf32>,
    %add3A_647 = arith.addf %mul3A_642, %get3A_646 : vector<16xf32>
    %swap3A_648 = arith.constant 1 : i32
    %swap3A_649 = arith.index_cast %swap3A_648 : i32 to index
    %swap3A_650 = arith.constant 128 : index
    %swap3A_651 = tpu.vector_load %arg8[%swap3A_649, %swap3A_650] {strides = array<i32>} : memref<8x256xf32, #tpu.memory_space<vmem>>, vector<16xf32>,
    tpu.vector_store %arg8[%swap3A_649, %swap3A_650], %add3A_647 {strides = array<i32>} : memref<8x256xf32, #tpu.memory_space<vmem>>, vector<16xf32>,
    %mul3A_652 = arith.mulf %add3A_647, %add3A_647 : vector<16xf32>
    %add3A_653 = arith.addf %add3A_635, %mul3A_652 : vector<16xf32>
    %get3A_654 = arith.constant 1 : i32
    %get3A_655 = arith.index_cast %get3A_654 : i32 to index
    %get3A_656 = arith.constant 144 : index
    %get3A_657 = tpu.vector_load %arg8[%get3A_655, %get3A_656] {strides = array<i32>} : memref<8x256xf32, #tpu.memory_space<vmem>>, vector<16xf32>,
    %mul3A_658 = arith.constant 5.000000e-01 : f32
    %mul3A_659 = vector.broadcast %mul3A_658 : f32 to vector<16xf32>
    %mul3A_660 = arith.mulf %get3A_657, %mul3A_659 : vector<16xf32>
    %get3A_661 = arith.constant 1 : i32
    %get3A_662 = arith.index_cast %get3A_661 : i32 to index
    %get3A_663 = arith.constant 144 : index
    %get3A_664 = tpu.vector_load %arg9[%get3A_662, %get3A_663] {strides = array<i32>} : memref<8x256xf32, #tpu.memory_space<vmem>>, vector<16xf32>,
    %add3A_665 = arith.addf %mul3A_660, %get3A_664 : vector<16xf32>
    %swap3A_666 = arith.constant 1 : i32
    %swap3A_667 = arith.index_cast %swap3A_666 : i32 to index
    %swap3A_668 = arith.constant 144 : index
    %swap3A_669 = tpu.vector_load %arg8[%swap3A_667, %swap3A_668] {strides = array<i32>} : memref<8x256xf32, #tpu.memory_space<vmem>>, vector<16xf32>,
    tpu.vector_store %arg8[%swap3A_667, %swap3A_668], %add3A_665 {strides = array<i32>} : memref<8x256xf32, #tpu.memory_space<vmem>>, vector<16xf32>,
    %mul3A_670 = arith.mulf %add3A_665, %add3A_665 : vector<16xf32>
    %add3A_671 = arith.addf %add3A_653, %mul3A_670 : vector<16xf32>
    %get3A_672 = arith.constant 1 : i32
    %get3A_673 = arith.index_cast %get3A_672 : i32 to index
    %get3A_674 = arith.constant 160 : index
    %get3A_675 = tpu.vector_load %arg8[%get3A_673, %get3A_674] {strides = array<i32>} : memref<8x256xf32, #tpu.memory_space<vmem>>, vector<16xf32>,
    %mul3A_676 = arith.constant 5.000000e-01 : f32
    %mul3A_677 = vector.broadcast %mul3A_676 : f32 to vector<16xf32>
    %mul3A_678 = arith.mulf %get3A_675, %mul3A_677 : vector<16xf32>
    %get3A_679 = arith.constant 1 : i32
    %get3A_680 = arith.index_cast %get3A_679 : i32 to index
    %get3A_681 = arith.constant 160 : index
    %get3A_682 = tpu.vector_load %arg9[%get3A_680, %get3A_681] {strides = array<i32>} : memref<8x256xf32, #tpu.memory_space<vmem>>, vector<16xf32>,
    %add3A_683 = arith.addf %mul3A_678, %get3A_682 : vector<16xf32>
    %swap3A_684 = arith.constant 1 : i32
    %swap3A_685 = arith.index_cast %swap3A_684 : i32 to index
    %swap3A_686 = arith.constant 160 : index
    %swap3A_687 = tpu.vector_load %arg8[%swap3A_685, %swap3A_686] {strides = array<i32>} : memref<8x256xf32, #tpu.memory_space<vmem>>, vector<16xf32>,
    tpu.vector_store %arg8[%swap3A_685, %swap3A_686], %add3A_683 {strides = array<i32>} : memref<8x256xf32, #tpu.memory_space<vmem>>, vector<16xf32>,
    %mul3A_688 = arith.mulf %add3A_683, %add3A_683 : vector<16xf32>
    %add3A_689 = arith.addf %add3A_671, %mul3A_688 : vector<16xf32>
    %get3A_690 = arith.constant 1 : i32
    %get3A_691 = arith.index_cast %get3A_690 : i32 to index
    %get3A_692 = arith.constant 176 : index
    %get3A_693 = tpu.vector_load %arg8[%get3A_691, %get3A_692] {strides = array<i32>} : memref<8x256xf32, #tpu.memory_space<vmem>>, vector<16xf32>,
    %mul3A_694 = arith.constant 5.000000e-01 : f32
    %mul3A_695 = vector.broadcast %mul3A_694 : f32 to vector<16xf32>
    %mul3A_696 = arith.mulf %get3A_693, %mul3A_695 : vector<16xf32>
    %get3A_697 = arith.constant 1 : i32
    %get3A_698 = arith.index_cast %get3A_697 : i32 to index
    %get3A_699 = arith.constant 176 : index
    %get3A_700 = tpu.vector_load %arg9[%get3A_698, %get3A_699] {strides = array<i32>} : memref<8x256xf32, #tpu.memory_space<vmem>>, vector<16xf32>,
    %add3A_701 = arith.addf %mul3A_696, %get3A_700 : vector<16xf32>
    %swap3A_702 = arith.constant 1 : i32
    %swap3A_703 = arith.index_cast %swap3A_702 : i32 to index
    %swap3A_704 = arith.constant 176 : index
    %swap3A_705 = tpu.vector_load %arg8[%swap3A_703, %swap3A_704] {strides = array<i32>} : memref<8x256xf32, #tpu.memory_space<vmem>>, vector<16xf32>,
    tpu.vector_store %arg8[%swap3A_703, %swap3A_704], %add3A_701 {strides = array<i32>} : memref<8x256xf32, #tpu.memory_space<vmem>>, vector<16xf32>,
    %mul3A_706 = arith.mulf %add3A_701, %add3A_701 : vector<16xf32>
    %add3A_707 = arith.addf %add3A_689, %mul3A_706 : vector<16xf32>
    %get3A_708 = arith.constant 1 : i32
    %get3A_709 = arith.index_cast %get3A_708 : i32 to index
    %get3A_710 = arith.constant 192 : index
    %get3A_711 = tpu.vector_load %arg8[%get3A_709, %get3A_710] {strides = array<i32>} : memref<8x256xf32, #tpu.memory_space<vmem>>, vector<16xf32>,
    %mul3A_712 = arith.constant 5.000000e-01 : f32
    %mul3A_713 = vector.broadcast %mul3A_712 : f32 to vector<16xf32>
    %mul3A_714 = arith.mulf %get3A_711, %mul3A_713 : vector<16xf32>
    %get3A_715 = arith.constant 1 : i32
    %get3A_716 = arith.index_cast %get3A_715 : i32 to index
    %get3A_717 = arith.constant 192 : index
    %get3A_718 = tpu.vector_load %arg9[%get3A_716, %get3A_717] {strides = array<i32>} : memref<8x256xf32, #tpu.memory_space<vmem>>, vector<16xf32>,
    %add3A_719 = arith.addf %mul3A_714, %get3A_718 : vector<16xf32>
    %swap3A_720 = arith.constant 1 : i32
    %swap3A_721 = arith.index_cast %swap3A_720 : i32 to index
    %swap3A_722 = arith.constant 192 : index
    %swap3A_723 = tpu.vector_load %arg8[%swap3A_721, %swap3A_722] {strides = array<i32>} : memref<8x256xf32, #tpu.memory_space<vmem>>, vector<16xf32>,
    tpu.vector_store %arg8[%swap3A_721, %swap3A_722], %add3A_719 {strides = array<i32>} : memref<8x256xf32, #tpu.memory_space<vmem>>, vector<16xf32>,
    %mul3A_724 = arith.mulf %add3A_719, %add3A_719 : vector<16xf32>
    %add3A_725 = arith.addf %add3A_707, %mul3A_724 : vector<16xf32>
    %get3A_726 = arith.constant 1 : i32
    %get3A_727 = arith.index_cast %get3A_726 : i32 to index
    %get3A_728 = arith.constant 208 : index
    %get3A_729 = tpu.vector_load %arg8[%get3A_727, %get3A_728] {strides = array<i32>} : memref<8x256xf32, #tpu.memory_space<vmem>>, vector<16xf32>,
    %mul3A_730 = arith.constant 5.000000e-01 : f32
    %mul3A_731 = vector.broadcast %mul3A_730 : f32 to vector<16xf32>
    %mul3A_732 = arith.mulf %get3A_729, %mul3A_731 : vector<16xf32>
    %get3A_733 = arith.constant 1 : i32
    %get3A_734 = arith.index_cast %get3A_733 : i32 to index
    %get3A_735 = arith.constant 208 : index
    %get3A_736 = tpu.vector_load %arg9[%get3A_734, %get3A_735] {strides = array<i32>} : memref<8x256xf32, #tpu.memory_space<vmem>>, vector<16xf32>,
    %add3A_737 = arith.addf %mul3A_732, %get3A_736 : vector<16xf32>
    %swap3A_738 = arith.constant 1 : i32
    %swap3A_739 = arith.index_cast %swap3A_738 : i32 to index
    %swap3A_740 = arith.constant 208 : index
    %swap3A_741 = tpu.vector_load %arg8[%swap3A_739, %swap3A_740] {strides = array<i32>} : memref<8x256xf32, #tpu.memory_space<vmem>>, vector<16xf32>,
    tpu.vector_store %arg8[%swap3A_739, %swap3A_740], %add3A_737 {strides = array<i32>} : memref<8x256xf32, #tpu.memory_space<vmem>>, vector<16xf32>,
    %mul3A_742 = arith.mulf %add3A_737, %add3A_737 : vector<16xf32>
    %add3A_743 = arith.addf %add3A_725, %mul3A_742 : vector<16xf32>
    %get3A_744 = arith.constant 1 : i32
    %get3A_745 = arith.index_cast %get3A_744 : i32 to index
    %get3A_746 = arith.constant 224 : index
    %get3A_747 = tpu.vector_load %arg8[%get3A_745, %get3A_746] {strides = array<i32>} : memref<8x256xf32, #tpu.memory_space<vmem>>, vector<16xf32>,
    %mul3A_748 = arith.constant 5.000000e-01 : f32
    %mul3A_749 = vector.broadcast %mul3A_748 : f32 to vector<16xf32>
    %mul3A_750 = arith.mulf %get3A_747, %mul3A_749 : vector<16xf32>
    %get3A_751 = arith.constant 1 : i32
    %get3A_752 = arith.index_cast %get3A_751 : i32 to index
    %get3A_753 = arith.constant 224 : index
    %get3A_754 = tpu.vector_load %arg9[%get3A_752, %get3A_753] {strides = array<i32>} : memref<8x256xf32, #tpu.memory_space<vmem>>, vector<16xf32>,
    %add3A_755 = arith.addf %mul3A_750, %get3A_754 : vector<16xf32>
    %swap3A_756 = arith.constant 1 : i32
    %swap3A_757 = arith.index_cast %swap3A_756 : i32 to index
    %swap3A_758 = arith.constant 224 : index
    %swap3A_759 = tpu.vector_load %arg8[%swap3A_757, %swap3A_758] {strides = array<i32>} : memref<8x256xf32, #tpu.memory_space<vmem>>, vector<16xf32>,
    tpu.vector_store %arg8[%swap3A_757, %swap3A_758], %add3A_755 {strides = array<i32>} : memref<8x256xf32, #tpu.memory_space<vmem>>, vector<16xf32>,
    %mul3A_760 = arith.mulf %add3A_755, %add3A_755 : vector<16xf32>
    %add3A_761 = arith.addf %add3A_743, %mul3A_760 : vector<16xf32>
    %get3A_762 = arith.constant 1 : i32
    %get3A_763 = arith.index_cast %get3A_762 : i32 to index
    %get3A_764 = arith.constant 240 : index
    %get3A_765 = tpu.vector_load %arg8[%get3A_763, %get3A_764] {strides = array<i32>} : memref<8x256xf32, #tpu.memory_space<vmem>>, vector<16xf32>,
    %mul3A_766 = arith.constant 5.000000e-01 : f32
    %mul3A_767 = vector.broadcast %mul3A_766 : f32 to vector<16xf32>
    %mul3A_768 = arith.mulf %get3A_765, %mul3A_767 : vector<16xf32>
    %get3A_769 = arith.constant 1 : i32
    %get3A_770 = arith.index_cast %get3A_769 : i32 to index
    %get3A_771 = arith.constant 240 : index
    %get3A_772 = tpu.vector_load %arg9[%get3A_770, %get3A_771] {strides = array<i32>} : memref<8x256xf32, #tpu.memory_space<vmem>>, vector<16xf32>,
    %add3A_773 = arith.addf %mul3A_768, %get3A_772 : vector<16xf32>
    %swap3A_774 = arith.constant 1 : i32
    %swap3A_775 = arith.index_cast %swap3A_774 : i32 to index
    %swap3A_776 = arith.constant 240 : index
    %swap3A_777 = tpu.vector_load %arg8[%swap3A_775, %swap3A_776] {strides = array<i32>} : memref<8x256xf32, #tpu.memory_space<vmem>>, vector<16xf32>,
    tpu.vector_store %arg8[%swap3A_775, %swap3A_776], %add3A_773 {strides = array<i32>} : memref<8x256xf32, #tpu.memory_space<vmem>>, vector<16xf32>,
    %mul3A_778 = arith.mulf %add3A_773, %add3A_773 : vector<16xf32>
    %add3A_779 = arith.addf %add3A_761, %mul3A_778 : vector<16xf32>
    %reduce_sum3A_780 = arith.constant true
    %reduce_sum3A_781 = vector.broadcast %reduce_sum3A_780 : i1 to vector<16xi1>
    %reduce_sum3A_782 = tpu.scan <sum>, %add3A_779 masked %reduce_sum3A_781 : vector<16xf32>, vector<16xi1> -> vector<16xf32>
    %reduce_sum3A_783 = vector.extract %reduce_sum3A_782[15] : f32 from vector<16xf32>
    %broadcast_in_dim3A_784 = vector.broadcast %reduce_sum3A_783 : f32 to vector<16xf32>
    %bitcast3A_785 = vector.bitcast %broadcast_in_dim3A_784 : vector<16xf32> to vector<16xi32>
    %shift_right_arithmetic3A_786 = arith.constant 1 : i32
    %shift_right_arithmetic3A_787 = vector.broadcast %shift_right_arithmetic3A_786 : i32 to vector<16xi32>
    %shift_right_arithmetic3A_788 = arith.shrsi %bitcast3A_785, %shift_right_arithmetic3A_787 : vector<16xi32>
    %sub3A_789 = arith.constant 1597463007 : i32
    %sub3A_790 = vector.broadcast %sub3A_789 : i32 to vector<16xi32>
    %sub3A_791 = arith.subi %sub3A_790, %shift_right_arithmetic3A_788 : vector<16xi32>
    %bitcast3A_792 = vector.bitcast %sub3A_791 : vector<16xi32> to vector<16xf32>
    %mul3A_793 = arith.constant 5.000000e-01 : f32
    %mul3A_794 = vector.broadcast %mul3A_793 : f32 to vector<16xf32>
    %mul3A_795 = arith.mulf %mul3A_794, %broadcast_in_dim3A_784 : vector<16xf32>
    %mul3A_796 = arith.mulf %mul3A_795, %bitcast3A_792 : vector<16xf32>
    %mul3A_797 = arith.mulf %mul3A_796, %bitcast3A_792 : vector<16xf32>
    %sub3A_798 = arith.constant 1.500000e+00 : f32
    %sub3A_799 = vector.broadcast %sub3A_798 : f32 to vector<16xf32>
    %sub3A_800 = arith.subf %sub3A_799, %mul3A_797 : vector<16xf32>
    %mul3A_801 = arith.mulf %bitcast3A_792, %sub3A_800 : vector<16xf32>
    %mul3A_802 = arith.constant 5.000000e-01 : f32
    %mul3A_803 = vector.broadcast %mul3A_802 : f32 to vector<16xf32>
    %mul3A_804 = arith.mulf %mul3A_803, %broadcast_in_dim3A_784 : vector<16xf32>
    %mul3A_805 = arith.mulf %mul3A_804, %mul3A_801 : vector<16xf32>
    %mul3A_806 = arith.mulf %mul3A_805, %mul3A_801 : vector<16xf32>
    %sub3A_807 = arith.constant 1.500000e+00 : f32
    %sub3A_808 = vector.broadcast %sub3A_807 : f32 to vector<16xf32>
    %sub3A_809 = arith.subf %sub3A_808, %mul3A_806 : vector<16xf32>
    %mul3A_810 = arith.mulf %mul3A_801, %sub3A_809 : vector<16xf32>
    %mul3A_811 = arith.constant 5.000000e-01 : f32
    %mul3A_812 = vector.broadcast %mul3A_811 : f32 to vector<16xf32>
    %mul3A_813 = arith.mulf %mul3A_812, %broadcast_in_dim3A_784 : vector<16xf32>
    %mul3A_814 = arith.mulf %mul3A_813, %mul3A_810 : vector<16xf32>
    %mul3A_815 = arith.mulf %mul3A_814, %mul3A_810 : vector<16xf32>
    %sub3A_816 = arith.constant 1.500000e+00 : f32
    %sub3A_817 = vector.broadcast %sub3A_816 : f32 to vector<16xf32>
    %sub3A_818 = arith.subf %sub3A_817, %mul3A_815 : vector<16xf32>
    %mul3A_819 = arith.mulf %mul3A_810, %sub3A_818 : vector<16xf32>
    %mul3A_820 = arith.constant 5.000000e-01 : f32
    %mul3A_821 = vector.broadcast %mul3A_820 : f32 to vector<16xf32>
    %mul3A_822 = arith.mulf %mul3A_821, %broadcast_in_dim3A_784 : vector<16xf32>
    %mul3A_823 = arith.mulf %mul3A_822, %mul3A_819 : vector<16xf32>
    %mul3A_824 = arith.mulf %mul3A_823, %mul3A_819 : vector<16xf32>
    %sub3A_825 = arith.constant 1.500000e+00 : f32
    %sub3A_826 = vector.broadcast %sub3A_825 : f32 to vector<16xf32>
    %sub3A_827 = arith.subf %sub3A_826, %mul3A_824 : vector<16xf32>
    %mul3A_828 = arith.mulf %mul3A_819, %sub3A_827 : vector<16xf32>
    %get3A_829 = arith.constant 1 : i32
    %get3A_830 = arith.index_cast %get3A_829 : i32 to index
    %get3A_831 = arith.constant 0 : index
    %get3A_832 = tpu.vector_load %arg8[%get3A_830, %get3A_831] {strides = array<i32>} : memref<8x256xf32, #tpu.memory_space<vmem>>, vector<16xf32>,
    %mul3A_833 = arith.mulf %get3A_832, %mul3A_828 : vector<16xf32>
    %swap3A_834 = arith.constant 1 : i32
    %swap3A_835 = arith.index_cast %swap3A_834 : i32 to index
    %swap3A_836 = arith.constant 0 : index
    %swap3A_837 = tpu.vector_load %arg8[%swap3A_835, %swap3A_836] {strides = array<i32>} : memref<8x256xf32, #tpu.memory_space<vmem>>, vector<16xf32>,
    tpu.vector_store %arg8[%swap3A_835, %swap3A_836], %mul3A_833 {strides = array<i32>} : memref<8x256xf32, #tpu.memory_space<vmem>>, vector<16xf32>,
    %get3A_838 = arith.constant 1 : i32
    %get3A_839 = arith.index_cast %get3A_838 : i32 to index
    %get3A_840 = arith.constant 16 : index
    %get3A_841 = tpu.vector_load %arg8[%get3A_839, %get3A_840] {strides = array<i32>} : memref<8x256xf32, #tpu.memory_space<vmem>>, vector<16xf32>,
    %mul3A_842 = arith.mulf %get3A_841, %mul3A_828 : vector<16xf32>
    %swap3A_843 = arith.constant 1 : i32
    %swap3A_844 = arith.index_cast %swap3A_843 : i32 to index
    %swap3A_845 = arith.constant 16 : index
    %swap3A_846 = tpu.vector_load %arg8[%swap3A_844, %swap3A_845] {strides = array<i32>} : memref<8x256xf32, #tpu.memory_space<vmem>>, vector<16xf32>,
    tpu.vector_store %arg8[%swap3A_844, %swap3A_845], %mul3A_842 {strides = array<i32>} : memref<8x256xf32, #tpu.memory_space<vmem>>, vector<16xf32>,
    %get3A_847 = arith.constant 1 : i32
    %get3A_848 = arith.index_cast %get3A_847 : i32 to index
    %get3A_849 = arith.constant 32 : index
    %get3A_850 = tpu.vector_load %arg8[%get3A_848, %get3A_849] {strides = array<i32>} : memref<8x256xf32, #tpu.memory_space<vmem>>, vector<16xf32>,
    %mul3A_851 = arith.mulf %get3A_850, %mul3A_828 : vector<16xf32>
    %swap3A_852 = arith.constant 1 : i32
    %swap3A_853 = arith.index_cast %swap3A_852 : i32 to index
    %swap3A_854 = arith.constant 32 : index
    %swap3A_855 = tpu.vector_load %arg8[%swap3A_853, %swap3A_854] {strides = array<i32>} : memref<8x256xf32, #tpu.memory_space<vmem>>, vector<16xf32>,
    tpu.vector_store %arg8[%swap3A_853, %swap3A_854], %mul3A_851 {strides = array<i32>} : memref<8x256xf32, #tpu.memory_space<vmem>>, vector<16xf32>,
    %get3A_856 = arith.constant 1 : i32
    %get3A_857 = arith.index_cast %get3A_856 : i32 to index
    %get3A_858 = arith.constant 48 : index
    %get3A_859 = tpu.vector_load %arg8[%get3A_857, %get3A_858] {strides = array<i32>} : memref<8x256xf32, #tpu.memory_space<vmem>>, vector<16xf32>,
    %mul3A_860 = arith.mulf %get3A_859, %mul3A_828 : vector<16xf32>
    %swap3A_861 = arith.constant 1 : i32
    %swap3A_862 = arith.index_cast %swap3A_861 : i32 to index
    %swap3A_863 = arith.constant 48 : index
    %swap3A_864 = tpu.vector_load %arg8[%swap3A_862, %swap3A_863] {strides = array<i32>} : memref<8x256xf32, #tpu.memory_space<vmem>>, vector<16xf32>,
    tpu.vector_store %arg8[%swap3A_862, %swap3A_863], %mul3A_860 {strides = array<i32>} : memref<8x256xf32, #tpu.memory_space<vmem>>, vector<16xf32>,
    %get3A_865 = arith.constant 1 : i32
    %get3A_866 = arith.index_cast %get3A_865 : i32 to index
    %get3A_867 = arith.constant 64 : index
    %get3A_868 = tpu.vector_load %arg8[%get3A_866, %get3A_867] {strides = array<i32>} : memref<8x256xf32, #tpu.memory_space<vmem>>, vector<16xf32>,
    %mul3A_869 = arith.mulf %get3A_868, %mul3A_828 : vector<16xf32>
    %swap3A_870 = arith.constant 1 : i32
    %swap3A_871 = arith.index_cast %swap3A_870 : i32 to index
    %swap3A_872 = arith.constant 64 : index
    %swap3A_873 = tpu.vector_load %arg8[%swap3A_871, %swap3A_872] {strides = array<i32>} : memref<8x256xf32, #tpu.memory_space<vmem>>, vector<16xf32>,
    tpu.vector_store %arg8[%swap3A_871, %swap3A_872], %mul3A_869 {strides = array<i32>} : memref<8x256xf32, #tpu.memory_space<vmem>>, vector<16xf32>,
    %get3A_874 = arith.constant 1 : i32
    %get3A_875 = arith.index_cast %get3A_874 : i32 to index
    %get3A_876 = arith.constant 80 : index
    %get3A_877 = tpu.vector_load %arg8[%get3A_875, %get3A_876] {strides = array<i32>} : memref<8x256xf32, #tpu.memory_space<vmem>>, vector<16xf32>,
    %mul3A_878 = arith.mulf %get3A_877, %mul3A_828 : vector<16xf32>
    %swap3A_879 = arith.constant 1 : i32
    %swap3A_880 = arith.index_cast %swap3A_879 : i32 to index
    %swap3A_881 = arith.constant 80 : index
    %swap3A_882 = tpu.vector_load %arg8[%swap3A_880, %swap3A_881] {strides = array<i32>} : memref<8x256xf32, #tpu.memory_space<vmem>>, vector<16xf32>,
    tpu.vector_store %arg8[%swap3A_880, %swap3A_881], %mul3A_878 {strides = array<i32>} : memref<8x256xf32, #tpu.memory_space<vmem>>, vector<16xf32>,
    %get3A_883 = arith.constant 1 : i32
    %get3A_884 = arith.index_cast %get3A_883 : i32 to index
    %get3A_885 = arith.constant 96 : index
    %get3A_886 = tpu.vector_load %arg8[%get3A_884, %get3A_885] {strides = array<i32>} : memref<8x256xf32, #tpu.memory_space<vmem>>, vector<16xf32>,
    %mul3A_887 = arith.mulf %get3A_886, %mul3A_828 : vector<16xf32>
    %swap3A_888 = arith.constant 1 : i32
    %swap3A_889 = arith.index_cast %swap3A_888 : i32 to index
    %swap3A_890 = arith.constant 96 : index
    %swap3A_891 = tpu.vector_load %arg8[%swap3A_889, %swap3A_890] {strides = array<i32>} : memref<8x256xf32, #tpu.memory_space<vmem>>, vector<16xf32>,
    tpu.vector_store %arg8[%swap3A_889, %swap3A_890], %mul3A_887 {strides = array<i32>} : memref<8x256xf32, #tpu.memory_space<vmem>>, vector<16xf32>,
    %get3A_892 = arith.constant 1 : i32
    %get3A_893 = arith.index_cast %get3A_892 : i32 to index
    %get3A_894 = arith.constant 112 : index
    %get3A_895 = tpu.vector_load %arg8[%get3A_893, %get3A_894] {strides = array<i32>} : memref<8x256xf32, #tpu.memory_space<vmem>>, vector<16xf32>,
    %mul3A_896 = arith.mulf %get3A_895, %mul3A_828 : vector<16xf32>
    %swap3A_897 = arith.constant 1 : i32
    %swap3A_898 = arith.index_cast %swap3A_897 : i32 to index
    %swap3A_899 = arith.constant 112 : index
    %swap3A_900 = tpu.vector_load %arg8[%swap3A_898, %swap3A_899] {strides = array<i32>} : memref<8x256xf32, #tpu.memory_space<vmem>>, vector<16xf32>,
    tpu.vector_store %arg8[%swap3A_898, %swap3A_899], %mul3A_896 {strides = array<i32>} : memref<8x256xf32, #tpu.memory_space<vmem>>, vector<16xf32>,
    %get3A_901 = arith.constant 1 : i32
    %get3A_902 = arith.index_cast %get3A_901 : i32 to index
    %get3A_903 = arith.constant 128 : index
    %get3A_904 = tpu.vector_load %arg8[%get3A_902, %get3A_903] {strides = array<i32>} : memref<8x256xf32, #tpu.memory_space<vmem>>, vector<16xf32>,
    %mul3A_905 = arith.mulf %get3A_904, %mul3A_828 : vector<16xf32>
    %swap3A_906 = arith.constant 1 : i32
    %swap3A_907 = arith.index_cast %swap3A_906 : i32 to index
    %swap3A_908 = arith.constant 128 : index
    %swap3A_909 = tpu.vector_load %arg8[%swap3A_907, %swap3A_908] {strides = array<i32>} : memref<8x256xf32, #tpu.memory_space<vmem>>, vector<16xf32>,
    tpu.vector_store %arg8[%swap3A_907, %swap3A_908], %mul3A_905 {strides = array<i32>} : memref<8x256xf32, #tpu.memory_space<vmem>>, vector<16xf32>,
    %get3A_910 = arith.constant 1 : i32
    %get3A_911 = arith.index_cast %get3A_910 : i32 to index
    %get3A_912 = arith.constant 144 : index
    %get3A_913 = tpu.vector_load %arg8[%get3A_911, %get3A_912] {strides = array<i32>} : memref<8x256xf32, #tpu.memory_space<vmem>>, vector<16xf32>,
    %mul3A_914 = arith.mulf %get3A_913, %mul3A_828 : vector<16xf32>
    %swap3A_915 = arith.constant 1 : i32
    %swap3A_916 = arith.index_cast %swap3A_915 : i32 to index
    %swap3A_917 = arith.constant 144 : index
    %swap3A_918 = tpu.vector_load %arg8[%swap3A_916, %swap3A_917] {strides = array<i32>} : memref<8x256xf32, #tpu.memory_space<vmem>>, vector<16xf32>,
    tpu.vector_store %arg8[%swap3A_916, %swap3A_917], %mul3A_914 {strides = array<i32>} : memref<8x256xf32, #tpu.memory_space<vmem>>, vector<16xf32>,
    %get3A_919 = arith.constant 1 : i32
    %get3A_920 = arith.index_cast %get3A_919 : i32 to index
    %get3A_921 = arith.constant 160 : index
    %get3A_922 = tpu.vector_load %arg8[%get3A_920, %get3A_921] {strides = array<i32>} : memref<8x256xf32, #tpu.memory_space<vmem>>, vector<16xf32>,
    %mul3A_923 = arith.mulf %get3A_922, %mul3A_828 : vector<16xf32>
    %swap3A_924 = arith.constant 1 : i32
    %swap3A_925 = arith.index_cast %swap3A_924 : i32 to index
    %swap3A_926 = arith.constant 160 : index
    %swap3A_927 = tpu.vector_load %arg8[%swap3A_925, %swap3A_926] {strides = array<i32>} : memref<8x256xf32, #tpu.memory_space<vmem>>, vector<16xf32>,
    tpu.vector_store %arg8[%swap3A_925, %swap3A_926], %mul3A_923 {strides = array<i32>} : memref<8x256xf32, #tpu.memory_space<vmem>>, vector<16xf32>,
    %get3A_928 = arith.constant 1 : i32
    %get3A_929 = arith.index_cast %get3A_928 : i32 to index
    %get3A_930 = arith.constant 176 : index
    %get3A_931 = tpu.vector_load %arg8[%get3A_929, %get3A_930] {strides = array<i32>} : memref<8x256xf32, #tpu.memory_space<vmem>>, vector<16xf32>,
    %mul3A_932 = arith.mulf %get3A_931, %mul3A_828 : vector<16xf32>
    %swap3A_933 = arith.constant 1 : i32
    %swap3A_934 = arith.index_cast %swap3A_933 : i32 to index
    %swap3A_935 = arith.constant 176 : index
    %swap3A_936 = tpu.vector_load %arg8[%swap3A_934, %swap3A_935] {strides = array<i32>} : memref<8x256xf32, #tpu.memory_space<vmem>>, vector<16xf32>,
    tpu.vector_store %arg8[%swap3A_934, %swap3A_935], %mul3A_932 {strides = array<i32>} : memref<8x256xf32, #tpu.memory_space<vmem>>, vector<16xf32>,
    %get3A_937 = arith.constant 1 : i32
    %get3A_938 = arith.index_cast %get3A_937 : i32 to index
    %get3A_939 = arith.constant 192 : index
    %get3A_940 = tpu.vector_load %arg8[%get3A_938, %get3A_939] {strides = array<i32>} : memref<8x256xf32, #tpu.memory_space<vmem>>, vector<16xf32>,
    %mul3A_941 = arith.mulf %get3A_940, %mul3A_828 : vector<16xf32>
    %swap3A_942 = arith.constant 1 : i32
    %swap3A_943 = arith.index_cast %swap3A_942 : i32 to index
    %swap3A_944 = arith.constant 192 : index
    %swap3A_945 = tpu.vector_load %arg8[%swap3A_943, %swap3A_944] {strides = array<i32>} : memref<8x256xf32, #tpu.memory_space<vmem>>, vector<16xf32>,
    tpu.vector_store %arg8[%swap3A_943, %swap3A_944], %mul3A_941 {strides = array<i32>} : memref<8x256xf32, #tpu.memory_space<vmem>>, vector<16xf32>,
    %get3A_946 = arith.constant 1 : i32
    %get3A_947 = arith.index_cast %get3A_946 : i32 to index
    %get3A_948 = arith.constant 208 : index
    %get3A_949 = tpu.vector_load %arg8[%get3A_947, %get3A_948] {strides = array<i32>} : memref<8x256xf32, #tpu.memory_space<vmem>>, vector<16xf32>,
    %mul3A_950 = arith.mulf %get3A_949, %mul3A_828 : vector<16xf32>
    %swap3A_951 = arith.constant 1 : i32
    %swap3A_952 = arith.index_cast %swap3A_951 : i32 to index
    %swap3A_953 = arith.constant 208 : index
    %swap3A_954 = tpu.vector_load %arg8[%swap3A_952, %swap3A_953] {strides = array<i32>} : memref<8x256xf32, #tpu.memory_space<vmem>>, vector<16xf32>,
    tpu.vector_store %arg8[%swap3A_952, %swap3A_953], %mul3A_950 {strides = array<i32>} : memref<8x256xf32, #tpu.memory_space<vmem>>, vector<16xf32>,
    %get3A_955 = arith.constant 1 : i32
    %get3A_956 = arith.index_cast %get3A_955 : i32 to index
    %get3A_957 = arith.constant 224 : index
    %get3A_958 = tpu.vector_load %arg8[%get3A_956, %get3A_957] {strides = array<i32>} : memref<8x256xf32, #tpu.memory_space<vmem>>, vector<16xf32>,
    %mul3A_959 = arith.mulf %get3A_958, %mul3A_828 : vector<16xf32>
    %swap3A_960 = arith.constant 1 : i32
    %swap3A_961 = arith.index_cast %swap3A_960 : i32 to index
    %swap3A_962 = arith.constant 224 : index
    %swap3A_963 = tpu.vector_load %arg8[%swap3A_961, %swap3A_962] {strides = array<i32>} : memref<8x256xf32, #tpu.memory_space<vmem>>, vector<16xf32>,
    tpu.vector_store %arg8[%swap3A_961, %swap3A_962], %mul3A_959 {strides = array<i32>} : memref<8x256xf32, #tpu.memory_space<vmem>>, vector<16xf32>,
    %get3A_964 = arith.constant 1 : i32
    %get3A_965 = arith.index_cast %get3A_964 : i32 to index
    %get3A_966 = arith.constant 240 : index
    %get3A_967 = tpu.vector_load %arg8[%get3A_965, %get3A_966] {strides = array<i32>} : memref<8x256xf32, #tpu.memory_space<vmem>>, vector<16xf32>,
    %mul3A_968 = arith.mulf %get3A_967, %mul3A_828 : vector<16xf32>
    %swap3A_969 = arith.constant 1 : i32
    %swap3A_970 = arith.index_cast %swap3A_969 : i32 to index
    %swap3A_971 = arith.constant 240 : index
    %swap3A_972 = tpu.vector_load %arg8[%swap3A_970, %swap3A_971] {strides = array<i32>} : memref<8x256xf32, #tpu.memory_space<vmem>>, vector<16xf32>,
    tpu.vector_store %arg8[%swap3A_970, %swap3A_971], %mul3A_968 {strides = array<i32>} : memref<8x256xf32, #tpu.memory_space<vmem>>, vector<16xf32>,
    %broadcast_in_dim3A_973 = arith.constant 0.000000e+00 : f32
    %broadcast_in_dim3A_974 = vector.broadcast %broadcast_in_dim3A_973 : f32 to vector<16xf32>
    %get3A_975 = arith.constant 2 : i32
    %get3A_976 = arith.index_cast %get3A_975 : i32 to index
    %get3A_977 = arith.constant 0 : index
    %get3A_978 = tpu.vector_load %arg8[%get3A_976, %get3A_977] {strides = array<i32>} : memref<8x256xf32, #tpu.memory_space<vmem>>, vector<16xf32>,
    %mul3A_979 = arith.constant 5.000000e-01 : f32
    %mul3A_980 = vector.broadcast %mul3A_979 : f32 to vector<16xf32>
    %mul3A_981 = arith.mulf %get3A_978, %mul3A_980 : vector<16xf32>
    %get3A_982 = arith.constant 2 : i32
    %get3A_983 = arith.index_cast %get3A_982 : i32 to index
    %get3A_984 = arith.constant 0 : index
    %get3A_985 = tpu.vector_load %arg9[%get3A_983, %get3A_984] {strides = array<i32>} : memref<8x256xf32, #tpu.memory_space<vmem>>, vector<16xf32>,
    %add3A_986 = arith.addf %mul3A_981, %get3A_985 : vector<16xf32>
    %swap3A_987 = arith.constant 2 : i32
    %swap3A_988 = arith.index_cast %swap3A_987 : i32 to index
    %swap3A_989 = arith.constant 0 : index
    %swap3A_990 = tpu.vector_load %arg8[%swap3A_988, %swap3A_989] {strides = array<i32>} : memref<8x256xf32, #tpu.memory_space<vmem>>, vector<16xf32>,
    tpu.vector_store %arg8[%swap3A_988, %swap3A_989], %add3A_986 {strides = array<i32>} : memref<8x256xf32, #tpu.memory_space<vmem>>, vector<16xf32>,
    %mul3A_991 = arith.mulf %add3A_986, %add3A_986 : vector<16xf32>
    %add3A_992 = arith.addf %broadcast_in_dim3A_974, %mul3A_991 : vector<16xf32>
    %get3A_993 = arith.constant 2 : i32
    %get3A_994 = arith.index_cast %get3A_993 : i32 to index
    %get3A_995 = arith.constant 16 : index
    %get3A_996 = tpu.vector_load %arg8[%get3A_994, %get3A_995] {strides = array<i32>} : memref<8x256xf32, #tpu.memory_space<vmem>>, vector<16xf32>,
    %mul3A_997 = arith.constant 5.000000e-01 : f32
    %mul3A_998 = vector.broadcast %mul3A_997 : f32 to vector<16xf32>
    %mul3A_999 = arith.mulf %get3A_996, %mul3A_998 : vector<16xf32>
    %get3A_1000 = arith.constant 2 : i32
    %get3A_1001 = arith.index_cast %get3A_1000 : i32 to index
    %get3A_1002 = arith.constant 16 : index
    %get3A_1003 = tpu.vector_load %arg9[%get3A_1001, %get3A_1002] {strides = array<i32>} : memref<8x256xf32, #tpu.memory_space<vmem>>, vector<16xf32>,
    %add3A_1004 = arith.addf %mul3A_999, %get3A_1003 : vector<16xf32>
    %swap3A_1005 = arith.constant 2 : i32
    %swap3A_1006 = arith.index_cast %swap3A_1005 : i32 to index
    %swap3A_1007 = arith.constant 16 : index
    %swap3A_1008 = tpu.vector_load %arg8[%swap3A_1006, %swap3A_1007] {strides = array<i32>} : memref<8x256xf32, #tpu.memory_space<vmem>>, vector<16xf32>,
    tpu.vector_store %arg8[%swap3A_1006, %swap3A_1007], %add3A_1004 {strides = array<i32>} : memref<8x256xf32, #tpu.memory_space<vmem>>, vector<16xf32>,
    %mul3A_1009 = arith.mulf %add3A_1004, %add3A_1004 : vector<16xf32>
    %add3A_1010 = arith.addf %add3A_992, %mul3A_1009 : vector<16xf32>
    %get3A_1011 = arith.constant 2 : i32
    %get3A_1012 = arith.index_cast %get3A_1011 : i32 to index
    %get3A_1013 = arith.constant 32 : index
    %get3A_1014 = tpu.vector_load %arg8[%get3A_1012, %get3A_1013] {strides = array<i32>} : memref<8x256xf32, #tpu.memory_space<vmem>>, vector<16xf32>,
    %mul3A_1015 = arith.constant 5.000000e-01 : f32
    %mul3A_1016 = vector.broadcast %mul3A_1015 : f32 to vector<16xf32>
    %mul3A_1017 = arith.mulf %get3A_1014, %mul3A_1016 : vector<16xf32>
    %get3A_1018 = arith.constant 2 : i32
    %get3A_1019 = arith.index_cast %get3A_1018 : i32 to index
    %get3A_1020 = arith.constant 32 : index
    %get3A_1021 = tpu.vector_load %arg9[%get3A_1019, %get3A_1020] {strides = array<i32>} : memref<8x256xf32, #tpu.memory_space<vmem>>, vector<16xf32>,
    %add3A_1022 = arith.addf %mul3A_1017, %get3A_1021 : vector<16xf32>
    %swap3A_1023 = arith.constant 2 : i32
    %swap3A_1024 = arith.index_cast %swap3A_1023 : i32 to index
    %swap3A_1025 = arith.constant 32 : index
    %swap3A_1026 = tpu.vector_load %arg8[%swap3A_1024, %swap3A_1025] {strides = array<i32>} : memref<8x256xf32, #tpu.memory_space<vmem>>, vector<16xf32>,
    tpu.vector_store %arg8[%swap3A_1024, %swap3A_1025], %add3A_1022 {strides = array<i32>} : memref<8x256xf32, #tpu.memory_space<vmem>>, vector<16xf32>,
    %mul3A_1027 = arith.mulf %add3A_1022, %add3A_1022 : vector<16xf32>
    %add3A_1028 = arith.addf %add3A_1010, %mul3A_1027 : vector<16xf32>
    %get3A_1029 = arith.constant 2 : i32
    %get3A_1030 = arith.index_cast %get3A_1029 : i32 to index
    %get3A_1031 = arith.constant 48 : index
    %get3A_1032 = tpu.vector_load %arg8[%get3A_1030, %get3A_1031] {strides = array<i32>} : memref<8x256xf32, #tpu.memory_space<vmem>>, vector<16xf32>,
    %mul3A_1033 = arith.constant 5.000000e-01 : f32
    %mul3A_1034 = vector.broadcast %mul3A_1033 : f32 to vector<16xf32>
    %mul3A_1035 = arith.mulf %get3A_1032, %mul3A_1034 : vector<16xf32>
    %get3A_1036 = arith.constant 2 : i32
    %get3A_1037 = arith.index_cast %get3A_1036 : i32 to index
    %get3A_1038 = arith.constant 48 : index
    %get3A_1039 = tpu.vector_load %arg9[%get3A_1037, %get3A_1038] {strides = array<i32>} : memref<8x256xf32, #tpu.memory_space<vmem>>, vector<16xf32>,
    %add3A_1040 = arith.addf %mul3A_1035, %get3A_1039 : vector<16xf32>
    %swap3A_1041 = arith.constant 2 : i32
    %swap3A_1042 = arith.index_cast %swap3A_1041 : i32 to index
    %swap3A_1043 = arith.constant 48 : index
    %swap3A_1044 = tpu.vector_load %arg8[%swap3A_1042, %swap3A_1043] {strides = array<i32>} : memref<8x256xf32, #tpu.memory_space<vmem>>, vector<16xf32>,
    tpu.vector_store %arg8[%swap3A_1042, %swap3A_1043], %add3A_1040 {strides = array<i32>} : memref<8x256xf32, #tpu.memory_space<vmem>>, vector<16xf32>,
    %mul3A_1045 = arith.mulf %add3A_1040, %add3A_1040 : vector<16xf32>
    %add3A_1046 = arith.addf %add3A_1028, %mul3A_1045 : vector<16xf32>
    %get3A_1047 = arith.constant 2 : i32
    %get3A_1048 = arith.index_cast %get3A_1047 : i32 to index
    %get3A_1049 = arith.constant 64 : index
    %get3A_1050 = tpu.vector_load %arg8[%get3A_1048, %get3A_1049] {strides = array<i32>} : memref<8x256xf32, #tpu.memory_space<vmem>>, vector<16xf32>,
    %mul3A_1051 = arith.constant 5.000000e-01 : f32
    %mul3A_1052 = vector.broadcast %mul3A_1051 : f32 to vector<16xf32>
    %mul3A_1053 = arith.mulf %get3A_1050, %mul3A_1052 : vector<16xf32>
    %get3A_1054 = arith.constant 2 : i32
    %get3A_1055 = arith.index_cast %get3A_1054 : i32 to index
    %get3A_1056 = arith.constant 64 : index
    %get3A_1057 = tpu.vector_load %arg9[%get3A_1055, %get3A_1056] {strides = array<i32>} : memref<8x256xf32, #tpu.memory_space<vmem>>, vector<16xf32>,
    %add3A_1058 = arith.addf %mul3A_1053, %get3A_1057 : vector<16xf32>
    %swap3A_1059 = arith.constant 2 : i32
    %swap3A_1060 = arith.index_cast %swap3A_1059 : i32 to index
    %swap3A_1061 = arith.constant 64 : index
    %swap3A_1062 = tpu.vector_load %arg8[%swap3A_1060, %swap3A_1061] {strides = array<i32>} : memref<8x256xf32, #tpu.memory_space<vmem>>, vector<16xf32>,
    tpu.vector_store %arg8[%swap3A_1060, %swap3A_1061], %add3A_1058 {strides = array<i32>} : memref<8x256xf32, #tpu.memory_space<vmem>>, vector<16xf32>,
    %mul3A_1063 = arith.mulf %add3A_1058, %add3A_1058 : vector<16xf32>
    %add3A_1064 = arith.addf %add3A_1046, %mul3A_1063 : vector<16xf32>
    %get3A_1065 = arith.constant 2 : i32
    %get3A_1066 = arith.index_cast %get3A_1065 : i32 to index
    %get3A_1067 = arith.constant 80 : index
    %get3A_1068 = tpu.vector_load %arg8[%get3A_1066, %get3A_1067] {strides = array<i32>} : memref<8x256xf32, #tpu.memory_space<vmem>>, vector<16xf32>,
    %mul3A_1069 = arith.constant 5.000000e-01 : f32
    %mul3A_1070 = vector.broadcast %mul3A_1069 : f32 to vector<16xf32>
    %mul3A_1071 = arith.mulf %get3A_1068, %mul3A_1070 : vector<16xf32>
    %get3A_1072 = arith.constant 2 : i32
    %get3A_1073 = arith.index_cast %get3A_1072 : i32 to index
    %get3A_1074 = arith.constant 80 : index
    %get3A_1075 = tpu.vector_load %arg9[%get3A_1073, %get3A_1074] {strides = array<i32>} : memref<8x256xf32, #tpu.memory_space<vmem>>, vector<16xf32>,
    %add3A_1076 = arith.addf %mul3A_1071, %get3A_1075 : vector<16xf32>
    %swap3A_1077 = arith.constant 2 : i32
    %swap3A_1078 = arith.index_cast %swap3A_1077 : i32 to index
    %swap3A_1079 = arith.constant 80 : index
    %swap3A_1080 = tpu.vector_load %arg8[%swap3A_1078, %swap3A_1079] {strides = array<i32>} : memref<8x256xf32, #tpu.memory_space<vmem>>, vector<16xf32>,
    tpu.vector_store %arg8[%swap3A_1078, %swap3A_1079], %add3A_1076 {strides = array<i32>} : memref<8x256xf32, #tpu.memory_space<vmem>>, vector<16xf32>,
    %mul3A_1081 = arith.mulf %add3A_1076, %add3A_1076 : vector<16xf32>
    %add3A_1082 = arith.addf %add3A_1064, %mul3A_1081 : vector<16xf32>
    %get3A_1083 = arith.constant 2 : i32
    %get3A_1084 = arith.index_cast %get3A_1083 : i32 to index
    %get3A_1085 = arith.constant 96 : index
    %get3A_1086 = tpu.vector_load %arg8[%get3A_1084, %get3A_1085] {strides = array<i32>} : memref<8x256xf32, #tpu.memory_space<vmem>>, vector<16xf32>,
    %mul3A_1087 = arith.constant 5.000000e-01 : f32
    %mul3A_1088 = vector.broadcast %mul3A_1087 : f32 to vector<16xf32>
    %mul3A_1089 = arith.mulf %get3A_1086, %mul3A_1088 : vector<16xf32>
    %get3A_1090 = arith.constant 2 : i32
    %get3A_1091 = arith.index_cast %get3A_1090 : i32 to index
    %get3A_1092 = arith.constant 96 : index
    %get3A_1093 = tpu.vector_load %arg9[%get3A_1091, %get3A_1092] {strides = array<i32>} : memref<8x256xf32, #tpu.memory_space<vmem>>, vector<16xf32>,
    %add3A_1094 = arith.addf %mul3A_1089, %get3A_1093 : vector<16xf32>
    %swap3A_1095 = arith.constant 2 : i32
    %swap3A_1096 = arith.index_cast %swap3A_1095 : i32 to index
    %swap3A_1097 = arith.constant 96 : index
    %swap3A_1098 = tpu.vector_load %arg8[%swap3A_1096, %swap3A_1097] {strides = array<i32>} : memref<8x256xf32, #tpu.memory_space<vmem>>, vector<16xf32>,
    tpu.vector_store %arg8[%swap3A_1096, %swap3A_1097], %add3A_1094 {strides = array<i32>} : memref<8x256xf32, #tpu.memory_space<vmem>>, vector<16xf32>,
    %mul3A_1099 = arith.mulf %add3A_1094, %add3A_1094 : vector<16xf32>
    %add3A_1100 = arith.addf %add3A_1082, %mul3A_1099 : vector<16xf32>
    %get3A_1101 = arith.constant 2 : i32
    %get3A_1102 = arith.index_cast %get3A_1101 : i32 to index
    %get3A_1103 = arith.constant 112 : index
    %get3A_1104 = tpu.vector_load %arg8[%get3A_1102, %get3A_1103] {strides = array<i32>} : memref<8x256xf32, #tpu.memory_space<vmem>>, vector<16xf32>,
    %mul3A_1105 = arith.constant 5.000000e-01 : f32
    %mul3A_1106 = vector.broadcast %mul3A_1105 : f32 to vector<16xf32>
    %mul3A_1107 = arith.mulf %get3A_1104, %mul3A_1106 : vector<16xf32>
    %get3A_1108 = arith.constant 2 : i32
    %get3A_1109 = arith.index_cast %get3A_1108 : i32 to index
    %get3A_1110 = arith.constant 112 : index
    %get3A_1111 = tpu.vector_load %arg9[%get3A_1109, %get3A_1110] {strides = array<i32>} : memref<8x256xf32, #tpu.memory_space<vmem>>, vector<16xf32>,
    %add3A_1112 = arith.addf %mul3A_1107, %get3A_1111 : vector<16xf32>
    %swap3A_1113 = arith.constant 2 : i32
    %swap3A_1114 = arith.index_cast %swap3A_1113 : i32 to index
    %swap3A_1115 = arith.constant 112 : index
    %swap3A_1116 = tpu.vector_load %arg8[%swap3A_1114, %swap3A_1115] {strides = array<i32>} : memref<8x256xf32, #tpu.memory_space<vmem>>, vector<16xf32>,
    tpu.vector_store %arg8[%swap3A_1114, %swap3A_1115], %add3A_1112 {strides = array<i32>} : memref<8x256xf32, #tpu.memory_space<vmem>>, vector<16xf32>,
    %mul3A_1117 = arith.mulf %add3A_1112, %add3A_1112 : vector<16xf32>
    %add3A_1118 = arith.addf %add3A_1100, %mul3A_1117 : vector<16xf32>
    %get3A_1119 = arith.constant 2 : i32
    %get3A_1120 = arith.index_cast %get3A_1119 : i32 to index
    %get3A_1121 = arith.constant 128 : index
    %get3A_1122 = tpu.vector_load %arg8[%get3A_1120, %get3A_1121] {strides = array<i32>} : memref<8x256xf32, #tpu.memory_space<vmem>>, vector<16xf32>,
    %mul3A_1123 = arith.constant 5.000000e-01 : f32
    %mul3A_1124 = vector.broadcast %mul3A_1123 : f32 to vector<16xf32>
    %mul3A_1125 = arith.mulf %get3A_1122, %mul3A_1124 : vector<16xf32>
    %get3A_1126 = arith.constant 2 : i32
    %get3A_1127 = arith.index_cast %get3A_1126 : i32 to index
    %get3A_1128 = arith.constant 128 : index
    %get3A_1129 = tpu.vector_load %arg9[%get3A_1127, %get3A_1128] {strides = array<i32>} : memref<8x256xf32, #tpu.memory_space<vmem>>, vector<16xf32>,
    %add3A_1130 = arith.addf %mul3A_1125, %get3A_1129 : vector<16xf32>
    %swap3A_1131 = arith.constant 2 : i32
    %swap3A_1132 = arith.index_cast %swap3A_1131 : i32 to index
    %swap3A_1133 = arith.constant 128 : index
    %swap3A_1134 = tpu.vector_load %arg8[%swap3A_1132, %swap3A_1133] {strides = array<i32>} : memref<8x256xf32, #tpu.memory_space<vmem>>, vector<16xf32>,
    tpu.vector_store %arg8[%swap3A_1132, %swap3A_1133], %add3A_1130 {strides = array<i32>} : memref<8x256xf32, #tpu.memory_space<vmem>>, vector<16xf32>,
    %mul3A_1135 = arith.mulf %add3A_1130, %add3A_1130 : vector<16xf32>
    %add3A_1136 = arith.addf %add3A_1118, %mul3A_1135 : vector<16xf32>
    %get3A_1137 = arith.constant 2 : i32
    %get3A_1138 = arith.index_cast %get3A_1137 : i32 to index
    %get3A_1139 = arith.constant 144 : index
    %get3A_1140 = tpu.vector_load %arg8[%get3A_1138, %get3A_1139] {strides = array<i32>} : memref<8x256xf32, #tpu.memory_space<vmem>>, vector<16xf32>,
    %mul3A_1141 = arith.constant 5.000000e-01 : f32
    %mul3A_1142 = vector.broadcast %mul3A_1141 : f32 to vector<16xf32>
    %mul3A_1143 = arith.mulf %get3A_1140, %mul3A_1142 : vector<16xf32>
    %get3A_1144 = arith.constant 2 : i32
    %get3A_1145 = arith.index_cast %get3A_1144 : i32 to index
    %get3A_1146 = arith.constant 144 : index
    %get3A_1147 = tpu.vector_load %arg9[%get3A_1145, %get3A_1146] {strides = array<i32>} : memref<8x256xf32, #tpu.memory_space<vmem>>, vector<16xf32>,
    %add3A_1148 = arith.addf %mul3A_1143, %get3A_1147 : vector<16xf32>
    %swap3A_1149 = arith.constant 2 : i32
    %swap3A_1150 = arith.index_cast %swap3A_1149 : i32 to index
    %swap3A_1151 = arith.constant 144 : index
    %swap3A_1152 = tpu.vector_load %arg8[%swap3A_1150, %swap3A_1151] {strides = array<i32>} : memref<8x256xf32, #tpu.memory_space<vmem>>, vector<16xf32>,
    tpu.vector_store %arg8[%swap3A_1150, %swap3A_1151], %add3A_1148 {strides = array<i32>} : memref<8x256xf32, #tpu.memory_space<vmem>>, vector<16xf32>,
    %mul3A_1153 = arith.mulf %add3A_1148, %add3A_1148 : vector<16xf32>
    %add3A_1154 = arith.addf %add3A_1136, %mul3A_1153 : vector<16xf32>
    %get3A_1155 = arith.constant 2 : i32
    %get3A_1156 = arith.index_cast %get3A_1155 : i32 to index
    %get3A_1157 = arith.constant 160 : index
    %get3A_1158 = tpu.vector_load %arg8[%get3A_1156, %get3A_1157] {strides = array<i32>} : memref<8x256xf32, #tpu.memory_space<vmem>>, vector<16xf32>,
    %mul3A_1159 = arith.constant 5.000000e-01 : f32
    %mul3A_1160 = vector.broadcast %mul3A_1159 : f32 to vector<16xf32>
    %mul3A_1161 = arith.mulf %get3A_1158, %mul3A_1160 : vector<16xf32>
    %get3A_1162 = arith.constant 2 : i32
    %get3A_1163 = arith.index_cast %get3A_1162 : i32 to index
    %get3A_1164 = arith.constant 160 : index
    %get3A_1165 = tpu.vector_load %arg9[%get3A_1163, %get3A_1164] {strides = array<i32>} : memref<8x256xf32, #tpu.memory_space<vmem>>, vector<16xf32>,
    %add3A_1166 = arith.addf %mul3A_1161, %get3A_1165 : vector<16xf32>
    %swap3A_1167 = arith.constant 2 : i32
    %swap3A_1168 = arith.index_cast %swap3A_1167 : i32 to index
    %swap3A_1169 = arith.constant 160 : index
    %swap3A_1170 = tpu.vector_load %arg8[%swap3A_1168, %swap3A_1169] {strides = array<i32>} : memref<8x256xf32, #tpu.memory_space<vmem>>, vector<16xf32>,
    tpu.vector_store %arg8[%swap3A_1168, %swap3A_1169], %add3A_1166 {strides = array<i32>} : memref<8x256xf32, #tpu.memory_space<vmem>>, vector<16xf32>,
    %mul3A_1171 = arith.mulf %add3A_1166, %add3A_1166 : vector<16xf32>
    %add3A_1172 = arith.addf %add3A_1154, %mul3A_1171 : vector<16xf32>
    %get3A_1173 = arith.constant 2 : i32
    %get3A_1174 = arith.index_cast %get3A_1173 : i32 to index
    %get3A_1175 = arith.constant 176 : index
    %get3A_1176 = tpu.vector_load %arg8[%get3A_1174, %get3A_1175] {strides = array<i32>} : memref<8x256xf32, #tpu.memory_space<vmem>>, vector<16xf32>,
    %mul3A_1177 = arith.constant 5.000000e-01 : f32
    %mul3A_1178 = vector.broadcast %mul3A_1177 : f32 to vector<16xf32>
    %mul3A_1179 = arith.mulf %get3A_1176, %mul3A_1178 : vector<16xf32>
    %get3A_1180 = arith.constant 2 : i32
    %get3A_1181 = arith.index_cast %get3A_1180 : i32 to index
    %get3A_1182 = arith.constant 176 : index
    %get3A_1183 = tpu.vector_load %arg9[%get3A_1181, %get3A_1182] {strides = array<i32>} : memref<8x256xf32, #tpu.memory_space<vmem>>, vector<16xf32>,
    %add3A_1184 = arith.addf %mul3A_1179, %get3A_1183 : vector<16xf32>
    %swap3A_1185 = arith.constant 2 : i32
    %swap3A_1186 = arith.index_cast %swap3A_1185 : i32 to index
    %swap3A_1187 = arith.constant 176 : index
    %swap3A_1188 = tpu.vector_load %arg8[%swap3A_1186, %swap3A_1187] {strides = array<i32>} : memref<8x256xf32, #tpu.memory_space<vmem>>, vector<16xf32>,
    tpu.vector_store %arg8[%swap3A_1186, %swap3A_1187], %add3A_1184 {strides = array<i32>} : memref<8x256xf32, #tpu.memory_space<vmem>>, vector<16xf32>,
    %mul3A_1189 = arith.mulf %add3A_1184, %add3A_1184 : vector<16xf32>
    %add3A_1190 = arith.addf %add3A_1172, %mul3A_1189 : vector<16xf32>
    %get3A_1191 = arith.constant 2 : i32
    %get3A_1192 = arith.index_cast %get3A_1191 : i32 to index
    %get3A_1193 = arith.constant 192 : index
    %get3A_1194 = tpu.vector_load %arg8[%get3A_1192, %get3A_1193] {strides = array<i32>} : memref<8x256xf32, #tpu.memory_space<vmem>>, vector<16xf32>,
    %mul3A_1195 = arith.constant 5.000000e-01 : f32
    %mul3A_1196 = vector.broadcast %mul3A_1195 : f32 to vector<16xf32>
    %mul3A_1197 = arith.mulf %get3A_1194, %mul3A_1196 : vector<16xf32>
    %get3A_1198 = arith.constant 2 : i32
    %get3A_1199 = arith.index_cast %get3A_1198 : i32 to index
    %get3A_1200 = arith.constant 192 : index
    %get3A_1201 = tpu.vector_load %arg9[%get3A_1199, %get3A_1200] {strides = array<i32>} : memref<8x256xf32, #tpu.memory_space<vmem>>, vector<16xf32>,
    %add3A_1202 = arith.addf %mul3A_1197, %get3A_1201 : vector<16xf32>
    %swap3A_1203 = arith.constant 2 : i32
    %swap3A_1204 = arith.index_cast %swap3A_1203 : i32 to index
    %swap3A_1205 = arith.constant 192 : index
    %swap3A_1206 = tpu.vector_load %arg8[%swap3A_1204, %swap3A_1205] {strides = array<i32>} : memref<8x256xf32, #tpu.memory_space<vmem>>, vector<16xf32>,
    tpu.vector_store %arg8[%swap3A_1204, %swap3A_1205], %add3A_1202 {strides = array<i32>} : memref<8x256xf32, #tpu.memory_space<vmem>>, vector<16xf32>,
    %mul3A_1207 = arith.mulf %add3A_1202, %add3A_1202 : vector<16xf32>
    %add3A_1208 = arith.addf %add3A_1190, %mul3A_1207 : vector<16xf32>
    %get3A_1209 = arith.constant 2 : i32
    %get3A_1210 = arith.index_cast %get3A_1209 : i32 to index
    %get3A_1211 = arith.constant 208 : index
    %get3A_1212 = tpu.vector_load %arg8[%get3A_1210, %get3A_1211] {strides = array<i32>} : memref<8x256xf32, #tpu.memory_space<vmem>>, vector<16xf32>,
    %mul3A_1213 = arith.constant 5.000000e-01 : f32
    %mul3A_1214 = vector.broadcast %mul3A_1213 : f32 to vector<16xf32>
    %mul3A_1215 = arith.mulf %get3A_1212, %mul3A_1214 : vector<16xf32>
    %get3A_1216 = arith.constant 2 : i32
    %get3A_1217 = arith.index_cast %get3A_1216 : i32 to index
    %get3A_1218 = arith.constant 208 : index
    %get3A_1219 = tpu.vector_load %arg9[%get3A_1217, %get3A_1218] {strides = array<i32>} : memref<8x256xf32, #tpu.memory_space<vmem>>, vector<16xf32>,
    %add3A_1220 = arith.addf %mul3A_1215, %get3A_1219 : vector<16xf32>
    %swap3A_1221 = arith.constant 2 : i32
    %swap3A_1222 = arith.index_cast %swap3A_1221 : i32 to index
    %swap3A_1223 = arith.constant 208 : index
    %swap3A_1224 = tpu.vector_load %arg8[%swap3A_1222, %swap3A_1223] {strides = array<i32>} : memref<8x256xf32, #tpu.memory_space<vmem>>, vector<16xf32>,
    tpu.vector_store %arg8[%swap3A_1222, %swap3A_1223], %add3A_1220 {strides = array<i32>} : memref<8x256xf32, #tpu.memory_space<vmem>>, vector<16xf32>,
    %mul3A_1225 = arith.mulf %add3A_1220, %add3A_1220 : vector<16xf32>
    %add3A_1226 = arith.addf %add3A_1208, %mul3A_1225 : vector<16xf32>
    %get3A_1227 = arith.constant 2 : i32
    %get3A_1228 = arith.index_cast %get3A_1227 : i32 to index
    %get3A_1229 = arith.constant 224 : index
    %get3A_1230 = tpu.vector_load %arg8[%get3A_1228, %get3A_1229] {strides = array<i32>} : memref<8x256xf32, #tpu.memory_space<vmem>>, vector<16xf32>,
    %mul3A_1231 = arith.constant 5.000000e-01 : f32
    %mul3A_1232 = vector.broadcast %mul3A_1231 : f32 to vector<16xf32>
    %mul3A_1233 = arith.mulf %get3A_1230, %mul3A_1232 : vector<16xf32>
    %get3A_1234 = arith.constant 2 : i32
    %get3A_1235 = arith.index_cast %get3A_1234 : i32 to index
    %get3A_1236 = arith.constant 224 : index
    %get3A_1237 = tpu.vector_load %arg9[%get3A_1235, %get3A_1236] {strides = array<i32>} : memref<8x256xf32, #tpu.memory_space<vmem>>, vector<16xf32>,
    %add3A_1238 = arith.addf %mul3A_1233, %get3A_1237 : vector<16xf32>
    %swap3A_1239 = arith.constant 2 : i32
    %swap3A_1240 = arith.index_cast %swap3A_1239 : i32 to index
    %swap3A_1241 = arith.constant 224 : index
    %swap3A_1242 = tpu.vector_load %arg8[%swap3A_1240, %swap3A_1241] {strides = array<i32>} : memref<8x256xf32, #tpu.memory_space<vmem>>, vector<16xf32>,
    tpu.vector_store %arg8[%swap3A_1240, %swap3A_1241], %add3A_1238 {strides = array<i32>} : memref<8x256xf32, #tpu.memory_space<vmem>>, vector<16xf32>,
    %mul3A_1243 = arith.mulf %add3A_1238, %add3A_1238 : vector<16xf32>
    %add3A_1244 = arith.addf %add3A_1226, %mul3A_1243 : vector<16xf32>
    %get3A_1245 = arith.constant 2 : i32
    %get3A_1246 = arith.index_cast %get3A_1245 : i32 to index
    %get3A_1247 = arith.constant 240 : index
    %get3A_1248 = tpu.vector_load %arg8[%get3A_1246, %get3A_1247] {strides = array<i32>} : memref<8x256xf32, #tpu.memory_space<vmem>>, vector<16xf32>,
    %mul3A_1249 = arith.constant 5.000000e-01 : f32
    %mul3A_1250 = vector.broadcast %mul3A_1249 : f32 to vector<16xf32>
    %mul3A_1251 = arith.mulf %get3A_1248, %mul3A_1250 : vector<16xf32>
    %get3A_1252 = arith.constant 2 : i32
    %get3A_1253 = arith.index_cast %get3A_1252 : i32 to index
    %get3A_1254 = arith.constant 240 : index
    %get3A_1255 = tpu.vector_load %arg9[%get3A_1253, %get3A_1254] {strides = array<i32>} : memref<8x256xf32, #tpu.memory_space<vmem>>, vector<16xf32>,
    %add3A_1256 = arith.addf %mul3A_1251, %get3A_1255 : vector<16xf32>
    %swap3A_1257 = arith.constant 2 : i32
    %swap3A_1258 = arith.index_cast %swap3A_1257 : i32 to index
    %swap3A_1259 = arith.constant 240 : index
    %swap3A_1260 = tpu.vector_load %arg8[%swap3A_1258, %swap3A_1259] {strides = array<i32>} : memref<8x256xf32, #tpu.memory_space<vmem>>, vector<16xf32>,
    tpu.vector_store %arg8[%swap3A_1258, %swap3A_1259], %add3A_1256 {strides = array<i32>} : memref<8x256xf32, #tpu.memory_space<vmem>>, vector<16xf32>,
    %mul3A_1261 = arith.mulf %add3A_1256, %add3A_1256 : vector<16xf32>
    %add3A_1262 = arith.addf %add3A_1244, %mul3A_1261 : vector<16xf32>
    %reduce_sum3A_1263 = arith.constant true
    %reduce_sum3A_1264 = vector.broadcast %reduce_sum3A_1263 : i1 to vector<16xi1>
    %reduce_sum3A_1265 = tpu.scan <sum>, %add3A_1262 masked %reduce_sum3A_1264 : vector<16xf32>, vector<16xi1> -> vector<16xf32>
    %reduce_sum3A_1266 = vector.extract %reduce_sum3A_1265[15] : f32 from vector<16xf32>
    %broadcast_in_dim3A_1267 = vector.broadcast %reduce_sum3A_1266 : f32 to vector<16xf32>
    %bitcast3A_1268 = vector.bitcast %broadcast_in_dim3A_1267 : vector<16xf32> to vector<16xi32>
    %shift_right_arithmetic3A_1269 = arith.constant 1 : i32
    %shift_right_arithmetic3A_1270 = vector.broadcast %shift_right_arithmetic3A_1269 : i32 to vector<16xi32>
    %shift_right_arithmetic3A_1271 = arith.shrsi %bitcast3A_1268, %shift_right_arithmetic3A_1270 : vector<16xi32>
    %sub3A_1272 = arith.constant 1597463007 : i32
    %sub3A_1273 = vector.broadcast %sub3A_1272 : i32 to vector<16xi32>
    %sub3A_1274 = arith.subi %sub3A_1273, %shift_right_arithmetic3A_1271 : vector<16xi32>
    %bitcast3A_1275 = vector.bitcast %sub3A_1274 : vector<16xi32> to vector<16xf32>
    %mul3A_1276 = arith.constant 5.000000e-01 : f32
    %mul3A_1277 = vector.broadcast %mul3A_1276 : f32 to vector<16xf32>
    %mul3A_1278 = arith.mulf %mul3A_1277, %broadcast_in_dim3A_1267 : vector<16xf32>
    %mul3A_1279 = arith.mulf %mul3A_1278, %bitcast3A_1275 : vector<16xf32>
    %mul3A_1280 = arith.mulf %mul3A_1279, %bitcast3A_1275 : vector<16xf32>
    %sub3A_1281 = arith.constant 1.500000e+00 : f32
    %sub3A_1282 = vector.broadcast %sub3A_1281 : f32 to vector<16xf32>
    %sub3A_1283 = arith.subf %sub3A_1282, %mul3A_1280 : vector<16xf32>
    %mul3A_1284 = arith.mulf %bitcast3A_1275, %sub3A_1283 : vector<16xf32>
    %mul3A_1285 = arith.constant 5.000000e-01 : f32
    %mul3A_1286 = vector.broadcast %mul3A_1285 : f32 to vector<16xf32>
    %mul3A_1287 = arith.mulf %mul3A_1286, %broadcast_in_dim3A_1267 : vector<16xf32>
    %mul3A_1288 = arith.mulf %mul3A_1287, %mul3A_1284 : vector<16xf32>
    %mul3A_1289 = arith.mulf %mul3A_1288, %mul3A_1284 : vector<16xf32>
    %sub3A_1290 = arith.constant 1.500000e+00 : f32
    %sub3A_1291 = vector.broadcast %sub3A_1290 : f32 to vector<16xf32>
    %sub3A_1292 = arith.subf %sub3A_1291, %mul3A_1289 : vector<16xf32>
    %mul3A_1293 = arith.mulf %mul3A_1284, %sub3A_1292 : vector<16xf32>
    %mul3A_1294 = arith.constant 5.000000e-01 : f32
    %mul3A_1295 = vector.broadcast %mul3A_1294 : f32 to vector<16xf32>
    %mul3A_1296 = arith.mulf %mul3A_1295, %broadcast_in_dim3A_1267 : vector<16xf32>
    %mul3A_1297 = arith.mulf %mul3A_1296, %mul3A_1293 : vector<16xf32>
    %mul3A_1298 = arith.mulf %mul3A_1297, %mul3A_1293 : vector<16xf32>
    %sub3A_1299 = arith.constant 1.500000e+00 : f32
    %sub3A_1300 = vector.broadcast %sub3A_1299 : f32 to vector<16xf32>
    %sub3A_1301 = arith.subf %sub3A_1300, %mul3A_1298 : vector<16xf32>
    %mul3A_1302 = arith.mulf %mul3A_1293, %sub3A_1301 : vector<16xf32>
    %mul3A_1303 = arith.constant 5.000000e-01 : f32
    %mul3A_1304 = vector.broadcast %mul3A_1303 : f32 to vector<16xf32>
    %mul3A_1305 = arith.mulf %mul3A_1304, %broadcast_in_dim3A_1267 : vector<16xf32>
    %mul3A_1306 = arith.mulf %mul3A_1305, %mul3A_1302 : vector<16xf32>
    %mul3A_1307 = arith.mulf %mul3A_1306, %mul3A_1302 : vector<16xf32>
    %sub3A_1308 = arith.constant 1.500000e+00 : f32
    %sub3A_1309 = vector.broadcast %sub3A_1308 : f32 to vector<16xf32>
    %sub3A_1310 = arith.subf %sub3A_1309, %mul3A_1307 : vector<16xf32>
    %mul3A_1311 = arith.mulf %mul3A_1302, %sub3A_1310 : vector<16xf32>
    %get3A_1312 = arith.constant 2 : i32
    %get3A_1313 = arith.index_cast %get3A_1312 : i32 to index
    %get3A_1314 = arith.constant 0 : index
    %get3A_1315 = tpu.vector_load %arg8[%get3A_1313, %get3A_1314] {strides = array<i32>} : memref<8x256xf32, #tpu.memory_space<vmem>>, vector<16xf32>,
    %mul3A_1316 = arith.mulf %get3A_1315, %mul3A_1311 : vector<16xf32>
    %swap3A_1317 = arith.constant 2 : i32
    %swap3A_1318 = arith.index_cast %swap3A_1317 : i32 to index
    %swap3A_1319 = arith.constant 0 : index
    %swap3A_1320 = tpu.vector_load %arg8[%swap3A_1318, %swap3A_1319] {strides = array<i32>} : memref<8x256xf32, #tpu.memory_space<vmem>>, vector<16xf32>,
    tpu.vector_store %arg8[%swap3A_1318, %swap3A_1319], %mul3A_1316 {strides = array<i32>} : memref<8x256xf32, #tpu.memory_space<vmem>>, vector<16xf32>,
    %get3A_1321 = arith.constant 2 : i32
    %get3A_1322 = arith.index_cast %get3A_1321 : i32 to index
    %get3A_1323 = arith.constant 16 : index
    %get3A_1324 = tpu.vector_load %arg8[%get3A_1322, %get3A_1323] {strides = array<i32>} : memref<8x256xf32, #tpu.memory_space<vmem>>, vector<16xf32>,
    %mul3A_1325 = arith.mulf %get3A_1324, %mul3A_1311 : vector<16xf32>
    %swap3A_1326 = arith.constant 2 : i32
    %swap3A_1327 = arith.index_cast %swap3A_1326 : i32 to index
    %swap3A_1328 = arith.constant 16 : index
    %swap3A_1329 = tpu.vector_load %arg8[%swap3A_1327, %swap3A_1328] {strides = array<i32>} : memref<8x256xf32, #tpu.memory_space<vmem>>, vector<16xf32>,
    tpu.vector_store %arg8[%swap3A_1327, %swap3A_1328], %mul3A_1325 {strides = array<i32>} : memref<8x256xf32, #tpu.memory_space<vmem>>, vector<16xf32>,
    %get3A_1330 = arith.constant 2 : i32
    %get3A_1331 = arith.index_cast %get3A_1330 : i32 to index
    %get3A_1332 = arith.constant 32 : index
    %get3A_1333 = tpu.vector_load %arg8[%get3A_1331, %get3A_1332] {strides = array<i32>} : memref<8x256xf32, #tpu.memory_space<vmem>>, vector<16xf32>,
    %mul3A_1334 = arith.mulf %get3A_1333, %mul3A_1311 : vector<16xf32>
    %swap3A_1335 = arith.constant 2 : i32
    %swap3A_1336 = arith.index_cast %swap3A_1335 : i32 to index
    %swap3A_1337 = arith.constant 32 : index
    %swap3A_1338 = tpu.vector_load %arg8[%swap3A_1336, %swap3A_1337] {strides = array<i32>} : memref<8x256xf32, #tpu.memory_space<vmem>>, vector<16xf32>,
    tpu.vector_store %arg8[%swap3A_1336, %swap3A_1337], %mul3A_1334 {strides = array<i32>} : memref<8x256xf32, #tpu.memory_space<vmem>>, vector<16xf32>,
    %get3A_1339 = arith.constant 2 : i32
    %get3A_1340 = arith.index_cast %get3A_1339 : i32 to index
    %get3A_1341 = arith.constant 48 : index
    %get3A_1342 = tpu.vector_load %arg8[%get3A_1340, %get3A_1341] {strides = array<i32>} : memref<8x256xf32, #tpu.memory_space<vmem>>, vector<16xf32>,
    %mul3A_1343 = arith.mulf %get3A_1342, %mul3A_1311 : vector<16xf32>
    %swap3A_1344 = arith.constant 2 : i32
    %swap3A_1345 = arith.index_cast %swap3A_1344 : i32 to index
    %swap3A_1346 = arith.constant 48 : index
    %swap3A_1347 = tpu.vector_load %arg8[%swap3A_1345, %swap3A_1346] {strides = array<i32>} : memref<8x256xf32, #tpu.memory_space<vmem>>, vector<16xf32>,
    tpu.vector_store %arg8[%swap3A_1345, %swap3A_1346], %mul3A_1343 {strides = array<i32>} : memref<8x256xf32, #tpu.memory_space<vmem>>, vector<16xf32>,
    %get3A_1348 = arith.constant 2 : i32
    %get3A_1349 = arith.index_cast %get3A_1348 : i32 to index
    %get3A_1350 = arith.constant 64 : index
    %get3A_1351 = tpu.vector_load %arg8[%get3A_1349, %get3A_1350] {strides = array<i32>} : memref<8x256xf32, #tpu.memory_space<vmem>>, vector<16xf32>,
    %mul3A_1352 = arith.mulf %get3A_1351, %mul3A_1311 : vector<16xf32>
    %swap3A_1353 = arith.constant 2 : i32
    %swap3A_1354 = arith.index_cast %swap3A_1353 : i32 to index
    %swap3A_1355 = arith.constant 64 : index
    %swap3A_1356 = tpu.vector_load %arg8[%swap3A_1354, %swap3A_1355] {strides = array<i32>} : memref<8x256xf32, #tpu.memory_space<vmem>>, vector<16xf32>,
    tpu.vector_store %arg8[%swap3A_1354, %swap3A_1355], %mul3A_1352 {strides = array<i32>} : memref<8x256xf32, #tpu.memory_space<vmem>>, vector<16xf32>,
    %get3A_1357 = arith.constant 2 : i32
    %get3A_1358 = arith.index_cast %get3A_1357 : i32 to index
    %get3A_1359 = arith.constant 80 : index
    %get3A_1360 = tpu.vector_load %arg8[%get3A_1358, %get3A_1359] {strides = array<i32>} : memref<8x256xf32, #tpu.memory_space<vmem>>, vector<16xf32>,
    %mul3A_1361 = arith.mulf %get3A_1360, %mul3A_1311 : vector<16xf32>
    %swap3A_1362 = arith.constant 2 : i32
    %swap3A_1363 = arith.index_cast %swap3A_1362 : i32 to index
    %swap3A_1364 = arith.constant 80 : index
    %swap3A_1365 = tpu.vector_load %arg8[%swap3A_1363, %swap3A_1364] {strides = array<i32>} : memref<8x256xf32, #tpu.memory_space<vmem>>, vector<16xf32>,
    tpu.vector_store %arg8[%swap3A_1363, %swap3A_1364], %mul3A_1361 {strides = array<i32>} : memref<8x256xf32, #tpu.memory_space<vmem>>, vector<16xf32>,
    %get3A_1366 = arith.constant 2 : i32
    %get3A_1367 = arith.index_cast %get3A_1366 : i32 to index
    %get3A_1368 = arith.constant 96 : index
    %get3A_1369 = tpu.vector_load %arg8[%get3A_1367, %get3A_1368] {strides = array<i32>} : memref<8x256xf32, #tpu.memory_space<vmem>>, vector<16xf32>,
    %mul3A_1370 = arith.mulf %get3A_1369, %mul3A_1311 : vector<16xf32>
    %swap3A_1371 = arith.constant 2 : i32
    %swap3A_1372 = arith.index_cast %swap3A_1371 : i32 to index
    %swap3A_1373 = arith.constant 96 : index
    %swap3A_1374 = tpu.vector_load %arg8[%swap3A_1372, %swap3A_1373] {strides = array<i32>} : memref<8x256xf32, #tpu.memory_space<vmem>>, vector<16xf32>,
    tpu.vector_store %arg8[%swap3A_1372, %swap3A_1373], %mul3A_1370 {strides = array<i32>} : memref<8x256xf32, #tpu.memory_space<vmem>>, vector<16xf32>,
    %get3A_1375 = arith.constant 2 : i32
    %get3A_1376 = arith.index_cast %get3A_1375 : i32 to index
    %get3A_1377 = arith.constant 112 : index
    %get3A_1378 = tpu.vector_load %arg8[%get3A_1376, %get3A_1377] {strides = array<i32>} : memref<8x256xf32, #tpu.memory_space<vmem>>, vector<16xf32>,
    %mul3A_1379 = arith.mulf %get3A_1378, %mul3A_1311 : vector<16xf32>
    %swap3A_1380 = arith.constant 2 : i32
    %swap3A_1381 = arith.index_cast %swap3A_1380 : i32 to index
    %swap3A_1382 = arith.constant 112 : index
    %swap3A_1383 = tpu.vector_load %arg8[%swap3A_1381, %swap3A_1382] {strides = array<i32>} : memref<8x256xf32, #tpu.memory_space<vmem>>, vector<16xf32>,
    tpu.vector_store %arg8[%swap3A_1381, %swap3A_1382], %mul3A_1379 {strides = array<i32>} : memref<8x256xf32, #tpu.memory_space<vmem>>, vector<16xf32>,
    %get3A_1384 = arith.constant 2 : i32
    %get3A_1385 = arith.index_cast %get3A_1384 : i32 to index
    %get3A_1386 = arith.constant 128 : index
    %get3A_1387 = tpu.vector_load %arg8[%get3A_1385, %get3A_1386] {strides = array<i32>} : memref<8x256xf32, #tpu.memory_space<vmem>>, vector<16xf32>,
    %mul3A_1388 = arith.mulf %get3A_1387, %mul3A_1311 : vector<16xf32>
    %swap3A_1389 = arith.constant 2 : i32
    %swap3A_1390 = arith.index_cast %swap3A_1389 : i32 to index
    %swap3A_1391 = arith.constant 128 : index
    %swap3A_1392 = tpu.vector_load %arg8[%swap3A_1390, %swap3A_1391] {strides = array<i32>} : memref<8x256xf32, #tpu.memory_space<vmem>>, vector<16xf32>,
    tpu.vector_store %arg8[%swap3A_1390, %swap3A_1391], %mul3A_1388 {strides = array<i32>} : memref<8x256xf32, #tpu.memory_space<vmem>>, vector<16xf32>,
    %get3A_1393 = arith.constant 2 : i32
    %get3A_1394 = arith.index_cast %get3A_1393 : i32 to index
    %get3A_1395 = arith.constant 144 : index
    %get3A_1396 = tpu.vector_load %arg8[%get3A_1394, %get3A_1395] {strides = array<i32>} : memref<8x256xf32, #tpu.memory_space<vmem>>, vector<16xf32>,
    %mul3A_1397 = arith.mulf %get3A_1396, %mul3A_1311 : vector<16xf32>
    %swap3A_1398 = arith.constant 2 : i32
    %swap3A_1399 = arith.index_cast %swap3A_1398 : i32 to index
    %swap3A_1400 = arith.constant 144 : index
    %swap3A_1401 = tpu.vector_load %arg8[%swap3A_1399, %swap3A_1400] {strides = array<i32>} : memref<8x256xf32, #tpu.memory_space<vmem>>, vector<16xf32>,
    tpu.vector_store %arg8[%swap3A_1399, %swap3A_1400], %mul3A_1397 {strides = array<i32>} : memref<8x256xf32, #tpu.memory_space<vmem>>, vector<16xf32>,
    %get3A_1402 = arith.constant 2 : i32
    %get3A_1403 = arith.index_cast %get3A_1402 : i32 to index
    %get3A_1404 = arith.constant 160 : index
    %get3A_1405 = tpu.vector_load %arg8[%get3A_1403, %get3A_1404] {strides = array<i32>} : memref<8x256xf32, #tpu.memory_space<vmem>>, vector<16xf32>,
    %mul3A_1406 = arith.mulf %get3A_1405, %mul3A_1311 : vector<16xf32>
    %swap3A_1407 = arith.constant 2 : i32
    %swap3A_1408 = arith.index_cast %swap3A_1407 : i32 to index
    %swap3A_1409 = arith.constant 160 : index
    %swap3A_1410 = tpu.vector_load %arg8[%swap3A_1408, %swap3A_1409] {strides = array<i32>} : memref<8x256xf32, #tpu.memory_space<vmem>>, vector<16xf32>,
    tpu.vector_store %arg8[%swap3A_1408, %swap3A_1409], %mul3A_1406 {strides = array<i32>} : memref<8x256xf32, #tpu.memory_space<vmem>>, vector<16xf32>,
    %get3A_1411 = arith.constant 2 : i32
    %get3A_1412 = arith.index_cast %get3A_1411 : i32 to index
    %get3A_1413 = arith.constant 176 : index
    %get3A_1414 = tpu.vector_load %arg8[%get3A_1412, %get3A_1413] {strides = array<i32>} : memref<8x256xf32, #tpu.memory_space<vmem>>, vector<16xf32>,
    %mul3A_1415 = arith.mulf %get3A_1414, %mul3A_1311 : vector<16xf32>
    %swap3A_1416 = arith.constant 2 : i32
    %swap3A_1417 = arith.index_cast %swap3A_1416 : i32 to index
    %swap3A_1418 = arith.constant 176 : index
    %swap3A_1419 = tpu.vector_load %arg8[%swap3A_1417, %swap3A_1418] {strides = array<i32>} : memref<8x256xf32, #tpu.memory_space<vmem>>, vector<16xf32>,
    tpu.vector_store %arg8[%swap3A_1417, %swap3A_1418], %mul3A_1415 {strides = array<i32>} : memref<8x256xf32, #tpu.memory_space<vmem>>, vector<16xf32>,
    %get3A_1420 = arith.constant 2 : i32
    %get3A_1421 = arith.index_cast %get3A_1420 : i32 to index
    %get3A_1422 = arith.constant 192 : index
    %get3A_1423 = tpu.vector_load %arg8[%get3A_1421, %get3A_1422] {strides = array<i32>} : memref<8x256xf32, #tpu.memory_space<vmem>>, vector<16xf32>,
    %mul3A_1424 = arith.mulf %get3A_1423, %mul3A_1311 : vector<16xf32>
    %swap3A_1425 = arith.constant 2 : i32
    %swap3A_1426 = arith.index_cast %swap3A_1425 : i32 to index
    %swap3A_1427 = arith.constant 192 : index
    %swap3A_1428 = tpu.vector_load %arg8[%swap3A_1426, %swap3A_1427] {strides = array<i32>} : memref<8x256xf32, #tpu.memory_space<vmem>>, vector<16xf32>,
    tpu.vector_store %arg8[%swap3A_1426, %swap3A_1427], %mul3A_1424 {strides = array<i32>} : memref<8x256xf32, #tpu.memory_space<vmem>>, vector<16xf32>,
    %get3A_1429 = arith.constant 2 : i32
    %get3A_1430 = arith.index_cast %get3A_1429 : i32 to index
    %get3A_1431 = arith.constant 208 : index
    %get3A_1432 = tpu.vector_load %arg8[%get3A_1430, %get3A_1431] {strides = array<i32>} : memref<8x256xf32, #tpu.memory_space<vmem>>, vector<16xf32>,
    %mul3A_1433 = arith.mulf %get3A_1432, %mul3A_1311 : vector<16xf32>
    %swap3A_1434 = arith.constant 2 : i32
    %swap3A_1435 = arith.index_cast %swap3A_1434 : i32 to index
    %swap3A_1436 = arith.constant 208 : index
    %swap3A_1437 = tpu.vector_load %arg8[%swap3A_1435, %swap3A_1436] {strides = array<i32>} : memref<8x256xf32, #tpu.memory_space<vmem>>, vector<16xf32>,
    tpu.vector_store %arg8[%swap3A_1435, %swap3A_1436], %mul3A_1433 {strides = array<i32>} : memref<8x256xf32, #tpu.memory_space<vmem>>, vector<16xf32>,
    %get3A_1438 = arith.constant 2 : i32
    %get3A_1439 = arith.index_cast %get3A_1438 : i32 to index
    %get3A_1440 = arith.constant 224 : index
    %get3A_1441 = tpu.vector_load %arg8[%get3A_1439, %get3A_1440] {strides = array<i32>} : memref<8x256xf32, #tpu.memory_space<vmem>>, vector<16xf32>,
    %mul3A_1442 = arith.mulf %get3A_1441, %mul3A_1311 : vector<16xf32>
    %swap3A_1443 = arith.constant 2 : i32
    %swap3A_1444 = arith.index_cast %swap3A_1443 : i32 to index
    %swap3A_1445 = arith.constant 224 : index
    %swap3A_1446 = tpu.vector_load %arg8[%swap3A_1444, %swap3A_1445] {strides = array<i32>} : memref<8x256xf32, #tpu.memory_space<vmem>>, vector<16xf32>,
    tpu.vector_store %arg8[%swap3A_1444, %swap3A_1445], %mul3A_1442 {strides = array<i32>} : memref<8x256xf32, #tpu.memory_space<vmem>>, vector<16xf32>,
    %get3A_1447 = arith.constant 2 : i32
    %get3A_1448 = arith.index_cast %get3A_1447 : i32 to index
    %get3A_1449 = arith.constant 240 : index
    %get3A_1450 = tpu.vector_load %arg8[%get3A_1448, %get3A_1449] {strides = array<i32>} : memref<8x256xf32, #tpu.memory_space<vmem>>, vector<16xf32>,
    %mul3A_1451 = arith.mulf %get3A_1450, %mul3A_1311 : vector<16xf32>
    %swap3A_1452 = arith.constant 2 : i32
    %swap3A_1453 = arith.index_cast %swap3A_1452 : i32 to index
    %swap3A_1454 = arith.constant 240 : index
    %swap3A_1455 = tpu.vector_load %arg8[%swap3A_1453, %swap3A_1454] {strides = array<i32>} : memref<8x256xf32, #tpu.memory_space<vmem>>, vector<16xf32>,
    tpu.vector_store %arg8[%swap3A_1453, %swap3A_1454], %mul3A_1451 {strides = array<i32>} : memref<8x256xf32, #tpu.memory_space<vmem>>, vector<16xf32>,
    %broadcast_in_dim3A_1456 = arith.constant 0.000000e+00 : f32
    %broadcast_in_dim3A_1457 = vector.broadcast %broadcast_in_dim3A_1456 : f32 to vector<16xf32>
    %get3A_1458 = arith.constant 3 : i32
    %get3A_1459 = arith.index_cast %get3A_1458 : i32 to index
    %get3A_1460 = arith.constant 0 : index
    %get3A_1461 = tpu.vector_load %arg8[%get3A_1459, %get3A_1460] {strides = array<i32>} : memref<8x256xf32, #tpu.memory_space<vmem>>, vector<16xf32>,
    %mul3A_1462 = arith.constant 5.000000e-01 : f32
    %mul3A_1463 = vector.broadcast %mul3A_1462 : f32 to vector<16xf32>
    %mul3A_1464 = arith.mulf %get3A_1461, %mul3A_1463 : vector<16xf32>
    %get3A_1465 = arith.constant 3 : i32
    %get3A_1466 = arith.index_cast %get3A_1465 : i32 to index
    %get3A_1467 = arith.constant 0 : index
    %get3A_1468 = tpu.vector_load %arg9[%get3A_1466, %get3A_1467] {strides = array<i32>} : memref<8x256xf32, #tpu.memory_space<vmem>>, vector<16xf32>,
    %add3A_1469 = arith.addf %mul3A_1464, %get3A_1468 : vector<16xf32>
    %swap3A_1470 = arith.constant 3 : i32
    %swap3A_1471 = arith.index_cast %swap3A_1470 : i32 to index
    %swap3A_1472 = arith.constant 0 : index
    %swap3A_1473 = tpu.vector_load %arg8[%swap3A_1471, %swap3A_1472] {strides = array<i32>} : memref<8x256xf32, #tpu.memory_space<vmem>>, vector<16xf32>,
    tpu.vector_store %arg8[%swap3A_1471, %swap3A_1472], %add3A_1469 {strides = array<i32>} : memref<8x256xf32, #tpu.memory_space<vmem>>, vector<16xf32>,
    %mul3A_1474 = arith.mulf %add3A_1469, %add3A_1469 : vector<16xf32>
    %add3A_1475 = arith.addf %broadcast_in_dim3A_1457, %mul3A_1474 : vector<16xf32>
    %get3A_1476 = arith.constant 3 : i32
    %get3A_1477 = arith.index_cast %get3A_1476 : i32 to index
    %get3A_1478 = arith.constant 16 : index
    %get3A_1479 = tpu.vector_load %arg8[%get3A_1477, %get3A_1478] {strides = array<i32>} : memref<8x256xf32, #tpu.memory_space<vmem>>, vector<16xf32>,
    %mul3A_1480 = arith.constant 5.000000e-01 : f32
    %mul3A_1481 = vector.broadcast %mul3A_1480 : f32 to vector<16xf32>
    %mul3A_1482 = arith.mulf %get3A_1479, %mul3A_1481 : vector<16xf32>
    %get3A_1483 = arith.constant 3 : i32
    %get3A_1484 = arith.index_cast %get3A_1483 : i32 to index
    %get3A_1485 = arith.constant 16 : index
    %get3A_1486 = tpu.vector_load %arg9[%get3A_1484, %get3A_1485] {strides = array<i32>} : memref<8x256xf32, #tpu.memory_space<vmem>>, vector<16xf32>,
    %add3A_1487 = arith.addf %mul3A_1482, %get3A_1486 : vector<16xf32>
    %swap3A_1488 = arith.constant 3 : i32
    %swap3A_1489 = arith.index_cast %swap3A_1488 : i32 to index
    %swap3A_1490 = arith.constant 16 : index
    %swap3A_1491 = tpu.vector_load %arg8[%swap3A_1489, %swap3A_1490] {strides = array<i32>} : memref<8x256xf32, #tpu.memory_space<vmem>>, vector<16xf32>,
    tpu.vector_store %arg8[%swap3A_1489, %swap3A_1490], %add3A_1487 {strides = array<i32>} : memref<8x256xf32, #tpu.memory_space<vmem>>, vector<16xf32>,
    %mul3A_1492 = arith.mulf %add3A_1487, %add3A_1487 : vector<16xf32>
    %add3A_1493 = arith.addf %add3A_1475, %mul3A_1492 : vector<16xf32>
    %get3A_1494 = arith.constant 3 : i32
    %get3A_1495 = arith.index_cast %get3A_1494 : i32 to index
    %get3A_1496 = arith.constant 32 : index
    %get3A_1497 = tpu.vector_load %arg8[%get3A_1495, %get3A_1496] {strides = array<i32>} : memref<8x256xf32, #tpu.memory_space<vmem>>, vector<16xf32>,
    %mul3A_1498 = arith.constant 5.000000e-01 : f32
    %mul3A_1499 = vector.broadcast %mul3A_1498 : f32 to vector<16xf32>
    %mul3A_1500 = arith.mulf %get3A_1497, %mul3A_1499 : vector<16xf32>
    %get3A_1501 = arith.constant 3 : i32
    %get3A_1502 = arith.index_cast %get3A_1501 : i32 to index
    %get3A_1503 = arith.constant 32 : index
    %get3A_1504 = tpu.vector_load %arg9[%get3A_1502, %get3A_1503] {strides = array<i32>} : memref<8x256xf32, #tpu.memory_space<vmem>>, vector<16xf32>,
    %add3A_1505 = arith.addf %mul3A_1500, %get3A_1504 : vector<16xf32>
    %swap3A_1506 = arith.constant 3 : i32
    %swap3A_1507 = arith.index_cast %swap3A_1506 : i32 to index
    %swap3A_1508 = arith.constant 32 : index
    %swap3A_1509 = tpu.vector_load %arg8[%swap3A_1507, %swap3A_1508] {strides = array<i32>} : memref<8x256xf32, #tpu.memory_space<vmem>>, vector<16xf32>,
    tpu.vector_store %arg8[%swap3A_1507, %swap3A_1508], %add3A_1505 {strides = array<i32>} : memref<8x256xf32, #tpu.memory_space<vmem>>, vector<16xf32>,
    %mul3A_1510 = arith.mulf %add3A_1505, %add3A_1505 : vector<16xf32>
    %add3A_1511 = arith.addf %add3A_1493, %mul3A_1510 : vector<16xf32>
    %get3A_1512 = arith.constant 3 : i32
    %get3A_1513 = arith.index_cast %get3A_1512 : i32 to index
    %get3A_1514 = arith.constant 48 : index
    %get3A_1515 = tpu.vector_load %arg8[%get3A_1513, %get3A_1514] {strides = array<i32>} : memref<8x256xf32, #tpu.memory_space<vmem>>, vector<16xf32>,
    %mul3A_1516 = arith.constant 5.000000e-01 : f32
    %mul3A_1517 = vector.broadcast %mul3A_1516 : f32 to vector<16xf32>
    %mul3A_1518 = arith.mulf %get3A_1515, %mul3A_1517 : vector<16xf32>
    %get3A_1519 = arith.constant 3 : i32
    %get3A_1520 = arith.index_cast %get3A_1519 : i32 to index
    %get3A_1521 = arith.constant 48 : index
    %get3A_1522 = tpu.vector_load %arg9[%get3A_1520, %get3A_1521] {strides = array<i32>} : memref<8x256xf32, #tpu.memory_space<vmem>>, vector<16xf32>,
    %add3A_1523 = arith.addf %mul3A_1518, %get3A_1522 : vector<16xf32>
    %swap3A_1524 = arith.constant 3 : i32
    %swap3A_1525 = arith.index_cast %swap3A_1524 : i32 to index
    %swap3A_1526 = arith.constant 48 : index
    %swap3A_1527 = tpu.vector_load %arg8[%swap3A_1525, %swap3A_1526] {strides = array<i32>} : memref<8x256xf32, #tpu.memory_space<vmem>>, vector<16xf32>,
    tpu.vector_store %arg8[%swap3A_1525, %swap3A_1526], %add3A_1523 {strides = array<i32>} : memref<8x256xf32, #tpu.memory_space<vmem>>, vector<16xf32>,
    %mul3A_1528 = arith.mulf %add3A_1523, %add3A_1523 : vector<16xf32>
    %add3A_1529 = arith.addf %add3A_1511, %mul3A_1528 : vector<16xf32>
    %get3A_1530 = arith.constant 3 : i32
    %get3A_1531 = arith.index_cast %get3A_1530 : i32 to index
    %get3A_1532 = arith.constant 64 : index
    %get3A_1533 = tpu.vector_load %arg8[%get3A_1531, %get3A_1532] {strides = array<i32>} : memref<8x256xf32, #tpu.memory_space<vmem>>, vector<16xf32>,
    %mul3A_1534 = arith.constant 5.000000e-01 : f32
    %mul3A_1535 = vector.broadcast %mul3A_1534 : f32 to vector<16xf32>
    %mul3A_1536 = arith.mulf %get3A_1533, %mul3A_1535 : vector<16xf32>
    %get3A_1537 = arith.constant 3 : i32
    %get3A_1538 = arith.index_cast %get3A_1537 : i32 to index
    %get3A_1539 = arith.constant 64 : index
    %get3A_1540 = tpu.vector_load %arg9[%get3A_1538, %get3A_1539] {strides = array<i32>} : memref<8x256xf32, #tpu.memory_space<vmem>>, vector<16xf32>,
    %add3A_1541 = arith.addf %mul3A_1536, %get3A_1540 : vector<16xf32>
    %swap3A_1542 = arith.constant 3 : i32
    %swap3A_1543 = arith.index_cast %swap3A_1542 : i32 to index
    %swap3A_1544 = arith.constant 64 : index
    %swap3A_1545 = tpu.vector_load %arg8[%swap3A_1543, %swap3A_1544] {strides = array<i32>} : memref<8x256xf32, #tpu.memory_space<vmem>>, vector<16xf32>,
    tpu.vector_store %arg8[%swap3A_1543, %swap3A_1544], %add3A_1541 {strides = array<i32>} : memref<8x256xf32, #tpu.memory_space<vmem>>, vector<16xf32>,
    %mul3A_1546 = arith.mulf %add3A_1541, %add3A_1541 : vector<16xf32>
    %add3A_1547 = arith.addf %add3A_1529, %mul3A_1546 : vector<16xf32>
    %get3A_1548 = arith.constant 3 : i32
    %get3A_1549 = arith.index_cast %get3A_1548 : i32 to index
    %get3A_1550 = arith.constant 80 : index
    %get3A_1551 = tpu.vector_load %arg8[%get3A_1549, %get3A_1550] {strides = array<i32>} : memref<8x256xf32, #tpu.memory_space<vmem>>, vector<16xf32>,
    %mul3A_1552 = arith.constant 5.000000e-01 : f32
    %mul3A_1553 = vector.broadcast %mul3A_1552 : f32 to vector<16xf32>
    %mul3A_1554 = arith.mulf %get3A_1551, %mul3A_1553 : vector<16xf32>
    %get3A_1555 = arith.constant 3 : i32
    %get3A_1556 = arith.index_cast %get3A_1555 : i32 to index
    %get3A_1557 = arith.constant 80 : index
    %get3A_1558 = tpu.vector_load %arg9[%get3A_1556, %get3A_1557] {strides = array<i32>} : memref<8x256xf32, #tpu.memory_space<vmem>>, vector<16xf32>,
    %add3A_1559 = arith.addf %mul3A_1554, %get3A_1558 : vector<16xf32>
    %swap3A_1560 = arith.constant 3 : i32
    %swap3A_1561 = arith.index_cast %swap3A_1560 : i32 to index
    %swap3A_1562 = arith.constant 80 : index
    %swap3A_1563 = tpu.vector_load %arg8[%swap3A_1561, %swap3A_1562] {strides = array<i32>} : memref<8x256xf32, #tpu.memory_space<vmem>>, vector<16xf32>,
    tpu.vector_store %arg8[%swap3A_1561, %swap3A_1562], %add3A_1559 {strides = array<i32>} : memref<8x256xf32, #tpu.memory_space<vmem>>, vector<16xf32>,
    %mul3A_1564 = arith.mulf %add3A_1559, %add3A_1559 : vector<16xf32>
    %add3A_1565 = arith.addf %add3A_1547, %mul3A_1564 : vector<16xf32>
    %get3A_1566 = arith.constant 3 : i32
    %get3A_1567 = arith.index_cast %get3A_1566 : i32 to index
    %get3A_1568 = arith.constant 96 : index
    %get3A_1569 = tpu.vector_load %arg8[%get3A_1567, %get3A_1568] {strides = array<i32>} : memref<8x256xf32, #tpu.memory_space<vmem>>, vector<16xf32>,
    %mul3A_1570 = arith.constant 5.000000e-01 : f32
    %mul3A_1571 = vector.broadcast %mul3A_1570 : f32 to vector<16xf32>
    %mul3A_1572 = arith.mulf %get3A_1569, %mul3A_1571 : vector<16xf32>
    %get3A_1573 = arith.constant 3 : i32
    %get3A_1574 = arith.index_cast %get3A_1573 : i32 to index
    %get3A_1575 = arith.constant 96 : index
    %get3A_1576 = tpu.vector_load %arg9[%get3A_1574, %get3A_1575] {strides = array<i32>} : memref<8x256xf32, #tpu.memory_space<vmem>>, vector<16xf32>,
    %add3A_1577 = arith.addf %mul3A_1572, %get3A_1576 : vector<16xf32>
    %swap3A_1578 = arith.constant 3 : i32
    %swap3A_1579 = arith.index_cast %swap3A_1578 : i32 to index
    %swap3A_1580 = arith.constant 96 : index
    %swap3A_1581 = tpu.vector_load %arg8[%swap3A_1579, %swap3A_1580] {strides = array<i32>} : memref<8x256xf32, #tpu.memory_space<vmem>>, vector<16xf32>,
    tpu.vector_store %arg8[%swap3A_1579, %swap3A_1580], %add3A_1577 {strides = array<i32>} : memref<8x256xf32, #tpu.memory_space<vmem>>, vector<16xf32>,
    %mul3A_1582 = arith.mulf %add3A_1577, %add3A_1577 : vector<16xf32>
    %add3A_1583 = arith.addf %add3A_1565, %mul3A_1582 : vector<16xf32>
    %get3A_1584 = arith.constant 3 : i32
    %get3A_1585 = arith.index_cast %get3A_1584 : i32 to index
    %get3A_1586 = arith.constant 112 : index
    %get3A_1587 = tpu.vector_load %arg8[%get3A_1585, %get3A_1586] {strides = array<i32>} : memref<8x256xf32, #tpu.memory_space<vmem>>, vector<16xf32>,
    %mul3A_1588 = arith.constant 5.000000e-01 : f32
    %mul3A_1589 = vector.broadcast %mul3A_1588 : f32 to vector<16xf32>
    %mul3A_1590 = arith.mulf %get3A_1587, %mul3A_1589 : vector<16xf32>
    %get3A_1591 = arith.constant 3 : i32
    %get3A_1592 = arith.index_cast %get3A_1591 : i32 to index
    %get3A_1593 = arith.constant 112 : index
    %get3A_1594 = tpu.vector_load %arg9[%get3A_1592, %get3A_1593] {strides = array<i32>} : memref<8x256xf32, #tpu.memory_space<vmem>>, vector<16xf32>,
    %add3A_1595 = arith.addf %mul3A_1590, %get3A_1594 : vector<16xf32>
    %swap3A_1596 = arith.constant 3 : i32
    %swap3A_1597 = arith.index_cast %swap3A_1596 : i32 to index
    %swap3A_1598 = arith.constant 112 : index
    %swap3A_1599 = tpu.vector_load %arg8[%swap3A_1597, %swap3A_1598] {strides = array<i32>} : memref<8x256xf32, #tpu.memory_space<vmem>>, vector<16xf32>,
    tpu.vector_store %arg8[%swap3A_1597, %swap3A_1598], %add3A_1595 {strides = array<i32>} : memref<8x256xf32, #tpu.memory_space<vmem>>, vector<16xf32>,
    %mul3A_1600 = arith.mulf %add3A_1595, %add3A_1595 : vector<16xf32>
    %add3A_1601 = arith.addf %add3A_1583, %mul3A_1600 : vector<16xf32>
    %get3A_1602 = arith.constant 3 : i32
    %get3A_1603 = arith.index_cast %get3A_1602 : i32 to index
    %get3A_1604 = arith.constant 128 : index
    %get3A_1605 = tpu.vector_load %arg8[%get3A_1603, %get3A_1604] {strides = array<i32>} : memref<8x256xf32, #tpu.memory_space<vmem>>, vector<16xf32>,
    %mul3A_1606 = arith.constant 5.000000e-01 : f32
    %mul3A_1607 = vector.broadcast %mul3A_1606 : f32 to vector<16xf32>
    %mul3A_1608 = arith.mulf %get3A_1605, %mul3A_1607 : vector<16xf32>
    %get3A_1609 = arith.constant 3 : i32
    %get3A_1610 = arith.index_cast %get3A_1609 : i32 to index
    %get3A_1611 = arith.constant 128 : index
    %get3A_1612 = tpu.vector_load %arg9[%get3A_1610, %get3A_1611] {strides = array<i32>} : memref<8x256xf32, #tpu.memory_space<vmem>>, vector<16xf32>,
    %add3A_1613 = arith.addf %mul3A_1608, %get3A_1612 : vector<16xf32>
    %swap3A_1614 = arith.constant 3 : i32
    %swap3A_1615 = arith.index_cast %swap3A_1614 : i32 to index
    %swap3A_1616 = arith.constant 128 : index
    %swap3A_1617 = tpu.vector_load %arg8[%swap3A_1615, %swap3A_1616] {strides = array<i32>} : memref<8x256xf32, #tpu.memory_space<vmem>>, vector<16xf32>,
    tpu.vector_store %arg8[%swap3A_1615, %swap3A_1616], %add3A_1613 {strides = array<i32>} : memref<8x256xf32, #tpu.memory_space<vmem>>, vector<16xf32>,
    %mul3A_1618 = arith.mulf %add3A_1613, %add3A_1613 : vector<16xf32>
    %add3A_1619 = arith.addf %add3A_1601, %mul3A_1618 : vector<16xf32>
    %get3A_1620 = arith.constant 3 : i32
    %get3A_1621 = arith.index_cast %get3A_1620 : i32 to index
    %get3A_1622 = arith.constant 144 : index
    %get3A_1623 = tpu.vector_load %arg8[%get3A_1621, %get3A_1622] {strides = array<i32>} : memref<8x256xf32, #tpu.memory_space<vmem>>, vector<16xf32>,
    %mul3A_1624 = arith.constant 5.000000e-01 : f32
    %mul3A_1625 = vector.broadcast %mul3A_1624 : f32 to vector<16xf32>
    %mul3A_1626 = arith.mulf %get3A_1623, %mul3A_1625 : vector<16xf32>
    %get3A_1627 = arith.constant 3 : i32
    %get3A_1628 = arith.index_cast %get3A_1627 : i32 to index
    %get3A_1629 = arith.constant 144 : index
    %get3A_1630 = tpu.vector_load %arg9[%get3A_1628, %get3A_1629] {strides = array<i32>} : memref<8x256xf32, #tpu.memory_space<vmem>>, vector<16xf32>,
    %add3A_1631 = arith.addf %mul3A_1626, %get3A_1630 : vector<16xf32>
    %swap3A_1632 = arith.constant 3 : i32
    %swap3A_1633 = arith.index_cast %swap3A_1632 : i32 to index
    %swap3A_1634 = arith.constant 144 : index
    %swap3A_1635 = tpu.vector_load %arg8[%swap3A_1633, %swap3A_1634] {strides = array<i32>} : memref<8x256xf32, #tpu.memory_space<vmem>>, vector<16xf32>,
    tpu.vector_store %arg8[%swap3A_1633, %swap3A_1634], %add3A_1631 {strides = array<i32>} : memref<8x256xf32, #tpu.memory_space<vmem>>, vector<16xf32>,
    %mul3A_1636 = arith.mulf %add3A_1631, %add3A_1631 : vector<16xf32>
    %add3A_1637 = arith.addf %add3A_1619, %mul3A_1636 : vector<16xf32>
    %get3A_1638 = arith.constant 3 : i32
    %get3A_1639 = arith.index_cast %get3A_1638 : i32 to index
    %get3A_1640 = arith.constant 160 : index
    %get3A_1641 = tpu.vector_load %arg8[%get3A_1639, %get3A_1640] {strides = array<i32>} : memref<8x256xf32, #tpu.memory_space<vmem>>, vector<16xf32>,
    %mul3A_1642 = arith.constant 5.000000e-01 : f32
    %mul3A_1643 = vector.broadcast %mul3A_1642 : f32 to vector<16xf32>
    %mul3A_1644 = arith.mulf %get3A_1641, %mul3A_1643 : vector<16xf32>
    %get3A_1645 = arith.constant 3 : i32
    %get3A_1646 = arith.index_cast %get3A_1645 : i32 to index
    %get3A_1647 = arith.constant 160 : index
    %get3A_1648 = tpu.vector_load %arg9[%get3A_1646, %get3A_1647] {strides = array<i32>} : memref<8x256xf32, #tpu.memory_space<vmem>>, vector<16xf32>,
    %add3A_1649 = arith.addf %mul3A_1644, %get3A_1648 : vector<16xf32>
    %swap3A_1650 = arith.constant 3 : i32
    %swap3A_1651 = arith.index_cast %swap3A_1650 : i32 to index
    %swap3A_1652 = arith.constant 160 : index
    %swap3A_1653 = tpu.vector_load %arg8[%swap3A_1651, %swap3A_1652] {strides = array<i32>} : memref<8x256xf32, #tpu.memory_space<vmem>>, vector<16xf32>,
    tpu.vector_store %arg8[%swap3A_1651, %swap3A_1652], %add3A_1649 {strides = array<i32>} : memref<8x256xf32, #tpu.memory_space<vmem>>, vector<16xf32>,
    %mul3A_1654 = arith.mulf %add3A_1649, %add3A_1649 : vector<16xf32>
    %add3A_1655 = arith.addf %add3A_1637, %mul3A_1654 : vector<16xf32>
    %get3A_1656 = arith.constant 3 : i32
    %get3A_1657 = arith.index_cast %get3A_1656 : i32 to index
    %get3A_1658 = arith.constant 176 : index
    %get3A_1659 = tpu.vector_load %arg8[%get3A_1657, %get3A_1658] {strides = array<i32>} : memref<8x256xf32, #tpu.memory_space<vmem>>, vector<16xf32>,
    %mul3A_1660 = arith.constant 5.000000e-01 : f32
    %mul3A_1661 = vector.broadcast %mul3A_1660 : f32 to vector<16xf32>
    %mul3A_1662 = arith.mulf %get3A_1659, %mul3A_1661 : vector<16xf32>
    %get3A_1663 = arith.constant 3 : i32
    %get3A_1664 = arith.index_cast %get3A_1663 : i32 to index
    %get3A_1665 = arith.constant 176 : index
    %get3A_1666 = tpu.vector_load %arg9[%get3A_1664, %get3A_1665] {strides = array<i32>} : memref<8x256xf32, #tpu.memory_space<vmem>>, vector<16xf32>,
    %add3A_1667 = arith.addf %mul3A_1662, %get3A_1666 : vector<16xf32>
    %swap3A_1668 = arith.constant 3 : i32
    %swap3A_1669 = arith.index_cast %swap3A_1668 : i32 to index
    %swap3A_1670 = arith.constant 176 : index
    %swap3A_1671 = tpu.vector_load %arg8[%swap3A_1669, %swap3A_1670] {strides = array<i32>} : memref<8x256xf32, #tpu.memory_space<vmem>>, vector<16xf32>,
    tpu.vector_store %arg8[%swap3A_1669, %swap3A_1670], %add3A_1667 {strides = array<i32>} : memref<8x256xf32, #tpu.memory_space<vmem>>, vector<16xf32>,
    %mul3A_1672 = arith.mulf %add3A_1667, %add3A_1667 : vector<16xf32>
    %add3A_1673 = arith.addf %add3A_1655, %mul3A_1672 : vector<16xf32>
    %get3A_1674 = arith.constant 3 : i32
    %get3A_1675 = arith.index_cast %get3A_1674 : i32 to index
    %get3A_1676 = arith.constant 192 : index
    %get3A_1677 = tpu.vector_load %arg8[%get3A_1675, %get3A_1676] {strides = array<i32>} : memref<8x256xf32, #tpu.memory_space<vmem>>, vector<16xf32>,
    %mul3A_1678 = arith.constant 5.000000e-01 : f32
    %mul3A_1679 = vector.broadcast %mul3A_1678 : f32 to vector<16xf32>
    %mul3A_1680 = arith.mulf %get3A_1677, %mul3A_1679 : vector<16xf32>
    %get3A_1681 = arith.constant 3 : i32
    %get3A_1682 = arith.index_cast %get3A_1681 : i32 to index
    %get3A_1683 = arith.constant 192 : index
    %get3A_1684 = tpu.vector_load %arg9[%get3A_1682, %get3A_1683] {strides = array<i32>} : memref<8x256xf32, #tpu.memory_space<vmem>>, vector<16xf32>,
    %add3A_1685 = arith.addf %mul3A_1680, %get3A_1684 : vector<16xf32>
    %swap3A_1686 = arith.constant 3 : i32
    %swap3A_1687 = arith.index_cast %swap3A_1686 : i32 to index
    %swap3A_1688 = arith.constant 192 : index
    %swap3A_1689 = tpu.vector_load %arg8[%swap3A_1687, %swap3A_1688] {strides = array<i32>} : memref<8x256xf32, #tpu.memory_space<vmem>>, vector<16xf32>,
    tpu.vector_store %arg8[%swap3A_1687, %swap3A_1688], %add3A_1685 {strides = array<i32>} : memref<8x256xf32, #tpu.memory_space<vmem>>, vector<16xf32>,
    %mul3A_1690 = arith.mulf %add3A_1685, %add3A_1685 : vector<16xf32>
    %add3A_1691 = arith.addf %add3A_1673, %mul3A_1690 : vector<16xf32>
    %get3A_1692 = arith.constant 3 : i32
    %get3A_1693 = arith.index_cast %get3A_1692 : i32 to index
    %get3A_1694 = arith.constant 208 : index
    %get3A_1695 = tpu.vector_load %arg8[%get3A_1693, %get3A_1694] {strides = array<i32>} : memref<8x256xf32, #tpu.memory_space<vmem>>, vector<16xf32>,
    %mul3A_1696 = arith.constant 5.000000e-01 : f32
    %mul3A_1697 = vector.broadcast %mul3A_1696 : f32 to vector<16xf32>
    %mul3A_1698 = arith.mulf %get3A_1695, %mul3A_1697 : vector<16xf32>
    %get3A_1699 = arith.constant 3 : i32
    %get3A_1700 = arith.index_cast %get3A_1699 : i32 to index
    %get3A_1701 = arith.constant 208 : index
    %get3A_1702 = tpu.vector_load %arg9[%get3A_1700, %get3A_1701] {strides = array<i32>} : memref<8x256xf32, #tpu.memory_space<vmem>>, vector<16xf32>,
    %add3A_1703 = arith.addf %mul3A_1698, %get3A_1702 : vector<16xf32>
    %swap3A_1704 = arith.constant 3 : i32
    %swap3A_1705 = arith.index_cast %swap3A_1704 : i32 to index
    %swap3A_1706 = arith.constant 208 : index
    %swap3A_1707 = tpu.vector_load %arg8[%swap3A_1705, %swap3A_1706] {strides = array<i32>} : memref<8x256xf32, #tpu.memory_space<vmem>>, vector<16xf32>,
    tpu.vector_store %arg8[%swap3A_1705, %swap3A_1706], %add3A_1703 {strides = array<i32>} : memref<8x256xf32, #tpu.memory_space<vmem>>, vector<16xf32>,
    %mul3A_1708 = arith.mulf %add3A_1703, %add3A_1703 : vector<16xf32>
    %add3A_1709 = arith.addf %add3A_1691, %mul3A_1708 : vector<16xf32>
    %get3A_1710 = arith.constant 3 : i32
    %get3A_1711 = arith.index_cast %get3A_1710 : i32 to index
    %get3A_1712 = arith.constant 224 : index
    %get3A_1713 = tpu.vector_load %arg8[%get3A_1711, %get3A_1712] {strides = array<i32>} : memref<8x256xf32, #tpu.memory_space<vmem>>, vector<16xf32>,
    %mul3A_1714 = arith.constant 5.000000e-01 : f32
    %mul3A_1715 = vector.broadcast %mul3A_1714 : f32 to vector<16xf32>
    %mul3A_1716 = arith.mulf %get3A_1713, %mul3A_1715 : vector<16xf32>
    %get3A_1717 = arith.constant 3 : i32
    %get3A_1718 = arith.index_cast %get3A_1717 : i32 to index
    %get3A_1719 = arith.constant 224 : index
    %get3A_1720 = tpu.vector_load %arg9[%get3A_1718, %get3A_1719] {strides = array<i32>} : memref<8x256xf32, #tpu.memory_space<vmem>>, vector<16xf32>,
    %add3A_1721 = arith.addf %mul3A_1716, %get3A_1720 : vector<16xf32>
    %swap3A_1722 = arith.constant 3 : i32
    %swap3A_1723 = arith.index_cast %swap3A_1722 : i32 to index
    %swap3A_1724 = arith.constant 224 : index
    %swap3A_1725 = tpu.vector_load %arg8[%swap3A_1723, %swap3A_1724] {strides = array<i32>} : memref<8x256xf32, #tpu.memory_space<vmem>>, vector<16xf32>,
    tpu.vector_store %arg8[%swap3A_1723, %swap3A_1724], %add3A_1721 {strides = array<i32>} : memref<8x256xf32, #tpu.memory_space<vmem>>, vector<16xf32>,
    %mul3A_1726 = arith.mulf %add3A_1721, %add3A_1721 : vector<16xf32>
    %add3A_1727 = arith.addf %add3A_1709, %mul3A_1726 : vector<16xf32>
    %get3A_1728 = arith.constant 3 : i32
    %get3A_1729 = arith.index_cast %get3A_1728 : i32 to index
    %get3A_1730 = arith.constant 240 : index
    %get3A_1731 = tpu.vector_load %arg8[%get3A_1729, %get3A_1730] {strides = array<i32>} : memref<8x256xf32, #tpu.memory_space<vmem>>, vector<16xf32>,
    %mul3A_1732 = arith.constant 5.000000e-01 : f32
    %mul3A_1733 = vector.broadcast %mul3A_1732 : f32 to vector<16xf32>
    %mul3A_1734 = arith.mulf %get3A_1731, %mul3A_1733 : vector<16xf32>
    %get3A_1735 = arith.constant 3 : i32
    %get3A_1736 = arith.index_cast %get3A_1735 : i32 to index
    %get3A_1737 = arith.constant 240 : index
    %get3A_1738 = tpu.vector_load %arg9[%get3A_1736, %get3A_1737] {strides = array<i32>} : memref<8x256xf32, #tpu.memory_space<vmem>>, vector<16xf32>,
    %add3A_1739 = arith.addf %mul3A_1734, %get3A_1738 : vector<16xf32>
    %swap3A_1740 = arith.constant 3 : i32
    %swap3A_1741 = arith.index_cast %swap3A_1740 : i32 to index
    %swap3A_1742 = arith.constant 240 : index
    %swap3A_1743 = tpu.vector_load %arg8[%swap3A_1741, %swap3A_1742] {strides = array<i32>} : memref<8x256xf32, #tpu.memory_space<vmem>>, vector<16xf32>,
    tpu.vector_store %arg8[%swap3A_1741, %swap3A_1742], %add3A_1739 {strides = array<i32>} : memref<8x256xf32, #tpu.memory_space<vmem>>, vector<16xf32>,
    %mul3A_1744 = arith.mulf %add3A_1739, %add3A_1739 : vector<16xf32>
    %add3A_1745 = arith.addf %add3A_1727, %mul3A_1744 : vector<16xf32>
    %reduce_sum3A_1746 = arith.constant true
    %reduce_sum3A_1747 = vector.broadcast %reduce_sum3A_1746 : i1 to vector<16xi1>
    %reduce_sum3A_1748 = tpu.scan <sum>, %add3A_1745 masked %reduce_sum3A_1747 : vector<16xf32>, vector<16xi1> -> vector<16xf32>
    %reduce_sum3A_1749 = vector.extract %reduce_sum3A_1748[15] : f32 from vector<16xf32>
    %broadcast_in_dim3A_1750 = vector.broadcast %reduce_sum3A_1749 : f32 to vector<16xf32>
    %bitcast3A_1751 = vector.bitcast %broadcast_in_dim3A_1750 : vector<16xf32> to vector<16xi32>
    %shift_right_arithmetic3A_1752 = arith.constant 1 : i32
    %shift_right_arithmetic3A_1753 = vector.broadcast %shift_right_arithmetic3A_1752 : i32 to vector<16xi32>
    %shift_right_arithmetic3A_1754 = arith.shrsi %bitcast3A_1751, %shift_right_arithmetic3A_1753 : vector<16xi32>
    %sub3A_1755 = arith.constant 1597463007 : i32
    %sub3A_1756 = vector.broadcast %sub3A_1755 : i32 to vector<16xi32>
    %sub3A_1757 = arith.subi %sub3A_1756, %shift_right_arithmetic3A_1754 : vector<16xi32>
    %bitcast3A_1758 = vector.bitcast %sub3A_1757 : vector<16xi32> to vector<16xf32>
    %mul3A_1759 = arith.constant 5.000000e-01 : f32
    %mul3A_1760 = vector.broadcast %mul3A_1759 : f32 to vector<16xf32>
    %mul3A_1761 = arith.mulf %mul3A_1760, %broadcast_in_dim3A_1750 : vector<16xf32>
    %mul3A_1762 = arith.mulf %mul3A_1761, %bitcast3A_1758 : vector<16xf32>
    %mul3A_1763 = arith.mulf %mul3A_1762, %bitcast3A_1758 : vector<16xf32>
    %sub3A_1764 = arith.constant 1.500000e+00 : f32
    %sub3A_1765 = vector.broadcast %sub3A_1764 : f32 to vector<16xf32>
    %sub3A_1766 = arith.subf %sub3A_1765, %mul3A_1763 : vector<16xf32>
    %mul3A_1767 = arith.mulf %bitcast3A_1758, %sub3A_1766 : vector<16xf32>
    %mul3A_1768 = arith.constant 5.000000e-01 : f32
    %mul3A_1769 = vector.broadcast %mul3A_1768 : f32 to vector<16xf32>
    %mul3A_1770 = arith.mulf %mul3A_1769, %broadcast_in_dim3A_1750 : vector<16xf32>
    %mul3A_1771 = arith.mulf %mul3A_1770, %mul3A_1767 : vector<16xf32>
    %mul3A_1772 = arith.mulf %mul3A_1771, %mul3A_1767 : vector<16xf32>
    %sub3A_1773 = arith.constant 1.500000e+00 : f32
    %sub3A_1774 = vector.broadcast %sub3A_1773 : f32 to vector<16xf32>
    %sub3A_1775 = arith.subf %sub3A_1774, %mul3A_1772 : vector<16xf32>
    %mul3A_1776 = arith.mulf %mul3A_1767, %sub3A_1775 : vector<16xf32>
    %mul3A_1777 = arith.constant 5.000000e-01 : f32
    %mul3A_1778 = vector.broadcast %mul3A_1777 : f32 to vector<16xf32>
    %mul3A_1779 = arith.mulf %mul3A_1778, %broadcast_in_dim3A_1750 : vector<16xf32>
    %mul3A_1780 = arith.mulf %mul3A_1779, %mul3A_1776 : vector<16xf32>
    %mul3A_1781 = arith.mulf %mul3A_1780, %mul3A_1776 : vector<16xf32>
    %sub3A_1782 = arith.constant 1.500000e+00 : f32
    %sub3A_1783 = vector.broadcast %sub3A_1782 : f32 to vector<16xf32>
    %sub3A_1784 = arith.subf %sub3A_1783, %mul3A_1781 : vector<16xf32>
    %mul3A_1785 = arith.mulf %mul3A_1776, %sub3A_1784 : vector<16xf32>
    %mul3A_1786 = arith.constant 5.000000e-01 : f32
    %mul3A_1787 = vector.broadcast %mul3A_1786 : f32 to vector<16xf32>
    %mul3A_1788 = arith.mulf %mul3A_1787, %broadcast_in_dim3A_1750 : vector<16xf32>
    %mul3A_1789 = arith.mulf %mul3A_1788, %mul3A_1785 : vector<16xf32>
    %mul3A_1790 = arith.mulf %mul3A_1789, %mul3A_1785 : vector<16xf32>
    %sub3A_1791 = arith.constant 1.500000e+00 : f32
    %sub3A_1792 = vector.broadcast %sub3A_1791 : f32 to vector<16xf32>
    %sub3A_1793 = arith.subf %sub3A_1792, %mul3A_1790 : vector<16xf32>
    %mul3A_1794 = arith.mulf %mul3A_1785, %sub3A_1793 : vector<16xf32>
    %get3A_1795 = arith.constant 3 : i32
    %get3A_1796 = arith.index_cast %get3A_1795 : i32 to index
    %get3A_1797 = arith.constant 0 : index
    %get3A_1798 = tpu.vector_load %arg8[%get3A_1796, %get3A_1797] {strides = array<i32>} : memref<8x256xf32, #tpu.memory_space<vmem>>, vector<16xf32>,
    %mul3A_1799 = arith.mulf %get3A_1798, %mul3A_1794 : vector<16xf32>
    %swap3A_1800 = arith.constant 3 : i32
    %swap3A_1801 = arith.index_cast %swap3A_1800 : i32 to index
    %swap3A_1802 = arith.constant 0 : index
    %swap3A_1803 = tpu.vector_load %arg8[%swap3A_1801, %swap3A_1802] {strides = array<i32>} : memref<8x256xf32, #tpu.memory_space<vmem>>, vector<16xf32>,
    tpu.vector_store %arg8[%swap3A_1801, %swap3A_1802], %mul3A_1799 {strides = array<i32>} : memref<8x256xf32, #tpu.memory_space<vmem>>, vector<16xf32>,
    %get3A_1804 = arith.constant 3 : i32
    %get3A_1805 = arith.index_cast %get3A_1804 : i32 to index
    %get3A_1806 = arith.constant 16 : index
    %get3A_1807 = tpu.vector_load %arg8[%get3A_1805, %get3A_1806] {strides = array<i32>} : memref<8x256xf32, #tpu.memory_space<vmem>>, vector<16xf32>,
    %mul3A_1808 = arith.mulf %get3A_1807, %mul3A_1794 : vector<16xf32>
    %swap3A_1809 = arith.constant 3 : i32
    %swap3A_1810 = arith.index_cast %swap3A_1809 : i32 to index
    %swap3A_1811 = arith.constant 16 : index
    %swap3A_1812 = tpu.vector_load %arg8[%swap3A_1810, %swap3A_1811] {strides = array<i32>} : memref<8x256xf32, #tpu.memory_space<vmem>>, vector<16xf32>,
    tpu.vector_store %arg8[%swap3A_1810, %swap3A_1811], %mul3A_1808 {strides = array<i32>} : memref<8x256xf32, #tpu.memory_space<vmem>>, vector<16xf32>,
    %get3A_1813 = arith.constant 3 : i32
    %get3A_1814 = arith.index_cast %get3A_1813 : i32 to index
    %get3A_1815 = arith.constant 32 : index
    %get3A_1816 = tpu.vector_load %arg8[%get3A_1814, %get3A_1815] {strides = array<i32>} : memref<8x256xf32, #tpu.memory_space<vmem>>, vector<16xf32>,
    %mul3A_1817 = arith.mulf %get3A_1816, %mul3A_1794 : vector<16xf32>
    %swap3A_1818 = arith.constant 3 : i32
    %swap3A_1819 = arith.index_cast %swap3A_1818 : i32 to index
    %swap3A_1820 = arith.constant 32 : index
    %swap3A_1821 = tpu.vector_load %arg8[%swap3A_1819, %swap3A_1820] {strides = array<i32>} : memref<8x256xf32, #tpu.memory_space<vmem>>, vector<16xf32>,
    tpu.vector_store %arg8[%swap3A_1819, %swap3A_1820], %mul3A_1817 {strides = array<i32>} : memref<8x256xf32, #tpu.memory_space<vmem>>, vector<16xf32>,
    %get3A_1822 = arith.constant 3 : i32
    %get3A_1823 = arith.index_cast %get3A_1822 : i32 to index
    %get3A_1824 = arith.constant 48 : index
    %get3A_1825 = tpu.vector_load %arg8[%get3A_1823, %get3A_1824] {strides = array<i32>} : memref<8x256xf32, #tpu.memory_space<vmem>>, vector<16xf32>,
    %mul3A_1826 = arith.mulf %get3A_1825, %mul3A_1794 : vector<16xf32>
    %swap3A_1827 = arith.constant 3 : i32
    %swap3A_1828 = arith.index_cast %swap3A_1827 : i32 to index
    %swap3A_1829 = arith.constant 48 : index
    %swap3A_1830 = tpu.vector_load %arg8[%swap3A_1828, %swap3A_1829] {strides = array<i32>} : memref<8x256xf32, #tpu.memory_space<vmem>>, vector<16xf32>,
    tpu.vector_store %arg8[%swap3A_1828, %swap3A_1829], %mul3A_1826 {strides = array<i32>} : memref<8x256xf32, #tpu.memory_space<vmem>>, vector<16xf32>,
    %get3A_1831 = arith.constant 3 : i32
    %get3A_1832 = arith.index_cast %get3A_1831 : i32 to index
    %get3A_1833 = arith.constant 64 : index
    %get3A_1834 = tpu.vector_load %arg8[%get3A_1832, %get3A_1833] {strides = array<i32>} : memref<8x256xf32, #tpu.memory_space<vmem>>, vector<16xf32>,
    %mul3A_1835 = arith.mulf %get3A_1834, %mul3A_1794 : vector<16xf32>
    %swap3A_1836 = arith.constant 3 : i32
    %swap3A_1837 = arith.index_cast %swap3A_1836 : i32 to index
    %swap3A_1838 = arith.constant 64 : index
    %swap3A_1839 = tpu.vector_load %arg8[%swap3A_1837, %swap3A_1838] {strides = array<i32>} : memref<8x256xf32, #tpu.memory_space<vmem>>, vector<16xf32>,
    tpu.vector_store %arg8[%swap3A_1837, %swap3A_1838], %mul3A_1835 {strides = array<i32>} : memref<8x256xf32, #tpu.memory_space<vmem>>, vector<16xf32>,
    %get3A_1840 = arith.constant 3 : i32
    %get3A_1841 = arith.index_cast %get3A_1840 : i32 to index
    %get3A_1842 = arith.constant 80 : index
    %get3A_1843 = tpu.vector_load %arg8[%get3A_1841, %get3A_1842] {strides = array<i32>} : memref<8x256xf32, #tpu.memory_space<vmem>>, vector<16xf32>,
    %mul3A_1844 = arith.mulf %get3A_1843, %mul3A_1794 : vector<16xf32>
    %swap3A_1845 = arith.constant 3 : i32
    %swap3A_1846 = arith.index_cast %swap3A_1845 : i32 to index
    %swap3A_1847 = arith.constant 80 : index
    %swap3A_1848 = tpu.vector_load %arg8[%swap3A_1846, %swap3A_1847] {strides = array<i32>} : memref<8x256xf32, #tpu.memory_space<vmem>>, vector<16xf32>,
    tpu.vector_store %arg8[%swap3A_1846, %swap3A_1847], %mul3A_1844 {strides = array<i32>} : memref<8x256xf32, #tpu.memory_space<vmem>>, vector<16xf32>,
    %get3A_1849 = arith.constant 3 : i32
    %get3A_1850 = arith.index_cast %get3A_1849 : i32 to index
    %get3A_1851 = arith.constant 96 : index
    %get3A_1852 = tpu.vector_load %arg8[%get3A_1850, %get3A_1851] {strides = array<i32>} : memref<8x256xf32, #tpu.memory_space<vmem>>, vector<16xf32>,
    %mul3A_1853 = arith.mulf %get3A_1852, %mul3A_1794 : vector<16xf32>
    %swap3A_1854 = arith.constant 3 : i32
    %swap3A_1855 = arith.index_cast %swap3A_1854 : i32 to index
    %swap3A_1856 = arith.constant 96 : index
    %swap3A_1857 = tpu.vector_load %arg8[%swap3A_1855, %swap3A_1856] {strides = array<i32>} : memref<8x256xf32, #tpu.memory_space<vmem>>, vector<16xf32>,
    tpu.vector_store %arg8[%swap3A_1855, %swap3A_1856], %mul3A_1853 {strides = array<i32>} : memref<8x256xf32, #tpu.memory_space<vmem>>, vector<16xf32>,
    %get3A_1858 = arith.constant 3 : i32
    %get3A_1859 = arith.index_cast %get3A_1858 : i32 to index
    %get3A_1860 = arith.constant 112 : index
    %get3A_1861 = tpu.vector_load %arg8[%get3A_1859, %get3A_1860] {strides = array<i32>} : memref<8x256xf32, #tpu.memory_space<vmem>>, vector<16xf32>,
    %mul3A_1862 = arith.mulf %get3A_1861, %mul3A_1794 : vector<16xf32>
    %swap3A_1863 = arith.constant 3 : i32
    %swap3A_1864 = arith.index_cast %swap3A_1863 : i32 to index
    %swap3A_1865 = arith.constant 112 : index
    %swap3A_1866 = tpu.vector_load %arg8[%swap3A_1864, %swap3A_1865] {strides = array<i32>} : memref<8x256xf32, #tpu.memory_space<vmem>>, vector<16xf32>,
    tpu.vector_store %arg8[%swap3A_1864, %swap3A_1865], %mul3A_1862 {strides = array<i32>} : memref<8x256xf32, #tpu.memory_space<vmem>>, vector<16xf32>,
    %get3A_1867 = arith.constant 3 : i32
    %get3A_1868 = arith.index_cast %get3A_1867 : i32 to index
    %get3A_1869 = arith.constant 128 : index
    %get3A_1870 = tpu.vector_load %arg8[%get3A_1868, %get3A_1869] {strides = array<i32>} : memref<8x256xf32, #tpu.memory_space<vmem>>, vector<16xf32>,
    %mul3A_1871 = arith.mulf %get3A_1870, %mul3A_1794 : vector<16xf32>
    %swap3A_1872 = arith.constant 3 : i32
    %swap3A_1873 = arith.index_cast %swap3A_1872 : i32 to index
    %swap3A_1874 = arith.constant 128 : index
    %swap3A_1875 = tpu.vector_load %arg8[%swap3A_1873, %swap3A_1874] {strides = array<i32>} : memref<8x256xf32, #tpu.memory_space<vmem>>, vector<16xf32>,
    tpu.vector_store %arg8[%swap3A_1873, %swap3A_1874], %mul3A_1871 {strides = array<i32>} : memref<8x256xf32, #tpu.memory_space<vmem>>, vector<16xf32>,
    %get3A_1876 = arith.constant 3 : i32
    %get3A_1877 = arith.index_cast %get3A_1876 : i32 to index
    %get3A_1878 = arith.constant 144 : index
    %get3A_1879 = tpu.vector_load %arg8[%get3A_1877, %get3A_1878] {strides = array<i32>} : memref<8x256xf32, #tpu.memory_space<vmem>>, vector<16xf32>,
    %mul3A_1880 = arith.mulf %get3A_1879, %mul3A_1794 : vector<16xf32>
    %swap3A_1881 = arith.constant 3 : i32
    %swap3A_1882 = arith.index_cast %swap3A_1881 : i32 to index
    %swap3A_1883 = arith.constant 144 : index
    %swap3A_1884 = tpu.vector_load %arg8[%swap3A_1882, %swap3A_1883] {strides = array<i32>} : memref<8x256xf32, #tpu.memory_space<vmem>>, vector<16xf32>,
    tpu.vector_store %arg8[%swap3A_1882, %swap3A_1883], %mul3A_1880 {strides = array<i32>} : memref<8x256xf32, #tpu.memory_space<vmem>>, vector<16xf32>,
    %get3A_1885 = arith.constant 3 : i32
    %get3A_1886 = arith.index_cast %get3A_1885 : i32 to index
    %get3A_1887 = arith.constant 160 : index
    %get3A_1888 = tpu.vector_load %arg8[%get3A_1886, %get3A_1887] {strides = array<i32>} : memref<8x256xf32, #tpu.memory_space<vmem>>, vector<16xf32>,
    %mul3A_1889 = arith.mulf %get3A_1888, %mul3A_1794 : vector<16xf32>
    %swap3A_1890 = arith.constant 3 : i32
    %swap3A_1891 = arith.index_cast %swap3A_1890 : i32 to index
    %swap3A_1892 = arith.constant 160 : index
    %swap3A_1893 = tpu.vector_load %arg8[%swap3A_1891, %swap3A_1892] {strides = array<i32>} : memref<8x256xf32, #tpu.memory_space<vmem>>, vector<16xf32>,
    tpu.vector_store %arg8[%swap3A_1891, %swap3A_1892], %mul3A_1889 {strides = array<i32>} : memref<8x256xf32, #tpu.memory_space<vmem>>, vector<16xf32>,
    %get3A_1894 = arith.constant 3 : i32
    %get3A_1895 = arith.index_cast %get3A_1894 : i32 to index
    %get3A_1896 = arith.constant 176 : index
    %get3A_1897 = tpu.vector_load %arg8[%get3A_1895, %get3A_1896] {strides = array<i32>} : memref<8x256xf32, #tpu.memory_space<vmem>>, vector<16xf32>,
    %mul3A_1898 = arith.mulf %get3A_1897, %mul3A_1794 : vector<16xf32>
    %swap3A_1899 = arith.constant 3 : i32
    %swap3A_1900 = arith.index_cast %swap3A_1899 : i32 to index
    %swap3A_1901 = arith.constant 176 : index
    %swap3A_1902 = tpu.vector_load %arg8[%swap3A_1900, %swap3A_1901] {strides = array<i32>} : memref<8x256xf32, #tpu.memory_space<vmem>>, vector<16xf32>,
    tpu.vector_store %arg8[%swap3A_1900, %swap3A_1901], %mul3A_1898 {strides = array<i32>} : memref<8x256xf32, #tpu.memory_space<vmem>>, vector<16xf32>,
    %get3A_1903 = arith.constant 3 : i32
    %get3A_1904 = arith.index_cast %get3A_1903 : i32 to index
    %get3A_1905 = arith.constant 192 : index
    %get3A_1906 = tpu.vector_load %arg8[%get3A_1904, %get3A_1905] {strides = array<i32>} : memref<8x256xf32, #tpu.memory_space<vmem>>, vector<16xf32>,
    %mul3A_1907 = arith.mulf %get3A_1906, %mul3A_1794 : vector<16xf32>
    %swap3A_1908 = arith.constant 3 : i32
    %swap3A_1909 = arith.index_cast %swap3A_1908 : i32 to index
    %swap3A_1910 = arith.constant 192 : index
    %swap3A_1911 = tpu.vector_load %arg8[%swap3A_1909, %swap3A_1910] {strides = array<i32>} : memref<8x256xf32, #tpu.memory_space<vmem>>, vector<16xf32>,
    tpu.vector_store %arg8[%swap3A_1909, %swap3A_1910], %mul3A_1907 {strides = array<i32>} : memref<8x256xf32, #tpu.memory_space<vmem>>, vector<16xf32>,
    %get3A_1912 = arith.constant 3 : i32
    %get3A_1913 = arith.index_cast %get3A_1912 : i32 to index
    %get3A_1914 = arith.constant 208 : index
    %get3A_1915 = tpu.vector_load %arg8[%get3A_1913, %get3A_1914] {strides = array<i32>} : memref<8x256xf32, #tpu.memory_space<vmem>>, vector<16xf32>,
    %mul3A_1916 = arith.mulf %get3A_1915, %mul3A_1794 : vector<16xf32>
    %swap3A_1917 = arith.constant 3 : i32
    %swap3A_1918 = arith.index_cast %swap3A_1917 : i32 to index
    %swap3A_1919 = arith.constant 208 : index
    %swap3A_1920 = tpu.vector_load %arg8[%swap3A_1918, %swap3A_1919] {strides = array<i32>} : memref<8x256xf32, #tpu.memory_space<vmem>>, vector<16xf32>,
    tpu.vector_store %arg8[%swap3A_1918, %swap3A_1919], %mul3A_1916 {strides = array<i32>} : memref<8x256xf32, #tpu.memory_space<vmem>>, vector<16xf32>,
    %get3A_1921 = arith.constant 3 : i32
    %get3A_1922 = arith.index_cast %get3A_1921 : i32 to index
    %get3A_1923 = arith.constant 224 : index
    %get3A_1924 = tpu.vector_load %arg8[%get3A_1922, %get3A_1923] {strides = array<i32>} : memref<8x256xf32, #tpu.memory_space<vmem>>, vector<16xf32>,
    %mul3A_1925 = arith.mulf %get3A_1924, %mul3A_1794 : vector<16xf32>
    %swap3A_1926 = arith.constant 3 : i32
    %swap3A_1927 = arith.index_cast %swap3A_1926 : i32 to index
    %swap3A_1928 = arith.constant 224 : index
    %swap3A_1929 = tpu.vector_load %arg8[%swap3A_1927, %swap3A_1928] {strides = array<i32>} : memref<8x256xf32, #tpu.memory_space<vmem>>, vector<16xf32>,
    tpu.vector_store %arg8[%swap3A_1927, %swap3A_1928], %mul3A_1925 {strides = array<i32>} : memref<8x256xf32, #tpu.memory_space<vmem>>, vector<16xf32>,
    %get3A_1930 = arith.constant 3 : i32
    %get3A_1931 = arith.index_cast %get3A_1930 : i32 to index
    %get3A_1932 = arith.constant 240 : index
    %get3A_1933 = tpu.vector_load %arg8[%get3A_1931, %get3A_1932] {strides = array<i32>} : memref<8x256xf32, #tpu.memory_space<vmem>>, vector<16xf32>,
    %mul3A_1934 = arith.mulf %get3A_1933, %mul3A_1794 : vector<16xf32>
    %swap3A_1935 = arith.constant 3 : i32
    %swap3A_1936 = arith.index_cast %swap3A_1935 : i32 to index
    %swap3A_1937 = arith.constant 240 : index
    %swap3A_1938 = tpu.vector_load %arg8[%swap3A_1936, %swap3A_1937] {strides = array<i32>} : memref<8x256xf32, #tpu.memory_space<vmem>>, vector<16xf32>,
    tpu.vector_store %arg8[%swap3A_1936, %swap3A_1937], %mul3A_1934 {strides = array<i32>} : memref<8x256xf32, #tpu.memory_space<vmem>>, vector<16xf32>,
    %broadcast_in_dim3A_1939 = arith.constant 0.000000e+00 : f32
    %broadcast_in_dim3A_1940 = vector.broadcast %broadcast_in_dim3A_1939 : f32 to vector<16xf32>
    %get3A_1941 = arith.constant 4 : i32
    %get3A_1942 = arith.index_cast %get3A_1941 : i32 to index
    %get3A_1943 = arith.constant 0 : index
    %get3A_1944 = tpu.vector_load %arg8[%get3A_1942, %get3A_1943] {strides = array<i32>} : memref<8x256xf32, #tpu.memory_space<vmem>>, vector<16xf32>,
    %mul3A_1945 = arith.constant 5.000000e-01 : f32
    %mul3A_1946 = vector.broadcast %mul3A_1945 : f32 to vector<16xf32>
    %mul3A_1947 = arith.mulf %get3A_1944, %mul3A_1946 : vector<16xf32>
    %get3A_1948 = arith.constant 4 : i32
    %get3A_1949 = arith.index_cast %get3A_1948 : i32 to index
    %get3A_1950 = arith.constant 0 : index
    %get3A_1951 = tpu.vector_load %arg9[%get3A_1949, %get3A_1950] {strides = array<i32>} : memref<8x256xf32, #tpu.memory_space<vmem>>, vector<16xf32>,
    %add3A_1952 = arith.addf %mul3A_1947, %get3A_1951 : vector<16xf32>
    %swap3A_1953 = arith.constant 4 : i32
    %swap3A_1954 = arith.index_cast %swap3A_1953 : i32 to index
    %swap3A_1955 = arith.constant 0 : index
    %swap3A_1956 = tpu.vector_load %arg8[%swap3A_1954, %swap3A_1955] {strides = array<i32>} : memref<8x256xf32, #tpu.memory_space<vmem>>, vector<16xf32>,
    tpu.vector_store %arg8[%swap3A_1954, %swap3A_1955], %add3A_1952 {strides = array<i32>} : memref<8x256xf32, #tpu.memory_space<vmem>>, vector<16xf32>,
    %mul3A_1957 = arith.mulf %add3A_1952, %add3A_1952 : vector<16xf32>
    %add3A_1958 = arith.addf %broadcast_in_dim3A_1940, %mul3A_1957 : vector<16xf32>
    %get3A_1959 = arith.constant 4 : i32
    %get3A_1960 = arith.index_cast %get3A_1959 : i32 to index
    %get3A_1961 = arith.constant 16 : index
    %get3A_1962 = tpu.vector_load %arg8[%get3A_1960, %get3A_1961] {strides = array<i32>} : memref<8x256xf32, #tpu.memory_space<vmem>>, vector<16xf32>,
    %mul3A_1963 = arith.constant 5.000000e-01 : f32
    %mul3A_1964 = vector.broadcast %mul3A_1963 : f32 to vector<16xf32>
    %mul3A_1965 = arith.mulf %get3A_1962, %mul3A_1964 : vector<16xf32>
    %get3A_1966 = arith.constant 4 : i32
    %get3A_1967 = arith.index_cast %get3A_1966 : i32 to index
    %get3A_1968 = arith.constant 16 : index
    %get3A_1969 = tpu.vector_load %arg9[%get3A_1967, %get3A_1968] {strides = array<i32>} : memref<8x256xf32, #tpu.memory_space<vmem>>, vector<16xf32>,
    %add3A_1970 = arith.addf %mul3A_1965, %get3A_1969 : vector<16xf32>
    %swap3A_1971 = arith.constant 4 : i32
    %swap3A_1972 = arith.index_cast %swap3A_1971 : i32 to index
    %swap3A_1973 = arith.constant 16 : index
    %swap3A_1974 = tpu.vector_load %arg8[%swap3A_1972, %swap3A_1973] {strides = array<i32>} : memref<8x256xf32, #tpu.memory_space<vmem>>, vector<16xf32>,
    tpu.vector_store %arg8[%swap3A_1972, %swap3A_1973], %add3A_1970 {strides = array<i32>} : memref<8x256xf32, #tpu.memory_space<vmem>>, vector<16xf32>,
    %mul3A_1975 = arith.mulf %add3A_1970, %add3A_1970 : vector<16xf32>
    %add3A_1976 = arith.addf %add3A_1958, %mul3A_1975 : vector<16xf32>
    %get3A_1977 = arith.constant 4 : i32
    %get3A_1978 = arith.index_cast %get3A_1977 : i32 to index
    %get3A_1979 = arith.constant 32 : index
    %get3A_1980 = tpu.vector_load %arg8[%get3A_1978, %get3A_1979] {strides = array<i32>} : memref<8x256xf32, #tpu.memory_space<vmem>>, vector<16xf32>,
    %mul3A_1981 = arith.constant 5.000000e-01 : f32
    %mul3A_1982 = vector.broadcast %mul3A_1981 : f32 to vector<16xf32>
    %mul3A_1983 = arith.mulf %get3A_1980, %mul3A_1982 : vector<16xf32>
    %get3A_1984 = arith.constant 4 : i32
    %get3A_1985 = arith.index_cast %get3A_1984 : i32 to index
    %get3A_1986 = arith.constant 32 : index
    %get3A_1987 = tpu.vector_load %arg9[%get3A_1985, %get3A_1986] {strides = array<i32>} : memref<8x256xf32, #tpu.memory_space<vmem>>, vector<16xf32>,
    %add3A_1988 = arith.addf %mul3A_1983, %get3A_1987 : vector<16xf32>
    %swap3A_1989 = arith.constant 4 : i32
    %swap3A_1990 = arith.index_cast %swap3A_1989 : i32 to index
    %swap3A_1991 = arith.constant 32 : index
    %swap3A_1992 = tpu.vector_load %arg8[%swap3A_1990, %swap3A_1991] {strides = array<i32>} : memref<8x256xf32, #tpu.memory_space<vmem>>, vector<16xf32>,
    tpu.vector_store %arg8[%swap3A_1990, %swap3A_1991], %add3A_1988 {strides = array<i32>} : memref<8x256xf32, #tpu.memory_space<vmem>>, vector<16xf32>,
    %mul3A_1993 = arith.mulf %add3A_1988, %add3A_1988 : vector<16xf32>
    %add3A_1994 = arith.addf %add3A_1976, %mul3A_1993 : vector<16xf32>
    %get3A_1995 = arith.constant 4 : i32
    %get3A_1996 = arith.index_cast %get3A_1995 : i32 to index
    %get3A_1997 = arith.constant 48 : index
    %get3A_1998 = tpu.vector_load %arg8[%get3A_1996, %get3A_1997] {strides = array<i32>} : memref<8x256xf32, #tpu.memory_space<vmem>>, vector<16xf32>,
    %mul3A_1999 = arith.constant 5.000000e-01 : f32
    %mul3A_2000 = vector.broadcast %mul3A_1999 : f32 to vector<16xf32>
    %mul3A_2001 = arith.mulf %get3A_1998, %mul3A_2000 : vector<16xf32>
    %get3A_2002 = arith.constant 4 : i32
    %get3A_2003 = arith.index_cast %get3A_2002 : i32 to index
    %get3A_2004 = arith.constant 48 : index
    %get3A_2005 = tpu.vector_load %arg9[%get3A_2003, %get3A_2004] {strides = array<i32>} : memref<8x256xf32, #tpu.memory_space<vmem>>, vector<16xf32>,
    %add3A_2006 = arith.addf %mul3A_2001, %get3A_2005 : vector<16xf32>
    %swap3A_2007 = arith.constant 4 : i32
    %swap3A_2008 = arith.index_cast %swap3A_2007 : i32 to index
    %swap3A_2009 = arith.constant 48 : index
    %swap3A_2010 = tpu.vector_load %arg8[%swap3A_2008, %swap3A_2009] {strides = array<i32>} : memref<8x256xf32, #tpu.memory_space<vmem>>, vector<16xf32>,
    tpu.vector_store %arg8[%swap3A_2008, %swap3A_2009], %add3A_2006 {strides = array<i32>} : memref<8x256xf32, #tpu.memory_space<vmem>>, vector<16xf32>,
    %mul3A_2011 = arith.mulf %add3A_2006, %add3A_2006 : vector<16xf32>
    %add3A_2012 = arith.addf %add3A_1994, %mul3A_2011 : vector<16xf32>
    %get3A_2013 = arith.constant 4 : i32
    %get3A_2014 = arith.index_cast %get3A_2013 : i32 to index
    %get3A_2015 = arith.constant 64 : index
    %get3A_2016 = tpu.vector_load %arg8[%get3A_2014, %get3A_2015] {strides = array<i32>} : memref<8x256xf32, #tpu.memory_space<vmem>>, vector<16xf32>,
    %mul3A_2017 = arith.constant 5.000000e-01 : f32
    %mul3A_2018 = vector.broadcast %mul3A_2017 : f32 to vector<16xf32>
    %mul3A_2019 = arith.mulf %get3A_2016, %mul3A_2018 : vector<16xf32>
    %get3A_2020 = arith.constant 4 : i32
    %get3A_2021 = arith.index_cast %get3A_2020 : i32 to index
    %get3A_2022 = arith.constant 64 : index
    %get3A_2023 = tpu.vector_load %arg9[%get3A_2021, %get3A_2022] {strides = array<i32>} : memref<8x256xf32, #tpu.memory_space<vmem>>, vector<16xf32>,
    %add3A_2024 = arith.addf %mul3A_2019, %get3A_2023 : vector<16xf32>
    %swap3A_2025 = arith.constant 4 : i32
    %swap3A_2026 = arith.index_cast %swap3A_2025 : i32 to index
    %swap3A_2027 = arith.constant 64 : index
    %swap3A_2028 = tpu.vector_load %arg8[%swap3A_2026, %swap3A_2027] {strides = array<i32>} : memref<8x256xf32, #tpu.memory_space<vmem>>, vector<16xf32>,
    tpu.vector_store %arg8[%swap3A_2026, %swap3A_2027], %add3A_2024 {strides = array<i32>} : memref<8x256xf32, #tpu.memory_space<vmem>>, vector<16xf32>,
    %mul3A_2029 = arith.mulf %add3A_2024, %add3A_2024 : vector<16xf32>
    %add3A_2030 = arith.addf %add3A_2012, %mul3A_2029 : vector<16xf32>
    %get3A_2031 = arith.constant 4 : i32
    %get3A_2032 = arith.index_cast %get3A_2031 : i32 to index
    %get3A_2033 = arith.constant 80 : index
    %get3A_2034 = tpu.vector_load %arg8[%get3A_2032, %get3A_2033] {strides = array<i32>} : memref<8x256xf32, #tpu.memory_space<vmem>>, vector<16xf32>,
    %mul3A_2035 = arith.constant 5.000000e-01 : f32
    %mul3A_2036 = vector.broadcast %mul3A_2035 : f32 to vector<16xf32>
    %mul3A_2037 = arith.mulf %get3A_2034, %mul3A_2036 : vector<16xf32>
    %get3A_2038 = arith.constant 4 : i32
    %get3A_2039 = arith.index_cast %get3A_2038 : i32 to index
    %get3A_2040 = arith.constant 80 : index
    %get3A_2041 = tpu.vector_load %arg9[%get3A_2039, %get3A_2040] {strides = array<i32>} : memref<8x256xf32, #tpu.memory_space<vmem>>, vector<16xf32>,
    %add3A_2042 = arith.addf %mul3A_2037, %get3A_2041 : vector<16xf32>
    %swap3A_2043 = arith.constant 4 : i32
    %swap3A_2044 = arith.index_cast %swap3A_2043 : i32 to index
    %swap3A_2045 = arith.constant 80 : index
    %swap3A_2046 = tpu.vector_load %arg8[%swap3A_2044, %swap3A_2045] {strides = array<i32>} : memref<8x256xf32, #tpu.memory_space<vmem>>, vector<16xf32>,
    tpu.vector_store %arg8[%swap3A_2044, %swap3A_2045], %add3A_2042 {strides = array<i32>} : memref<8x256xf32, #tpu.memory_space<vmem>>, vector<16xf32>,
    %mul3A_2047 = arith.mulf %add3A_2042, %add3A_2042 : vector<16xf32>
    %add3A_2048 = arith.addf %add3A_2030, %mul3A_2047 : vector<16xf32>
    %get3A_2049 = arith.constant 4 : i32
    %get3A_2050 = arith.index_cast %get3A_2049 : i32 to index
    %get3A_2051 = arith.constant 96 : index
    %get3A_2052 = tpu.vector_load %arg8[%get3A_2050, %get3A_2051] {strides = array<i32>} : memref<8x256xf32, #tpu.memory_space<vmem>>, vector<16xf32>,
    %mul3A_2053 = arith.constant 5.000000e-01 : f32
    %mul3A_2054 = vector.broadcast %mul3A_2053 : f32 to vector<16xf32>
    %mul3A_2055 = arith.mulf %get3A_2052, %mul3A_2054 : vector<16xf32>
    %get3A_2056 = arith.constant 4 : i32
    %get3A_2057 = arith.index_cast %get3A_2056 : i32 to index
    %get3A_2058 = arith.constant 96 : index
    %get3A_2059 = tpu.vector_load %arg9[%get3A_2057, %get3A_2058] {strides = array<i32>} : memref<8x256xf32, #tpu.memory_space<vmem>>, vector<16xf32>,
    %add3A_2060 = arith.addf %mul3A_2055, %get3A_2059 : vector<16xf32>
    %swap3A_2061 = arith.constant 4 : i32
    %swap3A_2062 = arith.index_cast %swap3A_2061 : i32 to index
    %swap3A_2063 = arith.constant 96 : index
    %swap3A_2064 = tpu.vector_load %arg8[%swap3A_2062, %swap3A_2063] {strides = array<i32>} : memref<8x256xf32, #tpu.memory_space<vmem>>, vector<16xf32>,
    tpu.vector_store %arg8[%swap3A_2062, %swap3A_2063], %add3A_2060 {strides = array<i32>} : memref<8x256xf32, #tpu.memory_space<vmem>>, vector<16xf32>,
    %mul3A_2065 = arith.mulf %add3A_2060, %add3A_2060 : vector<16xf32>
    %add3A_2066 = arith.addf %add3A_2048, %mul3A_2065 : vector<16xf32>
    %get3A_2067 = arith.constant 4 : i32
    %get3A_2068 = arith.index_cast %get3A_2067 : i32 to index
    %get3A_2069 = arith.constant 112 : index
    %get3A_2070 = tpu.vector_load %arg8[%get3A_2068, %get3A_2069] {strides = array<i32>} : memref<8x256xf32, #tpu.memory_space<vmem>>, vector<16xf32>,
    %mul3A_2071 = arith.constant 5.000000e-01 : f32
    %mul3A_2072 = vector.broadcast %mul3A_2071 : f32 to vector<16xf32>
    %mul3A_2073 = arith.mulf %get3A_2070, %mul3A_2072 : vector<16xf32>
    %get3A_2074 = arith.constant 4 : i32
    %get3A_2075 = arith.index_cast %get3A_2074 : i32 to index
    %get3A_2076 = arith.constant 112 : index
    %get3A_2077 = tpu.vector_load %arg9[%get3A_2075, %get3A_2076] {strides = array<i32>} : memref<8x256xf32, #tpu.memory_space<vmem>>, vector<16xf32>,
    %add3A_2078 = arith.addf %mul3A_2073, %get3A_2077 : vector<16xf32>
    %swap3A_2079 = arith.constant 4 : i32
    %swap3A_2080 = arith.index_cast %swap3A_2079 : i32 to index
    %swap3A_2081 = arith.constant 112 : index
    %swap3A_2082 = tpu.vector_load %arg8[%swap3A_2080, %swap3A_2081] {strides = array<i32>} : memref<8x256xf32, #tpu.memory_space<vmem>>, vector<16xf32>,
    tpu.vector_store %arg8[%swap3A_2080, %swap3A_2081], %add3A_2078 {strides = array<i32>} : memref<8x256xf32, #tpu.memory_space<vmem>>, vector<16xf32>,
    %mul3A_2083 = arith.mulf %add3A_2078, %add3A_2078 : vector<16xf32>
    %add3A_2084 = arith.addf %add3A_2066, %mul3A_2083 : vector<16xf32>
    %get3A_2085 = arith.constant 4 : i32
    %get3A_2086 = arith.index_cast %get3A_2085 : i32 to index
    %get3A_2087 = arith.constant 128 : index
    %get3A_2088 = tpu.vector_load %arg8[%get3A_2086, %get3A_2087] {strides = array<i32>} : memref<8x256xf32, #tpu.memory_space<vmem>>, vector<16xf32>,
    %mul3A_2089 = arith.constant 5.000000e-01 : f32
    %mul3A_2090 = vector.broadcast %mul3A_2089 : f32 to vector<16xf32>
    %mul3A_2091 = arith.mulf %get3A_2088, %mul3A_2090 : vector<16xf32>
    %get3A_2092 = arith.constant 4 : i32
    %get3A_2093 = arith.index_cast %get3A_2092 : i32 to index
    %get3A_2094 = arith.constant 128 : index
    %get3A_2095 = tpu.vector_load %arg9[%get3A_2093, %get3A_2094] {strides = array<i32>} : memref<8x256xf32, #tpu.memory_space<vmem>>, vector<16xf32>,
    %add3A_2096 = arith.addf %mul3A_2091, %get3A_2095 : vector<16xf32>
    %swap3A_2097 = arith.constant 4 : i32
    %swap3A_2098 = arith.index_cast %swap3A_2097 : i32 to index
    %swap3A_2099 = arith.constant 128 : index
    %swap3A_2100 = tpu.vector_load %arg8[%swap3A_2098, %swap3A_2099] {strides = array<i32>} : memref<8x256xf32, #tpu.memory_space<vmem>>, vector<16xf32>,
    tpu.vector_store %arg8[%swap3A_2098, %swap3A_2099], %add3A_2096 {strides = array<i32>} : memref<8x256xf32, #tpu.memory_space<vmem>>, vector<16xf32>,
    %mul3A_2101 = arith.mulf %add3A_2096, %add3A_2096 : vector<16xf32>
    %add3A_2102 = arith.addf %add3A_2084, %mul3A_2101 : vector<16xf32>
    %get3A_2103 = arith.constant 4 : i32
    %get3A_2104 = arith.index_cast %get3A_2103 : i32 to index
    %get3A_2105 = arith.constant 144 : index
    %get3A_2106 = tpu.vector_load %arg8[%get3A_2104, %get3A_2105] {strides = array<i32>} : memref<8x256xf32, #tpu.memory_space<vmem>>, vector<16xf32>,
    %mul3A_2107 = arith.constant 5.000000e-01 : f32
    %mul3A_2108 = vector.broadcast %mul3A_2107 : f32 to vector<16xf32>
    %mul3A_2109 = arith.mulf %get3A_2106, %mul3A_2108 : vector<16xf32>
    %get3A_2110 = arith.constant 4 : i32
    %get3A_2111 = arith.index_cast %get3A_2110 : i32 to index
    %get3A_2112 = arith.constant 144 : index
    %get3A_2113 = tpu.vector_load %arg9[%get3A_2111, %get3A_2112] {strides = array<i32>} : memref<8x256xf32, #tpu.memory_space<vmem>>, vector<16xf32>,
    %add3A_2114 = arith.addf %mul3A_2109, %get3A_2113 : vector<16xf32>
    %swap3A_2115 = arith.constant 4 : i32
    %swap3A_2116 = arith.index_cast %swap3A_2115 : i32 to index
    %swap3A_2117 = arith.constant 144 : index
    %swap3A_2118 = tpu.vector_load %arg8[%swap3A_2116, %swap3A_2117] {strides = array<i32>} : memref<8x256xf32, #tpu.memory_space<vmem>>, vector<16xf32>,
    tpu.vector_store %arg8[%swap3A_2116, %swap3A_2117], %add3A_2114 {strides = array<i32>} : memref<8x256xf32, #tpu.memory_space<vmem>>, vector<16xf32>,
    %mul3A_2119 = arith.mulf %add3A_2114, %add3A_2114 : vector<16xf32>
    %add3A_2120 = arith.addf %add3A_2102, %mul3A_2119 : vector<16xf32>
    %get3A_2121 = arith.constant 4 : i32
    %get3A_2122 = arith.index_cast %get3A_2121 : i32 to index
    %get3A_2123 = arith.constant 160 : index
    %get3A_2124 = tpu.vector_load %arg8[%get3A_2122, %get3A_2123] {strides = array<i32>} : memref<8x256xf32, #tpu.memory_space<vmem>>, vector<16xf32>,
    %mul3A_2125 = arith.constant 5.000000e-01 : f32
    %mul3A_2126 = vector.broadcast %mul3A_2125 : f32 to vector<16xf32>
    %mul3A_2127 = arith.mulf %get3A_2124, %mul3A_2126 : vector<16xf32>
    %get3A_2128 = arith.constant 4 : i32
    %get3A_2129 = arith.index_cast %get3A_2128 : i32 to index
    %get3A_2130 = arith.constant 160 : index
    %get3A_2131 = tpu.vector_load %arg9[%get3A_2129, %get3A_2130] {strides = array<i32>} : memref<8x256xf32, #tpu.memory_space<vmem>>, vector<16xf32>,
    %add3A_2132 = arith.addf %mul3A_2127, %get3A_2131 : vector<16xf32>
    %swap3A_2133 = arith.constant 4 : i32
    %swap3A_2134 = arith.index_cast %swap3A_2133 : i32 to index
    %swap3A_2135 = arith.constant 160 : index
    %swap3A_2136 = tpu.vector_load %arg8[%swap3A_2134, %swap3A_2135] {strides = array<i32>} : memref<8x256xf32, #tpu.memory_space<vmem>>, vector<16xf32>,
    tpu.vector_store %arg8[%swap3A_2134, %swap3A_2135], %add3A_2132 {strides = array<i32>} : memref<8x256xf32, #tpu.memory_space<vmem>>, vector<16xf32>,
    %mul3A_2137 = arith.mulf %add3A_2132, %add3A_2132 : vector<16xf32>
    %add3A_2138 = arith.addf %add3A_2120, %mul3A_2137 : vector<16xf32>
    %get3A_2139 = arith.constant 4 : i32
    %get3A_2140 = arith.index_cast %get3A_2139 : i32 to index
    %get3A_2141 = arith.constant 176 : index
    %get3A_2142 = tpu.vector_load %arg8[%get3A_2140, %get3A_2141] {strides = array<i32>} : memref<8x256xf32, #tpu.memory_space<vmem>>, vector<16xf32>,
    %mul3A_2143 = arith.constant 5.000000e-01 : f32
    %mul3A_2144 = vector.broadcast %mul3A_2143 : f32 to vector<16xf32>
    %mul3A_2145 = arith.mulf %get3A_2142, %mul3A_2144 : vector<16xf32>
    %get3A_2146 = arith.constant 4 : i32
    %get3A_2147 = arith.index_cast %get3A_2146 : i32 to index
    %get3A_2148 = arith.constant 176 : index
    %get3A_2149 = tpu.vector_load %arg9[%get3A_2147, %get3A_2148] {strides = array<i32>} : memref<8x256xf32, #tpu.memory_space<vmem>>, vector<16xf32>,
    %add3A_2150 = arith.addf %mul3A_2145, %get3A_2149 : vector<16xf32>
    %swap3A_2151 = arith.constant 4 : i32
    %swap3A_2152 = arith.index_cast %swap3A_2151 : i32 to index
    %swap3A_2153 = arith.constant 176 : index
    %swap3A_2154 = tpu.vector_load %arg8[%swap3A_2152, %swap3A_2153] {strides = array<i32>} : memref<8x256xf32, #tpu.memory_space<vmem>>, vector<16xf32>,
    tpu.vector_store %arg8[%swap3A_2152, %swap3A_2153], %add3A_2150 {strides = array<i32>} : memref<8x256xf32, #tpu.memory_space<vmem>>, vector<16xf32>,
    %mul3A_2155 = arith.mulf %add3A_2150, %add3A_2150 : vector<16xf32>
    %add3A_2156 = arith.addf %add3A_2138, %mul3A_2155 : vector<16xf32>
    %get3A_2157 = arith.constant 4 : i32
    %get3A_2158 = arith.index_cast %get3A_2157 : i32 to index
    %get3A_2159 = arith.constant 192 : index
    %get3A_2160 = tpu.vector_load %arg8[%get3A_2158, %get3A_2159] {strides = array<i32>} : memref<8x256xf32, #tpu.memory_space<vmem>>, vector<16xf32>,
    %mul3A_2161 = arith.constant 5.000000e-01 : f32
    %mul3A_2162 = vector.broadcast %mul3A_2161 : f32 to vector<16xf32>
    %mul3A_2163 = arith.mulf %get3A_2160, %mul3A_2162 : vector<16xf32>
    %get3A_2164 = arith.constant 4 : i32
    %get3A_2165 = arith.index_cast %get3A_2164 : i32 to index
    %get3A_2166 = arith.constant 192 : index
    %get3A_2167 = tpu.vector_load %arg9[%get3A_2165, %get3A_2166] {strides = array<i32>} : memref<8x256xf32, #tpu.memory_space<vmem>>, vector<16xf32>,
    %add3A_2168 = arith.addf %mul3A_2163, %get3A_2167 : vector<16xf32>
    %swap3A_2169 = arith.constant 4 : i32
    %swap3A_2170 = arith.index_cast %swap3A_2169 : i32 to index
    %swap3A_2171 = arith.constant 192 : index
    %swap3A_2172 = tpu.vector_load %arg8[%swap3A_2170, %swap3A_2171] {strides = array<i32>} : memref<8x256xf32, #tpu.memory_space<vmem>>, vector<16xf32>,
    tpu.vector_store %arg8[%swap3A_2170, %swap3A_2171], %add3A_2168 {strides = array<i32>} : memref<8x256xf32, #tpu.memory_space<vmem>>, vector<16xf32>,
    %mul3A_2173 = arith.mulf %add3A_2168, %add3A_2168 : vector<16xf32>
    %add3A_2174 = arith.addf %add3A_2156, %mul3A_2173 : vector<16xf32>
    %get3A_2175 = arith.constant 4 : i32
    %get3A_2176 = arith.index_cast %get3A_2175 : i32 to index
    %get3A_2177 = arith.constant 208 : index
    %get3A_2178 = tpu.vector_load %arg8[%get3A_2176, %get3A_2177] {strides = array<i32>} : memref<8x256xf32, #tpu.memory_space<vmem>>, vector<16xf32>,
    %mul3A_2179 = arith.constant 5.000000e-01 : f32
    %mul3A_2180 = vector.broadcast %mul3A_2179 : f32 to vector<16xf32>
    %mul3A_2181 = arith.mulf %get3A_2178, %mul3A_2180 : vector<16xf32>
    %get3A_2182 = arith.constant 4 : i32
    %get3A_2183 = arith.index_cast %get3A_2182 : i32 to index
    %get3A_2184 = arith.constant 208 : index
    %get3A_2185 = tpu.vector_load %arg9[%get3A_2183, %get3A_2184] {strides = array<i32>} : memref<8x256xf32, #tpu.memory_space<vmem>>, vector<16xf32>,
    %add3A_2186 = arith.addf %mul3A_2181, %get3A_2185 : vector<16xf32>
    %swap3A_2187 = arith.constant 4 : i32
    %swap3A_2188 = arith.index_cast %swap3A_2187 : i32 to index
    %swap3A_2189 = arith.constant 208 : index
    %swap3A_2190 = tpu.vector_load %arg8[%swap3A_2188, %swap3A_2189] {strides = array<i32>} : memref<8x256xf32, #tpu.memory_space<vmem>>, vector<16xf32>,
    tpu.vector_store %arg8[%swap3A_2188, %swap3A_2189], %add3A_2186 {strides = array<i32>} : memref<8x256xf32, #tpu.memory_space<vmem>>, vector<16xf32>,
    %mul3A_2191 = arith.mulf %add3A_2186, %add3A_2186 : vector<16xf32>
    %add3A_2192 = arith.addf %add3A_2174, %mul3A_2191 : vector<16xf32>
    %get3A_2193 = arith.constant 4 : i32
    %get3A_2194 = arith.index_cast %get3A_2193 : i32 to index
    %get3A_2195 = arith.constant 224 : index
    %get3A_2196 = tpu.vector_load %arg8[%get3A_2194, %get3A_2195] {strides = array<i32>} : memref<8x256xf32, #tpu.memory_space<vmem>>, vector<16xf32>,
    %mul3A_2197 = arith.constant 5.000000e-01 : f32
    %mul3A_2198 = vector.broadcast %mul3A_2197 : f32 to vector<16xf32>
    %mul3A_2199 = arith.mulf %get3A_2196, %mul3A_2198 : vector<16xf32>
    %get3A_2200 = arith.constant 4 : i32
    %get3A_2201 = arith.index_cast %get3A_2200 : i32 to index
    %get3A_2202 = arith.constant 224 : index
    %get3A_2203 = tpu.vector_load %arg9[%get3A_2201, %get3A_2202] {strides = array<i32>} : memref<8x256xf32, #tpu.memory_space<vmem>>, vector<16xf32>,
    %add3A_2204 = arith.addf %mul3A_2199, %get3A_2203 : vector<16xf32>
    %swap3A_2205 = arith.constant 4 : i32
    %swap3A_2206 = arith.index_cast %swap3A_2205 : i32 to index
    %swap3A_2207 = arith.constant 224 : index
    %swap3A_2208 = tpu.vector_load %arg8[%swap3A_2206, %swap3A_2207] {strides = array<i32>} : memref<8x256xf32, #tpu.memory_space<vmem>>, vector<16xf32>,
    tpu.vector_store %arg8[%swap3A_2206, %swap3A_2207], %add3A_2204 {strides = array<i32>} : memref<8x256xf32, #tpu.memory_space<vmem>>, vector<16xf32>,
    %mul3A_2209 = arith.mulf %add3A_2204, %add3A_2204 : vector<16xf32>
    %add3A_2210 = arith.addf %add3A_2192, %mul3A_2209 : vector<16xf32>
    %get3A_2211 = arith.constant 4 : i32
    %get3A_2212 = arith.index_cast %get3A_2211 : i32 to index
    %get3A_2213 = arith.constant 240 : index
    %get3A_2214 = tpu.vector_load %arg8[%get3A_2212, %get3A_2213] {strides = array<i32>} : memref<8x256xf32, #tpu.memory_space<vmem>>, vector<16xf32>,
    %mul3A_2215 = arith.constant 5.000000e-01 : f32
    %mul3A_2216 = vector.broadcast %mul3A_2215 : f32 to vector<16xf32>
    %mul3A_2217 = arith.mulf %get3A_2214, %mul3A_2216 : vector<16xf32>
    %get3A_2218 = arith.constant 4 : i32
    %get3A_2219 = arith.index_cast %get3A_2218 : i32 to index
    %get3A_2220 = arith.constant 240 : index
    %get3A_2221 = tpu.vector_load %arg9[%get3A_2219, %get3A_2220] {strides = array<i32>} : memref<8x256xf32, #tpu.memory_space<vmem>>, vector<16xf32>,
    %add3A_2222 = arith.addf %mul3A_2217, %get3A_2221 : vector<16xf32>
    %swap3A_2223 = arith.constant 4 : i32
    %swap3A_2224 = arith.index_cast %swap3A_2223 : i32 to index
    %swap3A_2225 = arith.constant 240 : index
    %swap3A_2226 = tpu.vector_load %arg8[%swap3A_2224, %swap3A_2225] {strides = array<i32>} : memref<8x256xf32, #tpu.memory_space<vmem>>, vector<16xf32>,
    tpu.vector_store %arg8[%swap3A_2224, %swap3A_2225], %add3A_2222 {strides = array<i32>} : memref<8x256xf32, #tpu.memory_space<vmem>>, vector<16xf32>,
    %mul3A_2227 = arith.mulf %add3A_2222, %add3A_2222 : vector<16xf32>
    %add3A_2228 = arith.addf %add3A_2210, %mul3A_2227 : vector<16xf32>
    %reduce_sum3A_2229 = arith.constant true
    %reduce_sum3A_2230 = vector.broadcast %reduce_sum3A_2229 : i1 to vector<16xi1>
    %reduce_sum3A_2231 = tpu.scan <sum>, %add3A_2228 masked %reduce_sum3A_2230 : vector<16xf32>, vector<16xi1> -> vector<16xf32>
    %reduce_sum3A_2232 = vector.extract %reduce_sum3A_2231[15] : f32 from vector<16xf32>
    %broadcast_in_dim3A_2233 = vector.broadcast %reduce_sum3A_2232 : f32 to vector<16xf32>
    %bitcast3A_2234 = vector.bitcast %broadcast_in_dim3A_2233 : vector<16xf32> to vector<16xi32>
    %shift_right_arithmetic3A_2235 = arith.constant 1 : i32
    %shift_right_arithmetic3A_2236 = vector.broadcast %shift_right_arithmetic3A_2235 : i32 to vector<16xi32>
    %shift_right_arithmetic3A_2237 = arith.shrsi %bitcast3A_2234, %shift_right_arithmetic3A_2236 : vector<16xi32>
    %sub3A_2238 = arith.constant 1597463007 : i32
    %sub3A_2239 = vector.broadcast %sub3A_2238 : i32 to vector<16xi32>
    %sub3A_2240 = arith.subi %sub3A_2239, %shift_right_arithmetic3A_2237 : vector<16xi32>
    %bitcast3A_2241 = vector.bitcast %sub3A_2240 : vector<16xi32> to vector<16xf32>
    %mul3A_2242 = arith.constant 5.000000e-01 : f32
    %mul3A_2243 = vector.broadcast %mul3A_2242 : f32 to vector<16xf32>
    %mul3A_2244 = arith.mulf %mul3A_2243, %broadcast_in_dim3A_2233 : vector<16xf32>
    %mul3A_2245 = arith.mulf %mul3A_2244, %bitcast3A_2241 : vector<16xf32>
    %mul3A_2246 = arith.mulf %mul3A_2245, %bitcast3A_2241 : vector<16xf32>
    %sub3A_2247 = arith.constant 1.500000e+00 : f32
    %sub3A_2248 = vector.broadcast %sub3A_2247 : f32 to vector<16xf32>
    %sub3A_2249 = arith.subf %sub3A_2248, %mul3A_2246 : vector<16xf32>
    %mul3A_2250 = arith.mulf %bitcast3A_2241, %sub3A_2249 : vector<16xf32>
    %mul3A_2251 = arith.constant 5.000000e-01 : f32
    %mul3A_2252 = vector.broadcast %mul3A_2251 : f32 to vector<16xf32>
    %mul3A_2253 = arith.mulf %mul3A_2252, %broadcast_in_dim3A_2233 : vector<16xf32>
    %mul3A_2254 = arith.mulf %mul3A_2253, %mul3A_2250 : vector<16xf32>
    %mul3A_2255 = arith.mulf %mul3A_2254, %mul3A_2250 : vector<16xf32>
    %sub3A_2256 = arith.constant 1.500000e+00 : f32
    %sub3A_2257 = vector.broadcast %sub3A_2256 : f32 to vector<16xf32>
    %sub3A_2258 = arith.subf %sub3A_2257, %mul3A_2255 : vector<16xf32>
    %mul3A_2259 = arith.mulf %mul3A_2250, %sub3A_2258 : vector<16xf32>
    %mul3A_2260 = arith.constant 5.000000e-01 : f32
    %mul3A_2261 = vector.broadcast %mul3A_2260 : f32 to vector<16xf32>
    %mul3A_2262 = arith.mulf %mul3A_2261, %broadcast_in_dim3A_2233 : vector<16xf32>
    %mul3A_2263 = arith.mulf %mul3A_2262, %mul3A_2259 : vector<16xf32>
    %mul3A_2264 = arith.mulf %mul3A_2263, %mul3A_2259 : vector<16xf32>
    %sub3A_2265 = arith.constant 1.500000e+00 : f32
    %sub3A_2266 = vector.broadcast %sub3A_2265 : f32 to vector<16xf32>
    %sub3A_2267 = arith.subf %sub3A_2266, %mul3A_2264 : vector<16xf32>
    %mul3A_2268 = arith.mulf %mul3A_2259, %sub3A_2267 : vector<16xf32>
    %mul3A_2269 = arith.constant 5.000000e-01 : f32
    %mul3A_2270 = vector.broadcast %mul3A_2269 : f32 to vector<16xf32>
    %mul3A_2271 = arith.mulf %mul3A_2270, %broadcast_in_dim3A_2233 : vector<16xf32>
    %mul3A_2272 = arith.mulf %mul3A_2271, %mul3A_2268 : vector<16xf32>
    %mul3A_2273 = arith.mulf %mul3A_2272, %mul3A_2268 : vector<16xf32>
    %sub3A_2274 = arith.constant 1.500000e+00 : f32
    %sub3A_2275 = vector.broadcast %sub3A_2274 : f32 to vector<16xf32>
    %sub3A_2276 = arith.subf %sub3A_2275, %mul3A_2273 : vector<16xf32>
    %mul3A_2277 = arith.mulf %mul3A_2268, %sub3A_2276 : vector<16xf32>
    %get3A_2278 = arith.constant 4 : i32
    %get3A_2279 = arith.index_cast %get3A_2278 : i32 to index
    %get3A_2280 = arith.constant 0 : index
    %get3A_2281 = tpu.vector_load %arg8[%get3A_2279, %get3A_2280] {strides = array<i32>} : memref<8x256xf32, #tpu.memory_space<vmem>>, vector<16xf32>,
    %mul3A_2282 = arith.mulf %get3A_2281, %mul3A_2277 : vector<16xf32>
    %swap3A_2283 = arith.constant 4 : i32
    %swap3A_2284 = arith.index_cast %swap3A_2283 : i32 to index
    %swap3A_2285 = arith.constant 0 : index
    %swap3A_2286 = tpu.vector_load %arg8[%swap3A_2284, %swap3A_2285] {strides = array<i32>} : memref<8x256xf32, #tpu.memory_space<vmem>>, vector<16xf32>,
    tpu.vector_store %arg8[%swap3A_2284, %swap3A_2285], %mul3A_2282 {strides = array<i32>} : memref<8x256xf32, #tpu.memory_space<vmem>>, vector<16xf32>,
    %get3A_2287 = arith.constant 4 : i32
    %get3A_2288 = arith.index_cast %get3A_2287 : i32 to index
    %get3A_2289 = arith.constant 16 : index
    %get3A_2290 = tpu.vector_load %arg8[%get3A_2288, %get3A_2289] {strides = array<i32>} : memref<8x256xf32, #tpu.memory_space<vmem>>, vector<16xf32>,
    %mul3A_2291 = arith.mulf %get3A_2290, %mul3A_2277 : vector<16xf32>
    %swap3A_2292 = arith.constant 4 : i32
    %swap3A_2293 = arith.index_cast %swap3A_2292 : i32 to index
    %swap3A_2294 = arith.constant 16 : index
    %swap3A_2295 = tpu.vector_load %arg8[%swap3A_2293, %swap3A_2294] {strides = array<i32>} : memref<8x256xf32, #tpu.memory_space<vmem>>, vector<16xf32>,
    tpu.vector_store %arg8[%swap3A_2293, %swap3A_2294], %mul3A_2291 {strides = array<i32>} : memref<8x256xf32, #tpu.memory_space<vmem>>, vector<16xf32>,
    %get3A_2296 = arith.constant 4 : i32
    %get3A_2297 = arith.index_cast %get3A_2296 : i32 to index
    %get3A_2298 = arith.constant 32 : index
    %get3A_2299 = tpu.vector_load %arg8[%get3A_2297, %get3A_2298] {strides = array<i32>} : memref<8x256xf32, #tpu.memory_space<vmem>>, vector<16xf32>,
    %mul3A_2300 = arith.mulf %get3A_2299, %mul3A_2277 : vector<16xf32>
    %swap3A_2301 = arith.constant 4 : i32
    %swap3A_2302 = arith.index_cast %swap3A_2301 : i32 to index
    %swap3A_2303 = arith.constant 32 : index
    %swap3A_2304 = tpu.vector_load %arg8[%swap3A_2302, %swap3A_2303] {strides = array<i32>} : memref<8x256xf32, #tpu.memory_space<vmem>>, vector<16xf32>,
    tpu.vector_store %arg8[%swap3A_2302, %swap3A_2303], %mul3A_2300 {strides = array<i32>} : memref<8x256xf32, #tpu.memory_space<vmem>>, vector<16xf32>,
    %get3A_2305 = arith.constant 4 : i32
    %get3A_2306 = arith.index_cast %get3A_2305 : i32 to index
    %get3A_2307 = arith.constant 48 : index
    %get3A_2308 = tpu.vector_load %arg8[%get3A_2306, %get3A_2307] {strides = array<i32>} : memref<8x256xf32, #tpu.memory_space<vmem>>, vector<16xf32>,
    %mul3A_2309 = arith.mulf %get3A_2308, %mul3A_2277 : vector<16xf32>
    %swap3A_2310 = arith.constant 4 : i32
    %swap3A_2311 = arith.index_cast %swap3A_2310 : i32 to index
    %swap3A_2312 = arith.constant 48 : index
    %swap3A_2313 = tpu.vector_load %arg8[%swap3A_2311, %swap3A_2312] {strides = array<i32>} : memref<8x256xf32, #tpu.memory_space<vmem>>, vector<16xf32>,
    tpu.vector_store %arg8[%swap3A_2311, %swap3A_2312], %mul3A_2309 {strides = array<i32>} : memref<8x256xf32, #tpu.memory_space<vmem>>, vector<16xf32>,
    %get3A_2314 = arith.constant 4 : i32
    %get3A_2315 = arith.index_cast %get3A_2314 : i32 to index
    %get3A_2316 = arith.constant 64 : index
    %get3A_2317 = tpu.vector_load %arg8[%get3A_2315, %get3A_2316] {strides = array<i32>} : memref<8x256xf32, #tpu.memory_space<vmem>>, vector<16xf32>,
    %mul3A_2318 = arith.mulf %get3A_2317, %mul3A_2277 : vector<16xf32>
    %swap3A_2319 = arith.constant 4 : i32
    %swap3A_2320 = arith.index_cast %swap3A_2319 : i32 to index
    %swap3A_2321 = arith.constant 64 : index
    %swap3A_2322 = tpu.vector_load %arg8[%swap3A_2320, %swap3A_2321] {strides = array<i32>} : memref<8x256xf32, #tpu.memory_space<vmem>>, vector<16xf32>,
    tpu.vector_store %arg8[%swap3A_2320, %swap3A_2321], %mul3A_2318 {strides = array<i32>} : memref<8x256xf32, #tpu.memory_space<vmem>>, vector<16xf32>,
    %get3A_2323 = arith.constant 4 : i32
    %get3A_2324 = arith.index_cast %get3A_2323 : i32 to index
    %get3A_2325 = arith.constant 80 : index
    %get3A_2326 = tpu.vector_load %arg8[%get3A_2324, %get3A_2325] {strides = array<i32>} : memref<8x256xf32, #tpu.memory_space<vmem>>, vector<16xf32>,
    %mul3A_2327 = arith.mulf %get3A_2326, %mul3A_2277 : vector<16xf32>
    %swap3A_2328 = arith.constant 4 : i32
    %swap3A_2329 = arith.index_cast %swap3A_2328 : i32 to index
    %swap3A_2330 = arith.constant 80 : index
    %swap3A_2331 = tpu.vector_load %arg8[%swap3A_2329, %swap3A_2330] {strides = array<i32>} : memref<8x256xf32, #tpu.memory_space<vmem>>, vector<16xf32>,
    tpu.vector_store %arg8[%swap3A_2329, %swap3A_2330], %mul3A_2327 {strides = array<i32>} : memref<8x256xf32, #tpu.memory_space<vmem>>, vector<16xf32>,
    %get3A_2332 = arith.constant 4 : i32
    %get3A_2333 = arith.index_cast %get3A_2332 : i32 to index
    %get3A_2334 = arith.constant 96 : index
    %get3A_2335 = tpu.vector_load %arg8[%get3A_2333, %get3A_2334] {strides = array<i32>} : memref<8x256xf32, #tpu.memory_space<vmem>>, vector<16xf32>,
    %mul3A_2336 = arith.mulf %get3A_2335, %mul3A_2277 : vector<16xf32>
    %swap3A_2337 = arith.constant 4 : i32
    %swap3A_2338 = arith.index_cast %swap3A_2337 : i32 to index
    %swap3A_2339 = arith.constant 96 : index
    %swap3A_2340 = tpu.vector_load %arg8[%swap3A_2338, %swap3A_2339] {strides = array<i32>} : memref<8x256xf32, #tpu.memory_space<vmem>>, vector<16xf32>,
    tpu.vector_store %arg8[%swap3A_2338, %swap3A_2339], %mul3A_2336 {strides = array<i32>} : memref<8x256xf32, #tpu.memory_space<vmem>>, vector<16xf32>,
    %get3A_2341 = arith.constant 4 : i32
    %get3A_2342 = arith.index_cast %get3A_2341 : i32 to index
    %get3A_2343 = arith.constant 112 : index
    %get3A_2344 = tpu.vector_load %arg8[%get3A_2342, %get3A_2343] {strides = array<i32>} : memref<8x256xf32, #tpu.memory_space<vmem>>, vector<16xf32>,
    %mul3A_2345 = arith.mulf %get3A_2344, %mul3A_2277 : vector<16xf32>
    %swap3A_2346 = arith.constant 4 : i32
    %swap3A_2347 = arith.index_cast %swap3A_2346 : i32 to index
    %swap3A_2348 = arith.constant 112 : index
    %swap3A_2349 = tpu.vector_load %arg8[%swap3A_2347, %swap3A_2348] {strides = array<i32>} : memref<8x256xf32, #tpu.memory_space<vmem>>, vector<16xf32>,
    tpu.vector_store %arg8[%swap3A_2347, %swap3A_2348], %mul3A_2345 {strides = array<i32>} : memref<8x256xf32, #tpu.memory_space<vmem>>, vector<16xf32>,
    %get3A_2350 = arith.constant 4 : i32
    %get3A_2351 = arith.index_cast %get3A_2350 : i32 to index
    %get3A_2352 = arith.constant 128 : index
    %get3A_2353 = tpu.vector_load %arg8[%get3A_2351, %get3A_2352] {strides = array<i32>} : memref<8x256xf32, #tpu.memory_space<vmem>>, vector<16xf32>,
    %mul3A_2354 = arith.mulf %get3A_2353, %mul3A_2277 : vector<16xf32>
    %swap3A_2355 = arith.constant 4 : i32
    %swap3A_2356 = arith.index_cast %swap3A_2355 : i32 to index
    %swap3A_2357 = arith.constant 128 : index
    %swap3A_2358 = tpu.vector_load %arg8[%swap3A_2356, %swap3A_2357] {strides = array<i32>} : memref<8x256xf32, #tpu.memory_space<vmem>>, vector<16xf32>,
    tpu.vector_store %arg8[%swap3A_2356, %swap3A_2357], %mul3A_2354 {strides = array<i32>} : memref<8x256xf32, #tpu.memory_space<vmem>>, vector<16xf32>,
    %get3A_2359 = arith.constant 4 : i32
    %get3A_2360 = arith.index_cast %get3A_2359 : i32 to index
    %get3A_2361 = arith.constant 144 : index
    %get3A_2362 = tpu.vector_load %arg8[%get3A_2360, %get3A_2361] {strides = array<i32>} : memref<8x256xf32, #tpu.memory_space<vmem>>, vector<16xf32>,
    %mul3A_2363 = arith.mulf %get3A_2362, %mul3A_2277 : vector<16xf32>
    %swap3A_2364 = arith.constant 4 : i32
    %swap3A_2365 = arith.index_cast %swap3A_2364 : i32 to index
    %swap3A_2366 = arith.constant 144 : index
    %swap3A_2367 = tpu.vector_load %arg8[%swap3A_2365, %swap3A_2366] {strides = array<i32>} : memref<8x256xf32, #tpu.memory_space<vmem>>, vector<16xf32>,
    tpu.vector_store %arg8[%swap3A_2365, %swap3A_2366], %mul3A_2363 {strides = array<i32>} : memref<8x256xf32, #tpu.memory_space<vmem>>, vector<16xf32>,
    %get3A_2368 = arith.constant 4 : i32
    %get3A_2369 = arith.index_cast %get3A_2368 : i32 to index
    %get3A_2370 = arith.constant 160 : index
    %get3A_2371 = tpu.vector_load %arg8[%get3A_2369, %get3A_2370] {strides = array<i32>} : memref<8x256xf32, #tpu.memory_space<vmem>>, vector<16xf32>,
    %mul3A_2372 = arith.mulf %get3A_2371, %mul3A_2277 : vector<16xf32>
    %swap3A_2373 = arith.constant 4 : i32
    %swap3A_2374 = arith.index_cast %swap3A_2373 : i32 to index
    %swap3A_2375 = arith.constant 160 : index
    %swap3A_2376 = tpu.vector_load %arg8[%swap3A_2374, %swap3A_2375] {strides = array<i32>} : memref<8x256xf32, #tpu.memory_space<vmem>>, vector<16xf32>,
    tpu.vector_store %arg8[%swap3A_2374, %swap3A_2375], %mul3A_2372 {strides = array<i32>} : memref<8x256xf32, #tpu.memory_space<vmem>>, vector<16xf32>,
    %get3A_2377 = arith.constant 4 : i32
    %get3A_2378 = arith.index_cast %get3A_2377 : i32 to index
    %get3A_2379 = arith.constant 176 : index
    %get3A_2380 = tpu.vector_load %arg8[%get3A_2378, %get3A_2379] {strides = array<i32>} : memref<8x256xf32, #tpu.memory_space<vmem>>, vector<16xf32>,
    %mul3A_2381 = arith.mulf %get3A_2380, %mul3A_2277 : vector<16xf32>
    %swap3A_2382 = arith.constant 4 : i32
    %swap3A_2383 = arith.index_cast %swap3A_2382 : i32 to index
    %swap3A_2384 = arith.constant 176 : index
    %swap3A_2385 = tpu.vector_load %arg8[%swap3A_2383, %swap3A_2384] {strides = array<i32>} : memref<8x256xf32, #tpu.memory_space<vmem>>, vector<16xf32>,
    tpu.vector_store %arg8[%swap3A_2383, %swap3A_2384], %mul3A_2381 {strides = array<i32>} : memref<8x256xf32, #tpu.memory_space<vmem>>, vector<16xf32>,
    %get3A_2386 = arith.constant 4 : i32
    %get3A_2387 = arith.index_cast %get3A_2386 : i32 to index
    %get3A_2388 = arith.constant 192 : index
    %get3A_2389 = tpu.vector_load %arg8[%get3A_2387, %get3A_2388] {strides = array<i32>} : memref<8x256xf32, #tpu.memory_space<vmem>>, vector<16xf32>,
    %mul3A_2390 = arith.mulf %get3A_2389, %mul3A_2277 : vector<16xf32>
    %swap3A_2391 = arith.constant 4 : i32
    %swap3A_2392 = arith.index_cast %swap3A_2391 : i32 to index
    %swap3A_2393 = arith.constant 192 : index
    %swap3A_2394 = tpu.vector_load %arg8[%swap3A_2392, %swap3A_2393] {strides = array<i32>} : memref<8x256xf32, #tpu.memory_space<vmem>>, vector<16xf32>,
    tpu.vector_store %arg8[%swap3A_2392, %swap3A_2393], %mul3A_2390 {strides = array<i32>} : memref<8x256xf32, #tpu.memory_space<vmem>>, vector<16xf32>,
    %get3A_2395 = arith.constant 4 : i32
    %get3A_2396 = arith.index_cast %get3A_2395 : i32 to index
    %get3A_2397 = arith.constant 208 : index
    %get3A_2398 = tpu.vector_load %arg8[%get3A_2396, %get3A_2397] {strides = array<i32>} : memref<8x256xf32, #tpu.memory_space<vmem>>, vector<16xf32>,
    %mul3A_2399 = arith.mulf %get3A_2398, %mul3A_2277 : vector<16xf32>
    %swap3A_2400 = arith.constant 4 : i32
    %swap3A_2401 = arith.index_cast %swap3A_2400 : i32 to index
    %swap3A_2402 = arith.constant 208 : index
    %swap3A_2403 = tpu.vector_load %arg8[%swap3A_2401, %swap3A_2402] {strides = array<i32>} : memref<8x256xf32, #tpu.memory_space<vmem>>, vector<16xf32>,
    tpu.vector_store %arg8[%swap3A_2401, %swap3A_2402], %mul3A_2399 {strides = array<i32>} : memref<8x256xf32, #tpu.memory_space<vmem>>, vector<16xf32>,
    %get3A_2404 = arith.constant 4 : i32
    %get3A_2405 = arith.index_cast %get3A_2404 : i32 to index
    %get3A_2406 = arith.constant 224 : index
    %get3A_2407 = tpu.vector_load %arg8[%get3A_2405, %get3A_2406] {strides = array<i32>} : memref<8x256xf32, #tpu.memory_space<vmem>>, vector<16xf32>,
    %mul3A_2408 = arith.mulf %get3A_2407, %mul3A_2277 : vector<16xf32>
    %swap3A_2409 = arith.constant 4 : i32
    %swap3A_2410 = arith.index_cast %swap3A_2409 : i32 to index
    %swap3A_2411 = arith.constant 224 : index
    %swap3A_2412 = tpu.vector_load %arg8[%swap3A_2410, %swap3A_2411] {strides = array<i32>} : memref<8x256xf32, #tpu.memory_space<vmem>>, vector<16xf32>,
    tpu.vector_store %arg8[%swap3A_2410, %swap3A_2411], %mul3A_2408 {strides = array<i32>} : memref<8x256xf32, #tpu.memory_space<vmem>>, vector<16xf32>,
    %get3A_2413 = arith.constant 4 : i32
    %get3A_2414 = arith.index_cast %get3A_2413 : i32 to index
    %get3A_2415 = arith.constant 240 : index
    %get3A_2416 = tpu.vector_load %arg8[%get3A_2414, %get3A_2415] {strides = array<i32>} : memref<8x256xf32, #tpu.memory_space<vmem>>, vector<16xf32>,
    %mul3A_2417 = arith.mulf %get3A_2416, %mul3A_2277 : vector<16xf32>
    %swap3A_2418 = arith.constant 4 : i32
    %swap3A_2419 = arith.index_cast %swap3A_2418 : i32 to index
    %swap3A_2420 = arith.constant 240 : index
    %swap3A_2421 = tpu.vector_load %arg8[%swap3A_2419, %swap3A_2420] {strides = array<i32>} : memref<8x256xf32, #tpu.memory_space<vmem>>, vector<16xf32>,
    tpu.vector_store %arg8[%swap3A_2419, %swap3A_2420], %mul3A_2417 {strides = array<i32>} : memref<8x256xf32, #tpu.memory_space<vmem>>, vector<16xf32>,
    %broadcast_in_dim3A_2422 = arith.constant 0.000000e+00 : f32
    %broadcast_in_dim3A_2423 = vector.broadcast %broadcast_in_dim3A_2422 : f32 to vector<16xf32>
    %get3A_2424 = arith.constant 5 : i32
    %get3A_2425 = arith.index_cast %get3A_2424 : i32 to index
    %get3A_2426 = arith.constant 0 : index
    %get3A_2427 = tpu.vector_load %arg8[%get3A_2425, %get3A_2426] {strides = array<i32>} : memref<8x256xf32, #tpu.memory_space<vmem>>, vector<16xf32>,
    %mul3A_2428 = arith.constant 5.000000e-01 : f32
    %mul3A_2429 = vector.broadcast %mul3A_2428 : f32 to vector<16xf32>
    %mul3A_2430 = arith.mulf %get3A_2427, %mul3A_2429 : vector<16xf32>
    %get3A_2431 = arith.constant 5 : i32
    %get3A_2432 = arith.index_cast %get3A_2431 : i32 to index
    %get3A_2433 = arith.constant 0 : index
    %get3A_2434 = tpu.vector_load %arg9[%get3A_2432, %get3A_2433] {strides = array<i32>} : memref<8x256xf32, #tpu.memory_space<vmem>>, vector<16xf32>,
    %add3A_2435 = arith.addf %mul3A_2430, %get3A_2434 : vector<16xf32>
    %swap3A_2436 = arith.constant 5 : i32
    %swap3A_2437 = arith.index_cast %swap3A_2436 : i32 to index
    %swap3A_2438 = arith.constant 0 : index
    %swap3A_2439 = tpu.vector_load %arg8[%swap3A_2437, %swap3A_2438] {strides = array<i32>} : memref<8x256xf32, #tpu.memory_space<vmem>>, vector<16xf32>,
    tpu.vector_store %arg8[%swap3A_2437, %swap3A_2438], %add3A_2435 {strides = array<i32>} : memref<8x256xf32, #tpu.memory_space<vmem>>, vector<16xf32>,
    %mul3A_2440 = arith.mulf %add3A_2435, %add3A_2435 : vector<16xf32>
    %add3A_2441 = arith.addf %broadcast_in_dim3A_2423, %mul3A_2440 : vector<16xf32>
    %get3A_2442 = arith.constant 5 : i32
    %get3A_2443 = arith.index_cast %get3A_2442 : i32 to index
    %get3A_2444 = arith.constant 16 : index
    %get3A_2445 = tpu.vector_load %arg8[%get3A_2443, %get3A_2444] {strides = array<i32>} : memref<8x256xf32, #tpu.memory_space<vmem>>, vector<16xf32>,
    %mul3A_2446 = arith.constant 5.000000e-01 : f32
    %mul3A_2447 = vector.broadcast %mul3A_2446 : f32 to vector<16xf32>
    %mul3A_2448 = arith.mulf %get3A_2445, %mul3A_2447 : vector<16xf32>
    %get3A_2449 = arith.constant 5 : i32
    %get3A_2450 = arith.index_cast %get3A_2449 : i32 to index
    %get3A_2451 = arith.constant 16 : index
    %get3A_2452 = tpu.vector_load %arg9[%get3A_2450, %get3A_2451] {strides = array<i32>} : memref<8x256xf32, #tpu.memory_space<vmem>>, vector<16xf32>,
    %add3A_2453 = arith.addf %mul3A_2448, %get3A_2452 : vector<16xf32>
    %swap3A_2454 = arith.constant 5 : i32
    %swap3A_2455 = arith.index_cast %swap3A_2454 : i32 to index
    %swap3A_2456 = arith.constant 16 : index
    %swap3A_2457 = tpu.vector_load %arg8[%swap3A_2455, %swap3A_2456] {strides = array<i32>} : memref<8x256xf32, #tpu.memory_space<vmem>>, vector<16xf32>,
    tpu.vector_store %arg8[%swap3A_2455, %swap3A_2456], %add3A_2453 {strides = array<i32>} : memref<8x256xf32, #tpu.memory_space<vmem>>, vector<16xf32>,
    %mul3A_2458 = arith.mulf %add3A_2453, %add3A_2453 : vector<16xf32>
    %add3A_2459 = arith.addf %add3A_2441, %mul3A_2458 : vector<16xf32>
    %get3A_2460 = arith.constant 5 : i32
    %get3A_2461 = arith.index_cast %get3A_2460 : i32 to index
    %get3A_2462 = arith.constant 32 : index
    %get3A_2463 = tpu.vector_load %arg8[%get3A_2461, %get3A_2462] {strides = array<i32>} : memref<8x256xf32, #tpu.memory_space<vmem>>, vector<16xf32>,
    %mul3A_2464 = arith.constant 5.000000e-01 : f32
    %mul3A_2465 = vector.broadcast %mul3A_2464 : f32 to vector<16xf32>
    %mul3A_2466 = arith.mulf %get3A_2463, %mul3A_2465 : vector<16xf32>
    %get3A_2467 = arith.constant 5 : i32
    %get3A_2468 = arith.index_cast %get3A_2467 : i32 to index
    %get3A_2469 = arith.constant 32 : index
    %get3A_2470 = tpu.vector_load %arg9[%get3A_2468, %get3A_2469] {strides = array<i32>} : memref<8x256xf32, #tpu.memory_space<vmem>>, vector<16xf32>,
    %add3A_2471 = arith.addf %mul3A_2466, %get3A_2470 : vector<16xf32>
    %swap3A_2472 = arith.constant 5 : i32
    %swap3A_2473 = arith.index_cast %swap3A_2472 : i32 to index
    %swap3A_2474 = arith.constant 32 : index
    %swap3A_2475 = tpu.vector_load %arg8[%swap3A_2473, %swap3A_2474] {strides = array<i32>} : memref<8x256xf32, #tpu.memory_space<vmem>>, vector<16xf32>,
    tpu.vector_store %arg8[%swap3A_2473, %swap3A_2474], %add3A_2471 {strides = array<i32>} : memref<8x256xf32, #tpu.memory_space<vmem>>, vector<16xf32>,
    %mul3A_2476 = arith.mulf %add3A_2471, %add3A_2471 : vector<16xf32>
    %add3A_2477 = arith.addf %add3A_2459, %mul3A_2476 : vector<16xf32>
    %get3A_2478 = arith.constant 5 : i32
    %get3A_2479 = arith.index_cast %get3A_2478 : i32 to index
    %get3A_2480 = arith.constant 48 : index
    %get3A_2481 = tpu.vector_load %arg8[%get3A_2479, %get3A_2480] {strides = array<i32>} : memref<8x256xf32, #tpu.memory_space<vmem>>, vector<16xf32>,
    %mul3A_2482 = arith.constant 5.000000e-01 : f32
    %mul3A_2483 = vector.broadcast %mul3A_2482 : f32 to vector<16xf32>
    %mul3A_2484 = arith.mulf %get3A_2481, %mul3A_2483 : vector<16xf32>
    %get3A_2485 = arith.constant 5 : i32
    %get3A_2486 = arith.index_cast %get3A_2485 : i32 to index
    %get3A_2487 = arith.constant 48 : index
    %get3A_2488 = tpu.vector_load %arg9[%get3A_2486, %get3A_2487] {strides = array<i32>} : memref<8x256xf32, #tpu.memory_space<vmem>>, vector<16xf32>,
    %add3A_2489 = arith.addf %mul3A_2484, %get3A_2488 : vector<16xf32>
    %swap3A_2490 = arith.constant 5 : i32
    %swap3A_2491 = arith.index_cast %swap3A_2490 : i32 to index
    %swap3A_2492 = arith.constant 48 : index
    %swap3A_2493 = tpu.vector_load %arg8[%swap3A_2491, %swap3A_2492] {strides = array<i32>} : memref<8x256xf32, #tpu.memory_space<vmem>>, vector<16xf32>,
    tpu.vector_store %arg8[%swap3A_2491, %swap3A_2492], %add3A_2489 {strides = array<i32>} : memref<8x256xf32, #tpu.memory_space<vmem>>, vector<16xf32>,
    %mul3A_2494 = arith.mulf %add3A_2489, %add3A_2489 : vector<16xf32>
    %add3A_2495 = arith.addf %add3A_2477, %mul3A_2494 : vector<16xf32>
    %get3A_2496 = arith.constant 5 : i32
    %get3A_2497 = arith.index_cast %get3A_2496 : i32 to index
    %get3A_2498 = arith.constant 64 : index
    %get3A_2499 = tpu.vector_load %arg8[%get3A_2497, %get3A_2498] {strides = array<i32>} : memref<8x256xf32, #tpu.memory_space<vmem>>, vector<16xf32>,
    %mul3A_2500 = arith.constant 5.000000e-01 : f32
    %mul3A_2501 = vector.broadcast %mul3A_2500 : f32 to vector<16xf32>
    %mul3A_2502 = arith.mulf %get3A_2499, %mul3A_2501 : vector<16xf32>
    %get3A_2503 = arith.constant 5 : i32
    %get3A_2504 = arith.index_cast %get3A_2503 : i32 to index
    %get3A_2505 = arith.constant 64 : index
    %get3A_2506 = tpu.vector_load %arg9[%get3A_2504, %get3A_2505] {strides = array<i32>} : memref<8x256xf32, #tpu.memory_space<vmem>>, vector<16xf32>,
    %add3A_2507 = arith.addf %mul3A_2502, %get3A_2506 : vector<16xf32>
    %swap3A_2508 = arith.constant 5 : i32
    %swap3A_2509 = arith.index_cast %swap3A_2508 : i32 to index
    %swap3A_2510 = arith.constant 64 : index
    %swap3A_2511 = tpu.vector_load %arg8[%swap3A_2509, %swap3A_2510] {strides = array<i32>} : memref<8x256xf32, #tpu.memory_space<vmem>>, vector<16xf32>,
    tpu.vector_store %arg8[%swap3A_2509, %swap3A_2510], %add3A_2507 {strides = array<i32>} : memref<8x256xf32, #tpu.memory_space<vmem>>, vector<16xf32>,
    %mul3A_2512 = arith.mulf %add3A_2507, %add3A_2507 : vector<16xf32>
    %add3A_2513 = arith.addf %add3A_2495, %mul3A_2512 : vector<16xf32>
    %get3A_2514 = arith.constant 5 : i32
    %get3A_2515 = arith.index_cast %get3A_2514 : i32 to index
    %get3A_2516 = arith.constant 80 : index
    %get3A_2517 = tpu.vector_load %arg8[%get3A_2515, %get3A_2516] {strides = array<i32>} : memref<8x256xf32, #tpu.memory_space<vmem>>, vector<16xf32>,
    %mul3A_2518 = arith.constant 5.000000e-01 : f32
    %mul3A_2519 = vector.broadcast %mul3A_2518 : f32 to vector<16xf32>
    %mul3A_2520 = arith.mulf %get3A_2517, %mul3A_2519 : vector<16xf32>
    %get3A_2521 = arith.constant 5 : i32
    %get3A_2522 = arith.index_cast %get3A_2521 : i32 to index
    %get3A_2523 = arith.constant 80 : index
    %get3A_2524 = tpu.vector_load %arg9[%get3A_2522, %get3A_2523] {strides = array<i32>} : memref<8x256xf32, #tpu.memory_space<vmem>>, vector<16xf32>,
    %add3A_2525 = arith.addf %mul3A_2520, %get3A_2524 : vector<16xf32>
    %swap3A_2526 = arith.constant 5 : i32
    %swap3A_2527 = arith.index_cast %swap3A_2526 : i32 to index
    %swap3A_2528 = arith.constant 80 : index
    %swap3A_2529 = tpu.vector_load %arg8[%swap3A_2527, %swap3A_2528] {strides = array<i32>} : memref<8x256xf32, #tpu.memory_space<vmem>>, vector<16xf32>,
    tpu.vector_store %arg8[%swap3A_2527, %swap3A_2528], %add3A_2525 {strides = array<i32>} : memref<8x256xf32, #tpu.memory_space<vmem>>, vector<16xf32>,
    %mul3A_2530 = arith.mulf %add3A_2525, %add3A_2525 : vector<16xf32>
    %add3A_2531 = arith.addf %add3A_2513, %mul3A_2530 : vector<16xf32>
    %get3A_2532 = arith.constant 5 : i32
    %get3A_2533 = arith.index_cast %get3A_2532 : i32 to index
    %get3A_2534 = arith.constant 96 : index
    %get3A_2535 = tpu.vector_load %arg8[%get3A_2533, %get3A_2534] {strides = array<i32>} : memref<8x256xf32, #tpu.memory_space<vmem>>, vector<16xf32>,
    %mul3A_2536 = arith.constant 5.000000e-01 : f32
    %mul3A_2537 = vector.broadcast %mul3A_2536 : f32 to vector<16xf32>
    %mul3A_2538 = arith.mulf %get3A_2535, %mul3A_2537 : vector<16xf32>
    %get3A_2539 = arith.constant 5 : i32
    %get3A_2540 = arith.index_cast %get3A_2539 : i32 to index
    %get3A_2541 = arith.constant 96 : index
    %get3A_2542 = tpu.vector_load %arg9[%get3A_2540, %get3A_2541] {strides = array<i32>} : memref<8x256xf32, #tpu.memory_space<vmem>>, vector<16xf32>,
    %add3A_2543 = arith.addf %mul3A_2538, %get3A_2542 : vector<16xf32>
    %swap3A_2544 = arith.constant 5 : i32
    %swap3A_2545 = arith.index_cast %swap3A_2544 : i32 to index
    %swap3A_2546 = arith.constant 96 : index
    %swap3A_2547 = tpu.vector_load %arg8[%swap3A_2545, %swap3A_2546] {strides = array<i32>} : memref<8x256xf32, #tpu.memory_space<vmem>>, vector<16xf32>,
    tpu.vector_store %arg8[%swap3A_2545, %swap3A_2546], %add3A_2543 {strides = array<i32>} : memref<8x256xf32, #tpu.memory_space<vmem>>, vector<16xf32>,
    %mul3A_2548 = arith.mulf %add3A_2543, %add3A_2543 : vector<16xf32>
    %add3A_2549 = arith.addf %add3A_2531, %mul3A_2548 : vector<16xf32>
    %get3A_2550 = arith.constant 5 : i32
    %get3A_2551 = arith.index_cast %get3A_2550 : i32 to index
    %get3A_2552 = arith.constant 112 : index
    %get3A_2553 = tpu.vector_load %arg8[%get3A_2551, %get3A_2552] {strides = array<i32>} : memref<8x256xf32, #tpu.memory_space<vmem>>, vector<16xf32>,
    %mul3A_2554 = arith.constant 5.000000e-01 : f32
    %mul3A_2555 = vector.broadcast %mul3A_2554 : f32 to vector<16xf32>
    %mul3A_2556 = arith.mulf %get3A_2553, %mul3A_2555 : vector<16xf32>
    %get3A_2557 = arith.constant 5 : i32
    %get3A_2558 = arith.index_cast %get3A_2557 : i32 to index
    %get3A_2559 = arith.constant 112 : index
    %get3A_2560 = tpu.vector_load %arg9[%get3A_2558, %get3A_2559] {strides = array<i32>} : memref<8x256xf32, #tpu.memory_space<vmem>>, vector<16xf32>,
    %add3A_2561 = arith.addf %mul3A_2556, %get3A_2560 : vector<16xf32>
    %swap3A_2562 = arith.constant 5 : i32
    %swap3A_2563 = arith.index_cast %swap3A_2562 : i32 to index
    %swap3A_2564 = arith.constant 112 : index
    %swap3A_2565 = tpu.vector_load %arg8[%swap3A_2563, %swap3A_2564] {strides = array<i32>} : memref<8x256xf32, #tpu.memory_space<vmem>>, vector<16xf32>,
    tpu.vector_store %arg8[%swap3A_2563, %swap3A_2564], %add3A_2561 {strides = array<i32>} : memref<8x256xf32, #tpu.memory_space<vmem>>, vector<16xf32>,
    %mul3A_2566 = arith.mulf %add3A_2561, %add3A_2561 : vector<16xf32>
    %add3A_2567 = arith.addf %add3A_2549, %mul3A_2566 : vector<16xf32>
    %get3A_2568 = arith.constant 5 : i32
    %get3A_2569 = arith.index_cast %get3A_2568 : i32 to index
    %get3A_2570 = arith.constant 128 : index
    %get3A_2571 = tpu.vector_load %arg8[%get3A_2569, %get3A_2570] {strides = array<i32>} : memref<8x256xf32, #tpu.memory_space<vmem>>, vector<16xf32>,
    %mul3A_2572 = arith.constant 5.000000e-01 : f32
    %mul3A_2573 = vector.broadcast %mul3A_2572 : f32 to vector<16xf32>
    %mul3A_2574 = arith.mulf %get3A_2571, %mul3A_2573 : vector<16xf32>
    %get3A_2575 = arith.constant 5 : i32
    %get3A_2576 = arith.index_cast %get3A_2575 : i32 to index
    %get3A_2577 = arith.constant 128 : index
    %get3A_2578 = tpu.vector_load %arg9[%get3A_2576, %get3A_2577] {strides = array<i32>} : memref<8x256xf32, #tpu.memory_space<vmem>>, vector<16xf32>,
    %add3A_2579 = arith.addf %mul3A_2574, %get3A_2578 : vector<16xf32>
    %swap3A_2580 = arith.constant 5 : i32
    %swap3A_2581 = arith.index_cast %swap3A_2580 : i32 to index
    %swap3A_2582 = arith.constant 128 : index
    %swap3A_2583 = tpu.vector_load %arg8[%swap3A_2581, %swap3A_2582] {strides = array<i32>} : memref<8x256xf32, #tpu.memory_space<vmem>>, vector<16xf32>,
    tpu.vector_store %arg8[%swap3A_2581, %swap3A_2582], %add3A_2579 {strides = array<i32>} : memref<8x256xf32, #tpu.memory_space<vmem>>, vector<16xf32>,
    %mul3A_2584 = arith.mulf %add3A_2579, %add3A_2579 : vector<16xf32>
    %add3A_2585 = arith.addf %add3A_2567, %mul3A_2584 : vector<16xf32>
    %get3A_2586 = arith.constant 5 : i32
    %get3A_2587 = arith.index_cast %get3A_2586 : i32 to index
    %get3A_2588 = arith.constant 144 : index
    %get3A_2589 = tpu.vector_load %arg8[%get3A_2587, %get3A_2588] {strides = array<i32>} : memref<8x256xf32, #tpu.memory_space<vmem>>, vector<16xf32>,
    %mul3A_2590 = arith.constant 5.000000e-01 : f32
    %mul3A_2591 = vector.broadcast %mul3A_2590 : f32 to vector<16xf32>
    %mul3A_2592 = arith.mulf %get3A_2589, %mul3A_2591 : vector<16xf32>
    %get3A_2593 = arith.constant 5 : i32
    %get3A_2594 = arith.index_cast %get3A_2593 : i32 to index
    %get3A_2595 = arith.constant 144 : index
    %get3A_2596 = tpu.vector_load %arg9[%get3A_2594, %get3A_2595] {strides = array<i32>} : memref<8x256xf32, #tpu.memory_space<vmem>>, vector<16xf32>,
    %add3A_2597 = arith.addf %mul3A_2592, %get3A_2596 : vector<16xf32>
    %swap3A_2598 = arith.constant 5 : i32
    %swap3A_2599 = arith.index_cast %swap3A_2598 : i32 to index
    %swap3A_2600 = arith.constant 144 : index
    %swap3A_2601 = tpu.vector_load %arg8[%swap3A_2599, %swap3A_2600] {strides = array<i32>} : memref<8x256xf32, #tpu.memory_space<vmem>>, vector<16xf32>,
    tpu.vector_store %arg8[%swap3A_2599, %swap3A_2600], %add3A_2597 {strides = array<i32>} : memref<8x256xf32, #tpu.memory_space<vmem>>, vector<16xf32>,
    %mul3A_2602 = arith.mulf %add3A_2597, %add3A_2597 : vector<16xf32>
    %add3A_2603 = arith.addf %add3A_2585, %mul3A_2602 : vector<16xf32>
    %get3A_2604 = arith.constant 5 : i32
    %get3A_2605 = arith.index_cast %get3A_2604 : i32 to index
    %get3A_2606 = arith.constant 160 : index
    %get3A_2607 = tpu.vector_load %arg8[%get3A_2605, %get3A_2606] {strides = array<i32>} : memref<8x256xf32, #tpu.memory_space<vmem>>, vector<16xf32>,
    %mul3A_2608 = arith.constant 5.000000e-01 : f32
    %mul3A_2609 = vector.broadcast %mul3A_2608 : f32 to vector<16xf32>
    %mul3A_2610 = arith.mulf %get3A_2607, %mul3A_2609 : vector<16xf32>
    %get3A_2611 = arith.constant 5 : i32
    %get3A_2612 = arith.index_cast %get3A_2611 : i32 to index
    %get3A_2613 = arith.constant 160 : index
    %get3A_2614 = tpu.vector_load %arg9[%get3A_2612, %get3A_2613] {strides = array<i32>} : memref<8x256xf32, #tpu.memory_space<vmem>>, vector<16xf32>,
    %add3A_2615 = arith.addf %mul3A_2610, %get3A_2614 : vector<16xf32>
    %swap3A_2616 = arith.constant 5 : i32
    %swap3A_2617 = arith.index_cast %swap3A_2616 : i32 to index
    %swap3A_2618 = arith.constant 160 : index
    %swap3A_2619 = tpu.vector_load %arg8[%swap3A_2617, %swap3A_2618] {strides = array<i32>} : memref<8x256xf32, #tpu.memory_space<vmem>>, vector<16xf32>,
    tpu.vector_store %arg8[%swap3A_2617, %swap3A_2618], %add3A_2615 {strides = array<i32>} : memref<8x256xf32, #tpu.memory_space<vmem>>, vector<16xf32>,
    %mul3A_2620 = arith.mulf %add3A_2615, %add3A_2615 : vector<16xf32>
    %add3A_2621 = arith.addf %add3A_2603, %mul3A_2620 : vector<16xf32>
    %get3A_2622 = arith.constant 5 : i32
    %get3A_2623 = arith.index_cast %get3A_2622 : i32 to index
    %get3A_2624 = arith.constant 176 : index
    %get3A_2625 = tpu.vector_load %arg8[%get3A_2623, %get3A_2624] {strides = array<i32>} : memref<8x256xf32, #tpu.memory_space<vmem>>, vector<16xf32>,
    %mul3A_2626 = arith.constant 5.000000e-01 : f32
    %mul3A_2627 = vector.broadcast %mul3A_2626 : f32 to vector<16xf32>
    %mul3A_2628 = arith.mulf %get3A_2625, %mul3A_2627 : vector<16xf32>
    %get3A_2629 = arith.constant 5 : i32
    %get3A_2630 = arith.index_cast %get3A_2629 : i32 to index
    %get3A_2631 = arith.constant 176 : index
    %get3A_2632 = tpu.vector_load %arg9[%get3A_2630, %get3A_2631] {strides = array<i32>} : memref<8x256xf32, #tpu.memory_space<vmem>>, vector<16xf32>,
    %add3A_2633 = arith.addf %mul3A_2628, %get3A_2632 : vector<16xf32>
    %swap3A_2634 = arith.constant 5 : i32
    %swap3A_2635 = arith.index_cast %swap3A_2634 : i32 to index
    %swap3A_2636 = arith.constant 176 : index
    %swap3A_2637 = tpu.vector_load %arg8[%swap3A_2635, %swap3A_2636] {strides = array<i32>} : memref<8x256xf32, #tpu.memory_space<vmem>>, vector<16xf32>,
    tpu.vector_store %arg8[%swap3A_2635, %swap3A_2636], %add3A_2633 {strides = array<i32>} : memref<8x256xf32, #tpu.memory_space<vmem>>, vector<16xf32>,
    %mul3A_2638 = arith.mulf %add3A_2633, %add3A_2633 : vector<16xf32>
    %add3A_2639 = arith.addf %add3A_2621, %mul3A_2638 : vector<16xf32>
    %get3A_2640 = arith.constant 5 : i32
    %get3A_2641 = arith.index_cast %get3A_2640 : i32 to index
    %get3A_2642 = arith.constant 192 : index
    %get3A_2643 = tpu.vector_load %arg8[%get3A_2641, %get3A_2642] {strides = array<i32>} : memref<8x256xf32, #tpu.memory_space<vmem>>, vector<16xf32>,
    %mul3A_2644 = arith.constant 5.000000e-01 : f32
    %mul3A_2645 = vector.broadcast %mul3A_2644 : f32 to vector<16xf32>
    %mul3A_2646 = arith.mulf %get3A_2643, %mul3A_2645 : vector<16xf32>
    %get3A_2647 = arith.constant 5 : i32
    %get3A_2648 = arith.index_cast %get3A_2647 : i32 to index
    %get3A_2649 = arith.constant 192 : index
    %get3A_2650 = tpu.vector_load %arg9[%get3A_2648, %get3A_2649] {strides = array<i32>} : memref<8x256xf32, #tpu.memory_space<vmem>>, vector<16xf32>,
    %add3A_2651 = arith.addf %mul3A_2646, %get3A_2650 : vector<16xf32>
    %swap3A_2652 = arith.constant 5 : i32
    %swap3A_2653 = arith.index_cast %swap3A_2652 : i32 to index
    %swap3A_2654 = arith.constant 192 : index
    %swap3A_2655 = tpu.vector_load %arg8[%swap3A_2653, %swap3A_2654] {strides = array<i32>} : memref<8x256xf32, #tpu.memory_space<vmem>>, vector<16xf32>,
    tpu.vector_store %arg8[%swap3A_2653, %swap3A_2654], %add3A_2651 {strides = array<i32>} : memref<8x256xf32, #tpu.memory_space<vmem>>, vector<16xf32>,
    %mul3A_2656 = arith.mulf %add3A_2651, %add3A_2651 : vector<16xf32>
    %add3A_2657 = arith.addf %add3A_2639, %mul3A_2656 : vector<16xf32>
    %get3A_2658 = arith.constant 5 : i32
    %get3A_2659 = arith.index_cast %get3A_2658 : i32 to index
    %get3A_2660 = arith.constant 208 : index
    %get3A_2661 = tpu.vector_load %arg8[%get3A_2659, %get3A_2660] {strides = array<i32>} : memref<8x256xf32, #tpu.memory_space<vmem>>, vector<16xf32>,
    %mul3A_2662 = arith.constant 5.000000e-01 : f32
    %mul3A_2663 = vector.broadcast %mul3A_2662 : f32 to vector<16xf32>
    %mul3A_2664 = arith.mulf %get3A_2661, %mul3A_2663 : vector<16xf32>
    %get3A_2665 = arith.constant 5 : i32
    %get3A_2666 = arith.index_cast %get3A_2665 : i32 to index
    %get3A_2667 = arith.constant 208 : index
    %get3A_2668 = tpu.vector_load %arg9[%get3A_2666, %get3A_2667] {strides = array<i32>} : memref<8x256xf32, #tpu.memory_space<vmem>>, vector<16xf32>,
    %add3A_2669 = arith.addf %mul3A_2664, %get3A_2668 : vector<16xf32>
    %swap3A_2670 = arith.constant 5 : i32
    %swap3A_2671 = arith.index_cast %swap3A_2670 : i32 to index
    %swap3A_2672 = arith.constant 208 : index
    %swap3A_2673 = tpu.vector_load %arg8[%swap3A_2671, %swap3A_2672] {strides = array<i32>} : memref<8x256xf32, #tpu.memory_space<vmem>>, vector<16xf32>,
    tpu.vector_store %arg8[%swap3A_2671, %swap3A_2672], %add3A_2669 {strides = array<i32>} : memref<8x256xf32, #tpu.memory_space<vmem>>, vector<16xf32>,
    %mul3A_2674 = arith.mulf %add3A_2669, %add3A_2669 : vector<16xf32>
    %add3A_2675 = arith.addf %add3A_2657, %mul3A_2674 : vector<16xf32>
    %get3A_2676 = arith.constant 5 : i32
    %get3A_2677 = arith.index_cast %get3A_2676 : i32 to index
    %get3A_2678 = arith.constant 224 : index
    %get3A_2679 = tpu.vector_load %arg8[%get3A_2677, %get3A_2678] {strides = array<i32>} : memref<8x256xf32, #tpu.memory_space<vmem>>, vector<16xf32>,
    %mul3A_2680 = arith.constant 5.000000e-01 : f32
    %mul3A_2681 = vector.broadcast %mul3A_2680 : f32 to vector<16xf32>
    %mul3A_2682 = arith.mulf %get3A_2679, %mul3A_2681 : vector<16xf32>
    %get3A_2683 = arith.constant 5 : i32
    %get3A_2684 = arith.index_cast %get3A_2683 : i32 to index
    %get3A_2685 = arith.constant 224 : index
    %get3A_2686 = tpu.vector_load %arg9[%get3A_2684, %get3A_2685] {strides = array<i32>} : memref<8x256xf32, #tpu.memory_space<vmem>>, vector<16xf32>,
    %add3A_2687 = arith.addf %mul3A_2682, %get3A_2686 : vector<16xf32>
    %swap3A_2688 = arith.constant 5 : i32
    %swap3A_2689 = arith.index_cast %swap3A_2688 : i32 to index
    %swap3A_2690 = arith.constant 224 : index
    %swap3A_2691 = tpu.vector_load %arg8[%swap3A_2689, %swap3A_2690] {strides = array<i32>} : memref<8x256xf32, #tpu.memory_space<vmem>>, vector<16xf32>,
    tpu.vector_store %arg8[%swap3A_2689, %swap3A_2690], %add3A_2687 {strides = array<i32>} : memref<8x256xf32, #tpu.memory_space<vmem>>, vector<16xf32>,
    %mul3A_2692 = arith.mulf %add3A_2687, %add3A_2687 : vector<16xf32>
    %add3A_2693 = arith.addf %add3A_2675, %mul3A_2692 : vector<16xf32>
    %get3A_2694 = arith.constant 5 : i32
    %get3A_2695 = arith.index_cast %get3A_2694 : i32 to index
    %get3A_2696 = arith.constant 240 : index
    %get3A_2697 = tpu.vector_load %arg8[%get3A_2695, %get3A_2696] {strides = array<i32>} : memref<8x256xf32, #tpu.memory_space<vmem>>, vector<16xf32>,
    %mul3A_2698 = arith.constant 5.000000e-01 : f32
    %mul3A_2699 = vector.broadcast %mul3A_2698 : f32 to vector<16xf32>
    %mul3A_2700 = arith.mulf %get3A_2697, %mul3A_2699 : vector<16xf32>
    %get3A_2701 = arith.constant 5 : i32
    %get3A_2702 = arith.index_cast %get3A_2701 : i32 to index
    %get3A_2703 = arith.constant 240 : index
    %get3A_2704 = tpu.vector_load %arg9[%get3A_2702, %get3A_2703] {strides = array<i32>} : memref<8x256xf32, #tpu.memory_space<vmem>>, vector<16xf32>,
    %add3A_2705 = arith.addf %mul3A_2700, %get3A_2704 : vector<16xf32>
    %swap3A_2706 = arith.constant 5 : i32
    %swap3A_2707 = arith.index_cast %swap3A_2706 : i32 to index
    %swap3A_2708 = arith.constant 240 : index
    %swap3A_2709 = tpu.vector_load %arg8[%swap3A_2707, %swap3A_2708] {strides = array<i32>} : memref<8x256xf32, #tpu.memory_space<vmem>>, vector<16xf32>,
    tpu.vector_store %arg8[%swap3A_2707, %swap3A_2708], %add3A_2705 {strides = array<i32>} : memref<8x256xf32, #tpu.memory_space<vmem>>, vector<16xf32>,
    %mul3A_2710 = arith.mulf %add3A_2705, %add3A_2705 : vector<16xf32>
    %add3A_2711 = arith.addf %add3A_2693, %mul3A_2710 : vector<16xf32>
    %reduce_sum3A_2712 = arith.constant true
    %reduce_sum3A_2713 = vector.broadcast %reduce_sum3A_2712 : i1 to vector<16xi1>
    %reduce_sum3A_2714 = tpu.scan <sum>, %add3A_2711 masked %reduce_sum3A_2713 : vector<16xf32>, vector<16xi1> -> vector<16xf32>
    %reduce_sum3A_2715 = vector.extract %reduce_sum3A_2714[15] : f32 from vector<16xf32>
    %broadcast_in_dim3A_2716 = vector.broadcast %reduce_sum3A_2715 : f32 to vector<16xf32>
    %bitcast3A_2717 = vector.bitcast %broadcast_in_dim3A_2716 : vector<16xf32> to vector<16xi32>
    %shift_right_arithmetic3A_2718 = arith.constant 1 : i32
    %shift_right_arithmetic3A_2719 = vector.broadcast %shift_right_arithmetic3A_2718 : i32 to vector<16xi32>
    %shift_right_arithmetic3A_2720 = arith.shrsi %bitcast3A_2717, %shift_right_arithmetic3A_2719 : vector<16xi32>
    %sub3A_2721 = arith.constant 1597463007 : i32
    %sub3A_2722 = vector.broadcast %sub3A_2721 : i32 to vector<16xi32>
    %sub3A_2723 = arith.subi %sub3A_2722, %shift_right_arithmetic3A_2720 : vector<16xi32>
    %bitcast3A_2724 = vector.bitcast %sub3A_2723 : vector<16xi32> to vector<16xf32>
    %mul3A_2725 = arith.constant 5.000000e-01 : f32
    %mul3A_2726 = vector.broadcast %mul3A_2725 : f32 to vector<16xf32>
    %mul3A_2727 = arith.mulf %mul3A_2726, %broadcast_in_dim3A_2716 : vector<16xf32>
    %mul3A_2728 = arith.mulf %mul3A_2727, %bitcast3A_2724 : vector<16xf32>
    %mul3A_2729 = arith.mulf %mul3A_2728, %bitcast3A_2724 : vector<16xf32>
    %sub3A_2730 = arith.constant 1.500000e+00 : f32
    %sub3A_2731 = vector.broadcast %sub3A_2730 : f32 to vector<16xf32>
    %sub3A_2732 = arith.subf %sub3A_2731, %mul3A_2729 : vector<16xf32>
    %mul3A_2733 = arith.mulf %bitcast3A_2724, %sub3A_2732 : vector<16xf32>
    %mul3A_2734 = arith.constant 5.000000e-01 : f32
    %mul3A_2735 = vector.broadcast %mul3A_2734 : f32 to vector<16xf32>
    %mul3A_2736 = arith.mulf %mul3A_2735, %broadcast_in_dim3A_2716 : vector<16xf32>
    %mul3A_2737 = arith.mulf %mul3A_2736, %mul3A_2733 : vector<16xf32>
    %mul3A_2738 = arith.mulf %mul3A_2737, %mul3A_2733 : vector<16xf32>
    %sub3A_2739 = arith.constant 1.500000e+00 : f32
    %sub3A_2740 = vector.broadcast %sub3A_2739 : f32 to vector<16xf32>
    %sub3A_2741 = arith.subf %sub3A_2740, %mul3A_2738 : vector<16xf32>
    %mul3A_2742 = arith.mulf %mul3A_2733, %sub3A_2741 : vector<16xf32>
    %mul3A_2743 = arith.constant 5.000000e-01 : f32
    %mul3A_2744 = vector.broadcast %mul3A_2743 : f32 to vector<16xf32>
    %mul3A_2745 = arith.mulf %mul3A_2744, %broadcast_in_dim3A_2716 : vector<16xf32>
    %mul3A_2746 = arith.mulf %mul3A_2745, %mul3A_2742 : vector<16xf32>
    %mul3A_2747 = arith.mulf %mul3A_2746, %mul3A_2742 : vector<16xf32>
    %sub3A_2748 = arith.constant 1.500000e+00 : f32
    %sub3A_2749 = vector.broadcast %sub3A_2748 : f32 to vector<16xf32>
    %sub3A_2750 = arith.subf %sub3A_2749, %mul3A_2747 : vector<16xf32>
    %mul3A_2751 = arith.mulf %mul3A_2742, %sub3A_2750 : vector<16xf32>
    %mul3A_2752 = arith.constant 5.000000e-01 : f32
    %mul3A_2753 = vector.broadcast %mul3A_2752 : f32 to vector<16xf32>
    %mul3A_2754 = arith.mulf %mul3A_2753, %broadcast_in_dim3A_2716 : vector<16xf32>
    %mul3A_2755 = arith.mulf %mul3A_2754, %mul3A_2751 : vector<16xf32>
    %mul3A_2756 = arith.mulf %mul3A_2755, %mul3A_2751 : vector<16xf32>
    %sub3A_2757 = arith.constant 1.500000e+00 : f32
    %sub3A_2758 = vector.broadcast %sub3A_2757 : f32 to vector<16xf32>
    %sub3A_2759 = arith.subf %sub3A_2758, %mul3A_2756 : vector<16xf32>
    %mul3A_2760 = arith.mulf %mul3A_2751, %sub3A_2759 : vector<16xf32>
    %get3A_2761 = arith.constant 5 : i32
    %get3A_2762 = arith.index_cast %get3A_2761 : i32 to index
    %get3A_2763 = arith.constant 0 : index
    %get3A_2764 = tpu.vector_load %arg8[%get3A_2762, %get3A_2763] {strides = array<i32>} : memref<8x256xf32, #tpu.memory_space<vmem>>, vector<16xf32>,
    %mul3A_2765 = arith.mulf %get3A_2764, %mul3A_2760 : vector<16xf32>
    %swap3A_2766 = arith.constant 5 : i32
    %swap3A_2767 = arith.index_cast %swap3A_2766 : i32 to index
    %swap3A_2768 = arith.constant 0 : index
    %swap3A_2769 = tpu.vector_load %arg8[%swap3A_2767, %swap3A_2768] {strides = array<i32>} : memref<8x256xf32, #tpu.memory_space<vmem>>, vector<16xf32>,
    tpu.vector_store %arg8[%swap3A_2767, %swap3A_2768], %mul3A_2765 {strides = array<i32>} : memref<8x256xf32, #tpu.memory_space<vmem>>, vector<16xf32>,
    %get3A_2770 = arith.constant 5 : i32
    %get3A_2771 = arith.index_cast %get3A_2770 : i32 to index
    %get3A_2772 = arith.constant 16 : index
    %get3A_2773 = tpu.vector_load %arg8[%get3A_2771, %get3A_2772] {strides = array<i32>} : memref<8x256xf32, #tpu.memory_space<vmem>>, vector<16xf32>,
    %mul3A_2774 = arith.mulf %get3A_2773, %mul3A_2760 : vector<16xf32>
    %swap3A_2775 = arith.constant 5 : i32
    %swap3A_2776 = arith.index_cast %swap3A_2775 : i32 to index
    %swap3A_2777 = arith.constant 16 : index
    %swap3A_2778 = tpu.vector_load %arg8[%swap3A_2776, %swap3A_2777] {strides = array<i32>} : memref<8x256xf32, #tpu.memory_space<vmem>>, vector<16xf32>,
    tpu.vector_store %arg8[%swap3A_2776, %swap3A_2777], %mul3A_2774 {strides = array<i32>} : memref<8x256xf32, #tpu.memory_space<vmem>>, vector<16xf32>,
    %get3A_2779 = arith.constant 5 : i32
    %get3A_2780 = arith.index_cast %get3A_2779 : i32 to index
    %get3A_2781 = arith.constant 32 : index
    %get3A_2782 = tpu.vector_load %arg8[%get3A_2780, %get3A_2781] {strides = array<i32>} : memref<8x256xf32, #tpu.memory_space<vmem>>, vector<16xf32>,
    %mul3A_2783 = arith.mulf %get3A_2782, %mul3A_2760 : vector<16xf32>
    %swap3A_2784 = arith.constant 5 : i32
    %swap3A_2785 = arith.index_cast %swap3A_2784 : i32 to index
    %swap3A_2786 = arith.constant 32 : index
    %swap3A_2787 = tpu.vector_load %arg8[%swap3A_2785, %swap3A_2786] {strides = array<i32>} : memref<8x256xf32, #tpu.memory_space<vmem>>, vector<16xf32>,
    tpu.vector_store %arg8[%swap3A_2785, %swap3A_2786], %mul3A_2783 {strides = array<i32>} : memref<8x256xf32, #tpu.memory_space<vmem>>, vector<16xf32>,
    %get3A_2788 = arith.constant 5 : i32
    %get3A_2789 = arith.index_cast %get3A_2788 : i32 to index
    %get3A_2790 = arith.constant 48 : index
    %get3A_2791 = tpu.vector_load %arg8[%get3A_2789, %get3A_2790] {strides = array<i32>} : memref<8x256xf32, #tpu.memory_space<vmem>>, vector<16xf32>,
    %mul3A_2792 = arith.mulf %get3A_2791, %mul3A_2760 : vector<16xf32>
    %swap3A_2793 = arith.constant 5 : i32
    %swap3A_2794 = arith.index_cast %swap3A_2793 : i32 to index
    %swap3A_2795 = arith.constant 48 : index
    %swap3A_2796 = tpu.vector_load %arg8[%swap3A_2794, %swap3A_2795] {strides = array<i32>} : memref<8x256xf32, #tpu.memory_space<vmem>>, vector<16xf32>,
    tpu.vector_store %arg8[%swap3A_2794, %swap3A_2795], %mul3A_2792 {strides = array<i32>} : memref<8x256xf32, #tpu.memory_space<vmem>>, vector<16xf32>,
    %get3A_2797 = arith.constant 5 : i32
    %get3A_2798 = arith.index_cast %get3A_2797 : i32 to index
    %get3A_2799 = arith.constant 64 : index
    %get3A_2800 = tpu.vector_load %arg8[%get3A_2798, %get3A_2799] {strides = array<i32>} : memref<8x256xf32, #tpu.memory_space<vmem>>, vector<16xf32>,
    %mul3A_2801 = arith.mulf %get3A_2800, %mul3A_2760 : vector<16xf32>
    %swap3A_2802 = arith.constant 5 : i32
    %swap3A_2803 = arith.index_cast %swap3A_2802 : i32 to index
    %swap3A_2804 = arith.constant 64 : index
    %swap3A_2805 = tpu.vector_load %arg8[%swap3A_2803, %swap3A_2804] {strides = array<i32>} : memref<8x256xf32, #tpu.memory_space<vmem>>, vector<16xf32>,
    tpu.vector_store %arg8[%swap3A_2803, %swap3A_2804], %mul3A_2801 {strides = array<i32>} : memref<8x256xf32, #tpu.memory_space<vmem>>, vector<16xf32>,
    %get3A_2806 = arith.constant 5 : i32
    %get3A_2807 = arith.index_cast %get3A_2806 : i32 to index
    %get3A_2808 = arith.constant 80 : index
    %get3A_2809 = tpu.vector_load %arg8[%get3A_2807, %get3A_2808] {strides = array<i32>} : memref<8x256xf32, #tpu.memory_space<vmem>>, vector<16xf32>,
    %mul3A_2810 = arith.mulf %get3A_2809, %mul3A_2760 : vector<16xf32>
    %swap3A_2811 = arith.constant 5 : i32
    %swap3A_2812 = arith.index_cast %swap3A_2811 : i32 to index
    %swap3A_2813 = arith.constant 80 : index
    %swap3A_2814 = tpu.vector_load %arg8[%swap3A_2812, %swap3A_2813] {strides = array<i32>} : memref<8x256xf32, #tpu.memory_space<vmem>>, vector<16xf32>,
    tpu.vector_store %arg8[%swap3A_2812, %swap3A_2813], %mul3A_2810 {strides = array<i32>} : memref<8x256xf32, #tpu.memory_space<vmem>>, vector<16xf32>,
    %get3A_2815 = arith.constant 5 : i32
    %get3A_2816 = arith.index_cast %get3A_2815 : i32 to index
    %get3A_2817 = arith.constant 96 : index
    %get3A_2818 = tpu.vector_load %arg8[%get3A_2816, %get3A_2817] {strides = array<i32>} : memref<8x256xf32, #tpu.memory_space<vmem>>, vector<16xf32>,
    %mul3A_2819 = arith.mulf %get3A_2818, %mul3A_2760 : vector<16xf32>
    %swap3A_2820 = arith.constant 5 : i32
    %swap3A_2821 = arith.index_cast %swap3A_2820 : i32 to index
    %swap3A_2822 = arith.constant 96 : index
    %swap3A_2823 = tpu.vector_load %arg8[%swap3A_2821, %swap3A_2822] {strides = array<i32>} : memref<8x256xf32, #tpu.memory_space<vmem>>, vector<16xf32>,
    tpu.vector_store %arg8[%swap3A_2821, %swap3A_2822], %mul3A_2819 {strides = array<i32>} : memref<8x256xf32, #tpu.memory_space<vmem>>, vector<16xf32>,
    %get3A_2824 = arith.constant 5 : i32
    %get3A_2825 = arith.index_cast %get3A_2824 : i32 to index
    %get3A_2826 = arith.constant 112 : index
    %get3A_2827 = tpu.vector_load %arg8[%get3A_2825, %get3A_2826] {strides = array<i32>} : memref<8x256xf32, #tpu.memory_space<vmem>>, vector<16xf32>,
    %mul3A_2828 = arith.mulf %get3A_2827, %mul3A_2760 : vector<16xf32>
    %swap3A_2829 = arith.constant 5 : i32
    %swap3A_2830 = arith.index_cast %swap3A_2829 : i32 to index
    %swap3A_2831 = arith.constant 112 : index
    %swap3A_2832 = tpu.vector_load %arg8[%swap3A_2830, %swap3A_2831] {strides = array<i32>} : memref<8x256xf32, #tpu.memory_space<vmem>>, vector<16xf32>,
    tpu.vector_store %arg8[%swap3A_2830, %swap3A_2831], %mul3A_2828 {strides = array<i32>} : memref<8x256xf32, #tpu.memory_space<vmem>>, vector<16xf32>,
    %get3A_2833 = arith.constant 5 : i32
    %get3A_2834 = arith.index_cast %get3A_2833 : i32 to index
    %get3A_2835 = arith.constant 128 : index
    %get3A_2836 = tpu.vector_load %arg8[%get3A_2834, %get3A_2835] {strides = array<i32>} : memref<8x256xf32, #tpu.memory_space<vmem>>, vector<16xf32>,
    %mul3A_2837 = arith.mulf %get3A_2836, %mul3A_2760 : vector<16xf32>
    %swap3A_2838 = arith.constant 5 : i32
    %swap3A_2839 = arith.index_cast %swap3A_2838 : i32 to index
    %swap3A_2840 = arith.constant 128 : index
    %swap3A_2841 = tpu.vector_load %arg8[%swap3A_2839, %swap3A_2840] {strides = array<i32>} : memref<8x256xf32, #tpu.memory_space<vmem>>, vector<16xf32>,
    tpu.vector_store %arg8[%swap3A_2839, %swap3A_2840], %mul3A_2837 {strides = array<i32>} : memref<8x256xf32, #tpu.memory_space<vmem>>, vector<16xf32>,
    %get3A_2842 = arith.constant 5 : i32
    %get3A_2843 = arith.index_cast %get3A_2842 : i32 to index
    %get3A_2844 = arith.constant 144 : index
    %get3A_2845 = tpu.vector_load %arg8[%get3A_2843, %get3A_2844] {strides = array<i32>} : memref<8x256xf32, #tpu.memory_space<vmem>>, vector<16xf32>,
    %mul3A_2846 = arith.mulf %get3A_2845, %mul3A_2760 : vector<16xf32>
    %swap3A_2847 = arith.constant 5 : i32
    %swap3A_2848 = arith.index_cast %swap3A_2847 : i32 to index
    %swap3A_2849 = arith.constant 144 : index
    %swap3A_2850 = tpu.vector_load %arg8[%swap3A_2848, %swap3A_2849] {strides = array<i32>} : memref<8x256xf32, #tpu.memory_space<vmem>>, vector<16xf32>,
    tpu.vector_store %arg8[%swap3A_2848, %swap3A_2849], %mul3A_2846 {strides = array<i32>} : memref<8x256xf32, #tpu.memory_space<vmem>>, vector<16xf32>,
    %get3A_2851 = arith.constant 5 : i32
    %get3A_2852 = arith.index_cast %get3A_2851 : i32 to index
    %get3A_2853 = arith.constant 160 : index
    %get3A_2854 = tpu.vector_load %arg8[%get3A_2852, %get3A_2853] {strides = array<i32>} : memref<8x256xf32, #tpu.memory_space<vmem>>, vector<16xf32>,
    %mul3A_2855 = arith.mulf %get3A_2854, %mul3A_2760 : vector<16xf32>
    %swap3A_2856 = arith.constant 5 : i32
    %swap3A_2857 = arith.index_cast %swap3A_2856 : i32 to index
    %swap3A_2858 = arith.constant 160 : index
    %swap3A_2859 = tpu.vector_load %arg8[%swap3A_2857, %swap3A_2858] {strides = array<i32>} : memref<8x256xf32, #tpu.memory_space<vmem>>, vector<16xf32>,
    tpu.vector_store %arg8[%swap3A_2857, %swap3A_2858], %mul3A_2855 {strides = array<i32>} : memref<8x256xf32, #tpu.memory_space<vmem>>, vector<16xf32>,
    %get3A_2860 = arith.constant 5 : i32
    %get3A_2861 = arith.index_cast %get3A_2860 : i32 to index
    %get3A_2862 = arith.constant 176 : index
    %get3A_2863 = tpu.vector_load %arg8[%get3A_2861, %get3A_2862] {strides = array<i32>} : memref<8x256xf32, #tpu.memory_space<vmem>>, vector<16xf32>,
    %mul3A_2864 = arith.mulf %get3A_2863, %mul3A_2760 : vector<16xf32>
    %swap3A_2865 = arith.constant 5 : i32
    %swap3A_2866 = arith.index_cast %swap3A_2865 : i32 to index
    %swap3A_2867 = arith.constant 176 : index
    %swap3A_2868 = tpu.vector_load %arg8[%swap3A_2866, %swap3A_2867] {strides = array<i32>} : memref<8x256xf32, #tpu.memory_space<vmem>>, vector<16xf32>,
    tpu.vector_store %arg8[%swap3A_2866, %swap3A_2867], %mul3A_2864 {strides = array<i32>} : memref<8x256xf32, #tpu.memory_space<vmem>>, vector<16xf32>,
    %get3A_2869 = arith.constant 5 : i32
    %get3A_2870 = arith.index_cast %get3A_2869 : i32 to index
    %get3A_2871 = arith.constant 192 : index
    %get3A_2872 = tpu.vector_load %arg8[%get3A_2870, %get3A_2871] {strides = array<i32>} : memref<8x256xf32, #tpu.memory_space<vmem>>, vector<16xf32>,
    %mul3A_2873 = arith.mulf %get3A_2872, %mul3A_2760 : vector<16xf32>
    %swap3A_2874 = arith.constant 5 : i32
    %swap3A_2875 = arith.index_cast %swap3A_2874 : i32 to index
    %swap3A_2876 = arith.constant 192 : index
    %swap3A_2877 = tpu.vector_load %arg8[%swap3A_2875, %swap3A_2876] {strides = array<i32>} : memref<8x256xf32, #tpu.memory_space<vmem>>, vector<16xf32>,
    tpu.vector_store %arg8[%swap3A_2875, %swap3A_2876], %mul3A_2873 {strides = array<i32>} : memref<8x256xf32, #tpu.memory_space<vmem>>, vector<16xf32>,
    %get3A_2878 = arith.constant 5 : i32
    %get3A_2879 = arith.index_cast %get3A_2878 : i32 to index
    %get3A_2880 = arith.constant 208 : index
    %get3A_2881 = tpu.vector_load %arg8[%get3A_2879, %get3A_2880] {strides = array<i32>} : memref<8x256xf32, #tpu.memory_space<vmem>>, vector<16xf32>,
    %mul3A_2882 = arith.mulf %get3A_2881, %mul3A_2760 : vector<16xf32>
    %swap3A_2883 = arith.constant 5 : i32
    %swap3A_2884 = arith.index_cast %swap3A_2883 : i32 to index
    %swap3A_2885 = arith.constant 208 : index
    %swap3A_2886 = tpu.vector_load %arg8[%swap3A_2884, %swap3A_2885] {strides = array<i32>} : memref<8x256xf32, #tpu.memory_space<vmem>>, vector<16xf32>,
    tpu.vector_store %arg8[%swap3A_2884, %swap3A_2885], %mul3A_2882 {strides = array<i32>} : memref<8x256xf32, #tpu.memory_space<vmem>>, vector<16xf32>,
    %get3A_2887 = arith.constant 5 : i32
    %get3A_2888 = arith.index_cast %get3A_2887 : i32 to index
    %get3A_2889 = arith.constant 224 : index
    %get3A_2890 = tpu.vector_load %arg8[%get3A_2888, %get3A_2889] {strides = array<i32>} : memref<8x256xf32, #tpu.memory_space<vmem>>, vector<16xf32>,
    %mul3A_2891 = arith.mulf %get3A_2890, %mul3A_2760 : vector<16xf32>
    %swap3A_2892 = arith.constant 5 : i32
    %swap3A_2893 = arith.index_cast %swap3A_2892 : i32 to index
    %swap3A_2894 = arith.constant 224 : index
    %swap3A_2895 = tpu.vector_load %arg8[%swap3A_2893, %swap3A_2894] {strides = array<i32>} : memref<8x256xf32, #tpu.memory_space<vmem>>, vector<16xf32>,
    tpu.vector_store %arg8[%swap3A_2893, %swap3A_2894], %mul3A_2891 {strides = array<i32>} : memref<8x256xf32, #tpu.memory_space<vmem>>, vector<16xf32>,
    %get3A_2896 = arith.constant 5 : i32
    %get3A_2897 = arith.index_cast %get3A_2896 : i32 to index
    %get3A_2898 = arith.constant 240 : index
    %get3A_2899 = tpu.vector_load %arg8[%get3A_2897, %get3A_2898] {strides = array<i32>} : memref<8x256xf32, #tpu.memory_space<vmem>>, vector<16xf32>,
    %mul3A_2900 = arith.mulf %get3A_2899, %mul3A_2760 : vector<16xf32>
    %swap3A_2901 = arith.constant 5 : i32
    %swap3A_2902 = arith.index_cast %swap3A_2901 : i32 to index
    %swap3A_2903 = arith.constant 240 : index
    %swap3A_2904 = tpu.vector_load %arg8[%swap3A_2902, %swap3A_2903] {strides = array<i32>} : memref<8x256xf32, #tpu.memory_space<vmem>>, vector<16xf32>,
    tpu.vector_store %arg8[%swap3A_2902, %swap3A_2903], %mul3A_2900 {strides = array<i32>} : memref<8x256xf32, #tpu.memory_space<vmem>>, vector<16xf32>,
    %broadcast_in_dim3A_2905 = arith.constant 0.000000e+00 : f32
    %broadcast_in_dim3A_2906 = vector.broadcast %broadcast_in_dim3A_2905 : f32 to vector<16xf32>
    %get3A_2907 = arith.constant 6 : i32
    %get3A_2908 = arith.index_cast %get3A_2907 : i32 to index
    %get3A_2909 = arith.constant 0 : index
    %get3A_2910 = tpu.vector_load %arg8[%get3A_2908, %get3A_2909] {strides = array<i32>} : memref<8x256xf32, #tpu.memory_space<vmem>>, vector<16xf32>,
    %mul3A_2911 = arith.constant 5.000000e-01 : f32
    %mul3A_2912 = vector.broadcast %mul3A_2911 : f32 to vector<16xf32>
    %mul3A_2913 = arith.mulf %get3A_2910, %mul3A_2912 : vector<16xf32>
    %get3A_2914 = arith.constant 6 : i32
    %get3A_2915 = arith.index_cast %get3A_2914 : i32 to index
    %get3A_2916 = arith.constant 0 : index
    %get3A_2917 = tpu.vector_load %arg9[%get3A_2915, %get3A_2916] {strides = array<i32>} : memref<8x256xf32, #tpu.memory_space<vmem>>, vector<16xf32>,
    %add3A_2918 = arith.addf %mul3A_2913, %get3A_2917 : vector<16xf32>
    %swap3A_2919 = arith.constant 6 : i32
    %swap3A_2920 = arith.index_cast %swap3A_2919 : i32 to index
    %swap3A_2921 = arith.constant 0 : index
    %swap3A_2922 = tpu.vector_load %arg8[%swap3A_2920, %swap3A_2921] {strides = array<i32>} : memref<8x256xf32, #tpu.memory_space<vmem>>, vector<16xf32>,
    tpu.vector_store %arg8[%swap3A_2920, %swap3A_2921], %add3A_2918 {strides = array<i32>} : memref<8x256xf32, #tpu.memory_space<vmem>>, vector<16xf32>,
    %mul3A_2923 = arith.mulf %add3A_2918, %add3A_2918 : vector<16xf32>
    %add3A_2924 = arith.addf %broadcast_in_dim3A_2906, %mul3A_2923 : vector<16xf32>
    %get3A_2925 = arith.constant 6 : i32
    %get3A_2926 = arith.index_cast %get3A_2925 : i32 to index
    %get3A_2927 = arith.constant 16 : index
    %get3A_2928 = tpu.vector_load %arg8[%get3A_2926, %get3A_2927] {strides = array<i32>} : memref<8x256xf32, #tpu.memory_space<vmem>>, vector<16xf32>,
    %mul3A_2929 = arith.constant 5.000000e-01 : f32
    %mul3A_2930 = vector.broadcast %mul3A_2929 : f32 to vector<16xf32>
    %mul3A_2931 = arith.mulf %get3A_2928, %mul3A_2930 : vector<16xf32>
    %get3A_2932 = arith.constant 6 : i32
    %get3A_2933 = arith.index_cast %get3A_2932 : i32 to index
    %get3A_2934 = arith.constant 16 : index
    %get3A_2935 = tpu.vector_load %arg9[%get3A_2933, %get3A_2934] {strides = array<i32>} : memref<8x256xf32, #tpu.memory_space<vmem>>, vector<16xf32>,
    %add3A_2936 = arith.addf %mul3A_2931, %get3A_2935 : vector<16xf32>
    %swap3A_2937 = arith.constant 6 : i32
    %swap3A_2938 = arith.index_cast %swap3A_2937 : i32 to index
    %swap3A_2939 = arith.constant 16 : index
    %swap3A_2940 = tpu.vector_load %arg8[%swap3A_2938, %swap3A_2939] {strides = array<i32>} : memref<8x256xf32, #tpu.memory_space<vmem>>, vector<16xf32>,
    tpu.vector_store %arg8[%swap3A_2938, %swap3A_2939], %add3A_2936 {strides = array<i32>} : memref<8x256xf32, #tpu.memory_space<vmem>>, vector<16xf32>,
    %mul3A_2941 = arith.mulf %add3A_2936, %add3A_2936 : vector<16xf32>
    %add3A_2942 = arith.addf %add3A_2924, %mul3A_2941 : vector<16xf32>
    %get3A_2943 = arith.constant 6 : i32
    %get3A_2944 = arith.index_cast %get3A_2943 : i32 to index
    %get3A_2945 = arith.constant 32 : index
    %get3A_2946 = tpu.vector_load %arg8[%get3A_2944, %get3A_2945] {strides = array<i32>} : memref<8x256xf32, #tpu.memory_space<vmem>>, vector<16xf32>,
    %mul3A_2947 = arith.constant 5.000000e-01 : f32
    %mul3A_2948 = vector.broadcast %mul3A_2947 : f32 to vector<16xf32>
    %mul3A_2949 = arith.mulf %get3A_2946, %mul3A_2948 : vector<16xf32>
    %get3A_2950 = arith.constant 6 : i32
    %get3A_2951 = arith.index_cast %get3A_2950 : i32 to index
    %get3A_2952 = arith.constant 32 : index
    %get3A_2953 = tpu.vector_load %arg9[%get3A_2951, %get3A_2952] {strides = array<i32>} : memref<8x256xf32, #tpu.memory_space<vmem>>, vector<16xf32>,
    %add3A_2954 = arith.addf %mul3A_2949, %get3A_2953 : vector<16xf32>
    %swap3A_2955 = arith.constant 6 : i32
    %swap3A_2956 = arith.index_cast %swap3A_2955 : i32 to index
    %swap3A_2957 = arith.constant 32 : index
    %swap3A_2958 = tpu.vector_load %arg8[%swap3A_2956, %swap3A_2957] {strides = array<i32>} : memref<8x256xf32, #tpu.memory_space<vmem>>, vector<16xf32>,
    tpu.vector_store %arg8[%swap3A_2956, %swap3A_2957], %add3A_2954 {strides = array<i32>} : memref<8x256xf32, #tpu.memory_space<vmem>>, vector<16xf32>,
    %mul3A_2959 = arith.mulf %add3A_2954, %add3A_2954 : vector<16xf32>
    %add3A_2960 = arith.addf %add3A_2942, %mul3A_2959 : vector<16xf32>
    %get3A_2961 = arith.constant 6 : i32
    %get3A_2962 = arith.index_cast %get3A_2961 : i32 to index
    %get3A_2963 = arith.constant 48 : index
    %get3A_2964 = tpu.vector_load %arg8[%get3A_2962, %get3A_2963] {strides = array<i32>} : memref<8x256xf32, #tpu.memory_space<vmem>>, vector<16xf32>,
    %mul3A_2965 = arith.constant 5.000000e-01 : f32
    %mul3A_2966 = vector.broadcast %mul3A_2965 : f32 to vector<16xf32>
    %mul3A_2967 = arith.mulf %get3A_2964, %mul3A_2966 : vector<16xf32>
    %get3A_2968 = arith.constant 6 : i32
    %get3A_2969 = arith.index_cast %get3A_2968 : i32 to index
    %get3A_2970 = arith.constant 48 : index
    %get3A_2971 = tpu.vector_load %arg9[%get3A_2969, %get3A_2970] {strides = array<i32>} : memref<8x256xf32, #tpu.memory_space<vmem>>, vector<16xf32>,
    %add3A_2972 = arith.addf %mul3A_2967, %get3A_2971 : vector<16xf32>
    %swap3A_2973 = arith.constant 6 : i32
    %swap3A_2974 = arith.index_cast %swap3A_2973 : i32 to index
    %swap3A_2975 = arith.constant 48 : index
    %swap3A_2976 = tpu.vector_load %arg8[%swap3A_2974, %swap3A_2975] {strides = array<i32>} : memref<8x256xf32, #tpu.memory_space<vmem>>, vector<16xf32>,
    tpu.vector_store %arg8[%swap3A_2974, %swap3A_2975], %add3A_2972 {strides = array<i32>} : memref<8x256xf32, #tpu.memory_space<vmem>>, vector<16xf32>,
    %mul3A_2977 = arith.mulf %add3A_2972, %add3A_2972 : vector<16xf32>
    %add3A_2978 = arith.addf %add3A_2960, %mul3A_2977 : vector<16xf32>
    %get3A_2979 = arith.constant 6 : i32
    %get3A_2980 = arith.index_cast %get3A_2979 : i32 to index
    %get3A_2981 = arith.constant 64 : index
    %get3A_2982 = tpu.vector_load %arg8[%get3A_2980, %get3A_2981] {strides = array<i32>} : memref<8x256xf32, #tpu.memory_space<vmem>>, vector<16xf32>,
    %mul3A_2983 = arith.constant 5.000000e-01 : f32
    %mul3A_2984 = vector.broadcast %mul3A_2983 : f32 to vector<16xf32>
    %mul3A_2985 = arith.mulf %get3A_2982, %mul3A_2984 : vector<16xf32>
    %get3A_2986 = arith.constant 6 : i32
    %get3A_2987 = arith.index_cast %get3A_2986 : i32 to index
    %get3A_2988 = arith.constant 64 : index
    %get3A_2989 = tpu.vector_load %arg9[%get3A_2987, %get3A_2988] {strides = array<i32>} : memref<8x256xf32, #tpu.memory_space<vmem>>, vector<16xf32>,
    %add3A_2990 = arith.addf %mul3A_2985, %get3A_2989 : vector<16xf32>
    %swap3A_2991 = arith.constant 6 : i32
    %swap3A_2992 = arith.index_cast %swap3A_2991 : i32 to index
    %swap3A_2993 = arith.constant 64 : index
    %swap3A_2994 = tpu.vector_load %arg8[%swap3A_2992, %swap3A_2993] {strides = array<i32>} : memref<8x256xf32, #tpu.memory_space<vmem>>, vector<16xf32>,
    tpu.vector_store %arg8[%swap3A_2992, %swap3A_2993], %add3A_2990 {strides = array<i32>} : memref<8x256xf32, #tpu.memory_space<vmem>>, vector<16xf32>,
    %mul3A_2995 = arith.mulf %add3A_2990, %add3A_2990 : vector<16xf32>
    %add3A_2996 = arith.addf %add3A_2978, %mul3A_2995 : vector<16xf32>
    %get3A_2997 = arith.constant 6 : i32
    %get3A_2998 = arith.index_cast %get3A_2997 : i32 to index
    %get3A_2999 = arith.constant 80 : index
    %get3A_3000 = tpu.vector_load %arg8[%get3A_2998, %get3A_2999] {strides = array<i32>} : memref<8x256xf32, #tpu.memory_space<vmem>>, vector<16xf32>,
    %mul3A_3001 = arith.constant 5.000000e-01 : f32
    %mul3A_3002 = vector.broadcast %mul3A_3001 : f32 to vector<16xf32>
    %mul3A_3003 = arith.mulf %get3A_3000, %mul3A_3002 : vector<16xf32>
    %get3A_3004 = arith.constant 6 : i32
    %get3A_3005 = arith.index_cast %get3A_3004 : i32 to index
    %get3A_3006 = arith.constant 80 : index
    %get3A_3007 = tpu.vector_load %arg9[%get3A_3005, %get3A_3006] {strides = array<i32>} : memref<8x256xf32, #tpu.memory_space<vmem>>, vector<16xf32>,
    %add3A_3008 = arith.addf %mul3A_3003, %get3A_3007 : vector<16xf32>
    %swap3A_3009 = arith.constant 6 : i32
    %swap3A_3010 = arith.index_cast %swap3A_3009 : i32 to index
    %swap3A_3011 = arith.constant 80 : index
    %swap3A_3012 = tpu.vector_load %arg8[%swap3A_3010, %swap3A_3011] {strides = array<i32>} : memref<8x256xf32, #tpu.memory_space<vmem>>, vector<16xf32>,
    tpu.vector_store %arg8[%swap3A_3010, %swap3A_3011], %add3A_3008 {strides = array<i32>} : memref<8x256xf32, #tpu.memory_space<vmem>>, vector<16xf32>,
    %mul3A_3013 = arith.mulf %add3A_3008, %add3A_3008 : vector<16xf32>
    %add3A_3014 = arith.addf %add3A_2996, %mul3A_3013 : vector<16xf32>
    %get3A_3015 = arith.constant 6 : i32
    %get3A_3016 = arith.index_cast %get3A_3015 : i32 to index
    %get3A_3017 = arith.constant 96 : index
    %get3A_3018 = tpu.vector_load %arg8[%get3A_3016, %get3A_3017] {strides = array<i32>} : memref<8x256xf32, #tpu.memory_space<vmem>>, vector<16xf32>,
    %mul3A_3019 = arith.constant 5.000000e-01 : f32
    %mul3A_3020 = vector.broadcast %mul3A_3019 : f32 to vector<16xf32>
    %mul3A_3021 = arith.mulf %get3A_3018, %mul3A_3020 : vector<16xf32>
    %get3A_3022 = arith.constant 6 : i32
    %get3A_3023 = arith.index_cast %get3A_3022 : i32 to index
    %get3A_3024 = arith.constant 96 : index
    %get3A_3025 = tpu.vector_load %arg9[%get3A_3023, %get3A_3024] {strides = array<i32>} : memref<8x256xf32, #tpu.memory_space<vmem>>, vector<16xf32>,
    %add3A_3026 = arith.addf %mul3A_3021, %get3A_3025 : vector<16xf32>
    %swap3A_3027 = arith.constant 6 : i32
    %swap3A_3028 = arith.index_cast %swap3A_3027 : i32 to index
    %swap3A_3029 = arith.constant 96 : index
    %swap3A_3030 = tpu.vector_load %arg8[%swap3A_3028, %swap3A_3029] {strides = array<i32>} : memref<8x256xf32, #tpu.memory_space<vmem>>, vector<16xf32>,
    tpu.vector_store %arg8[%swap3A_3028, %swap3A_3029], %add3A_3026 {strides = array<i32>} : memref<8x256xf32, #tpu.memory_space<vmem>>, vector<16xf32>,
    %mul3A_3031 = arith.mulf %add3A_3026, %add3A_3026 : vector<16xf32>
    %add3A_3032 = arith.addf %add3A_3014, %mul3A_3031 : vector<16xf32>
    %get3A_3033 = arith.constant 6 : i32
    %get3A_3034 = arith.index_cast %get3A_3033 : i32 to index
    %get3A_3035 = arith.constant 112 : index
    %get3A_3036 = tpu.vector_load %arg8[%get3A_3034, %get3A_3035] {strides = array<i32>} : memref<8x256xf32, #tpu.memory_space<vmem>>, vector<16xf32>,
    %mul3A_3037 = arith.constant 5.000000e-01 : f32
    %mul3A_3038 = vector.broadcast %mul3A_3037 : f32 to vector<16xf32>
    %mul3A_3039 = arith.mulf %get3A_3036, %mul3A_3038 : vector<16xf32>
    %get3A_3040 = arith.constant 6 : i32
    %get3A_3041 = arith.index_cast %get3A_3040 : i32 to index
    %get3A_3042 = arith.constant 112 : index
    %get3A_3043 = tpu.vector_load %arg9[%get3A_3041, %get3A_3042] {strides = array<i32>} : memref<8x256xf32, #tpu.memory_space<vmem>>, vector<16xf32>,
    %add3A_3044 = arith.addf %mul3A_3039, %get3A_3043 : vector<16xf32>
    %swap3A_3045 = arith.constant 6 : i32
    %swap3A_3046 = arith.index_cast %swap3A_3045 : i32 to index
    %swap3A_3047 = arith.constant 112 : index
    %swap3A_3048 = tpu.vector_load %arg8[%swap3A_3046, %swap3A_3047] {strides = array<i32>} : memref<8x256xf32, #tpu.memory_space<vmem>>, vector<16xf32>,
    tpu.vector_store %arg8[%swap3A_3046, %swap3A_3047], %add3A_3044 {strides = array<i32>} : memref<8x256xf32, #tpu.memory_space<vmem>>, vector<16xf32>,
    %mul3A_3049 = arith.mulf %add3A_3044, %add3A_3044 : vector<16xf32>
    %add3A_3050 = arith.addf %add3A_3032, %mul3A_3049 : vector<16xf32>
    %get3A_3051 = arith.constant 6 : i32
    %get3A_3052 = arith.index_cast %get3A_3051 : i32 to index
    %get3A_3053 = arith.constant 128 : index
    %get3A_3054 = tpu.vector_load %arg8[%get3A_3052, %get3A_3053] {strides = array<i32>} : memref<8x256xf32, #tpu.memory_space<vmem>>, vector<16xf32>,
    %mul3A_3055 = arith.constant 5.000000e-01 : f32
    %mul3A_3056 = vector.broadcast %mul3A_3055 : f32 to vector<16xf32>
    %mul3A_3057 = arith.mulf %get3A_3054, %mul3A_3056 : vector<16xf32>
    %get3A_3058 = arith.constant 6 : i32
    %get3A_3059 = arith.index_cast %get3A_3058 : i32 to index
    %get3A_3060 = arith.constant 128 : index
    %get3A_3061 = tpu.vector_load %arg9[%get3A_3059, %get3A_3060] {strides = array<i32>} : memref<8x256xf32, #tpu.memory_space<vmem>>, vector<16xf32>,
    %add3A_3062 = arith.addf %mul3A_3057, %get3A_3061 : vector<16xf32>
    %swap3A_3063 = arith.constant 6 : i32
    %swap3A_3064 = arith.index_cast %swap3A_3063 : i32 to index
    %swap3A_3065 = arith.constant 128 : index
    %swap3A_3066 = tpu.vector_load %arg8[%swap3A_3064, %swap3A_3065] {strides = array<i32>} : memref<8x256xf32, #tpu.memory_space<vmem>>, vector<16xf32>,
    tpu.vector_store %arg8[%swap3A_3064, %swap3A_3065], %add3A_3062 {strides = array<i32>} : memref<8x256xf32, #tpu.memory_space<vmem>>, vector<16xf32>,
    %mul3A_3067 = arith.mulf %add3A_3062, %add3A_3062 : vector<16xf32>
    %add3A_3068 = arith.addf %add3A_3050, %mul3A_3067 : vector<16xf32>
    %get3A_3069 = arith.constant 6 : i32
    %get3A_3070 = arith.index_cast %get3A_3069 : i32 to index
    %get3A_3071 = arith.constant 144 : index
    %get3A_3072 = tpu.vector_load %arg8[%get3A_3070, %get3A_3071] {strides = array<i32>} : memref<8x256xf32, #tpu.memory_space<vmem>>, vector<16xf32>,
    %mul3A_3073 = arith.constant 5.000000e-01 : f32
    %mul3A_3074 = vector.broadcast %mul3A_3073 : f32 to vector<16xf32>
    %mul3A_3075 = arith.mulf %get3A_3072, %mul3A_3074 : vector<16xf32>
    %get3A_3076 = arith.constant 6 : i32
    %get3A_3077 = arith.index_cast %get3A_3076 : i32 to index
    %get3A_3078 = arith.constant 144 : index
    %get3A_3079 = tpu.vector_load %arg9[%get3A_3077, %get3A_3078] {strides = array<i32>} : memref<8x256xf32, #tpu.memory_space<vmem>>, vector<16xf32>,
    %add3A_3080 = arith.addf %mul3A_3075, %get3A_3079 : vector<16xf32>
    %swap3A_3081 = arith.constant 6 : i32
    %swap3A_3082 = arith.index_cast %swap3A_3081 : i32 to index
    %swap3A_3083 = arith.constant 144 : index
    %swap3A_3084 = tpu.vector_load %arg8[%swap3A_3082, %swap3A_3083] {strides = array<i32>} : memref<8x256xf32, #tpu.memory_space<vmem>>, vector<16xf32>,
    tpu.vector_store %arg8[%swap3A_3082, %swap3A_3083], %add3A_3080 {strides = array<i32>} : memref<8x256xf32, #tpu.memory_space<vmem>>, vector<16xf32>,
    %mul3A_3085 = arith.mulf %add3A_3080, %add3A_3080 : vector<16xf32>
    %add3A_3086 = arith.addf %add3A_3068, %mul3A_3085 : vector<16xf32>
    %get3A_3087 = arith.constant 6 : i32
    %get3A_3088 = arith.index_cast %get3A_3087 : i32 to index
    %get3A_3089 = arith.constant 160 : index
    %get3A_3090 = tpu.vector_load %arg8[%get3A_3088, %get3A_3089] {strides = array<i32>} : memref<8x256xf32, #tpu.memory_space<vmem>>, vector<16xf32>,
    %mul3A_3091 = arith.constant 5.000000e-01 : f32
    %mul3A_3092 = vector.broadcast %mul3A_3091 : f32 to vector<16xf32>
    %mul3A_3093 = arith.mulf %get3A_3090, %mul3A_3092 : vector<16xf32>
    %get3A_3094 = arith.constant 6 : i32
    %get3A_3095 = arith.index_cast %get3A_3094 : i32 to index
    %get3A_3096 = arith.constant 160 : index
    %get3A_3097 = tpu.vector_load %arg9[%get3A_3095, %get3A_3096] {strides = array<i32>} : memref<8x256xf32, #tpu.memory_space<vmem>>, vector<16xf32>,
    %add3A_3098 = arith.addf %mul3A_3093, %get3A_3097 : vector<16xf32>
    %swap3A_3099 = arith.constant 6 : i32
    %swap3A_3100 = arith.index_cast %swap3A_3099 : i32 to index
    %swap3A_3101 = arith.constant 160 : index
    %swap3A_3102 = tpu.vector_load %arg8[%swap3A_3100, %swap3A_3101] {strides = array<i32>} : memref<8x256xf32, #tpu.memory_space<vmem>>, vector<16xf32>,
    tpu.vector_store %arg8[%swap3A_3100, %swap3A_3101], %add3A_3098 {strides = array<i32>} : memref<8x256xf32, #tpu.memory_space<vmem>>, vector<16xf32>,
    %mul3A_3103 = arith.mulf %add3A_3098, %add3A_3098 : vector<16xf32>
    %add3A_3104 = arith.addf %add3A_3086, %mul3A_3103 : vector<16xf32>
    %get3A_3105 = arith.constant 6 : i32
    %get3A_3106 = arith.index_cast %get3A_3105 : i32 to index
    %get3A_3107 = arith.constant 176 : index
    %get3A_3108 = tpu.vector_load %arg8[%get3A_3106, %get3A_3107] {strides = array<i32>} : memref<8x256xf32, #tpu.memory_space<vmem>>, vector<16xf32>,
    %mul3A_3109 = arith.constant 5.000000e-01 : f32
    %mul3A_3110 = vector.broadcast %mul3A_3109 : f32 to vector<16xf32>
    %mul3A_3111 = arith.mulf %get3A_3108, %mul3A_3110 : vector<16xf32>
    %get3A_3112 = arith.constant 6 : i32
    %get3A_3113 = arith.index_cast %get3A_3112 : i32 to index
    %get3A_3114 = arith.constant 176 : index
    %get3A_3115 = tpu.vector_load %arg9[%get3A_3113, %get3A_3114] {strides = array<i32>} : memref<8x256xf32, #tpu.memory_space<vmem>>, vector<16xf32>,
    %add3A_3116 = arith.addf %mul3A_3111, %get3A_3115 : vector<16xf32>
    %swap3A_3117 = arith.constant 6 : i32
    %swap3A_3118 = arith.index_cast %swap3A_3117 : i32 to index
    %swap3A_3119 = arith.constant 176 : index
    %swap3A_3120 = tpu.vector_load %arg8[%swap3A_3118, %swap3A_3119] {strides = array<i32>} : memref<8x256xf32, #tpu.memory_space<vmem>>, vector<16xf32>,
    tpu.vector_store %arg8[%swap3A_3118, %swap3A_3119], %add3A_3116 {strides = array<i32>} : memref<8x256xf32, #tpu.memory_space<vmem>>, vector<16xf32>,
    %mul3A_3121 = arith.mulf %add3A_3116, %add3A_3116 : vector<16xf32>
    %add3A_3122 = arith.addf %add3A_3104, %mul3A_3121 : vector<16xf32>
    %get3A_3123 = arith.constant 6 : i32
    %get3A_3124 = arith.index_cast %get3A_3123 : i32 to index
    %get3A_3125 = arith.constant 192 : index
    %get3A_3126 = tpu.vector_load %arg8[%get3A_3124, %get3A_3125] {strides = array<i32>} : memref<8x256xf32, #tpu.memory_space<vmem>>, vector<16xf32>,
    %mul3A_3127 = arith.constant 5.000000e-01 : f32
    %mul3A_3128 = vector.broadcast %mul3A_3127 : f32 to vector<16xf32>
    %mul3A_3129 = arith.mulf %get3A_3126, %mul3A_3128 : vector<16xf32>
    %get3A_3130 = arith.constant 6 : i32
    %get3A_3131 = arith.index_cast %get3A_3130 : i32 to index
    %get3A_3132 = arith.constant 192 : index
    %get3A_3133 = tpu.vector_load %arg9[%get3A_3131, %get3A_3132] {strides = array<i32>} : memref<8x256xf32, #tpu.memory_space<vmem>>, vector<16xf32>,
    %add3A_3134 = arith.addf %mul3A_3129, %get3A_3133 : vector<16xf32>
    %swap3A_3135 = arith.constant 6 : i32
    %swap3A_3136 = arith.index_cast %swap3A_3135 : i32 to index
    %swap3A_3137 = arith.constant 192 : index
    %swap3A_3138 = tpu.vector_load %arg8[%swap3A_3136, %swap3A_3137] {strides = array<i32>} : memref<8x256xf32, #tpu.memory_space<vmem>>, vector<16xf32>,
    tpu.vector_store %arg8[%swap3A_3136, %swap3A_3137], %add3A_3134 {strides = array<i32>} : memref<8x256xf32, #tpu.memory_space<vmem>>, vector<16xf32>,
    %mul3A_3139 = arith.mulf %add3A_3134, %add3A_3134 : vector<16xf32>
    %add3A_3140 = arith.addf %add3A_3122, %mul3A_3139 : vector<16xf32>
    %get3A_3141 = arith.constant 6 : i32
    %get3A_3142 = arith.index_cast %get3A_3141 : i32 to index
    %get3A_3143 = arith.constant 208 : index
    %get3A_3144 = tpu.vector_load %arg8[%get3A_3142, %get3A_3143] {strides = array<i32>} : memref<8x256xf32, #tpu.memory_space<vmem>>, vector<16xf32>,
    %mul3A_3145 = arith.constant 5.000000e-01 : f32
    %mul3A_3146 = vector.broadcast %mul3A_3145 : f32 to vector<16xf32>
    %mul3A_3147 = arith.mulf %get3A_3144, %mul3A_3146 : vector<16xf32>
    %get3A_3148 = arith.constant 6 : i32
    %get3A_3149 = arith.index_cast %get3A_3148 : i32 to index
    %get3A_3150 = arith.constant 208 : index
    %get3A_3151 = tpu.vector_load %arg9[%get3A_3149, %get3A_3150] {strides = array<i32>} : memref<8x256xf32, #tpu.memory_space<vmem>>, vector<16xf32>,
    %add3A_3152 = arith.addf %mul3A_3147, %get3A_3151 : vector<16xf32>
    %swap3A_3153 = arith.constant 6 : i32
    %swap3A_3154 = arith.index_cast %swap3A_3153 : i32 to index
    %swap3A_3155 = arith.constant 208 : index
    %swap3A_3156 = tpu.vector_load %arg8[%swap3A_3154, %swap3A_3155] {strides = array<i32>} : memref<8x256xf32, #tpu.memory_space<vmem>>, vector<16xf32>,
    tpu.vector_store %arg8[%swap3A_3154, %swap3A_3155], %add3A_3152 {strides = array<i32>} : memref<8x256xf32, #tpu.memory_space<vmem>>, vector<16xf32>,
    %mul3A_3157 = arith.mulf %add3A_3152, %add3A_3152 : vector<16xf32>
    %add3A_3158 = arith.addf %add3A_3140, %mul3A_3157 : vector<16xf32>
    %get3A_3159 = arith.constant 6 : i32
    %get3A_3160 = arith.index_cast %get3A_3159 : i32 to index
    %get3A_3161 = arith.constant 224 : index
    %get3A_3162 = tpu.vector_load %arg8[%get3A_3160, %get3A_3161] {strides = array<i32>} : memref<8x256xf32, #tpu.memory_space<vmem>>, vector<16xf32>,
    %mul3A_3163 = arith.constant 5.000000e-01 : f32
    %mul3A_3164 = vector.broadcast %mul3A_3163 : f32 to vector<16xf32>
    %mul3A_3165 = arith.mulf %get3A_3162, %mul3A_3164 : vector<16xf32>
    %get3A_3166 = arith.constant 6 : i32
    %get3A_3167 = arith.index_cast %get3A_3166 : i32 to index
    %get3A_3168 = arith.constant 224 : index
    %get3A_3169 = tpu.vector_load %arg9[%get3A_3167, %get3A_3168] {strides = array<i32>} : memref<8x256xf32, #tpu.memory_space<vmem>>, vector<16xf32>,
    %add3A_3170 = arith.addf %mul3A_3165, %get3A_3169 : vector<16xf32>
    %swap3A_3171 = arith.constant 6 : i32
    %swap3A_3172 = arith.index_cast %swap3A_3171 : i32 to index
    %swap3A_3173 = arith.constant 224 : index
    %swap3A_3174 = tpu.vector_load %arg8[%swap3A_3172, %swap3A_3173] {strides = array<i32>} : memref<8x256xf32, #tpu.memory_space<vmem>>, vector<16xf32>,
    tpu.vector_store %arg8[%swap3A_3172, %swap3A_3173], %add3A_3170 {strides = array<i32>} : memref<8x256xf32, #tpu.memory_space<vmem>>, vector<16xf32>,
    %mul3A_3175 = arith.mulf %add3A_3170, %add3A_3170 : vector<16xf32>
    %add3A_3176 = arith.addf %add3A_3158, %mul3A_3175 : vector<16xf32>
    %get3A_3177 = arith.constant 6 : i32
    %get3A_3178 = arith.index_cast %get3A_3177 : i32 to index
    %get3A_3179 = arith.constant 240 : index
    %get3A_3180 = tpu.vector_load %arg8[%get3A_3178, %get3A_3179] {strides = array<i32>} : memref<8x256xf32, #tpu.memory_space<vmem>>, vector<16xf32>,
    %mul3A_3181 = arith.constant 5.000000e-01 : f32
    %mul3A_3182 = vector.broadcast %mul3A_3181 : f32 to vector<16xf32>
    %mul3A_3183 = arith.mulf %get3A_3180, %mul3A_3182 : vector<16xf32>
    %get3A_3184 = arith.constant 6 : i32
    %get3A_3185 = arith.index_cast %get3A_3184 : i32 to index
    %get3A_3186 = arith.constant 240 : index
    %get3A_3187 = tpu.vector_load %arg9[%get3A_3185, %get3A_3186] {strides = array<i32>} : memref<8x256xf32, #tpu.memory_space<vmem>>, vector<16xf32>,
    %add3A_3188 = arith.addf %mul3A_3183, %get3A_3187 : vector<16xf32>
    %swap3A_3189 = arith.constant 6 : i32
    %swap3A_3190 = arith.index_cast %swap3A_3189 : i32 to index
    %swap3A_3191 = arith.constant 240 : index
    %swap3A_3192 = tpu.vector_load %arg8[%swap3A_3190, %swap3A_3191] {strides = array<i32>} : memref<8x256xf32, #tpu.memory_space<vmem>>, vector<16xf32>,
    tpu.vector_store %arg8[%swap3A_3190, %swap3A_3191], %add3A_3188 {strides = array<i32>} : memref<8x256xf32, #tpu.memory_space<vmem>>, vector<16xf32>,
    %mul3A_3193 = arith.mulf %add3A_3188, %add3A_3188 : vector<16xf32>
    %add3A_3194 = arith.addf %add3A_3176, %mul3A_3193 : vector<16xf32>
    %reduce_sum3A_3195 = arith.constant true
    %reduce_sum3A_3196 = vector.broadcast %reduce_sum3A_3195 : i1 to vector<16xi1>
    %reduce_sum3A_3197 = tpu.scan <sum>, %add3A_3194 masked %reduce_sum3A_3196 : vector<16xf32>, vector<16xi1> -> vector<16xf32>
    %reduce_sum3A_3198 = vector.extract %reduce_sum3A_3197[15] : f32 from vector<16xf32>
    %broadcast_in_dim3A_3199 = vector.broadcast %reduce_sum3A_3198 : f32 to vector<16xf32>
    %bitcast3A_3200 = vector.bitcast %broadcast_in_dim3A_3199 : vector<16xf32> to vector<16xi32>
    %shift_right_arithmetic3A_3201 = arith.constant 1 : i32
    %shift_right_arithmetic3A_3202 = vector.broadcast %shift_right_arithmetic3A_3201 : i32 to vector<16xi32>
    %shift_right_arithmetic3A_3203 = arith.shrsi %bitcast3A_3200, %shift_right_arithmetic3A_3202 : vector<16xi32>
    %sub3A_3204 = arith.constant 1597463007 : i32
    %sub3A_3205 = vector.broadcast %sub3A_3204 : i32 to vector<16xi32>
    %sub3A_3206 = arith.subi %sub3A_3205, %shift_right_arithmetic3A_3203 : vector<16xi32>
    %bitcast3A_3207 = vector.bitcast %sub3A_3206 : vector<16xi32> to vector<16xf32>
    %mul3A_3208 = arith.constant 5.000000e-01 : f32
    %mul3A_3209 = vector.broadcast %mul3A_3208 : f32 to vector<16xf32>
    %mul3A_3210 = arith.mulf %mul3A_3209, %broadcast_in_dim3A_3199 : vector<16xf32>
    %mul3A_3211 = arith.mulf %mul3A_3210, %bitcast3A_3207 : vector<16xf32>
    %mul3A_3212 = arith.mulf %mul3A_3211, %bitcast3A_3207 : vector<16xf32>
    %sub3A_3213 = arith.constant 1.500000e+00 : f32
    %sub3A_3214 = vector.broadcast %sub3A_3213 : f32 to vector<16xf32>
    %sub3A_3215 = arith.subf %sub3A_3214, %mul3A_3212 : vector<16xf32>
    %mul3A_3216 = arith.mulf %bitcast3A_3207, %sub3A_3215 : vector<16xf32>
    %mul3A_3217 = arith.constant 5.000000e-01 : f32
    %mul3A_3218 = vector.broadcast %mul3A_3217 : f32 to vector<16xf32>
    %mul3A_3219 = arith.mulf %mul3A_3218, %broadcast_in_dim3A_3199 : vector<16xf32>
    %mul3A_3220 = arith.mulf %mul3A_3219, %mul3A_3216 : vector<16xf32>
    %mul3A_3221 = arith.mulf %mul3A_3220, %mul3A_3216 : vector<16xf32>
    %sub3A_3222 = arith.constant 1.500000e+00 : f32
    %sub3A_3223 = vector.broadcast %sub3A_3222 : f32 to vector<16xf32>
    %sub3A_3224 = arith.subf %sub3A_3223, %mul3A_3221 : vector<16xf32>
    %mul3A_3225 = arith.mulf %mul3A_3216, %sub3A_3224 : vector<16xf32>
    %mul3A_3226 = arith.constant 5.000000e-01 : f32
    %mul3A_3227 = vector.broadcast %mul3A_3226 : f32 to vector<16xf32>
    %mul3A_3228 = arith.mulf %mul3A_3227, %broadcast_in_dim3A_3199 : vector<16xf32>
    %mul3A_3229 = arith.mulf %mul3A_3228, %mul3A_3225 : vector<16xf32>
    %mul3A_3230 = arith.mulf %mul3A_3229, %mul3A_3225 : vector<16xf32>
    %sub3A_3231 = arith.constant 1.500000e+00 : f32
    %sub3A_3232 = vector.broadcast %sub3A_3231 : f32 to vector<16xf32>
    %sub3A_3233 = arith.subf %sub3A_3232, %mul3A_3230 : vector<16xf32>
    %mul3A_3234 = arith.mulf %mul3A_3225, %sub3A_3233 : vector<16xf32>
    %mul3A_3235 = arith.constant 5.000000e-01 : f32
    %mul3A_3236 = vector.broadcast %mul3A_3235 : f32 to vector<16xf32>
    %mul3A_3237 = arith.mulf %mul3A_3236, %broadcast_in_dim3A_3199 : vector<16xf32>
    %mul3A_3238 = arith.mulf %mul3A_3237, %mul3A_3234 : vector<16xf32>
    %mul3A_3239 = arith.mulf %mul3A_3238, %mul3A_3234 : vector<16xf32>
    %sub3A_3240 = arith.constant 1.500000e+00 : f32
    %sub3A_3241 = vector.broadcast %sub3A_3240 : f32 to vector<16xf32>
    %sub3A_3242 = arith.subf %sub3A_3241, %mul3A_3239 : vector<16xf32>
    %mul3A_3243 = arith.mulf %mul3A_3234, %sub3A_3242 : vector<16xf32>
    %get3A_3244 = arith.constant 6 : i32
    %get3A_3245 = arith.index_cast %get3A_3244 : i32 to index
    %get3A_3246 = arith.constant 0 : index
    %get3A_3247 = tpu.vector_load %arg8[%get3A_3245, %get3A_3246] {strides = array<i32>} : memref<8x256xf32, #tpu.memory_space<vmem>>, vector<16xf32>,
    %mul3A_3248 = arith.mulf %get3A_3247, %mul3A_3243 : vector<16xf32>
    %swap3A_3249 = arith.constant 6 : i32
    %swap3A_3250 = arith.index_cast %swap3A_3249 : i32 to index
    %swap3A_3251 = arith.constant 0 : index
    %swap3A_3252 = tpu.vector_load %arg8[%swap3A_3250, %swap3A_3251] {strides = array<i32>} : memref<8x256xf32, #tpu.memory_space<vmem>>, vector<16xf32>,
    tpu.vector_store %arg8[%swap3A_3250, %swap3A_3251], %mul3A_3248 {strides = array<i32>} : memref<8x256xf32, #tpu.memory_space<vmem>>, vector<16xf32>,
    %get3A_3253 = arith.constant 6 : i32
    %get3A_3254 = arith.index_cast %get3A_3253 : i32 to index
    %get3A_3255 = arith.constant 16 : index
    %get3A_3256 = tpu.vector_load %arg8[%get3A_3254, %get3A_3255] {strides = array<i32>} : memref<8x256xf32, #tpu.memory_space<vmem>>, vector<16xf32>,
    %mul3A_3257 = arith.mulf %get3A_3256, %mul3A_3243 : vector<16xf32>
    %swap3A_3258 = arith.constant 6 : i32
    %swap3A_3259 = arith.index_cast %swap3A_3258 : i32 to index
    %swap3A_3260 = arith.constant 16 : index
    %swap3A_3261 = tpu.vector_load %arg8[%swap3A_3259, %swap3A_3260] {strides = array<i32>} : memref<8x256xf32, #tpu.memory_space<vmem>>, vector<16xf32>,
    tpu.vector_store %arg8[%swap3A_3259, %swap3A_3260], %mul3A_3257 {strides = array<i32>} : memref<8x256xf32, #tpu.memory_space<vmem>>, vector<16xf32>,
    %get3A_3262 = arith.constant 6 : i32
    %get3A_3263 = arith.index_cast %get3A_3262 : i32 to index
    %get3A_3264 = arith.constant 32 : index
    %get3A_3265 = tpu.vector_load %arg8[%get3A_3263, %get3A_3264] {strides = array<i32>} : memref<8x256xf32, #tpu.memory_space<vmem>>, vector<16xf32>,
    %mul3A_3266 = arith.mulf %get3A_3265, %mul3A_3243 : vector<16xf32>
    %swap3A_3267 = arith.constant 6 : i32
    %swap3A_3268 = arith.index_cast %swap3A_3267 : i32 to index
    %swap3A_3269 = arith.constant 32 : index
    %swap3A_3270 = tpu.vector_load %arg8[%swap3A_3268, %swap3A_3269] {strides = array<i32>} : memref<8x256xf32, #tpu.memory_space<vmem>>, vector<16xf32>,
    tpu.vector_store %arg8[%swap3A_3268, %swap3A_3269], %mul3A_3266 {strides = array<i32>} : memref<8x256xf32, #tpu.memory_space<vmem>>, vector<16xf32>,
    %get3A_3271 = arith.constant 6 : i32
    %get3A_3272 = arith.index_cast %get3A_3271 : i32 to index
    %get3A_3273 = arith.constant 48 : index
    %get3A_3274 = tpu.vector_load %arg8[%get3A_3272, %get3A_3273] {strides = array<i32>} : memref<8x256xf32, #tpu.memory_space<vmem>>, vector<16xf32>,
    %mul3A_3275 = arith.mulf %get3A_3274, %mul3A_3243 : vector<16xf32>
    %swap3A_3276 = arith.constant 6 : i32
    %swap3A_3277 = arith.index_cast %swap3A_3276 : i32 to index
    %swap3A_3278 = arith.constant 48 : index
    %swap3A_3279 = tpu.vector_load %arg8[%swap3A_3277, %swap3A_3278] {strides = array<i32>} : memref<8x256xf32, #tpu.memory_space<vmem>>, vector<16xf32>,
    tpu.vector_store %arg8[%swap3A_3277, %swap3A_3278], %mul3A_3275 {strides = array<i32>} : memref<8x256xf32, #tpu.memory_space<vmem>>, vector<16xf32>,
    %get3A_3280 = arith.constant 6 : i32
    %get3A_3281 = arith.index_cast %get3A_3280 : i32 to index
    %get3A_3282 = arith.constant 64 : index
    %get3A_3283 = tpu.vector_load %arg8[%get3A_3281, %get3A_3282] {strides = array<i32>} : memref<8x256xf32, #tpu.memory_space<vmem>>, vector<16xf32>,
    %mul3A_3284 = arith.mulf %get3A_3283, %mul3A_3243 : vector<16xf32>
    %swap3A_3285 = arith.constant 6 : i32
    %swap3A_3286 = arith.index_cast %swap3A_3285 : i32 to index
    %swap3A_3287 = arith.constant 64 : index
    %swap3A_3288 = tpu.vector_load %arg8[%swap3A_3286, %swap3A_3287] {strides = array<i32>} : memref<8x256xf32, #tpu.memory_space<vmem>>, vector<16xf32>,
    tpu.vector_store %arg8[%swap3A_3286, %swap3A_3287], %mul3A_3284 {strides = array<i32>} : memref<8x256xf32, #tpu.memory_space<vmem>>, vector<16xf32>,
    %get3A_3289 = arith.constant 6 : i32
    %get3A_3290 = arith.index_cast %get3A_3289 : i32 to index
    %get3A_3291 = arith.constant 80 : index
    %get3A_3292 = tpu.vector_load %arg8[%get3A_3290, %get3A_3291] {strides = array<i32>} : memref<8x256xf32, #tpu.memory_space<vmem>>, vector<16xf32>,
    %mul3A_3293 = arith.mulf %get3A_3292, %mul3A_3243 : vector<16xf32>
    %swap3A_3294 = arith.constant 6 : i32
    %swap3A_3295 = arith.index_cast %swap3A_3294 : i32 to index
    %swap3A_3296 = arith.constant 80 : index
    %swap3A_3297 = tpu.vector_load %arg8[%swap3A_3295, %swap3A_3296] {strides = array<i32>} : memref<8x256xf32, #tpu.memory_space<vmem>>, vector<16xf32>,
    tpu.vector_store %arg8[%swap3A_3295, %swap3A_3296], %mul3A_3293 {strides = array<i32>} : memref<8x256xf32, #tpu.memory_space<vmem>>, vector<16xf32>,
    %get3A_3298 = arith.constant 6 : i32
    %get3A_3299 = arith.index_cast %get3A_3298 : i32 to index
    %get3A_3300 = arith.constant 96 : index
    %get3A_3301 = tpu.vector_load %arg8[%get3A_3299, %get3A_3300] {strides = array<i32>} : memref<8x256xf32, #tpu.memory_space<vmem>>, vector<16xf32>,
    %mul3A_3302 = arith.mulf %get3A_3301, %mul3A_3243 : vector<16xf32>
    %swap3A_3303 = arith.constant 6 : i32
    %swap3A_3304 = arith.index_cast %swap3A_3303 : i32 to index
    %swap3A_3305 = arith.constant 96 : index
    %swap3A_3306 = tpu.vector_load %arg8[%swap3A_3304, %swap3A_3305] {strides = array<i32>} : memref<8x256xf32, #tpu.memory_space<vmem>>, vector<16xf32>,
    tpu.vector_store %arg8[%swap3A_3304, %swap3A_3305], %mul3A_3302 {strides = array<i32>} : memref<8x256xf32, #tpu.memory_space<vmem>>, vector<16xf32>,
    %get3A_3307 = arith.constant 6 : i32
    %get3A_3308 = arith.index_cast %get3A_3307 : i32 to index
    %get3A_3309 = arith.constant 112 : index
    %get3A_3310 = tpu.vector_load %arg8[%get3A_3308, %get3A_3309] {strides = array<i32>} : memref<8x256xf32, #tpu.memory_space<vmem>>, vector<16xf32>,
    %mul3A_3311 = arith.mulf %get3A_3310, %mul3A_3243 : vector<16xf32>
    %swap3A_3312 = arith.constant 6 : i32
    %swap3A_3313 = arith.index_cast %swap3A_3312 : i32 to index
    %swap3A_3314 = arith.constant 112 : index
    %swap3A_3315 = tpu.vector_load %arg8[%swap3A_3313, %swap3A_3314] {strides = array<i32>} : memref<8x256xf32, #tpu.memory_space<vmem>>, vector<16xf32>,
    tpu.vector_store %arg8[%swap3A_3313, %swap3A_3314], %mul3A_3311 {strides = array<i32>} : memref<8x256xf32, #tpu.memory_space<vmem>>, vector<16xf32>,
    %get3A_3316 = arith.constant 6 : i32
    %get3A_3317 = arith.index_cast %get3A_3316 : i32 to index
    %get3A_3318 = arith.constant 128 : index
    %get3A_3319 = tpu.vector_load %arg8[%get3A_3317, %get3A_3318] {strides = array<i32>} : memref<8x256xf32, #tpu.memory_space<vmem>>, vector<16xf32>,
    %mul3A_3320 = arith.mulf %get3A_3319, %mul3A_3243 : vector<16xf32>
    %swap3A_3321 = arith.constant 6 : i32
    %swap3A_3322 = arith.index_cast %swap3A_3321 : i32 to index
    %swap3A_3323 = arith.constant 128 : index
    %swap3A_3324 = tpu.vector_load %arg8[%swap3A_3322, %swap3A_3323] {strides = array<i32>} : memref<8x256xf32, #tpu.memory_space<vmem>>, vector<16xf32>,
    tpu.vector_store %arg8[%swap3A_3322, %swap3A_3323], %mul3A_3320 {strides = array<i32>} : memref<8x256xf32, #tpu.memory_space<vmem>>, vector<16xf32>,
    %get3A_3325 = arith.constant 6 : i32
    %get3A_3326 = arith.index_cast %get3A_3325 : i32 to index
    %get3A_3327 = arith.constant 144 : index
    %get3A_3328 = tpu.vector_load %arg8[%get3A_3326, %get3A_3327] {strides = array<i32>} : memref<8x256xf32, #tpu.memory_space<vmem>>, vector<16xf32>,
    %mul3A_3329 = arith.mulf %get3A_3328, %mul3A_3243 : vector<16xf32>
    %swap3A_3330 = arith.constant 6 : i32
    %swap3A_3331 = arith.index_cast %swap3A_3330 : i32 to index
    %swap3A_3332 = arith.constant 144 : index
    %swap3A_3333 = tpu.vector_load %arg8[%swap3A_3331, %swap3A_3332] {strides = array<i32>} : memref<8x256xf32, #tpu.memory_space<vmem>>, vector<16xf32>,
    tpu.vector_store %arg8[%swap3A_3331, %swap3A_3332], %mul3A_3329 {strides = array<i32>} : memref<8x256xf32, #tpu.memory_space<vmem>>, vector<16xf32>,
    %get3A_3334 = arith.constant 6 : i32
    %get3A_3335 = arith.index_cast %get3A_3334 : i32 to index
    %get3A_3336 = arith.constant 160 : index
    %get3A_3337 = tpu.vector_load %arg8[%get3A_3335, %get3A_3336] {strides = array<i32>} : memref<8x256xf32, #tpu.memory_space<vmem>>, vector<16xf32>,
    %mul3A_3338 = arith.mulf %get3A_3337, %mul3A_3243 : vector<16xf32>
    %swap3A_3339 = arith.constant 6 : i32
    %swap3A_3340 = arith.index_cast %swap3A_3339 : i32 to index
    %swap3A_3341 = arith.constant 160 : index
    %swap3A_3342 = tpu.vector_load %arg8[%swap3A_3340, %swap3A_3341] {strides = array<i32>} : memref<8x256xf32, #tpu.memory_space<vmem>>, vector<16xf32>,
    tpu.vector_store %arg8[%swap3A_3340, %swap3A_3341], %mul3A_3338 {strides = array<i32>} : memref<8x256xf32, #tpu.memory_space<vmem>>, vector<16xf32>,
    %get3A_3343 = arith.constant 6 : i32
    %get3A_3344 = arith.index_cast %get3A_3343 : i32 to index
    %get3A_3345 = arith.constant 176 : index
    %get3A_3346 = tpu.vector_load %arg8[%get3A_3344, %get3A_3345] {strides = array<i32>} : memref<8x256xf32, #tpu.memory_space<vmem>>, vector<16xf32>,
    %mul3A_3347 = arith.mulf %get3A_3346, %mul3A_3243 : vector<16xf32>
    %swap3A_3348 = arith.constant 6 : i32
    %swap3A_3349 = arith.index_cast %swap3A_3348 : i32 to index
    %swap3A_3350 = arith.constant 176 : index
    %swap3A_3351 = tpu.vector_load %arg8[%swap3A_3349, %swap3A_3350] {strides = array<i32>} : memref<8x256xf32, #tpu.memory_space<vmem>>, vector<16xf32>,
    tpu.vector_store %arg8[%swap3A_3349, %swap3A_3350], %mul3A_3347 {strides = array<i32>} : memref<8x256xf32, #tpu.memory_space<vmem>>, vector<16xf32>,
    %get3A_3352 = arith.constant 6 : i32
    %get3A_3353 = arith.index_cast %get3A_3352 : i32 to index
    %get3A_3354 = arith.constant 192 : index
    %get3A_3355 = tpu.vector_load %arg8[%get3A_3353, %get3A_3354] {strides = array<i32>} : memref<8x256xf32, #tpu.memory_space<vmem>>, vector<16xf32>,
    %mul3A_3356 = arith.mulf %get3A_3355, %mul3A_3243 : vector<16xf32>
    %swap3A_3357 = arith.constant 6 : i32
    %swap3A_3358 = arith.index_cast %swap3A_3357 : i32 to index
    %swap3A_3359 = arith.constant 192 : index
    %swap3A_3360 = tpu.vector_load %arg8[%swap3A_3358, %swap3A_3359] {strides = array<i32>} : memref<8x256xf32, #tpu.memory_space<vmem>>, vector<16xf32>,
    tpu.vector_store %arg8[%swap3A_3358, %swap3A_3359], %mul3A_3356 {strides = array<i32>} : memref<8x256xf32, #tpu.memory_space<vmem>>, vector<16xf32>,
    %get3A_3361 = arith.constant 6 : i32
    %get3A_3362 = arith.index_cast %get3A_3361 : i32 to index
    %get3A_3363 = arith.constant 208 : index
    %get3A_3364 = tpu.vector_load %arg8[%get3A_3362, %get3A_3363] {strides = array<i32>} : memref<8x256xf32, #tpu.memory_space<vmem>>, vector<16xf32>,
    %mul3A_3365 = arith.mulf %get3A_3364, %mul3A_3243 : vector<16xf32>
    %swap3A_3366 = arith.constant 6 : i32
    %swap3A_3367 = arith.index_cast %swap3A_3366 : i32 to index
    %swap3A_3368 = arith.constant 208 : index
    %swap3A_3369 = tpu.vector_load %arg8[%swap3A_3367, %swap3A_3368] {strides = array<i32>} : memref<8x256xf32, #tpu.memory_space<vmem>>, vector<16xf32>,
    tpu.vector_store %arg8[%swap3A_3367, %swap3A_3368], %mul3A_3365 {strides = array<i32>} : memref<8x256xf32, #tpu.memory_space<vmem>>, vector<16xf32>,
    %get3A_3370 = arith.constant 6 : i32
    %get3A_3371 = arith.index_cast %get3A_3370 : i32 to index
    %get3A_3372 = arith.constant 224 : index
    %get3A_3373 = tpu.vector_load %arg8[%get3A_3371, %get3A_3372] {strides = array<i32>} : memref<8x256xf32, #tpu.memory_space<vmem>>, vector<16xf32>,
    %mul3A_3374 = arith.mulf %get3A_3373, %mul3A_3243 : vector<16xf32>
    %swap3A_3375 = arith.constant 6 : i32
    %swap3A_3376 = arith.index_cast %swap3A_3375 : i32 to index
    %swap3A_3377 = arith.constant 224 : index
    %swap3A_3378 = tpu.vector_load %arg8[%swap3A_3376, %swap3A_3377] {strides = array<i32>} : memref<8x256xf32, #tpu.memory_space<vmem>>, vector<16xf32>,
    tpu.vector_store %arg8[%swap3A_3376, %swap3A_3377], %mul3A_3374 {strides = array<i32>} : memref<8x256xf32, #tpu.memory_space<vmem>>, vector<16xf32>,
    %get3A_3379 = arith.constant 6 : i32
    %get3A_3380 = arith.index_cast %get3A_3379 : i32 to index
    %get3A_3381 = arith.constant 240 : index
    %get3A_3382 = tpu.vector_load %arg8[%get3A_3380, %get3A_3381] {strides = array<i32>} : memref<8x256xf32, #tpu.memory_space<vmem>>, vector<16xf32>,
    %mul3A_3383 = arith.mulf %get3A_3382, %mul3A_3243 : vector<16xf32>
    %swap3A_3384 = arith.constant 6 : i32
    %swap3A_3385 = arith.index_cast %swap3A_3384 : i32 to index
    %swap3A_3386 = arith.constant 240 : index
    %swap3A_3387 = tpu.vector_load %arg8[%swap3A_3385, %swap3A_3386] {strides = array<i32>} : memref<8x256xf32, #tpu.memory_space<vmem>>, vector<16xf32>,
    tpu.vector_store %arg8[%swap3A_3385, %swap3A_3386], %mul3A_3383 {strides = array<i32>} : memref<8x256xf32, #tpu.memory_space<vmem>>, vector<16xf32>,
    %broadcast_in_dim3A_3388 = arith.constant 0.000000e+00 : f32
    %broadcast_in_dim3A_3389 = vector.broadcast %broadcast_in_dim3A_3388 : f32 to vector<16xf32>
    %get3A_3390 = arith.constant 7 : i32
    %get3A_3391 = arith.index_cast %get3A_3390 : i32 to index
    %get3A_3392 = arith.constant 0 : index
    %get3A_3393 = tpu.vector_load %arg8[%get3A_3391, %get3A_3392] {strides = array<i32>} : memref<8x256xf32, #tpu.memory_space<vmem>>, vector<16xf32>,
    %mul3A_3394 = arith.constant 5.000000e-01 : f32
    %mul3A_3395 = vector.broadcast %mul3A_3394 : f32 to vector<16xf32>
    %mul3A_3396 = arith.mulf %get3A_3393, %mul3A_3395 : vector<16xf32>
    %get3A_3397 = arith.constant 7 : i32
    %get3A_3398 = arith.index_cast %get3A_3397 : i32 to index
    %get3A_3399 = arith.constant 0 : index
    %get3A_3400 = tpu.vector_load %arg9[%get3A_3398, %get3A_3399] {strides = array<i32>} : memref<8x256xf32, #tpu.memory_space<vmem>>, vector<16xf32>,
    %add3A_3401 = arith.addf %mul3A_3396, %get3A_3400 : vector<16xf32>
    %swap3A_3402 = arith.constant 7 : i32
    %swap3A_3403 = arith.index_cast %swap3A_3402 : i32 to index
    %swap3A_3404 = arith.constant 0 : index
    %swap3A_3405 = tpu.vector_load %arg8[%swap3A_3403, %swap3A_3404] {strides = array<i32>} : memref<8x256xf32, #tpu.memory_space<vmem>>, vector<16xf32>,
    tpu.vector_store %arg8[%swap3A_3403, %swap3A_3404], %add3A_3401 {strides = array<i32>} : memref<8x256xf32, #tpu.memory_space<vmem>>, vector<16xf32>,
    %mul3A_3406 = arith.mulf %add3A_3401, %add3A_3401 : vector<16xf32>
    %add3A_3407 = arith.addf %broadcast_in_dim3A_3389, %mul3A_3406 : vector<16xf32>
    %get3A_3408 = arith.constant 7 : i32
    %get3A_3409 = arith.index_cast %get3A_3408 : i32 to index
    %get3A_3410 = arith.constant 16 : index
    %get3A_3411 = tpu.vector_load %arg8[%get3A_3409, %get3A_3410] {strides = array<i32>} : memref<8x256xf32, #tpu.memory_space<vmem>>, vector<16xf32>,
    %mul3A_3412 = arith.constant 5.000000e-01 : f32
    %mul3A_3413 = vector.broadcast %mul3A_3412 : f32 to vector<16xf32>
    %mul3A_3414 = arith.mulf %get3A_3411, %mul3A_3413 : vector<16xf32>
    %get3A_3415 = arith.constant 7 : i32
    %get3A_3416 = arith.index_cast %get3A_3415 : i32 to index
    %get3A_3417 = arith.constant 16 : index
    %get3A_3418 = tpu.vector_load %arg9[%get3A_3416, %get3A_3417] {strides = array<i32>} : memref<8x256xf32, #tpu.memory_space<vmem>>, vector<16xf32>,
    %add3A_3419 = arith.addf %mul3A_3414, %get3A_3418 : vector<16xf32>
    %swap3A_3420 = arith.constant 7 : i32
    %swap3A_3421 = arith.index_cast %swap3A_3420 : i32 to index
    %swap3A_3422 = arith.constant 16 : index
    %swap3A_3423 = tpu.vector_load %arg8[%swap3A_3421, %swap3A_3422] {strides = array<i32>} : memref<8x256xf32, #tpu.memory_space<vmem>>, vector<16xf32>,
    tpu.vector_store %arg8[%swap3A_3421, %swap3A_3422], %add3A_3419 {strides = array<i32>} : memref<8x256xf32, #tpu.memory_space<vmem>>, vector<16xf32>,
    %mul3A_3424 = arith.mulf %add3A_3419, %add3A_3419 : vector<16xf32>
    %add3A_3425 = arith.addf %add3A_3407, %mul3A_3424 : vector<16xf32>
    %get3A_3426 = arith.constant 7 : i32
    %get3A_3427 = arith.index_cast %get3A_3426 : i32 to index
    %get3A_3428 = arith.constant 32 : index
    %get3A_3429 = tpu.vector_load %arg8[%get3A_3427, %get3A_3428] {strides = array<i32>} : memref<8x256xf32, #tpu.memory_space<vmem>>, vector<16xf32>,
    %mul3A_3430 = arith.constant 5.000000e-01 : f32
    %mul3A_3431 = vector.broadcast %mul3A_3430 : f32 to vector<16xf32>
    %mul3A_3432 = arith.mulf %get3A_3429, %mul3A_3431 : vector<16xf32>
    %get3A_3433 = arith.constant 7 : i32
    %get3A_3434 = arith.index_cast %get3A_3433 : i32 to index
    %get3A_3435 = arith.constant 32 : index
    %get3A_3436 = tpu.vector_load %arg9[%get3A_3434, %get3A_3435] {strides = array<i32>} : memref<8x256xf32, #tpu.memory_space<vmem>>, vector<16xf32>,
    %add3A_3437 = arith.addf %mul3A_3432, %get3A_3436 : vector<16xf32>
    %swap3A_3438 = arith.constant 7 : i32
    %swap3A_3439 = arith.index_cast %swap3A_3438 : i32 to index
    %swap3A_3440 = arith.constant 32 : index
    %swap3A_3441 = tpu.vector_load %arg8[%swap3A_3439, %swap3A_3440] {strides = array<i32>} : memref<8x256xf32, #tpu.memory_space<vmem>>, vector<16xf32>,
    tpu.vector_store %arg8[%swap3A_3439, %swap3A_3440], %add3A_3437 {strides = array<i32>} : memref<8x256xf32, #tpu.memory_space<vmem>>, vector<16xf32>,
    %mul3A_3442 = arith.mulf %add3A_3437, %add3A_3437 : vector<16xf32>
    %add3A_3443 = arith.addf %add3A_3425, %mul3A_3442 : vector<16xf32>
    %get3A_3444 = arith.constant 7 : i32
    %get3A_3445 = arith.index_cast %get3A_3444 : i32 to index
    %get3A_3446 = arith.constant 48 : index
    %get3A_3447 = tpu.vector_load %arg8[%get3A_3445, %get3A_3446] {strides = array<i32>} : memref<8x256xf32, #tpu.memory_space<vmem>>, vector<16xf32>,
    %mul3A_3448 = arith.constant 5.000000e-01 : f32
    %mul3A_3449 = vector.broadcast %mul3A_3448 : f32 to vector<16xf32>
    %mul3A_3450 = arith.mulf %get3A_3447, %mul3A_3449 : vector<16xf32>
    %get3A_3451 = arith.constant 7 : i32
    %get3A_3452 = arith.index_cast %get3A_3451 : i32 to index
    %get3A_3453 = arith.constant 48 : index
    %get3A_3454 = tpu.vector_load %arg9[%get3A_3452, %get3A_3453] {strides = array<i32>} : memref<8x256xf32, #tpu.memory_space<vmem>>, vector<16xf32>,
    %add3A_3455 = arith.addf %mul3A_3450, %get3A_3454 : vector<16xf32>
    %swap3A_3456 = arith.constant 7 : i32
    %swap3A_3457 = arith.index_cast %swap3A_3456 : i32 to index
    %swap3A_3458 = arith.constant 48 : index
    %swap3A_3459 = tpu.vector_load %arg8[%swap3A_3457, %swap3A_3458] {strides = array<i32>} : memref<8x256xf32, #tpu.memory_space<vmem>>, vector<16xf32>,
    tpu.vector_store %arg8[%swap3A_3457, %swap3A_3458], %add3A_3455 {strides = array<i32>} : memref<8x256xf32, #tpu.memory_space<vmem>>, vector<16xf32>,
    %mul3A_3460 = arith.mulf %add3A_3455, %add3A_3455 : vector<16xf32>
    %add3A_3461 = arith.addf %add3A_3443, %mul3A_3460 : vector<16xf32>
    %get3A_3462 = arith.constant 7 : i32
    %get3A_3463 = arith.index_cast %get3A_3462 : i32 to index
    %get3A_3464 = arith.constant 64 : index
    %get3A_3465 = tpu.vector_load %arg8[%get3A_3463, %get3A_3464] {strides = array<i32>} : memref<8x256xf32, #tpu.memory_space<vmem>>, vector<16xf32>,
    %mul3A_3466 = arith.constant 5.000000e-01 : f32
    %mul3A_3467 = vector.broadcast %mul3A_3466 : f32 to vector<16xf32>
    %mul3A_3468 = arith.mulf %get3A_3465, %mul3A_3467 : vector<16xf32>
    %get3A_3469 = arith.constant 7 : i32
    %get3A_3470 = arith.index_cast %get3A_3469 : i32 to index
    %get3A_3471 = arith.constant 64 : index
    %get3A_3472 = tpu.vector_load %arg9[%get3A_3470, %get3A_3471] {strides = array<i32>} : memref<8x256xf32, #tpu.memory_space<vmem>>, vector<16xf32>,
    %add3A_3473 = arith.addf %mul3A_3468, %get3A_3472 : vector<16xf32>
    %swap3A_3474 = arith.constant 7 : i32
    %swap3A_3475 = arith.index_cast %swap3A_3474 : i32 to index
    %swap3A_3476 = arith.constant 64 : index
    %swap3A_3477 = tpu.vector_load %arg8[%swap3A_3475, %swap3A_3476] {strides = array<i32>} : memref<8x256xf32, #tpu.memory_space<vmem>>, vector<16xf32>,
    tpu.vector_store %arg8[%swap3A_3475, %swap3A_3476], %add3A_3473 {strides = array<i32>} : memref<8x256xf32, #tpu.memory_space<vmem>>, vector<16xf32>,
    %mul3A_3478 = arith.mulf %add3A_3473, %add3A_3473 : vector<16xf32>
    %add3A_3479 = arith.addf %add3A_3461, %mul3A_3478 : vector<16xf32>
    %get3A_3480 = arith.constant 7 : i32
    %get3A_3481 = arith.index_cast %get3A_3480 : i32 to index
    %get3A_3482 = arith.constant 80 : index
    %get3A_3483 = tpu.vector_load %arg8[%get3A_3481, %get3A_3482] {strides = array<i32>} : memref<8x256xf32, #tpu.memory_space<vmem>>, vector<16xf32>,
    %mul3A_3484 = arith.constant 5.000000e-01 : f32
    %mul3A_3485 = vector.broadcast %mul3A_3484 : f32 to vector<16xf32>
    %mul3A_3486 = arith.mulf %get3A_3483, %mul3A_3485 : vector<16xf32>
    %get3A_3487 = arith.constant 7 : i32
    %get3A_3488 = arith.index_cast %get3A_3487 : i32 to index
    %get3A_3489 = arith.constant 80 : index
    %get3A_3490 = tpu.vector_load %arg9[%get3A_3488, %get3A_3489] {strides = array<i32>} : memref<8x256xf32, #tpu.memory_space<vmem>>, vector<16xf32>,
    %add3A_3491 = arith.addf %mul3A_3486, %get3A_3490 : vector<16xf32>
    %swap3A_3492 = arith.constant 7 : i32
    %swap3A_3493 = arith.index_cast %swap3A_3492 : i32 to index
    %swap3A_3494 = arith.constant 80 : index
    %swap3A_3495 = tpu.vector_load %arg8[%swap3A_3493, %swap3A_3494] {strides = array<i32>} : memref<8x256xf32, #tpu.memory_space<vmem>>, vector<16xf32>,
    tpu.vector_store %arg8[%swap3A_3493, %swap3A_3494], %add3A_3491 {strides = array<i32>} : memref<8x256xf32, #tpu.memory_space<vmem>>, vector<16xf32>,
    %mul3A_3496 = arith.mulf %add3A_3491, %add3A_3491 : vector<16xf32>
    %add3A_3497 = arith.addf %add3A_3479, %mul3A_3496 : vector<16xf32>
    %get3A_3498 = arith.constant 7 : i32
    %get3A_3499 = arith.index_cast %get3A_3498 : i32 to index
    %get3A_3500 = arith.constant 96 : index
    %get3A_3501 = tpu.vector_load %arg8[%get3A_3499, %get3A_3500] {strides = array<i32>} : memref<8x256xf32, #tpu.memory_space<vmem>>, vector<16xf32>,
    %mul3A_3502 = arith.constant 5.000000e-01 : f32
    %mul3A_3503 = vector.broadcast %mul3A_3502 : f32 to vector<16xf32>
    %mul3A_3504 = arith.mulf %get3A_3501, %mul3A_3503 : vector<16xf32>
    %get3A_3505 = arith.constant 7 : i32
    %get3A_3506 = arith.index_cast %get3A_3505 : i32 to index
    %get3A_3507 = arith.constant 96 : index
    %get3A_3508 = tpu.vector_load %arg9[%get3A_3506, %get3A_3507] {strides = array<i32>} : memref<8x256xf32, #tpu.memory_space<vmem>>, vector<16xf32>,
    %add3A_3509 = arith.addf %mul3A_3504, %get3A_3508 : vector<16xf32>
    %swap3A_3510 = arith.constant 7 : i32
    %swap3A_3511 = arith.index_cast %swap3A_3510 : i32 to index
    %swap3A_3512 = arith.constant 96 : index
    %swap3A_3513 = tpu.vector_load %arg8[%swap3A_3511, %swap3A_3512] {strides = array<i32>} : memref<8x256xf32, #tpu.memory_space<vmem>>, vector<16xf32>,
    tpu.vector_store %arg8[%swap3A_3511, %swap3A_3512], %add3A_3509 {strides = array<i32>} : memref<8x256xf32, #tpu.memory_space<vmem>>, vector<16xf32>,
    %mul3A_3514 = arith.mulf %add3A_3509, %add3A_3509 : vector<16xf32>
    %add3A_3515 = arith.addf %add3A_3497, %mul3A_3514 : vector<16xf32>
    %get3A_3516 = arith.constant 7 : i32
    %get3A_3517 = arith.index_cast %get3A_3516 : i32 to index
    %get3A_3518 = arith.constant 112 : index
    %get3A_3519 = tpu.vector_load %arg8[%get3A_3517, %get3A_3518] {strides = array<i32>} : memref<8x256xf32, #tpu.memory_space<vmem>>, vector<16xf32>,
    %mul3A_3520 = arith.constant 5.000000e-01 : f32
    %mul3A_3521 = vector.broadcast %mul3A_3520 : f32 to vector<16xf32>
    %mul3A_3522 = arith.mulf %get3A_3519, %mul3A_3521 : vector<16xf32>
    %get3A_3523 = arith.constant 7 : i32
    %get3A_3524 = arith.index_cast %get3A_3523 : i32 to index
    %get3A_3525 = arith.constant 112 : index
    %get3A_3526 = tpu.vector_load %arg9[%get3A_3524, %get3A_3525] {strides = array<i32>} : memref<8x256xf32, #tpu.memory_space<vmem>>, vector<16xf32>,
    %add3A_3527 = arith.addf %mul3A_3522, %get3A_3526 : vector<16xf32>
    %swap3A_3528 = arith.constant 7 : i32
    %swap3A_3529 = arith.index_cast %swap3A_3528 : i32 to index
    %swap3A_3530 = arith.constant 112 : index
    %swap3A_3531 = tpu.vector_load %arg8[%swap3A_3529, %swap3A_3530] {strides = array<i32>} : memref<8x256xf32, #tpu.memory_space<vmem>>, vector<16xf32>,
    tpu.vector_store %arg8[%swap3A_3529, %swap3A_3530], %add3A_3527 {strides = array<i32>} : memref<8x256xf32, #tpu.memory_space<vmem>>, vector<16xf32>,
    %mul3A_3532 = arith.mulf %add3A_3527, %add3A_3527 : vector<16xf32>
    %add3A_3533 = arith.addf %add3A_3515, %mul3A_3532 : vector<16xf32>
    %get3A_3534 = arith.constant 7 : i32
    %get3A_3535 = arith.index_cast %get3A_3534 : i32 to index
    %get3A_3536 = arith.constant 128 : index
    %get3A_3537 = tpu.vector_load %arg8[%get3A_3535, %get3A_3536] {strides = array<i32>} : memref<8x256xf32, #tpu.memory_space<vmem>>, vector<16xf32>,
    %mul3A_3538 = arith.constant 5.000000e-01 : f32
    %mul3A_3539 = vector.broadcast %mul3A_3538 : f32 to vector<16xf32>
    %mul3A_3540 = arith.mulf %get3A_3537, %mul3A_3539 : vector<16xf32>
    %get3A_3541 = arith.constant 7 : i32
    %get3A_3542 = arith.index_cast %get3A_3541 : i32 to index
    %get3A_3543 = arith.constant 128 : index
    %get3A_3544 = tpu.vector_load %arg9[%get3A_3542, %get3A_3543] {strides = array<i32>} : memref<8x256xf32, #tpu.memory_space<vmem>>, vector<16xf32>,
    %add3A_3545 = arith.addf %mul3A_3540, %get3A_3544 : vector<16xf32>
    %swap3A_3546 = arith.constant 7 : i32
    %swap3A_3547 = arith.index_cast %swap3A_3546 : i32 to index
    %swap3A_3548 = arith.constant 128 : index
    %swap3A_3549 = tpu.vector_load %arg8[%swap3A_3547, %swap3A_3548] {strides = array<i32>} : memref<8x256xf32, #tpu.memory_space<vmem>>, vector<16xf32>,
    tpu.vector_store %arg8[%swap3A_3547, %swap3A_3548], %add3A_3545 {strides = array<i32>} : memref<8x256xf32, #tpu.memory_space<vmem>>, vector<16xf32>,
    %mul3A_3550 = arith.mulf %add3A_3545, %add3A_3545 : vector<16xf32>
    %add3A_3551 = arith.addf %add3A_3533, %mul3A_3550 : vector<16xf32>
    %get3A_3552 = arith.constant 7 : i32
    %get3A_3553 = arith.index_cast %get3A_3552 : i32 to index
    %get3A_3554 = arith.constant 144 : index
    %get3A_3555 = tpu.vector_load %arg8[%get3A_3553, %get3A_3554] {strides = array<i32>} : memref<8x256xf32, #tpu.memory_space<vmem>>, vector<16xf32>,
    %mul3A_3556 = arith.constant 5.000000e-01 : f32
    %mul3A_3557 = vector.broadcast %mul3A_3556 : f32 to vector<16xf32>
    %mul3A_3558 = arith.mulf %get3A_3555, %mul3A_3557 : vector<16xf32>
    %get3A_3559 = arith.constant 7 : i32
    %get3A_3560 = arith.index_cast %get3A_3559 : i32 to index
    %get3A_3561 = arith.constant 144 : index
    %get3A_3562 = tpu.vector_load %arg9[%get3A_3560, %get3A_3561] {strides = array<i32>} : memref<8x256xf32, #tpu.memory_space<vmem>>, vector<16xf32>,
    %add3A_3563 = arith.addf %mul3A_3558, %get3A_3562 : vector<16xf32>
    %swap3A_3564 = arith.constant 7 : i32
    %swap3A_3565 = arith.index_cast %swap3A_3564 : i32 to index
    %swap3A_3566 = arith.constant 144 : index
    %swap3A_3567 = tpu.vector_load %arg8[%swap3A_3565, %swap3A_3566] {strides = array<i32>} : memref<8x256xf32, #tpu.memory_space<vmem>>, vector<16xf32>,
    tpu.vector_store %arg8[%swap3A_3565, %swap3A_3566], %add3A_3563 {strides = array<i32>} : memref<8x256xf32, #tpu.memory_space<vmem>>, vector<16xf32>,
    %mul3A_3568 = arith.mulf %add3A_3563, %add3A_3563 : vector<16xf32>
    %add3A_3569 = arith.addf %add3A_3551, %mul3A_3568 : vector<16xf32>
    %get3A_3570 = arith.constant 7 : i32
    %get3A_3571 = arith.index_cast %get3A_3570 : i32 to index
    %get3A_3572 = arith.constant 160 : index
    %get3A_3573 = tpu.vector_load %arg8[%get3A_3571, %get3A_3572] {strides = array<i32>} : memref<8x256xf32, #tpu.memory_space<vmem>>, vector<16xf32>,
    %mul3A_3574 = arith.constant 5.000000e-01 : f32
    %mul3A_3575 = vector.broadcast %mul3A_3574 : f32 to vector<16xf32>
    %mul3A_3576 = arith.mulf %get3A_3573, %mul3A_3575 : vector<16xf32>
    %get3A_3577 = arith.constant 7 : i32
    %get3A_3578 = arith.index_cast %get3A_3577 : i32 to index
    %get3A_3579 = arith.constant 160 : index
    %get3A_3580 = tpu.vector_load %arg9[%get3A_3578, %get3A_3579] {strides = array<i32>} : memref<8x256xf32, #tpu.memory_space<vmem>>, vector<16xf32>,
    %add3A_3581 = arith.addf %mul3A_3576, %get3A_3580 : vector<16xf32>
    %swap3A_3582 = arith.constant 7 : i32
    %swap3A_3583 = arith.index_cast %swap3A_3582 : i32 to index
    %swap3A_3584 = arith.constant 160 : index
    %swap3A_3585 = tpu.vector_load %arg8[%swap3A_3583, %swap3A_3584] {strides = array<i32>} : memref<8x256xf32, #tpu.memory_space<vmem>>, vector<16xf32>,
    tpu.vector_store %arg8[%swap3A_3583, %swap3A_3584], %add3A_3581 {strides = array<i32>} : memref<8x256xf32, #tpu.memory_space<vmem>>, vector<16xf32>,
    %mul3A_3586 = arith.mulf %add3A_3581, %add3A_3581 : vector<16xf32>
    %add3A_3587 = arith.addf %add3A_3569, %mul3A_3586 : vector<16xf32>
    %get3A_3588 = arith.constant 7 : i32
    %get3A_3589 = arith.index_cast %get3A_3588 : i32 to index
    %get3A_3590 = arith.constant 176 : index
    %get3A_3591 = tpu.vector_load %arg8[%get3A_3589, %get3A_3590] {strides = array<i32>} : memref<8x256xf32, #tpu.memory_space<vmem>>, vector<16xf32>,
    %mul3A_3592 = arith.constant 5.000000e-01 : f32
    %mul3A_3593 = vector.broadcast %mul3A_3592 : f32 to vector<16xf32>
    %mul3A_3594 = arith.mulf %get3A_3591, %mul3A_3593 : vector<16xf32>
    %get3A_3595 = arith.constant 7 : i32
    %get3A_3596 = arith.index_cast %get3A_3595 : i32 to index
    %get3A_3597 = arith.constant 176 : index
    %get3A_3598 = tpu.vector_load %arg9[%get3A_3596, %get3A_3597] {strides = array<i32>} : memref<8x256xf32, #tpu.memory_space<vmem>>, vector<16xf32>,
    %add3A_3599 = arith.addf %mul3A_3594, %get3A_3598 : vector<16xf32>
    %swap3A_3600 = arith.constant 7 : i32
    %swap3A_3601 = arith.index_cast %swap3A_3600 : i32 to index
    %swap3A_3602 = arith.constant 176 : index
    %swap3A_3603 = tpu.vector_load %arg8[%swap3A_3601, %swap3A_3602] {strides = array<i32>} : memref<8x256xf32, #tpu.memory_space<vmem>>, vector<16xf32>,
    tpu.vector_store %arg8[%swap3A_3601, %swap3A_3602], %add3A_3599 {strides = array<i32>} : memref<8x256xf32, #tpu.memory_space<vmem>>, vector<16xf32>,
    %mul3A_3604 = arith.mulf %add3A_3599, %add3A_3599 : vector<16xf32>
    %add3A_3605 = arith.addf %add3A_3587, %mul3A_3604 : vector<16xf32>
    %get3A_3606 = arith.constant 7 : i32
    %get3A_3607 = arith.index_cast %get3A_3606 : i32 to index
    %get3A_3608 = arith.constant 192 : index
    %get3A_3609 = tpu.vector_load %arg8[%get3A_3607, %get3A_3608] {strides = array<i32>} : memref<8x256xf32, #tpu.memory_space<vmem>>, vector<16xf32>,
    %mul3A_3610 = arith.constant 5.000000e-01 : f32
    %mul3A_3611 = vector.broadcast %mul3A_3610 : f32 to vector<16xf32>
    %mul3A_3612 = arith.mulf %get3A_3609, %mul3A_3611 : vector<16xf32>
    %get3A_3613 = arith.constant 7 : i32
    %get3A_3614 = arith.index_cast %get3A_3613 : i32 to index
    %get3A_3615 = arith.constant 192 : index
    %get3A_3616 = tpu.vector_load %arg9[%get3A_3614, %get3A_3615] {strides = array<i32>} : memref<8x256xf32, #tpu.memory_space<vmem>>, vector<16xf32>,
    %add3A_3617 = arith.addf %mul3A_3612, %get3A_3616 : vector<16xf32>
    %swap3A_3618 = arith.constant 7 : i32
    %swap3A_3619 = arith.index_cast %swap3A_3618 : i32 to index
    %swap3A_3620 = arith.constant 192 : index
    %swap3A_3621 = tpu.vector_load %arg8[%swap3A_3619, %swap3A_3620] {strides = array<i32>} : memref<8x256xf32, #tpu.memory_space<vmem>>, vector<16xf32>,
    tpu.vector_store %arg8[%swap3A_3619, %swap3A_3620], %add3A_3617 {strides = array<i32>} : memref<8x256xf32, #tpu.memory_space<vmem>>, vector<16xf32>,
    %mul3A_3622 = arith.mulf %add3A_3617, %add3A_3617 : vector<16xf32>
    %add3A_3623 = arith.addf %add3A_3605, %mul3A_3622 : vector<16xf32>
    %get3A_3624 = arith.constant 7 : i32
    %get3A_3625 = arith.index_cast %get3A_3624 : i32 to index
    %get3A_3626 = arith.constant 208 : index
    %get3A_3627 = tpu.vector_load %arg8[%get3A_3625, %get3A_3626] {strides = array<i32>} : memref<8x256xf32, #tpu.memory_space<vmem>>, vector<16xf32>,
    %mul3A_3628 = arith.constant 5.000000e-01 : f32
    %mul3A_3629 = vector.broadcast %mul3A_3628 : f32 to vector<16xf32>
    %mul3A_3630 = arith.mulf %get3A_3627, %mul3A_3629 : vector<16xf32>
    %get3A_3631 = arith.constant 7 : i32
    %get3A_3632 = arith.index_cast %get3A_3631 : i32 to index
    %get3A_3633 = arith.constant 208 : index
    %get3A_3634 = tpu.vector_load %arg9[%get3A_3632, %get3A_3633] {strides = array<i32>} : memref<8x256xf32, #tpu.memory_space<vmem>>, vector<16xf32>,
    %add3A_3635 = arith.addf %mul3A_3630, %get3A_3634 : vector<16xf32>
    %swap3A_3636 = arith.constant 7 : i32
    %swap3A_3637 = arith.index_cast %swap3A_3636 : i32 to index
    %swap3A_3638 = arith.constant 208 : index
    %swap3A_3639 = tpu.vector_load %arg8[%swap3A_3637, %swap3A_3638] {strides = array<i32>} : memref<8x256xf32, #tpu.memory_space<vmem>>, vector<16xf32>,
    tpu.vector_store %arg8[%swap3A_3637, %swap3A_3638], %add3A_3635 {strides = array<i32>} : memref<8x256xf32, #tpu.memory_space<vmem>>, vector<16xf32>,
    %mul3A_3640 = arith.mulf %add3A_3635, %add3A_3635 : vector<16xf32>
    %add3A_3641 = arith.addf %add3A_3623, %mul3A_3640 : vector<16xf32>
    %get3A_3642 = arith.constant 7 : i32
    %get3A_3643 = arith.index_cast %get3A_3642 : i32 to index
    %get3A_3644 = arith.constant 224 : index
    %get3A_3645 = tpu.vector_load %arg8[%get3A_3643, %get3A_3644] {strides = array<i32>} : memref<8x256xf32, #tpu.memory_space<vmem>>, vector<16xf32>,
    %mul3A_3646 = arith.constant 5.000000e-01 : f32
    %mul3A_3647 = vector.broadcast %mul3A_3646 : f32 to vector<16xf32>
    %mul3A_3648 = arith.mulf %get3A_3645, %mul3A_3647 : vector<16xf32>
    %get3A_3649 = arith.constant 7 : i32
    %get3A_3650 = arith.index_cast %get3A_3649 : i32 to index
    %get3A_3651 = arith.constant 224 : index
    %get3A_3652 = tpu.vector_load %arg9[%get3A_3650, %get3A_3651] {strides = array<i32>} : memref<8x256xf32, #tpu.memory_space<vmem>>, vector<16xf32>,
    %add3A_3653 = arith.addf %mul3A_3648, %get3A_3652 : vector<16xf32>
    %swap3A_3654 = arith.constant 7 : i32
    %swap3A_3655 = arith.index_cast %swap3A_3654 : i32 to index
    %swap3A_3656 = arith.constant 224 : index
    %swap3A_3657 = tpu.vector_load %arg8[%swap3A_3655, %swap3A_3656] {strides = array<i32>} : memref<8x256xf32, #tpu.memory_space<vmem>>, vector<16xf32>,
    tpu.vector_store %arg8[%swap3A_3655, %swap3A_3656], %add3A_3653 {strides = array<i32>} : memref<8x256xf32, #tpu.memory_space<vmem>>, vector<16xf32>,
    %mul3A_3658 = arith.mulf %add3A_3653, %add3A_3653 : vector<16xf32>
    %add3A_3659 = arith.addf %add3A_3641, %mul3A_3658 : vector<16xf32>
    %get3A_3660 = arith.constant 7 : i32
    %get3A_3661 = arith.index_cast %get3A_3660 : i32 to index
    %get3A_3662 = arith.constant 240 : index
    %get3A_3663 = tpu.vector_load %arg8[%get3A_3661, %get3A_3662] {strides = array<i32>} : memref<8x256xf32, #tpu.memory_space<vmem>>, vector<16xf32>,
    %mul3A_3664 = arith.constant 5.000000e-01 : f32
    %mul3A_3665 = vector.broadcast %mul3A_3664 : f32 to vector<16xf32>
    %mul3A_3666 = arith.mulf %get3A_3663, %mul3A_3665 : vector<16xf32>
    %get3A_3667 = arith.constant 7 : i32
    %get3A_3668 = arith.index_cast %get3A_3667 : i32 to index
    %get3A_3669 = arith.constant 240 : index
    %get3A_3670 = tpu.vector_load %arg9[%get3A_3668, %get3A_3669] {strides = array<i32>} : memref<8x256xf32, #tpu.memory_space<vmem>>, vector<16xf32>,
    %add3A_3671 = arith.addf %mul3A_3666, %get3A_3670 : vector<16xf32>
    %swap3A_3672 = arith.constant 7 : i32
    %swap3A_3673 = arith.index_cast %swap3A_3672 : i32 to index
    %swap3A_3674 = arith.constant 240 : index
    %swap3A_3675 = tpu.vector_load %arg8[%swap3A_3673, %swap3A_3674] {strides = array<i32>} : memref<8x256xf32, #tpu.memory_space<vmem>>, vector<16xf32>,
    tpu.vector_store %arg8[%swap3A_3673, %swap3A_3674], %add3A_3671 {strides = array<i32>} : memref<8x256xf32, #tpu.memory_space<vmem>>, vector<16xf32>,
    %mul3A_3676 = arith.mulf %add3A_3671, %add3A_3671 : vector<16xf32>
    %add3A_3677 = arith.addf %add3A_3659, %mul3A_3676 : vector<16xf32>
    %reduce_sum3A_3678 = arith.constant true
    %reduce_sum3A_3679 = vector.broadcast %reduce_sum3A_3678 : i1 to vector<16xi1>
    %reduce_sum3A_3680 = tpu.scan <sum>, %add3A_3677 masked %reduce_sum3A_3679 : vector<16xf32>, vector<16xi1> -> vector<16xf32>
    %reduce_sum3A_3681 = vector.extract %reduce_sum3A_3680[15] : f32 from vector<16xf32>
    %broadcast_in_dim3A_3682 = vector.broadcast %reduce_sum3A_3681 : f32 to vector<16xf32>
    %bitcast3A_3683 = vector.bitcast %broadcast_in_dim3A_3682 : vector<16xf32> to vector<16xi32>
    %shift_right_arithmetic3A_3684 = arith.constant 1 : i32
    %shift_right_arithmetic3A_3685 = vector.broadcast %shift_right_arithmetic3A_3684 : i32 to vector<16xi32>
    %shift_right_arithmetic3A_3686 = arith.shrsi %bitcast3A_3683, %shift_right_arithmetic3A_3685 : vector<16xi32>
    %sub3A_3687 = arith.constant 1597463007 : i32
    %sub3A_3688 = vector.broadcast %sub3A_3687 : i32 to vector<16xi32>
    %sub3A_3689 = arith.subi %sub3A_3688, %shift_right_arithmetic3A_3686 : vector<16xi32>
    %bitcast3A_3690 = vector.bitcast %sub3A_3689 : vector<16xi32> to vector<16xf32>
    %mul3A_3691 = arith.constant 5.000000e-01 : f32
    %mul3A_3692 = vector.broadcast %mul3A_3691 : f32 to vector<16xf32>
    %mul3A_3693 = arith.mulf %mul3A_3692, %broadcast_in_dim3A_3682 : vector<16xf32>
    %mul3A_3694 = arith.mulf %mul3A_3693, %bitcast3A_3690 : vector<16xf32>
    %mul3A_3695 = arith.mulf %mul3A_3694, %bitcast3A_3690 : vector<16xf32>
    %sub3A_3696 = arith.constant 1.500000e+00 : f32
    %sub3A_3697 = vector.broadcast %sub3A_3696 : f32 to vector<16xf32>
    %sub3A_3698 = arith.subf %sub3A_3697, %mul3A_3695 : vector<16xf32>
    %mul3A_3699 = arith.mulf %bitcast3A_3690, %sub3A_3698 : vector<16xf32>
    %mul3A_3700 = arith.constant 5.000000e-01 : f32
    %mul3A_3701 = vector.broadcast %mul3A_3700 : f32 to vector<16xf32>
    %mul3A_3702 = arith.mulf %mul3A_3701, %broadcast_in_dim3A_3682 : vector<16xf32>
    %mul3A_3703 = arith.mulf %mul3A_3702, %mul3A_3699 : vector<16xf32>
    %mul3A_3704 = arith.mulf %mul3A_3703, %mul3A_3699 : vector<16xf32>
    %sub3A_3705 = arith.constant 1.500000e+00 : f32
    %sub3A_3706 = vector.broadcast %sub3A_3705 : f32 to vector<16xf32>
    %sub3A_3707 = arith.subf %sub3A_3706, %mul3A_3704 : vector<16xf32>
    %mul3A_3708 = arith.mulf %mul3A_3699, %sub3A_3707 : vector<16xf32>
    %mul3A_3709 = arith.constant 5.000000e-01 : f32
    %mul3A_3710 = vector.broadcast %mul3A_3709 : f32 to vector<16xf32>
    %mul3A_3711 = arith.mulf %mul3A_3710, %broadcast_in_dim3A_3682 : vector<16xf32>
    %mul3A_3712 = arith.mulf %mul3A_3711, %mul3A_3708 : vector<16xf32>
    %mul3A_3713 = arith.mulf %mul3A_3712, %mul3A_3708 : vector<16xf32>
    %sub3A_3714 = arith.constant 1.500000e+00 : f32
    %sub3A_3715 = vector.broadcast %sub3A_3714 : f32 to vector<16xf32>
    %sub3A_3716 = arith.subf %sub3A_3715, %mul3A_3713 : vector<16xf32>
    %mul3A_3717 = arith.mulf %mul3A_3708, %sub3A_3716 : vector<16xf32>
    %mul3A_3718 = arith.constant 5.000000e-01 : f32
    %mul3A_3719 = vector.broadcast %mul3A_3718 : f32 to vector<16xf32>
    %mul3A_3720 = arith.mulf %mul3A_3719, %broadcast_in_dim3A_3682 : vector<16xf32>
    %mul3A_3721 = arith.mulf %mul3A_3720, %mul3A_3717 : vector<16xf32>
    %mul3A_3722 = arith.mulf %mul3A_3721, %mul3A_3717 : vector<16xf32>
    %sub3A_3723 = arith.constant 1.500000e+00 : f32
    %sub3A_3724 = vector.broadcast %sub3A_3723 : f32 to vector<16xf32>
    %sub3A_3725 = arith.subf %sub3A_3724, %mul3A_3722 : vector<16xf32>
    %mul3A_3726 = arith.mulf %mul3A_3717, %sub3A_3725 : vector<16xf32>
    %get3A_3727 = arith.constant 7 : i32
    %get3A_3728 = arith.index_cast %get3A_3727 : i32 to index
    %get3A_3729 = arith.constant 0 : index
    %get3A_3730 = tpu.vector_load %arg8[%get3A_3728, %get3A_3729] {strides = array<i32>} : memref<8x256xf32, #tpu.memory_space<vmem>>, vector<16xf32>,
    %mul3A_3731 = arith.mulf %get3A_3730, %mul3A_3726 : vector<16xf32>
    %swap3A_3732 = arith.constant 7 : i32
    %swap3A_3733 = arith.index_cast %swap3A_3732 : i32 to index
    %swap3A_3734 = arith.constant 0 : index
    %swap3A_3735 = tpu.vector_load %arg8[%swap3A_3733, %swap3A_3734] {strides = array<i32>} : memref<8x256xf32, #tpu.memory_space<vmem>>, vector<16xf32>,
    tpu.vector_store %arg8[%swap3A_3733, %swap3A_3734], %mul3A_3731 {strides = array<i32>} : memref<8x256xf32, #tpu.memory_space<vmem>>, vector<16xf32>,
    %get3A_3736 = arith.constant 7 : i32
    %get3A_3737 = arith.index_cast %get3A_3736 : i32 to index
    %get3A_3738 = arith.constant 16 : index
    %get3A_3739 = tpu.vector_load %arg8[%get3A_3737, %get3A_3738] {strides = array<i32>} : memref<8x256xf32, #tpu.memory_space<vmem>>, vector<16xf32>,
    %mul3A_3740 = arith.mulf %get3A_3739, %mul3A_3726 : vector<16xf32>
    %swap3A_3741 = arith.constant 7 : i32
    %swap3A_3742 = arith.index_cast %swap3A_3741 : i32 to index
    %swap3A_3743 = arith.constant 16 : index
    %swap3A_3744 = tpu.vector_load %arg8[%swap3A_3742, %swap3A_3743] {strides = array<i32>} : memref<8x256xf32, #tpu.memory_space<vmem>>, vector<16xf32>,
    tpu.vector_store %arg8[%swap3A_3742, %swap3A_3743], %mul3A_3740 {strides = array<i32>} : memref<8x256xf32, #tpu.memory_space<vmem>>, vector<16xf32>,
    %get3A_3745 = arith.constant 7 : i32
    %get3A_3746 = arith.index_cast %get3A_3745 : i32 to index
    %get3A_3747 = arith.constant 32 : index
    %get3A_3748 = tpu.vector_load %arg8[%get3A_3746, %get3A_3747] {strides = array<i32>} : memref<8x256xf32, #tpu.memory_space<vmem>>, vector<16xf32>,
    %mul3A_3749 = arith.mulf %get3A_3748, %mul3A_3726 : vector<16xf32>
    %swap3A_3750 = arith.constant 7 : i32
    %swap3A_3751 = arith.index_cast %swap3A_3750 : i32 to index
    %swap3A_3752 = arith.constant 32 : index
    %swap3A_3753 = tpu.vector_load %arg8[%swap3A_3751, %swap3A_3752] {strides = array<i32>} : memref<8x256xf32, #tpu.memory_space<vmem>>, vector<16xf32>,
    tpu.vector_store %arg8[%swap3A_3751, %swap3A_3752], %mul3A_3749 {strides = array<i32>} : memref<8x256xf32, #tpu.memory_space<vmem>>, vector<16xf32>,
    %get3A_3754 = arith.constant 7 : i32
    %get3A_3755 = arith.index_cast %get3A_3754 : i32 to index
    %get3A_3756 = arith.constant 48 : index
    %get3A_3757 = tpu.vector_load %arg8[%get3A_3755, %get3A_3756] {strides = array<i32>} : memref<8x256xf32, #tpu.memory_space<vmem>>, vector<16xf32>,
    %mul3A_3758 = arith.mulf %get3A_3757, %mul3A_3726 : vector<16xf32>
    %swap3A_3759 = arith.constant 7 : i32
    %swap3A_3760 = arith.index_cast %swap3A_3759 : i32 to index
    %swap3A_3761 = arith.constant 48 : index
    %swap3A_3762 = tpu.vector_load %arg8[%swap3A_3760, %swap3A_3761] {strides = array<i32>} : memref<8x256xf32, #tpu.memory_space<vmem>>, vector<16xf32>,
    tpu.vector_store %arg8[%swap3A_3760, %swap3A_3761], %mul3A_3758 {strides = array<i32>} : memref<8x256xf32, #tpu.memory_space<vmem>>, vector<16xf32>,
    %get3A_3763 = arith.constant 7 : i32
    %get3A_3764 = arith.index_cast %get3A_3763 : i32 to index
    %get3A_3765 = arith.constant 64 : index
    %get3A_3766 = tpu.vector_load %arg8[%get3A_3764, %get3A_3765] {strides = array<i32>} : memref<8x256xf32, #tpu.memory_space<vmem>>, vector<16xf32>,
    %mul3A_3767 = arith.mulf %get3A_3766, %mul3A_3726 : vector<16xf32>
    %swap3A_3768 = arith.constant 7 : i32
    %swap3A_3769 = arith.index_cast %swap3A_3768 : i32 to index
    %swap3A_3770 = arith.constant 64 : index
    %swap3A_3771 = tpu.vector_load %arg8[%swap3A_3769, %swap3A_3770] {strides = array<i32>} : memref<8x256xf32, #tpu.memory_space<vmem>>, vector<16xf32>,
    tpu.vector_store %arg8[%swap3A_3769, %swap3A_3770], %mul3A_3767 {strides = array<i32>} : memref<8x256xf32, #tpu.memory_space<vmem>>, vector<16xf32>,
    %get3A_3772 = arith.constant 7 : i32
    %get3A_3773 = arith.index_cast %get3A_3772 : i32 to index
    %get3A_3774 = arith.constant 80 : index
    %get3A_3775 = tpu.vector_load %arg8[%get3A_3773, %get3A_3774] {strides = array<i32>} : memref<8x256xf32, #tpu.memory_space<vmem>>, vector<16xf32>,
    %mul3A_3776 = arith.mulf %get3A_3775, %mul3A_3726 : vector<16xf32>
    %swap3A_3777 = arith.constant 7 : i32
    %swap3A_3778 = arith.index_cast %swap3A_3777 : i32 to index
    %swap3A_3779 = arith.constant 80 : index
    %swap3A_3780 = tpu.vector_load %arg8[%swap3A_3778, %swap3A_3779] {strides = array<i32>} : memref<8x256xf32, #tpu.memory_space<vmem>>, vector<16xf32>,
    tpu.vector_store %arg8[%swap3A_3778, %swap3A_3779], %mul3A_3776 {strides = array<i32>} : memref<8x256xf32, #tpu.memory_space<vmem>>, vector<16xf32>,
    %get3A_3781 = arith.constant 7 : i32
    %get3A_3782 = arith.index_cast %get3A_3781 : i32 to index
    %get3A_3783 = arith.constant 96 : index
    %get3A_3784 = tpu.vector_load %arg8[%get3A_3782, %get3A_3783] {strides = array<i32>} : memref<8x256xf32, #tpu.memory_space<vmem>>, vector<16xf32>,
    %mul3A_3785 = arith.mulf %get3A_3784, %mul3A_3726 : vector<16xf32>
    %swap3A_3786 = arith.constant 7 : i32
    %swap3A_3787 = arith.index_cast %swap3A_3786 : i32 to index
    %swap3A_3788 = arith.constant 96 : index
    %swap3A_3789 = tpu.vector_load %arg8[%swap3A_3787, %swap3A_3788] {strides = array<i32>} : memref<8x256xf32, #tpu.memory_space<vmem>>, vector<16xf32>,
    tpu.vector_store %arg8[%swap3A_3787, %swap3A_3788], %mul3A_3785 {strides = array<i32>} : memref<8x256xf32, #tpu.memory_space<vmem>>, vector<16xf32>,
    %get3A_3790 = arith.constant 7 : i32
    %get3A_3791 = arith.index_cast %get3A_3790 : i32 to index
    %get3A_3792 = arith.constant 112 : index
    %get3A_3793 = tpu.vector_load %arg8[%get3A_3791, %get3A_3792] {strides = array<i32>} : memref<8x256xf32, #tpu.memory_space<vmem>>, vector<16xf32>,
    %mul3A_3794 = arith.mulf %get3A_3793, %mul3A_3726 : vector<16xf32>
    %swap3A_3795 = arith.constant 7 : i32
    %swap3A_3796 = arith.index_cast %swap3A_3795 : i32 to index
    %swap3A_3797 = arith.constant 112 : index
    %swap3A_3798 = tpu.vector_load %arg8[%swap3A_3796, %swap3A_3797] {strides = array<i32>} : memref<8x256xf32, #tpu.memory_space<vmem>>, vector<16xf32>,
    tpu.vector_store %arg8[%swap3A_3796, %swap3A_3797], %mul3A_3794 {strides = array<i32>} : memref<8x256xf32, #tpu.memory_space<vmem>>, vector<16xf32>,
    %get3A_3799 = arith.constant 7 : i32
    %get3A_3800 = arith.index_cast %get3A_3799 : i32 to index
    %get3A_3801 = arith.constant 128 : index
    %get3A_3802 = tpu.vector_load %arg8[%get3A_3800, %get3A_3801] {strides = array<i32>} : memref<8x256xf32, #tpu.memory_space<vmem>>, vector<16xf32>,
    %mul3A_3803 = arith.mulf %get3A_3802, %mul3A_3726 : vector<16xf32>
    %swap3A_3804 = arith.constant 7 : i32
    %swap3A_3805 = arith.index_cast %swap3A_3804 : i32 to index
    %swap3A_3806 = arith.constant 128 : index
    %swap3A_3807 = tpu.vector_load %arg8[%swap3A_3805, %swap3A_3806] {strides = array<i32>} : memref<8x256xf32, #tpu.memory_space<vmem>>, vector<16xf32>,
    tpu.vector_store %arg8[%swap3A_3805, %swap3A_3806], %mul3A_3803 {strides = array<i32>} : memref<8x256xf32, #tpu.memory_space<vmem>>, vector<16xf32>,
    %get3A_3808 = arith.constant 7 : i32
    %get3A_3809 = arith.index_cast %get3A_3808 : i32 to index
    %get3A_3810 = arith.constant 144 : index
    %get3A_3811 = tpu.vector_load %arg8[%get3A_3809, %get3A_3810] {strides = array<i32>} : memref<8x256xf32, #tpu.memory_space<vmem>>, vector<16xf32>,
    %mul3A_3812 = arith.mulf %get3A_3811, %mul3A_3726 : vector<16xf32>
    %swap3A_3813 = arith.constant 7 : i32
    %swap3A_3814 = arith.index_cast %swap3A_3813 : i32 to index
    %swap3A_3815 = arith.constant 144 : index
    %swap3A_3816 = tpu.vector_load %arg8[%swap3A_3814, %swap3A_3815] {strides = array<i32>} : memref<8x256xf32, #tpu.memory_space<vmem>>, vector<16xf32>,
    tpu.vector_store %arg8[%swap3A_3814, %swap3A_3815], %mul3A_3812 {strides = array<i32>} : memref<8x256xf32, #tpu.memory_space<vmem>>, vector<16xf32>,
    %get3A_3817 = arith.constant 7 : i32
    %get3A_3818 = arith.index_cast %get3A_3817 : i32 to index
    %get3A_3819 = arith.constant 160 : index
    %get3A_3820 = tpu.vector_load %arg8[%get3A_3818, %get3A_3819] {strides = array<i32>} : memref<8x256xf32, #tpu.memory_space<vmem>>, vector<16xf32>,
    %mul3A_3821 = arith.mulf %get3A_3820, %mul3A_3726 : vector<16xf32>
    %swap3A_3822 = arith.constant 7 : i32
    %swap3A_3823 = arith.index_cast %swap3A_3822 : i32 to index
    %swap3A_3824 = arith.constant 160 : index
    %swap3A_3825 = tpu.vector_load %arg8[%swap3A_3823, %swap3A_3824] {strides = array<i32>} : memref<8x256xf32, #tpu.memory_space<vmem>>, vector<16xf32>,
    tpu.vector_store %arg8[%swap3A_3823, %swap3A_3824], %mul3A_3821 {strides = array<i32>} : memref<8x256xf32, #tpu.memory_space<vmem>>, vector<16xf32>,
    %get3A_3826 = arith.constant 7 : i32
    %get3A_3827 = arith.index_cast %get3A_3826 : i32 to index
    %get3A_3828 = arith.constant 176 : index
    %get3A_3829 = tpu.vector_load %arg8[%get3A_3827, %get3A_3828] {strides = array<i32>} : memref<8x256xf32, #tpu.memory_space<vmem>>, vector<16xf32>,
    %mul3A_3830 = arith.mulf %get3A_3829, %mul3A_3726 : vector<16xf32>
    %swap3A_3831 = arith.constant 7 : i32
    %swap3A_3832 = arith.index_cast %swap3A_3831 : i32 to index
    %swap3A_3833 = arith.constant 176 : index
    %swap3A_3834 = tpu.vector_load %arg8[%swap3A_3832, %swap3A_3833] {strides = array<i32>} : memref<8x256xf32, #tpu.memory_space<vmem>>, vector<16xf32>,
    tpu.vector_store %arg8[%swap3A_3832, %swap3A_3833], %mul3A_3830 {strides = array<i32>} : memref<8x256xf32, #tpu.memory_space<vmem>>, vector<16xf32>,
    %get3A_3835 = arith.constant 7 : i32
    %get3A_3836 = arith.index_cast %get3A_3835 : i32 to index
    %get3A_3837 = arith.constant 192 : index
    %get3A_3838 = tpu.vector_load %arg8[%get3A_3836, %get3A_3837] {strides = array<i32>} : memref<8x256xf32, #tpu.memory_space<vmem>>, vector<16xf32>,
    %mul3A_3839 = arith.mulf %get3A_3838, %mul3A_3726 : vector<16xf32>
    %swap3A_3840 = arith.constant 7 : i32
    %swap3A_3841 = arith.index_cast %swap3A_3840 : i32 to index
    %swap3A_3842 = arith.constant 192 : index
    %swap3A_3843 = tpu.vector_load %arg8[%swap3A_3841, %swap3A_3842] {strides = array<i32>} : memref<8x256xf32, #tpu.memory_space<vmem>>, vector<16xf32>,
    tpu.vector_store %arg8[%swap3A_3841, %swap3A_3842], %mul3A_3839 {strides = array<i32>} : memref<8x256xf32, #tpu.memory_space<vmem>>, vector<16xf32>,
    %get3A_3844 = arith.constant 7 : i32
    %get3A_3845 = arith.index_cast %get3A_3844 : i32 to index
    %get3A_3846 = arith.constant 208 : index
    %get3A_3847 = tpu.vector_load %arg8[%get3A_3845, %get3A_3846] {strides = array<i32>} : memref<8x256xf32, #tpu.memory_space<vmem>>, vector<16xf32>,
    %mul3A_3848 = arith.mulf %get3A_3847, %mul3A_3726 : vector<16xf32>
    %swap3A_3849 = arith.constant 7 : i32
    %swap3A_3850 = arith.index_cast %swap3A_3849 : i32 to index
    %swap3A_3851 = arith.constant 208 : index
    %swap3A_3852 = tpu.vector_load %arg8[%swap3A_3850, %swap3A_3851] {strides = array<i32>} : memref<8x256xf32, #tpu.memory_space<vmem>>, vector<16xf32>,
    tpu.vector_store %arg8[%swap3A_3850, %swap3A_3851], %mul3A_3848 {strides = array<i32>} : memref<8x256xf32, #tpu.memory_space<vmem>>, vector<16xf32>,
    %get3A_3853 = arith.constant 7 : i32
    %get3A_3854 = arith.index_cast %get3A_3853 : i32 to index
    %get3A_3855 = arith.constant 224 : index
    %get3A_3856 = tpu.vector_load %arg8[%get3A_3854, %get3A_3855] {strides = array<i32>} : memref<8x256xf32, #tpu.memory_space<vmem>>, vector<16xf32>,
    %mul3A_3857 = arith.mulf %get3A_3856, %mul3A_3726 : vector<16xf32>
    %swap3A_3858 = arith.constant 7 : i32
    %swap3A_3859 = arith.index_cast %swap3A_3858 : i32 to index
    %swap3A_3860 = arith.constant 224 : index
    %swap3A_3861 = tpu.vector_load %arg8[%swap3A_3859, %swap3A_3860] {strides = array<i32>} : memref<8x256xf32, #tpu.memory_space<vmem>>, vector<16xf32>,
    tpu.vector_store %arg8[%swap3A_3859, %swap3A_3860], %mul3A_3857 {strides = array<i32>} : memref<8x256xf32, #tpu.memory_space<vmem>>, vector<16xf32>,
    %get3A_3862 = arith.constant 7 : i32
    %get3A_3863 = arith.index_cast %get3A_3862 : i32 to index
    %get3A_3864 = arith.constant 240 : index
    %get3A_3865 = tpu.vector_load %arg8[%get3A_3863, %get3A_3864] {strides = array<i32>} : memref<8x256xf32, #tpu.memory_space<vmem>>, vector<16xf32>,
    %mul3A_3866 = arith.mulf %get3A_3865, %mul3A_3726 : vector<16xf32>
    %swap3A_3867 = arith.constant 7 : i32
    %swap3A_3868 = arith.index_cast %swap3A_3867 : i32 to index
    %swap3A_3869 = arith.constant 240 : index
    %swap3A_3870 = tpu.vector_load %arg8[%swap3A_3868, %swap3A_3869] {strides = array<i32>} : memref<8x256xf32, #tpu.memory_space<vmem>>, vector<16xf32>,
    tpu.vector_store %arg8[%swap3A_3868, %swap3A_3869], %mul3A_3866 {strides = array<i32>} : memref<8x256xf32, #tpu.memory_space<vmem>>, vector<16xf32>,
    %dma_start3A_3871 = arith.constant 0 : i32
    %dma_start3A_3872 = arith.constant 0 : i32
    %dma_start3A_3873 = tpu.memref_slice %arg5[%dma_start3A_3871, %dma_start3A_3872] : memref<100000x256xf32, #tpu.memory_space<hbm>> -> memref<100000x256xf32, #tpu.memory_space<hbm>>
    tpu.enqueue_indirect_dma source(%arg8 : memref<8x256xf32, #tpu.memory_space<vmem>>) target(%dma_start3A_3873 : memref<100000x256xf32, #tpu.memory_space<hbm>>) offsets(%arg7 : memref<8xi32, #tpu.memory_space<vmem>>) semaphore(%arg10 : memref<!tpu.dma_semaphore, #tpu.memory_space<semaphore_mem>>)
    %dma_wait3A_3874 = arith.constant 0 : i32
    %dma_wait3A_3875 = arith.constant 0 : i32
    %dma_wait3A_3876 = tpu.memref_slice %arg5[%dma_wait3A_3874, %dma_wait3A_3875] : memref<100000x256xf32, #tpu.memory_space<hbm>> -> memref<100000x256xf32, #tpu.memory_space<hbm>>
    tpu.wait_indirect_dma semaphore(%arg10 : memref<!tpu.dma_semaphore, #tpu.memory_space<semaphore_mem>>) src(%arg8 : memref<8x256xf32, #tpu.memory_space<vmem>>) dst(%dma_wait3A_3876 : memref<100000x256xf32, #tpu.memory_space<hbm>>)
    return
  }
}

module attributes {stable_mosaic.version = 14 : i64} {
  func.func @_tc_body(%arg0: memref<512x256xf32, #tpu.memory_space<vmem>>, %arg1: memref<1x128xi32, #tpu.memory_space<vmem>>, %arg2: memref<512x509xf32, #tpu.memory_space<vmem>>, %arg3: memref<1x1xf32, #tpu.memory_space<vmem>>, %arg4: memref<128x256xf32, #tpu.memory_space<vmem>>) attributes {dimension_semantics = [], scalar_prefetch = 0 : i64, scratch_operands = 0 : i64, tpu.core_type = #tpu.core_type<tc>} {
    %get3A = arith.constant 0 : index
    %get3A_0 = arith.constant 0 : index
    %get3A_1 = vector.load %arg0[%get3A, %get3A_0] : memref<512x256xf32, #tpu.memory_space<vmem>>, vector<512x256xf32>
    %iota3A = tpu.iota {dimensions = array<i32: 0>} : vector<512x512xi32>
    %iota3A_2 = tpu.iota {dimensions = array<i32: 1>} : vector<512x512xi32>
    %jit3A = arith.constant 4 : i32
    %eq3A = arith.constant 0 : i32
    %eq3A_3 = arith.cmpi eq, %jit3A, %eq3A : i32
    %jit3A_4 = arith.constant 1 : i32
    %select_n3A = arith.select %eq3A_3, %jit3A_4, %jit3A : i32
    %rem3A = vector.broadcast %select_n3A : i32 to vector<512x512xi32>
    %rem3A_5 = arith.remsi %iota3A, %rem3A : vector<512x512xi32>
    %ne3A = arith.constant 0 : i32
    %ne3A_6 = vector.broadcast %ne3A : i32 to vector<512x512xi32>
    %ne3A_7 = arith.cmpi ne, %rem3A_5, %ne3A_6 : vector<512x512xi32>
    %lt3A = arith.constant 0 : i32
    %lt3A_8 = vector.broadcast %lt3A : i32 to vector<512x512xi32>
    %lt3A_9 = arith.cmpi slt, %rem3A_5, %lt3A_8 : vector<512x512xi32>
    %lt3A_10 = arith.constant 0 : i32
    %lt3A_11 = arith.cmpi slt, %select_n3A, %lt3A_10 : i32
    %ne3A_12 = vector.broadcast %lt3A_11 : i1 to vector<512x512xi1>
    %ne3A_13 = vector.broadcast %ne3A_12 : vector<512x512xi1> to vector<512x512xi1>
    %ne3A_14 = arith.xori %lt3A_9, %ne3A_13 : vector<512x512xi1>
    %and3A = arith.andi %ne3A_14, %ne3A_7 : vector<512x512xi1>
    %add3A = vector.broadcast %select_n3A : i32 to vector<512x512xi32>
    %add3A_15 = arith.addi %rem3A_5, %add3A : vector<512x512xi32>
    %select_n3A_16 = arith.select %and3A, %add3A_15, %rem3A_5 : vector<512x512xi1>, vector<512x512xi32>
    %mul3A = arith.constant 128 : i32
    %mul3A_17 = vector.broadcast %mul3A : i32 to vector<512x512xi32>
    %mul3A_18 = arith.muli %select_n3A_16, %mul3A_17 : vector<512x512xi32>
    %jit3A_19 = arith.constant 4 : i32
    %div3A = vector.broadcast %jit3A_19 : i32 to vector<512x512xi32>
    %div3A_20 = arith.divsi %iota3A, %div3A : vector<512x512xi32>
    %sign3A = arith.constant 0 : i32
    %sign3A_21 = vector.broadcast %sign3A : i32 to vector<512x512xi32>
    %sign3A_22 = arith.cmpi sgt, %iota3A, %sign3A_21 : vector<512x512xi32>
    %sign3A_23 = arith.extui %sign3A_22 : vector<512x512xi1> to vector<512x512xi32>
    %sign3A_24 = arith.constant 0 : i32
    %sign3A_25 = vector.broadcast %sign3A_24 : i32 to vector<512x512xi32>
    %sign3A_26 = arith.cmpi slt, %iota3A, %sign3A_25 : vector<512x512xi32>
    %sign3A_27 = arith.extui %sign3A_26 : vector<512x512xi1> to vector<512x512xi32>
    %sign3A_28 = arith.subi %sign3A_23, %sign3A_27 : vector<512x512xi32>
    %sign3A_29 = arith.constant 0 : i32
    %sign3A_30 = arith.cmpi sgt, %jit3A_19, %sign3A_29 : i32
    %sign3A_31 = arith.extui %sign3A_30 : i1 to i32
    %sign3A_32 = arith.constant 0 : i32
    %sign3A_33 = arith.cmpi slt, %jit3A_19, %sign3A_32 : i32
    %sign3A_34 = arith.extui %sign3A_33 : i1 to i32
    %sign3A_35 = arith.subi %sign3A_31, %sign3A_34 : i32
    %ne3A_36 = vector.broadcast %sign3A_35 : i32 to vector<512x512xi32>
    %ne3A_37 = arith.cmpi ne, %sign3A_28, %ne3A_36 : vector<512x512xi32>
    %rem3A_38 = vector.broadcast %jit3A_19 : i32 to vector<512x512xi32>
    %rem3A_39 = arith.remsi %iota3A, %rem3A_38 : vector<512x512xi32>
    %ne3A_40 = arith.constant 0 : i32
    %ne3A_41 = vector.broadcast %ne3A_40 : i32 to vector<512x512xi32>
    %ne3A_42 = arith.cmpi ne, %rem3A_39, %ne3A_41 : vector<512x512xi32>
    %and3A_43 = arith.andi %ne3A_37, %ne3A_42 : vector<512x512xi1>
    %sub3A = arith.constant 1 : i32
    %sub3A_44 = vector.broadcast %sub3A : i32 to vector<512x512xi32>
    %sub3A_45 = arith.subi %div3A_20, %sub3A_44 : vector<512x512xi32>
    %select_n3A_46 = arith.select %and3A_43, %sub3A_45, %div3A_20 : vector<512x512xi1>, vector<512x512xi32>
    %add3A_47 = arith.addi %mul3A_18, %select_n3A_46 : vector<512x512xi32>
    %eq3A_48 = arith.cmpi eq, %iota3A_2, %add3A_47 : vector<512x512xi32>
    %convert_element_type3A = arith.extui %eq3A_48 : vector<512x512xi1> to vector<512x512xi32>
    %convert_element_type3A_49 = arith.sitofp %convert_element_type3A : vector<512x512xi32> to vector<512x512xf32>
    %dot_general3A = arith.constant dense<0.000000e+00> : vector<512x256xf32>
    %dot_general3A_50 = tpu.matmul %convert_element_type3A_49, %get3A_1, %dot_general3A {dimension_numbers = #tpu.dot_dimension_numbers<[1], [0], [0], [1], [0, 0, 1, 1], [], []>, transpose_lhs_hint = false} : vector<512x512xf32>, vector<512x256xf32>, vector<512x256xf32> -> vector<512x256xf32>
    %slice3A = vector.extract_strided_slice %get3A_1 {offsets = [0, 0], sizes = [128, 256], strides = [1, 1]} : vector<512x256xf32> to vector<128x256xf32>
    %slice3A_51 = vector.extract_strided_slice %get3A_1 {offsets = [128, 0], sizes = [128, 256], strides = [1, 1]} : vector<512x256xf32> to vector<128x256xf32>
    %add3A_52 = arith.addf %slice3A, %slice3A_51 : vector<128x256xf32>
    %slice3A_53 = vector.extract_strided_slice %get3A_1 {offsets = [256, 0], sizes = [128, 256], strides = [1, 1]} : vector<512x256xf32> to vector<128x256xf32>
    %add3A_54 = arith.addf %add3A_52, %slice3A_53 : vector<128x256xf32>
    %slice3A_55 = vector.extract_strided_slice %get3A_1 {offsets = [384, 0], sizes = [128, 256], strides = [1, 1]} : vector<512x256xf32> to vector<128x256xf32>
    %add3A_56 = arith.addf %add3A_54, %slice3A_55 : vector<128x256xf32>
    %concatenate3A = tpu.concatenate %add3A_56, %add3A_56, %add3A_56, %add3A_56 in 0 : vector<128x256xf32>, vector<128x256xf32>, vector<128x256xf32>, vector<128x256xf32> -> vector<512x256xf32>
    %mul3A_57 = arith.mulf %get3A_1, %concatenate3A : vector<512x256xf32>
    %reduce_sum3A = arith.constant dense<0.000000e+00> : vector<512xf32>
    %reduce_sum3A_58 = vector.multi_reduction <add>, %mul3A_57, %reduce_sum3A [1] : vector<512x256xf32> to vector<512xf32>
    %broadcast_in_dim3A = vector.shape_cast %reduce_sum3A_58 : vector<512xf32> to vector<512x1xf32>
    %mul3A_59 = arith.mulf %get3A_1, %get3A_1 : vector<512x256xf32>
    %reduce_sum3A_60 = arith.constant dense<0.000000e+00> : vector<512xf32>
    %reduce_sum3A_61 = vector.multi_reduction <add>, %mul3A_59, %reduce_sum3A_60 [1] : vector<512x256xf32> to vector<512xf32>
    %broadcast_in_dim3A_62 = vector.shape_cast %reduce_sum3A_61 : vector<512xf32> to vector<512x1xf32>
    %sub3A_63 = arith.subf %broadcast_in_dim3A, %broadcast_in_dim3A_62 : vector<512x1xf32>
    %mul3A_64 = arith.constant 0.333333343 : f32
    %mul3A_65 = vector.broadcast %mul3A_64 : f32 to vector<512x1xf32>
    %mul3A_66 = arith.mulf %sub3A_63, %mul3A_65 : vector<512x1xf32>
    %mul3A_67 = arith.constant 14.2857141 : f32
    %mul3A_68 = vector.broadcast %mul3A_67 : f32 to vector<512x1xf32>
    %mul3A_69 = arith.mulf %mul3A_66, %mul3A_68 : vector<512x1xf32>
    %exp3A = math.exp %mul3A_69 : vector<512x1xf32>
    %dot_general3A_70 = arith.constant dense<0.000000e+00> : vector<512x512xf32>
    %dot_general3A_71 = tpu.matmul %get3A_1, %dot_general3A_50, %dot_general3A_70 {dimension_numbers = #tpu.dot_dimension_numbers<[1], [1], [0], [0], [0, 0, 1, 0], [], []>, transpose_lhs_hint = false} : vector<512x256xf32>, vector<512x256xf32>, vector<512x512xf32> -> vector<512x512xf32>
    %mul3A_72 = arith.constant 14.2857141 : f32
    %mul3A_73 = vector.broadcast %mul3A_72 : f32 to vector<512x512xf32>
    %mul3A_74 = arith.mulf %dot_general3A_71, %mul3A_73 : vector<512x512xf32>
    %exp3A_75 = math.exp %mul3A_74 : vector<512x512xf32>
    %iota3A_76 = tpu.iota {dimensions = array<i32: 1>} : vector<512x512xi32>
    %iota3A_77 = tpu.iota {dimensions = array<i32: 0>} : vector<512x512xi32>
    %jit3A_78 = arith.constant 128 : i32
    %eq3A_79 = arith.constant 0 : i32
    %eq3A_80 = arith.cmpi eq, %jit3A_78, %eq3A_79 : i32
    %jit3A_81 = arith.constant 1 : i32
    %select_n3A_82 = arith.select %eq3A_80, %jit3A_81, %jit3A_78 : i32
    %rem3A_83 = vector.broadcast %select_n3A_82 : i32 to vector<512x512xi32>
    %rem3A_84 = arith.remsi %iota3A_77, %rem3A_83 : vector<512x512xi32>
    %ne3A_85 = arith.constant 0 : i32
    %ne3A_86 = vector.broadcast %ne3A_85 : i32 to vector<512x512xi32>
    %ne3A_87 = arith.cmpi ne, %rem3A_84, %ne3A_86 : vector<512x512xi32>
    %lt3A_88 = arith.constant 0 : i32
    %lt3A_89 = vector.broadcast %lt3A_88 : i32 to vector<512x512xi32>
    %lt3A_90 = arith.cmpi slt, %rem3A_84, %lt3A_89 : vector<512x512xi32>
    %lt3A_91 = arith.constant 0 : i32
    %lt3A_92 = arith.cmpi slt, %select_n3A_82, %lt3A_91 : i32
    %ne3A_93 = vector.broadcast %lt3A_92 : i1 to vector<512x512xi1>
    %ne3A_94 = vector.broadcast %ne3A_93 : vector<512x512xi1> to vector<512x512xi1>
    %ne3A_95 = arith.xori %lt3A_90, %ne3A_94 : vector<512x512xi1>
    %and3A_96 = arith.andi %ne3A_95, %ne3A_87 : vector<512x512xi1>
    %add3A_97 = vector.broadcast %select_n3A_82 : i32 to vector<512x512xi32>
    %add3A_98 = arith.addi %rem3A_84, %add3A_97 : vector<512x512xi32>
    %select_n3A_99 = arith.select %and3A_96, %add3A_98, %rem3A_84 : vector<512x512xi1>, vector<512x512xi32>
    %mul3A_100 = arith.constant 4 : i32
    %mul3A_101 = vector.broadcast %mul3A_100 : i32 to vector<512x512xi32>
    %mul3A_102 = arith.muli %mul3A_101, %select_n3A_99 : vector<512x512xi32>
    %slice3A_103 = vector.extract_strided_slice %exp3A_75 {offsets = [0, 511], sizes = [512, 1], strides = [1, 1]} : vector<512x512xf32> to vector<512x1xf32>
    %slice3A_104 = vector.extract_strided_slice %exp3A_75 {offsets = [0, 0], sizes = [512, 511], strides = [1, 1]} : vector<512x512xf32> to vector<512x511xf32>
    %concatenate3A_105 = tpu.concatenate %slice3A_103, %slice3A_104 in 1 : vector<512x1xf32>, vector<512x511xf32> -> vector<512x512xf32>
    %slice3A_106 = vector.extract_strided_slice %exp3A_75 {offsets = [0, 3], sizes = [512, 509], strides = [1, 1]} : vector<512x512xf32> to vector<512x509xf32>
    %slice3A_107 = vector.extract_strided_slice %exp3A_75 {offsets = [0, 0], sizes = [512, 3], strides = [1, 1]} : vector<512x512xf32> to vector<512x3xf32>
    %concatenate3A_108 = tpu.concatenate %slice3A_106, %slice3A_107 in 1 : vector<512x509xf32>, vector<512x3xf32> -> vector<512x512xf32>
    %eq3A_109 = arith.constant 0 : i32
    %eq3A_110 = vector.broadcast %eq3A_109 : i32 to vector<512x512xi32>
    %eq3A_111 = arith.cmpi eq, %iota3A_76, %eq3A_110 : vector<512x512xi32>
    %sub3A_112 = arith.constant 1 : i32
    %sub3A_113 = vector.broadcast %sub3A_112 : i32 to vector<512x512xi32>
    %sub3A_114 = arith.subi %iota3A_76, %sub3A_113 : vector<512x512xi32>
    %lt3A_115 = arith.cmpi slt, %sub3A_114, %mul3A_102 : vector<512x512xi32>
    %select_n3A_116 = arith.select %lt3A_115, %concatenate3A_105, %concatenate3A_108 : vector<512x512xi1>, vector<512x512xf32>
    %broadcast_in_dim3A_117 = vector.shape_cast %exp3A : vector<512x1xf32> to vector<512x1xf32>
    %broadcast_in_dim3A_118 = vector.broadcast %broadcast_in_dim3A_117 : vector<512x1xf32> to vector<512x512xf32>
    %select_n3A_119 = arith.select %eq3A_111, %broadcast_in_dim3A_118, %select_n3A_116 : vector<512x512xi1>, vector<512x512xf32>
    %lt3A_120 = arith.constant 509 : i32
    %lt3A_121 = vector.broadcast %lt3A_120 : i32 to vector<512x512xi32>
    %lt3A_122 = arith.cmpi slt, %iota3A_76, %lt3A_121 : vector<512x512xi32>
    %jit3A_123 = arith.constant 0.000000e+00 : f32
    %broadcast_in_dim3A_124 = vector.broadcast %jit3A_123 : f32 to vector<512x512xf32>
    %select_n3A_125 = arith.select %lt3A_122, %select_n3A_119, %broadcast_in_dim3A_124 : vector<512x512xi1>, vector<512x512xf32>
    %reduce_sum3A_126 = vector.shape_cast %select_n3A_125 : vector<512x512xf32> to vector<1x512x512xf32>
    %reduce_sum3A_127 = arith.constant dense<0.000000e+00> : vector<1xf32>
    %reduce_sum3A_128 = vector.multi_reduction <add>, %reduce_sum3A_126, %reduce_sum3A_127 [1, 2] : vector<1x512x512xf32> to vector<1xf32>
    %reduce_sum3A_129 = vector.shape_cast %reduce_sum3A_128 : vector<1xf32> to vector<1x1x1xf32>
    %reduce_sum3A_130 = vector.extract %reduce_sum3A_129[0, 0, 0] : f32 from vector<1x1x1xf32>
    %mul3A_131 = arith.constant 3.83718088E-6 : f32
    %mul3A_132 = arith.mulf %reduce_sum3A_130, %mul3A_131 : f32
    %mul3A_133 = arith.constant 1.000000e+05 : f32
    %mul3A_134 = arith.mulf %mul3A_132, %mul3A_133 : f32
    %div3A_135 = vector.broadcast %mul3A_134 : f32 to vector<512x512xf32>
    %div3A_136 = arith.divf %select_n3A_125, %div3A_135 : vector<512x512xf32>
    %slice3A_137 = vector.extract_strided_slice %div3A_136 {offsets = [0, 0], sizes = [512, 509], strides = [1, 1]} : vector<512x512xf32> to vector<512x509xf32>
    %swap3A = arith.constant 0 : index
    %swap3A_138 = arith.constant 0 : index
    %swap3A_139 = vector.load %arg2[%swap3A, %swap3A_138] : memref<512x509xf32, #tpu.memory_space<vmem>>, vector<512x509xf32>
    tpu.vector_store %arg2[%swap3A, %swap3A_138], %slice3A_137 {strides = array<i32>} : memref<512x509xf32, #tpu.memory_space<vmem>>, vector<512x509xf32>,
    %reduce_sum3A_140 = arith.constant dense<0.000000e+00> : vector<512xf32>
    %reduce_sum3A_141 = vector.multi_reduction <add>, %div3A_136, %reduce_sum3A_140 [1] : vector<512x512xf32> to vector<512xf32>
    %broadcast_in_dim3A_142 = vector.shape_cast %reduce_sum3A_141 : vector<512xf32> to vector<512x1xf32>
    %slice3A_143 = vector.extract_strided_slice %div3A_136 {offsets = [0, 0], sizes = [512, 1], strides = [1, 1]} : vector<512x512xf32> to vector<512x1xf32>
    %div3A_144 = arith.divf %slice3A_143, %broadcast_in_dim3A_142 : vector<512x1xf32>
    %reduce_sum3A_145 = vector.shape_cast %div3A_144 : vector<512x1xf32> to vector<1x512x1xf32>
    %reduce_sum3A_146 = arith.constant dense<0.000000e+00> : vector<1xf32>
    %reduce_sum3A_147 = vector.multi_reduction <add>, %reduce_sum3A_145, %reduce_sum3A_146 [1, 2] : vector<1x512x1xf32> to vector<1xf32>
    %reduce_sum3A_148 = vector.shape_cast %reduce_sum3A_147 : vector<1xf32> to vector<1x1x1xf32>
    %reduce_sum3A_149 = vector.extract %reduce_sum3A_148[0, 0, 0] : f32 from vector<1x1x1xf32>
    %div3A_150 = arith.constant 5.120000e+02 : f32
    %div3A_151 = arith.divf %reduce_sum3A_149, %div3A_150 : f32
    %reshape3A = vector.broadcast %div3A_151 : f32 to vector<1x1xf32>
    %swap3A_152 = arith.constant 0 : index
    %swap3A_153 = arith.constant 0 : index
    %swap3A_154 = vector.load %arg3[%swap3A_152, %swap3A_153] : memref<1x1xf32, #tpu.memory_space<vmem>>, vector<1x1xf32>
    tpu.vector_store %arg3[%swap3A_152, %swap3A_153], %reshape3A {strides = array<i32>} : memref<1x1xf32, #tpu.memory_space<vmem>>, vector<1x1xf32>,
    %get3A_155 = arith.constant 0 : index
    %get3A_156 = arith.constant 0 : index
    %get3A_157 = vector.load %arg1[%get3A_155, %get3A_156] : memref<1x128xi32, #tpu.memory_space<vmem>>, vector<1x128xi32>
    %convert_element_type3A_158 = arith.sitofp %get3A_157 : vector<1x128xi32> to vector<1x128xf32>
    %iota3A_159 = tpu.iota {dimensions = array<i32: 0>} : vector<128x128xi32>
    %iota3A_160 = tpu.iota {dimensions = array<i32: 1>} : vector<128x128xi32>
    %eq3A_161 = arith.cmpi eq, %iota3A_159, %iota3A_160 : vector<128x128xi32>
    %convert_element_type3A_162 = arith.extui %eq3A_161 : vector<128x128xi1> to vector<128x128xi32>
    %convert_element_type3A_163 = arith.sitofp %convert_element_type3A_162 : vector<128x128xi32> to vector<128x128xf32>
    %dot_general3A_164 = arith.constant dense<0.000000e+00> : vector<128x1xf32>
    %dot_general3A_165 = tpu.matmul %convert_element_type3A_163, %convert_element_type3A_158, %dot_general3A_164 {dimension_numbers = #tpu.dot_dimension_numbers<[1], [1], [0], [0], [0, 0, 1, 0], [], []>, precision = #tpu.contract_precision<fp32>, transpose_lhs_hint = false} : vector<128x128xf32>, vector<1x128xf32>, vector<128x1xf32> -> vector<128x1xf32>
    %broadcast_in_dim3A_166 = vector.shape_cast %convert_element_type3A_158 : vector<1x128xf32> to vector<1x128xf32>
    %broadcast_in_dim3A_167 = vector.broadcast %broadcast_in_dim3A_166 : vector<1x128xf32> to vector<128x128xf32>
    %eq3A_168 = vector.broadcast %dot_general3A_165 : vector<128x1xf32> to vector<128x128xf32>
    %eq3A_169 = arith.cmpf oeq, %eq3A_168, %broadcast_in_dim3A_167 : vector<128x128xf32>
    %convert_element_type3A_170 = arith.sitofp %iota3A_160 : vector<128x128xi32> to vector<128x128xf32>
    %jit3A_171 = arith.constant -1.000000e+00 : f32
    %broadcast_in_dim3A_172 = vector.broadcast %jit3A_171 : f32 to vector<128x128xf32>
    %select_n3A_173 = arith.select %eq3A_169, %convert_element_type3A_170, %broadcast_in_dim3A_172 : vector<128x128xi1>, vector<128x128xf32>
    %reduce_max3A = arith.constant dense<0xFF800000> : vector<128xf32>
    %reduce_max3A_174 = vector.multi_reduction <maximumf>, %select_n3A_173, %reduce_max3A [1] : vector<128x128xf32> to vector<128xf32>
    %broadcast_in_dim3A_175 = vector.shape_cast %reduce_max3A_174 : vector<128xf32> to vector<128x1xf32>
    %eq3A_176 = vector.broadcast %broadcast_in_dim3A_175 : vector<128x1xf32> to vector<128x128xf32>
    %eq3A_177 = arith.cmpf oeq, %convert_element_type3A_170, %eq3A_176 : vector<128x128xf32>
    %convert_element_type3A_178 = arith.extui %eq3A_177 : vector<128x128xi1> to vector<128x128xi32>
    %convert_element_type3A_179 = arith.sitofp %convert_element_type3A_178 : vector<128x128xi32> to vector<128x128xf32>
    %dot_general3A_180 = arith.constant dense<0.000000e+00> : vector<128x256xf32>
    %dot_general3A_181 = tpu.matmul %convert_element_type3A_179, %add3A_56, %dot_general3A_180 {dimension_numbers = #tpu.dot_dimension_numbers<[1], [0], [0], [1], [0, 0, 1, 1], [], []>, precision = #tpu.contract_precision<fp32>, transpose_lhs_hint = false} : vector<128x128xf32>, vector<128x256xf32>, vector<128x256xf32> -> vector<128x256xf32>
    %mul3A_182 = arith.constant 1.250000e-01 : f32
    %mul3A_183 = vector.broadcast %mul3A_182 : f32 to vector<128x256xf32>
    %mul3A_184 = arith.mulf %dot_general3A_181, %mul3A_183 : vector<128x256xf32>
    %swap3A_185 = arith.constant 0 : index
    %swap3A_186 = arith.constant 0 : index
    %swap3A_187 = vector.load %arg4[%swap3A_185, %swap3A_186] : memref<128x256xf32, #tpu.memory_space<vmem>>, vector<128x256xf32>
    tpu.vector_store %arg4[%swap3A_185, %swap3A_186], %mul3A_184 {strides = array<i32>} : memref<128x256xf32, #tpu.memory_space<vmem>>, vector<128x256xf32>,
    return
  }
}

</mosaic_0001>

<sc_bundles>
// kernel: kernel.4.cloned.1.call-start
scs
__scs_entry_jumppad:
0x0: {  	(pc) =	sbr.rel $0x88, $3  }
0x1: {  	(tag) =	ssettag $0x0;
	lr =	simm.s32 $0x1  }
0x2: {  	[smem:$0x3F9E] =	sst lr;
	_ =	strace $0xD0000000  }
0x3: {  	_ = 	snop  }
0x4: {  	_ = 	snop  }
0x5: {  	_ = 	snop  }
0x6: {  	_ = 	snop  }
0x7: {  	_ = 	snop  }
__scs_overlays_trampoline_lowered:
0x8: {  	[smem:$0x3FAD] =	sst s0  }
0x9: {  	[smem:$0x3FAE] =	sst s1  }
0xa: {  	[smem:$0x3FAF] =	sst s2  }
0xb: {  	[smem:$0x3FB0] =	sst s3  }
0xc: {  	[smem:$0x3FB1] =	sst s4  }
0xd: {  	[smem:$0x3FB2] =	sst s5  }
0xe: {  	[smem:$0x3FB3] =	sst s6  }
0xf: {  	[smem:$0x3FB4] =	sst s7  }
0x10: {  	[smem:$0x3FB5] =	sst s8  }
0x11: {  	[smem:$0x3FB6] =	sst s9;
	s0 =	simm.s32 @!p0 $0x0  }
0x12: {  	s1 =	sld [smem:$0x3F9C];
	s0 =	simm.s32 @p0 $0x1  }
0x13: {  	[smem:$0x3FB7] =	sst s0;
	s0 =	simm.s32 @!p1 $0x0  }
0x14: {  	s2 =	sld [smem:$0x3F9B];
	s0 =	simm.s32 @p1 $0x1  }
0x15: {  	[smem:$0x3FB8] =	sst s0;
	s0 =	simm.s32 @!p2 $0x0  }
0x16: {  	s3 =	sld [smem:$0x3FDB];
	s0 =	simm.s32 @p2 $0x1  }
0x17: {  	s4 =	simm.s32 $0x1BF5;
	[smem:$0x3FBA] =	sst s0  }
0x18: {  	s0 =	sld [smem:$0x3F9D];
	_ =	swait.ge [sflag:s4], $0x0  }
0x19: {  	s7 =	sld [smem:$0x3F9E]  }
0x1a: {  	s8 =	sadd.s32 $0xFFFFE003, lr  }
0x1b: {  	s9 =	sadd.s32 $0xFFFFFEF7, lr;
	s5 =	simm.s32 $0xFFFFFFFF;
	p2 =	slt.u32 s8, $0xFFFFF086  }
0x1c: {  	p1 =	slt.u32 s9, $0xF7A;
	s5 =	simm.s32 @!p2 $0x0  }
0x1d: {  	s5 =	simm.s32 @p1 $0x1;
	p0 =	seq.s32 s7, s2  }
0x1e: {  	s7 =	smul.u32 @!p0 $0xF7A, s2;
	p2 =	seq.s32 @!p0 s5, $0x0  }
0x1f: {  	s9 =	smul.u32 $0xF7A, s1;
	s8 =	simm.s32 @!p0 $0x1BF5;
	p2 =	por !p2, p0  }
0x20: {  	[sflag:s8] =	ssyncset.s32 @!p0 $0xFFFFF086;
	s6 =	sadd.s32 @!p0 s3, s7;
	s7 =	simm.s32 @!p0 $0x108  }
0x21: {  	s3 =	sadd.s32 s3, s9;
	s6 =	sadd.s32 @!p0 $0x88, s6;
	s7 =	simm.s32 @p2 $0x1082  }
0x22: {  	[simem:s7], [sflag:s8] =	dma.local @!p0 [hbm:s6], $0xF7A  }
0x23: {  	s9 =	sor.u32 $0xD0000000, s2;
	s6 =	simm.s32 $0x108;
	_ =	swait.ge @!p0 [sflag:s8], $0x0  }
0x24: {  	s3 =	sadd.s32 $0x88, s3;
	s6 =	simm.s32 @!p1 $0x1082;
	[sflag:s4] =	ssyncset.s32 $0xFFFFF086  }
0x25: {  	[simem:s6], [sflag:s4] =	dma.local [hbm:s3], $0xF7A  }
0x26: {  	[smem:$0x3F9E] =	sst s1;
	(tag) =	ssettag s2;
	_ =	strace s9  }
0x27: {  	s1 =	sld [smem:$0x3FAE]  }
0x28: {  	s2 =	sld [smem:$0x3FAF]  }
0x29: {  	s4 =	sld [smem:$0x3FB1]  }
0x2a: {  	p0 =	seq.s32 s5, $0x0;
	s5 =	sld [smem:$0x3FB2]  }
0x2b: {  	s6 =	sld [smem:$0x3FB3]  }
0x2c: {  	s7 =	sld [smem:$0x3FB4]  }
0x2d: {  	s3 =	simm.s32 $0x108;
	s8 =	sld [smem:$0x3FB5]  }
0x2e: {  	s3 =	simm.s32 @!p0 $0x1082;
	s9 =	sld [smem:$0x3FB6]  }
0x2f: {  	lr =	sadd.s32 s0, s3;
	s0 =	sld [smem:$0x3FAD]  }
0x30: {  	s3 =	sld [smem:$0x3FB0]  }
0x31: {  	[smem:$0x3FB9] =	sst s10  }
0x32: {  	s10 =	sld [smem:$0x3FB7];
	_ =	sdelay $0x3  }
0x33: {  	p0 =	seq.s32 s10, $0x1;
	s10 =	sld [smem:$0x3FB9];
	_ =	sdelay $0x3  }
0x34: {  	[smem:$0x3FB9] =	sst s10  }
0x35: {  	s10 =	sld [smem:$0x3FB8];
	_ =	sdelay $0x3  }
0x36: {  	p1 =	seq.s32 s10, $0x1;
	s10 =	sld [smem:$0x3FB9];
	_ =	sdelay $0x3  }
0x37: {  	[smem:$0x3FB9] =	sst s10  }
0x38: {  	s10 =	sld [smem:$0x3FBA]  }
0x39: {  	_ = 	snop;
	(pc) =	sbr.ind lr, $3  }
0x3a: {  	_ = 	snop  }
0x3b: {  	_ = 	snop  }
0x3c: {  	p2 =	seq.s32 s10, $0x1;
	s10 =	sld [smem:$0x3FB9]  }
0x3d: {  	_ =	shalt  }
0x3e: {  	_ =	shalt  }
0x3f: {  	_ =	shalt  }
0x40: {  	_ =	shalt  }
0x41: {  	_ =	shalt  }
0x42: {  	_ =	shalt  }
0x43: {  	_ =	shalt  }
0x44: {  	_ =	shalt  }
0x45: {  	_ =	shalt  }
0x46: {  	_ =	shalt  }
0x47: {  	_ =	shalt  }
0x48: {  	_ =	shalt  }
0x49: {  	_ =	shalt  }
0x4a: {  	_ =	shalt  }
0x4b: {  	_ =	shalt  }
0x4c: {  	_ =	shalt  }
0x4d: {  	_ =	shalt  }
0x4e: {  	_ =	shalt  }
0x4f: {  	_ =	shalt  }
0x50: {  	_ =	shalt  }
0x51: {  	_ =	shalt  }
0x52: {  	_ =	shalt  }
0x53: {  	_ =	shalt  }
0x54: {  	_ =	shalt  }
0x55: {  	_ =	shalt  }
0x56: {  	_ =	shalt  }
0x57: {  	_ =	shalt  }
0x58: {  	_ =	shalt  }
0x59: {  	_ =	shalt  }
0x5a: {  	_ =	shalt  }
0x5b: {  	_ =	shalt  }
0x5c: {  	_ =	shalt  }
0x5d: {  	_ =	shalt  }
0x5e: {  	_ =	shalt  }
0x5f: {  	_ =	shalt  }
0x60: {  	_ =	shalt  }
0x61: {  	_ =	shalt  }
0x62: {  	_ =	shalt  }
0x63: {  	_ =	shalt  }
0x64: {  	_ =	shalt  }
0x65: {  	_ =	shalt  }
0x66: {  	_ =	shalt  }
0x67: {  	_ =	shalt  }
0x68: {  	_ =	shalt  }
0x69: {  	_ =	shalt  }
0x6a: {  	_ =	shalt  }
0x6b: {  	_ =	shalt  }
0x6c: {  	_ =	shalt  }
0x6d: {  	_ =	shalt  }
0x6e: {  	_ =	shalt  }
0x6f: {  	_ =	shalt  }
0x70: {  	_ =	shalt  }
0x71: {  	_ =	shalt  }
0x72: {  	_ =	shalt  }
0x73: {  	_ =	shalt  }
0x74: {  	_ =	shalt  }
0x75: {  	_ =	shalt  }
0x76: {  	_ =	shalt  }
0x77: {  	_ =	shalt  }
0x78: {  	_ =	shalt  }
0x79: {  	_ =	shalt  }
0x7a: {  	_ =	shalt  }
0x7b: {  	_ =	shalt  }
0x7c: {  	_ =	shalt  }
0x7d: {  	_ =	shalt  }
0x7e: {  	_ =	shalt  }
0x7f: {  	_ =	shalt  }
0x80: {  	_ =	shalt  }
0x81: {  	_ =	shalt  }
0x82: {  	_ =	shalt  }
0x83: {  	_ =	shalt  }
0x84: {  	_ =	shalt  }
0x85: {  	_ =	shalt  }
0x86: {  	_ =	shalt  }
0x87: {  	_ =	shalt  }
.Lfunc_end0:
.L_simem_size_0:
called_computation_lowered:
.L_overlay_start_0:
0x88: {  	s0 =	sld [smem:$0x3FD9]  }
0x89: {  	s1 =	sld [smem:$0x3FFE];
	_ =	sdelay $0x3  }
0x8a: {  	s0 =	sadd.s32 s1, s0  }
0x8b: {  	[smem:$0x3FC5] =	sst s0  }
0x8c: {  	_ = 	snop  }
0x8d: {  	s0 =	sld [smem:$0x3FD0];
	_ =	sdelay $0x1  }
0x8e: {  	s13 =	sld [smem:$0x3FC8]  }
0x8f: {  	s3 =	simm.s32 $0xA;
	s4 =	simm.s32 $0x10;
	s2 =	sld [smem:$0x3FC7]  }
0x90: {  	[smem:s4], [sflag:s3] =	dma.local [hbm:s0], $0x1  }
0x91: {  	_ =	swait.eq [sflag:s3], $0x1  }
0x92: {  	[sflag:s3] =	ssyncset.done $0x0  }
0x93: {  	[sflag:s3] =	ssyncadd.s32 $0xFFFFFFFF  }
0x94: {  	s14 =	sld [smem:$0x12];
	(tm) =	ssettm $0x1  }
0x95: {  	s15 =	sld [smem:$0x3FFB];
	_ =	sdelay $0x3  }
0x96: {  	_ =	strace s15  }
0x97: {  	s3 =	sld [smem:$0x3FFC];
	_ =	sdelay $0x3  }
0x98: {  	_ =	strace s3  }
0x99: {  	s3 =	sld [smem:$0x3FFD];
	_ =	sdelay $0x3  }
0x9a: {  	_ =	strace s3  }
0x9b: {  	_ =	strace $0x8FFFFFFF  }
0x9c: {  	s16 =	sld [smem:$0x3FDB];
	_ =	sdelay $0x1  }
0x9d: {  	s17 =	simm.s32 $_scs_section_size  }
0x9e: {  	s5 =	simm.s32 $_size__tile_overlayer_lowered;
	s6 =	simm.s32 $_tile_overlayer_lowered  }
0x9f: {  	s20 =	simm.s32 $0x1BFF;
	s19 =	sshll.u32 s6, $0x1;
	s3 =	sadd.s32 s17, s16  }
0xa0: {  	s7 =	simm.s32 $0x0;
	s18 =	sshll.u32 s5, $0x1;
	s5 =	sadd.s32 s19, s3  }
0xa1: {  	[timem:s7], [sflag:s20] =	dma.local [hbm:s5], s18  }
0xa2: {  	_ =	swait.ge [sflag:s20], s18  }
0xa3: {  	s4 =	ssub.s32 $0x0, s18;
	[sflag:s20] =	ssyncset.done $0x0  }
0xa4: {  	[sflag:s20] =	ssyncadd.s32 s4;
	_ =	sdelay $0x1  }
0xa5: {  	s21 =	simm.s32 $0x1B8B  }
0xa6: {  	_ =	swait.ge [sflag:s21], $0x1  }
0xa7: {  	[sflag:s21] =	ssyncset.done $0x0  }
0xa8: {  	s23 =	simm.s32 $0x1B8E;
	s22 =	sld [smem:$0x3FFE];
	[sflag:s21] =	ssyncadd.s32 $0xFFFFFFFF  }
0xa9: {  	s24 =	simm.s32 $execute0_lowered;
	[smem:$0x3FD2] =	sst s23  }
0xaa: {  	s5 =	sshll.u32 s24, $0x1;
	_ =	strace $0x80000046;
	[dreg:$0x1] =	wrdreg $0xFFFFFFFF  }
0xab: {  	s25 =	simm.s32 $_size_execute0_lowered;
	s3 =	sadd.s32 s3, s5;
	[dreg:$0x0] =	wrdreg $0x0  }
0xac: {  	s5 =	sshll.u32 s25, $0x1;
	[dreg:$0x2] =	wrdreg s3  }
0xad: {  	[dreg:$0x3] =	wrdreg s5  }
0xae: {  	[dreg:$0x4] =	wrdreg $0xC0  }
0xaf: {  	_ =	task [dreg:s7], $0x5FFFF  }
0xb0: {  	[dreg:$0x1] =	wrdreg $0xFFFFFFFF  }
0xb1: {  	[dreg:$0x0] =	wrdreg $0x60  }
0xb2: {  	[dreg:$0x2] =	wrdreg s13  }
0xb3: {  	[dreg:$0x3] =	wrdreg s2  }
0xb4: {  	[dreg:$0x4] =	wrdreg s22  }
0xb5: {  	[dreg:$0x5] =	wrdreg s14  }
0xb6: {  	[dreg:$0x6] =	wrdreg $0x9  }
0xb7: {  	_ =	task.clear_ibuf [dreg:s7], $0x7FFFF;
	_ =	strace $0x90000046  }
0xb8: {  	s26 =	simm.s32 $0x9;
	_ =	strace $0x80000048  }
0xb9: {  	_ =	swait.ge [sflag:s26], $0x1  }
0xba: {  	[sflag:s26] =	ssyncadd.s32 $0xFFFFFFFF  }
0xbb: {  	_ =	strace $0x90000048  }
0xbc: {  	_ =	sfence  }
0xbd: {  	s28 =	sld [smem:$0x0];
	_ =	sdelay $0x1  }
0xbe: {  	s29 =	srdreg.scid  }
0xbf: {  	s30 =	sshll.u32 s29, $0xD;
	s31 =	sshrl.u32 s29, $0x2  }
0xc0: {  	s1 =	sand.u32 $0x1, s29;
	s2 =	sand.u32 $0x4000, s30;
	s0 =	sadd.s32 s31, s28  }
0xc1: {  	s1 =	sor.u32 s2, s1;
	s0 =	sshll.u32 s0, $0x11  }
0xc2: {  	s0 =	sor.u32 s0, s1  }
0xc3: {  	s0 =	sadd.s32 $0x8F2B, s0  }
0xc4: {  	[sflag:s0] =	ssyncadd.remote.s32 $0x1  }
0xc5: {  	_ =	sfence.sel $0xFFFF  }
0xc6: {  	[dreg:$0x0] =	wrdreg $0xFFFFFFFF;
	(pc) =	sbr.abs _section_cstart, $3  }
0xc7: {  	[dreg:$0x1] =	wrdreg $0xFFFFFFFF  }
0xc8: {  	_ =	task.clear_ibuf [dreg:s7], $0x2FFFF;
	_ =	strace $0x9FFFFFFF  }
0xc9: {  	(tm) =	ssettm $0x7FFFFFFF  }
tec
execute0_lowered:
.L_overlay_start_1:
0x0: {  	(tag) =	ssettag $0x1  }
0x1: {  	s4 =	rddreg [dreg:$0x0]  }
0x2: {  	s5 =	rddreg [dreg:$0x1]  }
0x3: {  	s6 =	rddreg [dreg:$0x2]  }
0x4: {  	s2 =	rddreg [dreg:$0x3]  }
0x5: {  	s0 =	rddreg [dreg:$0x4];
	s3 =	simm.s32 $0x0  }
0x6: {  	s1 =	stileid.u32;
	[smem:$0x7FF] =	sst s3  }
0x7: {  	s26 =	simm.s32 $0x3;
	s5 =	sadd.s32 s5, s1;
	_ =	strace $0x80000047  }
0x8: {  	[tilespmem:s3], [sflag:$0x3] =	stream.linear.gather [hbm4b:s5+s3], $0x8, $0x38;
	[tilespmem:$0x1080] =	vst v63  }
0x9: {  	s7 =	sshll.u32 s1, $0x8;
	_ =	swait.ge [sflag:s26], $0x8  }
0xa: {  	s6 =	sadd.s32 s7, s6;
	[sflag:s26] =	ssyncset.done $0x0  }
0xb: {  	s28 =	simm.s32 $0x880;
	s6 =	sadd.s32 $0xC00, s6;
	[sflag:s26] =	ssyncadd.s32 $0xFFFFFFF8  }
0xc: {  	[tilespmem:s28], [sflag:$0x2] =	stream.linear.gather [hbm4b:s6+s3], $0x800, $0x38;
	[tilespmem:$0x1080] =	vst v63  }
0xd: {  	v0 =	vld.msk [tilespmem:$0x0], $0xff;
	_ =	sdelay $0x4  }
0xe: {  	v1 =	vshll.u32 v0, $0x1  }
0xf: {  	v2 =	vlaneseq.u32;
	v0 =	vand.u32 $0x7, v0;
	v1 =	vand.u32 $0xFFFFFFF0, v1  }
0x10: {  	v35 =	vand.u32 $0x7, v2;
	v2 =	vshrl.u32 v2, $0x3;
	v0 =	vor.u32 v0, v1  }
0x11: {  	v36 =	vmul.u32 $0x8, v2;
	v3 =	vperm.xlane v0, v35;
	_ =	sdelay $0x1  }
0x12: {  	v2 =	vadd.s32 v36, v3;
	_ =	sdelay $0x2  }
0x13: {  	[tilespmem:$0x1FFE0] =	vst v35  }
0x14: {  	vm0 =	vmmov $0xffff;
	s29 =	simm.s32 $0x80;
	s30 =	simm.s32 $0x1;
	[tilespmem:$0x1FFF0] =	vst v36  }
0x15: {  	[tilespmem:s29], [sflag:$0x1] =	stream.indirect_vreg.gather [hbm4b:s4+s3], $0x80, v2, vm0, $0xb8;
	[tilespmem:$0x1080] =	vst v63  }
0x16: {  	_ =	swait.ge [sflag:s30], $0x800  }
0x17: {  	[sflag:s30] =	ssyncset.done $0x0  }
0x18: {  	s31 =	simm.s32 $0x2;
	[sflag:s30] =	ssyncadd.s32 $0xFFFFF800  }
0x19: {  	_ =	swait.ge [sflag:s31], $0x800  }
0x1a: {  	[sflag:s31] =	ssyncset.done $0x0  }
0x1b: {  	[sflag:s31] =	ssyncadd.s32 $0xFFFFF800  }
0x1c: {  	v37 =	vld [tilespmem:$0x80]  }
0x1d: {  	v38 =	vld [tilespmem:$0x880]  }
0x1e: {  	v4 =	vld [tilespmem:$0x90]  }
0x1f: {  	v5 =	vld [tilespmem:$0x890]  }
0x20: {  	v6 =	vld [tilespmem:$0xA0]  }
0x21: {  	v7 =	vld [tilespmem:$0x8A0]  }
0x22: {  	v8 =	vld [tilespmem:$0xB0]  }
0x23: {  	v9 =	vld [tilespmem:$0x8B0]  }
0x24: {  	v10 =	vld [tilespmem:$0xC0]  }
0x25: {  	v11 =	vld [tilespmem:$0x8C0]  }
0x26: {  	v12 =	vld [tilespmem:$0xD0]  }
0x27: {  	v14 =	vld [tilespmem:$0x8D0]  }
0x28: {  	v15 =	vld [tilespmem:$0xE0]  }
0x29: {  	v40 =	vld [tilespmem:$0xF0]  }
0x2a: {  	v42 =	vld [tilespmem:$0x8E0]  }
0x2b: {  	v44 =	vld [tilespmem:$0x8F0]  }
0x2c: {  	v51 =	vld [tilespmem:$0x480];
	v2 =	vmul.f32 $5.000000000e-01, v37;
	v4 =	vmul.f32 $5.000000000e-01, v4  }
0x2d: {  	v53 =	vld [tilespmem:$0xC80]  }
0x2e: {  	v54 =	vld [tilespmem:$0x490];
	v39 =	vmul.f32 $5.000000000e-01, v6;
	v13 =	vadd.f32 v38, v2;
	v32 =	vadd.f32 v5, v4  }
0x2f: {  	v56 =	vld [tilespmem:$0xC90];
	v41 =	vmul.f32 $5.000000000e-01, v8  }
0x30: {  	v57 =	vld [tilespmem:$0x4A0];
	v34 =	vadd.f32 v7, v39;
	v47 =	vmul.f32 v13, v13;
	v48 =	vmul.f32 v32, v32  }
0x31: {  	v59 =	vld [tilespmem:$0xCA0];
	v43 =	vmul.f32 $5.000000000e-01, v10  }
0x32: {  	v60 =	vld [tilespmem:$0x4B0];
	v33 =	vadd.f32 v9, v41;
	v50 =	vmul.f32 v34, v34;
	v49 =	vadd.f32 v48, v47  }
0x33: {  	v62 =	vld [tilespmem:$0xCB0];
	v45 =	vmul.f32 $5.000000000e-01, v12  }
0x34: {  	v16 =	vld [tilespmem:$0x4C0];
	v22 =	vadd.f32 v11, v43;
	v52 =	vmul.f32 v33, v33;
	v2 =	vadd.f32 v50, v49  }
0x35: {  	v63 =	vld [tilespmem:$0xCC0];
	v46 =	vmul.f32 $5.000000000e-01, v15  }
0x36: {  	v23 =	vld [tilespmem:$0x4D0];
	v11 =	vadd.f32 v14, v45;
	v55 =	vmul.f32 v22, v22;
	v2 =	vadd.f32 v52, v2  }
0x37: {  	v24 =	vld [tilespmem:$0xCD0];
	v3 =	vmul.f32 $5.000000000e-01, v40  }
0x38: {  	v26 =	vld [tilespmem:$0x4E0];
	v12 =	vadd.f32 v42, v46;
	v58 =	vmul.f32 v11, v11;
	v2 =	vadd.f32 v55, v2  }
0x39: {  	v28 =	vld [tilespmem:$0xCE0];
	v29 =	vadd.f32 v44, v3  }
0x3a: {  	v18 =	vld [tilespmem:$0x4F0];
	v4 =	vmul.f32 $5.000000000e-01, v51;
	v61 =	vmul.f32 v12, v12;
	v2 =	vadd.f32 v58, v2  }
0x3b: {  	v35 =	vld [tilespmem:$0xCF0];
	v21 =	vmul.f32 $5.000000000e-01, v54  }
0x3c: {  	v36 =	vld [tilespmem:$0x100];
	v17 =	vmul.f32 v29, v29;
	v43 =	vadd.f32 v53, v4;
	v2 =	vadd.f32 v61, v2  }
0x3d: {  	v19 =	vld [tilespmem:$0x920];
	v27 =	vmul.f32 $5.000000000e-01, v57  }
0x3e: {  	v40 =	vld [tilespmem:$0x900];
	v38 =	vadd.f32 v56, v21;
	v25 =	vmul.f32 v43, v43;
	v2 =	vadd.f32 v17, v2  }
0x3f: {  	v31 =	vmul.f32 $5.000000000e-01, v60;
	v57 =	vld [tilespmem:$0x910];
	[tilespmem:$0x80] =	vst v13  }
0x40: {  	v44 =	vadd.f32 v59, v27;
	v41 =	vld [tilespmem:$0x110];
	[tilespmem:$0x90] =	vst v32;
	v30 =	vmul.f32 v38, v38;
	v2 =	vadd.f32 v25, v2  }
0x41: {  	v39 =	vmul.f32 $5.000000000e-01, v16;
	v5 =	vmul.f32 $5.000000000e-01, v23;
	v27 =	vld [tilespmem:$0x140];
	[tilespmem:$0xA0] =	vst v34  }
0x42: {  	v42 =	vld [tilespmem:$0x940];
	[tilespmem:$0xB0] =	vst v33;
	v37 =	vmul.f32 v44, v44;
	v48 =	vadd.f32 v62, v31;
	v2 =	vadd.f32 v30, v2  }
0x43: {  	v51 =	vld [tilespmem:$0x950];
	[tilespmem:$0xC0] =	vst v22;
	v4 =	vmul.f32 $5.000000000e-01, v26;
	v26 =	vmul.f32 $5.000000000e-01, v18  }
0x44: {  	[tilespmem:$0xD0] =	vst v11;
	v47 =	vld [tilespmem:$0x150];
	v56 =	vmul.f32 v48, v48;
	v49 =	vadd.f32 v63, v39;
	v2 =	vadd.f32 v37, v2  }
0x45: {  	[tilespmem:$0xE0] =	vst v12;
	v46 =	vadd.f32 v35, v26;
	v63 =	vld [tilespmem:$0x130]  }
0x46: {  	[tilespmem:$0xF0] =	vst v29;
	v50 =	vadd.f32 v24, v5;
	v24 =	vld [tilespmem:$0x930];
	v62 =	vmul.f32 v49, v49;
	v2 =	vadd.f32 v56, v2  }
0x47: {  	[tilespmem:$0x1FF10] =	vst v46;
	v58 =	vld [tilespmem:$0x120]  }
0x48: {  	v52 =	vadd.f32 v28, v4;
	v20 =	vld [tilespmem:$0x160];
	v25 =	vmul.f32 v50, v50;
	v2 =	vadd.f32 v62, v2  }
0x49: {  	v21 =	vld [tilespmem:$0x960]  }
0x4a: {  	v45 =	vmul.f32 v52, v52;
	v60 =	vld [tilespmem:$0x170];
	v2 =	vadd.f32 v25, v2  }
0x4b: {  	v23 =	vld [tilespmem:$0x970]  }
0x4c: {  	v16 =	vmul.f32 $5.000000000e-01, v41;
	v59 =	vmul.f32 v46, v46;
	v54 =	vld [tilespmem:$0xD00];
	v2 =	vadd.f32 v45, v2  }
0x4d: {  	v14 =	vmul.f32 $5.000000000e-01, v36;
	v3 =	vld [tilespmem:$0xD20]  }
0x4e: {  	v35 =	vadd.f32 v57, v16;
	v8 =	vld [tilespmem:$0x530];
	v2 =	vadd.f32 v59, v2  }
0x4f: {  	v4 =	vmul.f32 $5.000000000e-01, v47;
	v6 =	vld [tilespmem:$0x540];
	v53 =	vmul.f32 $5.000000000e-01, v58;
	v30 =	vadd.f32 v40, v14  }
0x50: {  	v16 =	vmul.f32 v35, v35;
	v57 =	vmul.f32 $5.000000000e-01, v63;
	v9 =	vld [tilespmem:$0x550];
	(xrf2) =	vadd.scan.msk.f32 $0xffff, v2  }
0x51: {  	v41 =	vadd.f32 v51, v4;
	v4 =	vld [tilespmem:$0x560];
	v36 =	vadd.f32 v19, v53;
	v55 =	vmul.f32 v30, v30  }
0x52: {  	v63 =	vmul.f32 $5.000000000e-01, v27;
	v27 =	vld [tilespmem:$0x180]  }
0x53: {  	v15 =	vld [tilespmem:$0x1C0];
	v39 =	vadd.f32 v24, v57;
	v7 =	vadd.f32 v16, v55;
	v62 =	vmul.f32 v36, v36  }
0x54: {  	v24 =	vld [tilespmem:$0xD30]  }
0x55: {  	v61 =	vld [tilespmem:$0x500];
	v0 =	vmul.f32 v39, v39;
	v40 =	vadd.f32 v42, v63;
	v7 =	vadd.f32 v62, v7  }
0x56: {  	v58 =	vld [tilespmem:$0xD10]  }
0x57: {  	v28 =	vmul.f32 $5.000000000e-01, v20;
	v20 =	vld [tilespmem:$0xD50];
	v25 =	vmul.f32 v40, v40;
	v7 =	vadd.f32 v0, v7  }
0x58: {  	v26 =	vmul.f32 v41, v41;
	v17 =	vmul.f32 $5.000000000e-01, v60;
	v19 =	vld [tilespmem:$0x520]  }
0x59: {  	v57 =	vmul.f32 $5.000000000e-01, v27;
	v42 =	vadd.f32 v21, v28;
	v56 =	vld [tilespmem:$0x510];
	v25 =	vadd.f32 v25, v7  }
0x5a: {  	v6 =	vmul.f32 $5.000000000e-01, v6;
	v63 =	vld [tilespmem:$0x1A0];
	v45 =	vadd.f32 v23, v17;
	v2 =	vmul.f32 $5.000000000e-01, v61;
	v1, _, _ =	vpop (xrf2)  }
0x5b: {  	v51 =	vmul.f32 v42, v42;
	v59 =	vld [tilespmem:$0x190];
	v37 =	vadd.f32 v26, v25;
	v18 =	vbroadcast v1, $0xF  }
0x5c: {  	v60 =	vld [tilespmem:$0x990];
	v15 =	vmul.f32 $5.000000000e-01, v15;
	v61 =	vmul.f32 v45, v45;
	v46 =	vadd.f32 v54, v2  }
0x5d: {  	v53 =	vld [tilespmem:$0x980];
	v31 =	vshra.s32 v18, $0x1;
	v10 =	vmul.f32 $5.000000000e-01, v18;
	v18 =	vadd.f32 v51, v37  }
0x5e: {  	v19 =	vmul.f32 $5.000000000e-01, v19;
	v62 =	vmul.f32 $5.000000000e-01, v56;
	v56 =	vld [tilespmem:$0x9A0];
	v28 =	vsub.s32 $0x5F3759DF, v31  }
0x5f: {  	v16 =	vld [tilespmem:$0xD40];
	v55 =	vmul.f32 v46, v46;
	v21 =	vmul.f32 v28, v10;
	v18 =	vadd.f32 v61, v18  }
0x60: {  	v14 =	vmul.f32 $5.000000000e-01, v63;
	v47 =	vadd.f32 v58, v62;
	v58 =	vld [tilespmem:$0x1B0];
	v17 =	vmul.f32 $5.000000000e-01, v59  }
0x61: {  	v26 =	vld [tilespmem:$0x9F0];
	v51 =	vadd.f32 v3, v19;
	v54 =	vmul.f32 v28, v21;
	v21 =	vadd.f32 v55, v18  }
0x62: {  	v59 =	vmul.f32 v47, v47;
	v31 =	vld [tilespmem:$0x9B0];
	v18 =	vadd.f32 v53, v57;
	v53 =	vadd.f32 v60, v17  }
0x63: {  	v25 =	vadd.f32 v56, v14;
	v63 =	vmul.f32 v51, v51;
	v60 =	vmul.f32 $5.000000000e-01, v8;
	v8 =	vld [tilespmem:$0x9C0]  }
0x64: {  	v2 =	vld [tilespmem:$0x1D0];
	v17 =	vadd.f32 v59, v21;
	v61 =	vmul.f32 v18, v18;
	v62 =	vmul.f32 v53, v53  }
0x65: {  	v57 =	vmul.f32 $5.000000000e-01, v58;
	v5 =	vsub.f32 $1.500000000e+00, v54;
	v54 =	vadd.f32 v24, v60;
	v59 =	vld [tilespmem:$0x9D0]  }
0x66: {  	v58 =	vmul.f32 v25, v25;
	v19 =	vadd.f32 v62, v61;
	v14 =	vadd.f32 v63, v17;
	v17 =	vld [tilespmem:$0x1E0]  }
0x67: {  	v9 =	vmul.f32 $5.000000000e-01, v9;
	v37 =	vld [tilespmem:$0xD60];
	v55 =	vadd.f32 v16, v6;
	v31 =	vadd.f32 v31, v57  }
0x68: {  	v60 =	vmul.f32 v54, v54;
	v16 =	vadd.f32 v8, v15;
	v61 =	vadd.f32 v58, v19;
	v19 =	vld [tilespmem:$0x9E0]  }
0x69: {  	v2 =	vmul.f32 $5.000000000e-01, v2;
	v3 =	vld [tilespmem:$0x570];
	v62 =	vmul.f32 v31, v31  }
0x6a: {  	v56 =	vadd.f32 v20, v9;
	v8 =	vld [tilespmem:$0x1F0];
	v14 =	vadd.f32 v60, v14;
	v27 =	vmul.f32 v16, v16  }
0x6b: {  	v9 =	vld [tilespmem:$0xD70];
	v21 =	vadd.f32 v59, v2;
	v6 =	vadd.f32 v62, v61;
	v60 =	vmul.f32 $5.000000000e-01, v17  }
0x6c: {  	v4 =	vmul.f32 $5.000000000e-01, v4;
	v63 =	vmul.f32 v55, v55;
	v2 =	vld [tilespmem:$0x580]  }
0x6d: {  	v20 =	vld [tilespmem:$0xD80];
	v61 =	vmul.f32 v21, v21;
	v6 =	vadd.f32 v27, v6;
	v23 =	vadd.f32 v19, v60  }
0x6e: {  	v3 =	vmul.f32 $5.000000000e-01, v3;
	v15 =	vld [tilespmem:$0x590];
	v58 =	vadd.f32 v37, v4;
	v14 =	vadd.f32 v63, v14  }
0x6f: {  	v8 =	vmul.f32 $5.000000000e-01, v8;
	v60 =	vld [tilespmem:$0x5A0];
	v63 =	vadd.f32 v61, v6;
	v37 =	vmul.f32 v23, v23  }
0x70: {  	v57 =	vadd.f32 v9, v3;
	v62 =	vmul.f32 v56, v56;
	v6 =	vld [tilespmem:$0xD90]  }
0x71: {  	v19 =	vadd.f32 v26, v8;
	v2 =	vmul.f32 $5.000000000e-01, v2;
	v4 =	vadd.f32 v37, v63;
	v63 =	vld [tilespmem:$0x5B0]  }
0x72: {  	v3 =	vld [tilespmem:$0xDA0];
	v5 =	vmul.f32 v28, v5;
	v24 =	vadd.f32 v62, v14;
	v61 =	vmul.f32 v58, v58  }
0x73: {  	v9 =	vld [tilespmem:$0xDC0];
	v15 =	vmul.f32 $5.000000000e-01, v15;
	v62 =	vmul.f32 v19, v19;
	v14 =	vadd.f32 v20, v2  }
0x74: {  	v8 =	vld [tilespmem:$0x5C0];
	v28 =	vadd.f32 v61, v24;
	v61 =	vmul.f32 v5, v10;
	v37 =	vmul.f32 v57, v57  }
0x75: {  	v26 =	vld [tilespmem:$0xDB0];
	v59 =	vmul.f32 v14, v14;
	v60 =	vmul.f32 $5.000000000e-01, v60;
	v4 =	vadd.f32 v62, v4  }
0x76: {  	v17 =	vadd.f32 v6, v15;
	v20 =	vadd.f32 v37, v28;
	v2 =	vmul.f32 $5.000000000e-01, v63;
	v63 =	vld [tilespmem:$0x5D0]  }
0x77: {  	v37 =	vmul.f32 v61, v5;
	v15 =	vld [tilespmem:$0xDD0]  }
0x78: {  	v61 =	vld [tilespmem:$0xDE0];
	v24 =	vadd.f32 v3, v60;
	v4 =	vadd.f32 v59, v4;
	v62 =	vmul.f32 v17, v17;
	(xrf2) =	vadd.scan.msk.f32 $0xffff, v20  }
0x79: {  	v8 =	vmul.f32 $5.000000000e-01, v8;
	v60 =	vld [tilespmem:$0x5E0];
	v6 =	vsub.f32 $1.500000000e+00, v37  }
0x7a: {  	v37 =	vld [tilespmem:$0x5F0];
	v59 =	vmul.f32 v24, v24;
	v4 =	vadd.f32 v62, v4;
	v20 =	vadd.f32 v26, v2  }
0x7b: {  	v26 =	vadd.f32 v9, v8;
	v8 =	vld [tilespmem:$0x200];
	v3 =	vmul.f32 $5.000000000e-01, v63  }
0x7c: {  	v9 =	vmul.f32 v6, v5;
	v5 =	vld [tilespmem:$0xA00];
	v4 =	vadd.f32 v59, v4;
	v62 =	vmul.f32 v20, v20  }
0x7d: {  	v27 =	vadd.f32 v15, v3;
	v3 =	vld [tilespmem:$0x210]  }
0x7e: {  	v2 =	vmul.f32 $5.000000000e-01, v60;
	v59 =	vld [tilespmem:$0xA10];
	v63 =	vmul.f32 v26, v26;
	v4 =	vadd.f32 v62, v4  }
0x7f: {  	v60 =	vld [tilespmem:$0x220];
	v0 =	vmul.f32 v9, v10  }
0x80: {  	v28 =	vadd.f32 v61, v2;
	v61 =	vld [tilespmem:$0xDF0];
	v4 =	vadd.f32 v63, v4;
	v1 =	vmul.f32 v27, v27  }
0x81: {  	v6 =	vld [tilespmem:$0xA20];
	v37 =	vmul.f32 $5.000000000e-01, v37;
	v8 =	vmul.f32 $5.000000000e-01, v8  }
0x82: {  	v63 =	vld [tilespmem:$0x230];
	v62, _, _ =	vpop (xrf2);
	v2 =	vadd.f32 v1, v4;
	v4 =	vmul.f32 v28, v28;
	v3 =	vmul.f32 $5.000000000e-01, v3  }
0x83: {  	v15 =	vmul.f32 v0, v9;
	v62 =	vbroadcast v62, $0xF;
	v1 =	vadd.f32 v5, v8;
	v8 =	vld [tilespmem:$0x240]  }
0x84: {  	v7 =	vadd.f32 v4, v2;
	v4 =	vld [tilespmem:$0xA30];
	v0 =	vadd.f32 v59, v3;
	v3 =	vmul.f32 $5.000000000e-01, v60  }
0x85: {  	v37 =	vadd.f32 v61, v37;
	v5 =	vshra.s32 v62, $0x1;
	v60 =	vmul.f32 $5.000000000e-01, v62  }
0x86: {  	[tilespmem:$0x1FF20] =	vst v1;
	v59 =	vld [tilespmem:$0xA40];
	v2 =	vadd.f32 v6, v3;
	v6 =	vmul.f32 v1, v1;
	v61 =	vmul.f32 v0, v0  }
0x87: {  	v5 =	vsub.s32 $0x5F3759DF, v5;
	v63 =	vmul.f32 $5.000000000e-01, v63;
	v62 =	vld [tilespmem:$0x250];
	[tilespmem:$0x1FF30] =	vst v0;
	v0 =	vmul.f32 v37, v37  }
0x88: {  	[tilespmem:$0x1FF40] =	vst v2;
	v6 =	vadd.f32 v61, v6;
	v61 =	vmul.f32 v5, v60;
	v1 =	vmul.f32 v2, v2;
	v2 =	vld [tilespmem:$0xA50]  }
0x89: {  	v7 =	vadd.f32 v0, v7;
	v0 =	vadd.f32 v4, v63;
	v4 =	vmul.f32 $5.000000000e-01, v8;
	v63 =	vld [tilespmem:$0x260]  }
0x8a: {  	v8 =	vsub.f32 $1.500000000e+00, v15;
	v1 =	vadd.f32 v1, v6  }
0x8b: {  	v15 =	vmul.f32 v5, v61;
	v61 =	vld [tilespmem:$0xA60];
	v3 =	vadd.f32 v59, v4;
	v59 =	vmul.f32 v0, v0  }
0x8c: {  	[tilespmem:$0x1FF50] =	vst v0;
	v4 =	vmul.f32 $5.000000000e-01, v62;
	v62 =	vld [tilespmem:$0x270];
	v0 =	vmul.f32 v8, v9  }
0x8d: {  	[tilespmem:$0x480] =	vst v43;
	v9 =	vsub.f32 $1.500000000e+00, v15;
	v1 =	vadd.f32 v59, v1;
	v59 =	vmul.f32 v3, v3  }
0x8e: {  	(xrf2) =	vadd.scan.msk.f32 $0xffff, v7;
	v15 =	vadd.f32 v2, v4;
	v4 =	vld [tilespmem:$0xA70];
	v63 =	vmul.f32 $5.000000000e-01, v63;
	v2 =	vmul.f32 v0, v10  }
0x8f: {  	[tilespmem:$0x490] =	vst v38;
	v5 =	vmul.f32 v5, v9;
	v1 =	vadd.f32 v59, v1;
	v59 =	vld [tilespmem:$0x600]  }
0x90: {  	[tilespmem:$0x1FF60] =	vst v3;
	v10 =	vld [tilespmem:$0x610];
	v3 =	vmul.f32 v15, v15;
	v61 =	vadd.f32 v61, v63;
	v2 =	vmul.f32 v2, v0  }
0x91: {  	[tilespmem:$0x4A0] =	vst v44;
	v62 =	vmul.f32 $5.000000000e-01, v62;
	v63 =	vmul.f32 v5, v60  }
0x92: {  	[tilespmem:$0x4B0] =	vst v48;
	v1 =	vadd.f32 v3, v1;
	v8 =	vmul.f32 v61, v61;
	v2 =	vsub.f32 $1.500000000e+00, v2  }
0x93: {  	[tilespmem:$0x1FF80] =	vst v61;
	v61 =	vld [tilespmem:$0xE00];
	v3 =	vadd.f32 v4, v62;
	v9 =	vmul.f32 v63, v5  }
0x94: {  	[tilespmem:$0x4C0] =	vst v49;
	v1 =	vadd.f32 v8, v1;
	v0 =	vmul.f32 v2, v0;
	v63 =	vmul.f32 $5.000000000e-01, v59  }
0x95: {  	[tilespmem:$0x4D0] =	vst v50;
	v62 =	vld [tilespmem:$0xE10];
	v59 =	vmul.f32 $5.000000000e-01, v10;
	v4 =	vsub.f32 $1.500000000e+00, v9;
	v9 =	vmul.f32 v3, v3  }
0x96: {  	[tilespmem:$0x4E0] =	vst v52;
	v6 =	vmul.f32 v0, v13;
	v33 =	vmul.f32 v0, v33  }
0x97: {  	[tilespmem:$0x1FF70] =	vst v15;
	v8 =	vld [tilespmem:$0xE30];
	v12 =	vmul.f32 v0, v12;
	v4 =	vmul.f32 v4, v5  }
0x98: {  	[tilespmem:$0x1FF90] =	vst v3;
	v3 =	vadd.f32 v9, v1;
	v15 =	vadd.f32 v61, v63;
	v5 =	vmul.f32 v0, v32;
	v63 =	vld [tilespmem:$0x630];
	v1, _, _ =	vpop (xrf2)  }
0x99: {  	v61 =	vld [tilespmem:$0x620];
	[tilespmem:$0x80] =	vst v6;
	v6 =	vmul.f32 v0, v22;
	v10 =	vbroadcast v1, $0xF  }
0x9a: {  	[tilespmem:$0x110] =	vst v35;
	v32 =	vmul.f32 v0, v34;
	v34 =	vld [tilespmem:$0xE20];
	v1 =	vadd.f32 v62, v59;
	v2 =	vmul.f32 v4, v60  }
0x9b: {  	v13 =	vmul.f32 v15, v15;
	[tilespmem:$0xC0] =	vst v6;
	v6 =	vld [tilespmem:$0x660];
	v7 =	vshra.s32 v10, $0x1;
	v59 =	vmul.f32 $5.000000000e-01, v10  }
0x9c: {  	[tilespmem:$0xE0] =	vst v12;
	v12 =	vmul.f32 v0, v44;
	v2 =	vmul.f32 v2, v4;
	v62 =	vsub.s32 $0x5F3759DF, v7;
	v7 =	vld [tilespmem:$0x640]  }
0x9d: {  	[tilespmem:$0xB0] =	vst v33;
	v3 =	vadd.f32 v13, v3;
	v22 =	vmul.f32 $5.000000000e-01, v63;
	v10 =	vmul.f32 v62, v59  }
0x9e: {  	v9 =	vld [tilespmem:$0x1FF10];
	[tilespmem:$0x1FFA0] =	vst v1;
	v1 =	vmul.f32 v1, v1;
	v13 =	vmul.f32 $5.000000000e-01, v61;
	v2 =	vsub.f32 $1.500000000e+00, v2  }
0x9f: {  	[tilespmem:$0x90] =	vst v5;
	v63 =	vld [tilespmem:$0x650];
	v33 =	vadd.f32 v8, v22;
	v61 =	vmul.f32 v62, v10;
	v10 =	vmul.f32 v0, v11  }
0xa0: {  	v5 =	vld [tilespmem:$0xE40];
	[tilespmem:$0xA0] =	vst v32;
	v32 =	vadd.f32 v34, v13;
	v2 =	vmul.f32 v2, v4;
	v6 =	vmul.f32 $5.000000000e-01, v6  }
0xa1: {  	[tilespmem:$0x150] =	vst v41;
	v1 =	vadd.f32 v1, v3;
	v4 =	vld [tilespmem:$0xE50];
	v22 =	vmul.f32 v33, v33;
	v34 =	vmul.f32 $5.000000000e-01, v7  }
0xa2: {  	[tilespmem:$0x130] =	vst v39;
	v11 =	vld [tilespmem:$0xE60];
	v3 =	vsub.f32 $1.500000000e+00, v61;
	v61 =	vmul.f32 v32, v32;
	v7 =	vmul.f32 v0, v29  }
0xa3: {  	[tilespmem:$0xD0] =	vst v10;
	v10 =	vmul.f32 v0, v43;
	v29 =	vmul.f32 v0, v38;
	v43 =	vld [tilespmem:$0xE70]  }
0xa4: {  	v8 =	vmul.f32 $5.000000000e-01, v63;
	[tilespmem:$0xF0] =	vst v7;
	v7 =	vmul.f32 v2, v60;
	v60 =	vld [tilespmem:$0xAA0]  }
0xa5: {  	v3 =	vmul.f32 v62, v3;
	v1 =	vadd.f32 v61, v1;
	v34 =	vadd.f32 v5, v34;
	[tilespmem:$0x490] =	vst v29;
	v29 =	vld [tilespmem:$0x2B0]  }
0xa6: {  	[tilespmem:$0x120] =	vst v36;
	v44 =	vadd.f32 v4, v8;
	v4 =	vmul.f32 v0, v48;
	v8 =	vld [tilespmem:$0xA80];
	v48 =	vmul.f32 v0, v49  }
0xa7: {  	[tilespmem:$0x100] =	vst v30;
	v49 =	vmul.f32 v0, v50;
	v38 =	vadd.f32 v11, v6;
	v6 =	vmul.f32 v0, v52;
	v52 =	vld [tilespmem:$0x2A0]  }
0xa8: {  	[tilespmem:$0x140] =	vst v40;
	v50 =	vld [tilespmem:$0x290];
	v0 =	vmul.f32 v0, v9;
	v61 =	vmul.f32 v3, v59  }
0xa9: {  	v1 =	vadd.f32 v22, v1;
	v62 =	vmul.f32 v34, v34;
	v22 =	vld [tilespmem:$0x670];
	[tilespmem:$0x4B0] =	vst v4;
	v4 =	vmul.f32 v7, v2  }
0xaa: {  	[tilespmem:$0x4A0] =	vst v12;
	v63 =	vmul.f32 v44, v44;
	v5 =	vmul.f32 v61, v3;
	v61 =	vld [tilespmem:$0x280]  }
0xab: {  	v13 =	vmul.f32 v38, v38;
	[tilespmem:$0x4D0] =	vst v49;
	v49 =	vld [tilespmem:$0xAD0];
	v1 =	vadd.f32 v62, v1;
	v4 =	vsub.f32 $1.500000000e+00, v4  }
0xac: {  	[tilespmem:$0x480] =	vst v10;
	v10 =	vmul.f32 $5.000000000e-01, v29;
	v5 =	vsub.f32 $1.500000000e+00, v5;
	v62 =	vmul.f32 $5.000000000e-01, v52;
	v52 =	vld [tilespmem:$0x2C0]  }
0xad: {  	[tilespmem:$0x4F0] =	vst v0;
	v1 =	vadd.f32 v63, v1;
	v12 =	vmul.f32 $5.000000000e-01, v50;
	v0 =	vmul.f32 v4, v2;
	v4 =	vld [tilespmem:$0x2E0]  }
0xae: {  	[tilespmem:$0x160] =	vst v42;
	v11 =	vmul.f32 $5.000000000e-01, v22;
	v2 =	vld [tilespmem:$0x2F0];
	v3 =	vmul.f32 v5, v3  }
0xaf: {  	[tilespmem:$0x4E0] =	vst v6;
	v5 =	vld [tilespmem:$0xA90];
	v1 =	vadd.f32 v13, v1;
	v22 =	vmul.f32 $5.000000000e-01, v61;
	v6 =	vmul.f32 v0, v30  }
0xb0: {  	[tilespmem:$0x170] =	vst v45;
	v61 =	vld [tilespmem:$0xAB0];
	v11 =	vadd.f32 v43, v11;
	v30 =	vmul.f32 v0, v35;
	v50 =	vmul.f32 v3, v59  }
0xb1: {  	[tilespmem:$0x510] =	vst v47;
	v43 =	vadd.f32 v60, v62;
	v62 =	vld [tilespmem:$0x2D0];
	v39 =	vmul.f32 v0, v39;
	v41 =	vmul.f32 v0, v41  }
0xb2: {  	[tilespmem:$0x4C0] =	vst v48;
	v63 =	vadd.f32 v8, v22;
	v8 =	vld [tilespmem:$0xAC0];
	v60 =	vmul.f32 v11, v11;
	v22 =	vmul.f32 v50, v3  }
0xb3: {  	v48 =	vld [tilespmem:$0xE80];
	[tilespmem:$0x130] =	vst v39;
	v4 =	vmul.f32 $5.000000000e-01, v4;
	v2 =	vmul.f32 $5.000000000e-01, v2  }
0xb4: {  	v39 =	vld [tilespmem:$0xB00];
	[tilespmem:$0x1FFC0] =	vst v63;
	v13 =	vadd.f32 v5, v12;
	v63 =	vmul.f32 v63, v63;
	v1 =	vadd.f32 v60, v1  }
0xb5: {  	[tilespmem:$0x150] =	vst v41;
	v41 =	vld [tilespmem:$0x320];
	v12 =	vmul.f32 v43, v43;
	v60 =	vmul.f32 $5.000000000e-01, v52;
	v5 =	vsub.f32 $1.500000000e+00, v22  }
0xb6: {  	v52 =	vld [tilespmem:$0x690];
	v22 =	vadd.f32 v61, v10;
	v62 =	vmul.f32 $5.000000000e-01, v62;
	v10 =	vmul.f32 v0, v46;
	(xrf2) =	vadd.scan.msk.f32 $0xffff, v1  }
0xb7: {  	[tilespmem:$0x1FFD0] =	vst v13;
	v9 =	vmul.f32 v13, v13;
	v13 =	vld [tilespmem:$0xAE0];
	v3 =	vmul.f32 v5, v3;
	v29 =	vadd.f32 v8, v60  }
0xb8: {  	[tilespmem:$0x500] =	vst v46;
	v50 =	vld [tilespmem:$0xAF0];
	v61 =	vmul.f32 v22, v22;
	v8 =	vmul.f32 v0, v40;
	v35 =	vadd.f32 v49, v62  }
0xb9: {  	[tilespmem:$0x1FFB0] =	vst v11;
	v49 =	vld [tilespmem:$0xE90];
	v40 =	vmul.f32 v0, v42;
	v60 =	vmul.f32 v0, v45;
	v11 =	vadd.f32 v9, v63  }
0xba: {  	[tilespmem:$0x110] =	vst v30;
	v9 =	vmul.f32 v0, v36;
	v36 =	vld [tilespmem:$0x680];
	v63 =	vmul.f32 v29, v29  }
0xbb: {  	v62 =	vld [tilespmem:$0xEA0];
	[tilespmem:$0x500] =	vst v10;
	v1 =	vmul.f32 v35, v35;
	v30 =	vmul.f32 $5.000000000e-01, v52;
	v5 =	vadd.f32 v12, v11  }
0xbc: {  	v45 =	vld [tilespmem:$0x6B0];
	[tilespmem:$0x170] =	vst v60;
	v60 =	vmul.f32 $5.000000000e-01, v41;
	v11 =	vmul.f32 v0, v51;
	v42 =	vadd.f32 v13, v4  }
0xbd: {  	v10 =	vld [tilespmem:$0xEE0];
	v12 =	vmul.f32 v0, v55;
	[tilespmem:$0x120] =	vst v9;
	v9 =	vmul.f32 v0, v57;
	v5 =	vadd.f32 v61, v5  }
0xbe: {  	[tilespmem:$0x550] =	vst v56;
	v52 =	vld [tilespmem:$0x300];
	v13 =	vmul.f32 v0, v54;
	v7 =	vmul.f32 v42, v42  }
0xbf: {  	[tilespmem:$0x530] =	vst v54;
	v61 =	vld [tilespmem:$0x6A0];
	v36 =	vmul.f32 $5.000000000e-01, v36;
	v5 =	vadd.f32 v63, v5;
	v63 =	vmul.f32 v0, v47  }
0xc0: {  	[tilespmem:$0x160] =	vst v40;
	v40 =	vld [tilespmem:$0xB20];
	v47 =	vmul.f32 v0, v56;
	v56 =	vadd.f32 v50, v2;
	v2 =	vmul.f32 v3, v59;
	v54, _, _ =	vpop (xrf2)  }
0xc1: {  	[tilespmem:$0x520] =	vst v51;
	v57 =	vld [tilespmem:$0x310];
	v59 =	vmul.f32 v0, v58;
	v5 =	vadd.f32 v1, v5;
	v46 =	vbroadcast v54, $0xF  }
0xc2: {  	[tilespmem:$0x520] =	vst v11;
	v11 =	vld [tilespmem:$0x340];
	v0 =	vadd.f32 v49, v30;
	v2 =	vmul.f32 v2, v3;
	v54 =	vmul.f32 v56, v56  }
0xc3: {  	[tilespmem:$0x540] =	vst v55;
	v50 =	vld [tilespmem:$0x6D0];
	v5 =	vadd.f32 v7, v5;
	v7 =	vshra.s32 v46, $0x1;
	v55 =	vmul.f32 $5.000000000e-01, v46  }
0xc4: {  	[tilespmem:$0x100] =	vst v6;
	v1 =	vld [tilespmem:$0x6C0];
	v49 =	vmul.f32 $5.000000000e-01, v61;
	v2 =	vsub.f32 $1.500000000e+00, v2;
	v6 =	vsub.s32 $0x5F3759DF, v7  }
0xc5: {  	[tilespmem:$0x560] =	vst v58;
	v51 =	vld [tilespmem:$0xEB0];
	v61 =	vmul.f32 $5.000000000e-01, v45;
	v46 =	vadd.f32 v48, v36;
	v48 =	vmul.f32 v6, v55  }
0xc6: {  	[tilespmem:$0x5E0] =	vst v28;
	v4 =	vld [tilespmem:$0xEC0];
	v45 =	vmul.f32 $5.000000000e-01, v57;
	v5 =	vadd.f32 v54, v5;
	v54 =	vmul.f32 v2, v3  }
0xc7: {  	[tilespmem:$0x140] =	vst v8;
	v3 =	vld [tilespmem:$0xB10];
	v30 =	vmul.f32 v6, v48;
	v48 =	vmul.f32 v46, v46  }
0xc8: {  	v58 =	vld [tilespmem:$0xED0];
	[tilespmem:$0x560] =	vst v59;
	v59 =	vmul.f32 $5.000000000e-01, v11;
	v57 =	vmul.f32 $5.000000000e-01, v50  }
0xc9: {  	[tilespmem:$0x540] =	vst v12;
	v12 =	vld [tilespmem:$0xB40];
	v1 =	vmul.f32 $5.000000000e-01, v1;
	v28 =	vmul.f32 v54, v28;
	v5 =	vadd.f32 v48, v5  }
0xca: {  	[tilespmem:$0x570] =	vst v9;
	v9 =	vld [tilespmem:$0x720];
	v8 =	vsub.f32 $1.500000000e+00, v30;
	v30 =	vmul.f32 v0, v0;
	v48 =	vadd.f32 v62, v49  }
0xcb: {  	v7 =	vld [tilespmem:$0x6E0];
	v50 =	vadd.f32 v4, v1;
	v62 =	vmul.f32 $5.000000000e-01, v52;
	v49 =	vadd.f32 v51, v61  }
0xcc: {  	[tilespmem:$0x530] =	vst v13;
	v13 =	vld [tilespmem:$0xB50];
	v36 =	vadd.f32 v3, v45;
	v5 =	vadd.f32 v30, v5;
	v52 =	vmul.f32 v48, v48  }
0xcd: {  	v45 =	vld [tilespmem:$0x6F0];
	v51 =	vadd.f32 v58, v57;
	v58 =	vmul.f32 v50, v50;
	v39 =	vadd.f32 v39, v62  }
0xce: {  	[tilespmem:$0x1A0] =	vst v25;
	v6 =	vmul.f32 v6, v8;
	v30 =	vld [tilespmem:$0x330];
	v61 =	vmul.f32 v49, v49;
	v2 =	vadd.f32 v52, v5  }
0xcf: {  	v40 =	vadd.f32 v40, v60;
	[tilespmem:$0x510] =	vst v63;
	v11 =	vld [tilespmem:$0xB70];
	v63 =	vmul.f32 v36, v36;
	v62 =	vmul.f32 v39, v39  }
0xd0: {  	[tilespmem:$0x550] =	vst v47;
	v1 =	vld [tilespmem:$0xEF0];
	v60 =	vmul.f32 $5.000000000e-01, v7;
	v47 =	vmul.f32 v6, v55;
	v2 =	vadd.f32 v61, v2  }
0xd1: {  	[tilespmem:$0x180] =	vst v18;
	v8 =	vld [tilespmem:$0xB30];
	v57 =	vadd.f32 v63, v62;
	v61 =	vmul.f32 v40, v40;
	v62 =	vmul.f32 v54, v18  }
0xd2: {  	[tilespmem:$0x190] =	vst v53;
	v52 =	vadd.f32 v10, v60;
	v10 =	vld [tilespmem:$0x370];
	v63 =	vmul.f32 v51, v51;
	v7 =	vmul.f32 v47, v6  }
0xd3: {  	[tilespmem:$0x1B0] =	vst v31;
	v60 =	vld [tilespmem:$0xB60];
	v18 =	vadd.f32 v12, v59;
	v59 =	vmul.f32 $5.000000000e-01, v45;
	v41 =	vmul.f32 $5.000000000e-01, v30  }
0xd4: {  	[tilespmem:$0x1C0] =	vst v16;
	v5 =	vld [tilespmem:$0x760];
	v2 =	vadd.f32 v58, v2;
	v3 =	vadd.f32 v61, v57;
	v61 =	vmul.f32 v54, v53  }
0xd5: {  	v58 =	vld [tilespmem:$0x360];
	[tilespmem:$0x180] =	vst v62;
	v62 =	vmul.f32 v54, v25;
	v7 =	vsub.f32 $1.500000000e+00, v7;
	v53 =	vmul.f32 v52, v52  }
0xd6: {  	[tilespmem:$0x1D0] =	vst v21;
	v41 =	vadd.f32 v8, v41;
	v8 =	vld [tilespmem:$0x350];
	v2 =	vadd.f32 v63, v2;
	v63 =	vmul.f32 v54, v31  }
0xd7: {  	v47 =	vld [tilespmem:$0x700];
	[tilespmem:$0x1A0] =	vst v62;
	v4 =	vmul.f32 v7, v6;
	v62 =	vmul.f32 $5.000000000e-01, v10  }
0xd8: {  	v12 =	vld [tilespmem:$0xF20];
	[tilespmem:$0x190] =	vst v61;
	v61 =	vmul.f32 v54, v16;
	v57 =	vmul.f32 v41, v41;
	v2 =	vadd.f32 v53, v2  }
0xd9: {  	v7 =	vld [tilespmem:$0x710];
	[tilespmem:$0x1B0] =	vst v63;
	v53 =	vadd.f32 v1, v59;
	v63 =	vmul.f32 v54, v21;
	v16 =	vadd.f32 v11, v62  }
0xda: {  	[tilespmem:$0x1E0] =	vst v23;
	v10 =	vld [tilespmem:$0x750];
	v59 =	vmul.f32 v54, v23;
	v3 =	vadd.f32 v57, v3;
	v57 =	vmul.f32 $5.000000000e-01, v58  }
0xdb: {  	[tilespmem:$0x1F0] =	vst v19;
	v31 =	vld [tilespmem:$0xF30];
	v58 =	vmul.f32 v18, v18;
	v8 =	vmul.f32 $5.000000000e-01, v8  }
0xdc: {  	v11 =	vld [tilespmem:$0x730];
	v62 =	vmul.f32 v16, v16;
	[tilespmem:$0x1E0] =	vst v59;
	v59 =	vmul.f32 v54, v17  }
0xdd: {  	[tilespmem:$0x1D0] =	vst v63;
	v63 =	vld [tilespmem:$0x740];
	v3 =	vadd.f32 v58, v3;
	v30 =	vadd.f32 v60, v57;
	v58 =	vmul.f32 v4, v55  }
0xde: {  	[tilespmem:$0x580] =	vst v14;
	v57 =	vmul.f32 $5.000000000e-01, v47;
	v7 =	vmul.f32 $5.000000000e-01, v7;
	v25 =	vadd.f32 v13, v8;
	v13 =	vld [tilespmem:$0xF00]  }
0xdf: {  	[tilespmem:$0x1C0] =	vst v61;
	v23 =	vld [tilespmem:$0xF40];
	v10 =	vmul.f32 $5.000000000e-01, v10;
	v61 =	vmul.f32 v58, v4  }
0xe0: {  	[tilespmem:$0x590] =	vst v17;
	v8 =	vld [tilespmem:$0xF10];
	v45 =	vmul.f32 v30, v30;
	v60 =	vmul.f32 v25, v25  }
0xe1: {  	[tilespmem:$0x590] =	vst v59;
	v59 =	vld [tilespmem:$0x3A0];
	v58 =	vmul.f32 v54, v14;
	v11 =	vmul.f32 $5.000000000e-01, v11;
	v1 =	vsub.f32 $1.500000000e+00, v61  }
0xe2: {  	[tilespmem:$0x5A0] =	vst v24;
	v6 =	vmul.f32 $5.000000000e-01, v63;
	v63 =	vld [tilespmem:$0x380];
	v3 =	vadd.f32 v60, v3;
	v60 =	vmul.f32 v53, v53  }
0xe3: {  	[tilespmem:$0x5B0] =	vst v20;
	v17 =	vadd.f32 v31, v11;
	v31 =	vld [tilespmem:$0x390];
	v21 =	vadd.f32 v13, v57;
	v57 =	vmul.f32 $5.000000000e-01, v9  }
0xe4: {  	[tilespmem:$0x5C0] =	vst v26;
	v1 =	vmul.f32 v1, v4;
	v9 =	vld [tilespmem:$0xF60];
	v3 =	vadd.f32 v45, v3;
	v2 =	vadd.f32 v60, v2  }
0xe5: {  	[tilespmem:$0x5D0] =	vst v27;
	v13 =	vld [tilespmem:$0x770];
	v45 =	vmul.f32 v54, v19;
	v19 =	vadd.f32 v8, v7;
	v47 =	vmul.f32 v21, v21  }
0xe6: {  	[tilespmem:$0x600] =	vst v15;
	v7 =	vld [tilespmem:$0xF50];
	v14 =	vadd.f32 v12, v57;
	v12 =	vmul.f32 v54, v24;
	v60 =	vmul.f32 v1, v55  }
0xe7: {  	v55 =	vmul.f32 v17, v17;
	v57 =	vld [tilespmem:$0xB90];
	v3 =	vadd.f32 v62, v3;
	(xrf2) =	vadd.scan.msk.f32 $0xffff, v2;
	v8 =	vmul.f32 v19, v19  }
0xe8: {  	[tilespmem:$0x1F0] =	vst v45;
	v45 =	vld [tilespmem:$0xF70];
	v62 =	vmul.f32 v54, v20;
	v20 =	vadd.f32 v23, v6;
	v6 =	vmul.f32 v54, v27  }
0xe9: {  	[tilespmem:$0x620] =	vst v32;
	v4 =	vmul.f32 v60, v1;
	v60 =	vmul.f32 $5.000000000e-01, v5;
	v5 =	vld [tilespmem:$0xBA0];
	v3 =	vadd.f32 v47, v3  }
0xea: {  	v61 =	vmul.f32 v14, v14;
	[tilespmem:$0x5B0] =	vst v62;
	v62 =	vmul.f32 $5.000000000e-01, v63;
	v63 =	vld [tilespmem:$0x3B0]  }
0xeb: {  	[tilespmem:$0x630] =	vst v33;
	v4 =	vsub.f32 $1.500000000e+00, v4;
	v3 =	vadd.f32 v8, v3;
	v8 =	vmul.f32 v54, v26;
	v26 =	vld [tilespmem:$0xB80]  }
0xec: {  	v2 =	vmul.f32 v54, v37;
	[tilespmem:$0x5A0] =	vst v12;
	v12 =	vmul.f32 $5.000000000e-01, v31;
	v47 =	vld [tilespmem:$0x1FF60];
	v23 =	vadd.f32 v7, v10  }
0xed: {  	[tilespmem:$0x640] =	vst v34;
	v27 =	vadd.f32 v9, v60;
	v9 =	vld [tilespmem:$0xBB0];
	v54 =	vmul.f32 v4, v1;
	v3 =	vadd.f32 v61, v3  }
0xee: {  	[tilespmem:$0x580] =	vst v58;
	v58 =	vmul.f32 v20, v20;
	v60 =	vld [tilespmem:$0x1FF20];
	v31 =	vmul.f32 v23, v23  }
0xef: {  	[tilespmem:$0x650] =	vst v44;
	v10 =	vld [tilespmem:$0xBE0];
	v32 =	vmul.f32 v54, v32;
	v3 =	vadd.f32 v55, v3;
	v55 =	vmul.f32 $5.000000000e-01, v13  }
0xf0: {  	[tilespmem:$0x660] =	vst v38;
	v1 =	vld [tilespmem:$0x3D0];
	v24 =	vadd.f32 v26, v62;
	v26 =	vadd.f32 v57, v12;
	v57 =	vmul.f32 $5.000000000e-01, v59  }
0xf1: {  	[tilespmem:$0x2A0] =	vst v43;
	v13 =	vld [tilespmem:$0x1FF40];
	v62 =	vmul.f32 $5.000000000e-01, v63;
	v61, _, _ =	vpop (xrf2);
	v3 =	vadd.f32 v58, v3;
	v58 =	vmul.f32 v27, v27  }
0xf2: {  	[tilespmem:$0x5E0] =	vst v28;
	v63 =	vld [tilespmem:$0x1FF30];
	v4 =	vbroadcast v61, $0xF;
	v59 =	vmul.f32 v24, v24;
	v28 =	vadd.f32 v5, v57  }
0xf3: {  	[tilespmem:$0x2B0] =	vst v22;
	v61 =	vmul.f32 v26, v26;
	v5 =	vld [tilespmem:$0x3C0];
	v3 =	vadd.f32 v31, v3;
	v31 =	vadd.f32 v45, v55  }
0xf4: {  	[tilespmem:$0x5D0] =	vst v6;
	v37 =	vadd.f32 v9, v62;
	v6 =	vshra.s32 v4, $0x1;
	v55 =	vmul.f32 $5.000000000e-01, v4;
	v4 =	vld [tilespmem:$0xBC0]  }
0xf5: {  	[tilespmem:$0x5F0] =	vst v2;
	v7 =	vadd.f32 v61, v59;
	v61 =	vld [tilespmem:$0x3E0];
	v2 =	vadd.f32 v58, v3;
	v58 =	vmul.f32 v31, v31  }
0xf6: {  	[tilespmem:$0x5C0] =	vst v8;
	v9 =	vmul.f32 v54, v60;
	v59 =	vmul.f32 v28, v28;
	v6 =	vsub.s32 $0x5F3759DF, v6;
	v3 =	vld [tilespmem:$0xBD0]  }
0xf7: {  	[tilespmem:$0x200] =	vst v60;
	v45 =	vld [tilespmem:$0x1FF50];
	v60 =	vmul.f32 v37, v37;
	v8 =	vmul.f32 v6, v55;
	v2 =	vadd.f32 v58, v2  }
0xf8: {  	v62 =	vld [tilespmem:$0x1FF70];
	[tilespmem:$0x210] =	vst v63;
	v12 =	vmul.f32 v54, v63;
	v7 =	vadd.f32 v59, v7;
	v63 =	vmul.f32 $5.000000000e-01, v5  }
0xf9: {  	v1 =	vmul.f32 $5.000000000e-01, v1;
	[tilespmem:$0x200] =	vst v9;
	v9 =	vld [tilespmem:$0x3F0];
	v8 =	vmul.f32 v6, v8;
	(xrf2) =	vadd.scan.msk.f32 $0xffff, v2  }
0xfa: {  	[tilespmem:$0x2C0] =	vst v29;
	v59 =	vld [tilespmem:$0x1FF80];
	v5 =	vadd.f32 v60, v7;
	v7 =	vmul.f32 v54, v13;
	v2 =	vadd.f32 v4, v63  }
0xfb: {  	[tilespmem:$0x240] =	vst v47;
	v58 =	vld [tilespmem:$0x1FF90];
	v57 =	vsub.f32 $1.500000000e+00, v8;
	v3 =	vadd.f32 v3, v1;
	v1 =	vmul.f32 $5.000000000e-01, v61  }
0xfc: {  	[tilespmem:$0x220] =	vst v13;
	v13 =	vmul.f32 v54, v45;
	v60 =	vld [tilespmem:$0x1FFA0];
	v8 =	vmul.f32 v2, v2  }
0xfd: {  	[tilespmem:$0x230] =	vst v45;
	v45 =	vmul.f32 v54, v47;
	v57 =	vmul.f32 v6, v57;
	v6 =	vld [tilespmem:$0xBF0];
	v4 =	vadd.f32 v10, v1  }
0xfe: {  	[tilespmem:$0x250] =	vst v62;
	v47 =	vmul.f32 v54, v62;
	v62 =	vmul.f32 v3, v3;
	v1 =	vld [tilespmem:$0x780];
	v5 =	vadd.f32 v8, v5  }
0xff: {  	[tilespmem:$0x220] =	vst v7;
	v61 =	vld [tilespmem:$0xF80];
	v7 =	vmul.f32 v57, v55;
	v63 =	vmul.f32 v4, v4  }
0x100: {  	v33 =	vmul.f32 v54, v33;
	[tilespmem:$0x210] =	vst v12;
	v9 =	vmul.f32 $5.000000000e-01, v9;
	v5 =	vadd.f32 v62, v5;
	v62 =	vld [tilespmem:$0x790]  }
0x101: {  	[tilespmem:$0x230] =	vst v13;
	v11 =	vmul.f32 v54, v59;
	v7 =	vmul.f32 v7, v57  }
0x102: {  	[tilespmem:$0x260] =	vst v59;
	v59 =	vld [tilespmem:$0xF90];
	v10 =	vmul.f32 v54, v58;
	v8 =	vadd.f32 v63, v5;
	v5 =	vadd.f32 v6, v9  }
0x103: {  	[tilespmem:$0x240] =	vst v45;
	v13 =	vmul.f32 v54, v60;
	v1 =	vmul.f32 $5.000000000e-01, v1;
	v9 =	vld [tilespmem:$0x7A0];
	v7 =	vsub.f32 $1.500000000e+00, v7;
	v63, _, _ =	vpop (xrf2)  }
0x104: {  	[tilespmem:$0x610] =	vst v60;
	v60 =	vmul.f32 v5, v5;
	v45 =	vbroadcast v63, $0xF  }
0x105: {  	[tilespmem:$0x250] =	vst v47;
	v6 =	vadd.f32 v61, v1;
	v47 =	vmul.f32 v7, v57;
	v61 =	vmul.f32 $5.000000000e-01, v62;
	v57 =	vld [tilespmem:$0x7B0]  }
0x106: {  	v34 =	vmul.f32 v54, v34;
	v12 =	vmul.f32 v54, v15;
	v15 =	vld [tilespmem:$0xFA0];
	[tilespmem:$0x270] =	vst v58;
	v1 =	vadd.f32 v60, v8  }
0x107: {  	v58 =	vld [tilespmem:$0xFB0];
	[tilespmem:$0x270] =	vst v10;
	v62 =	vshra.s32 v45, $0x1;
	v10 =	vmul.f32 $5.000000000e-01, v45;
	v7 =	vadd.f32 v59, v61  }
0x108: {  	[tilespmem:$0x260] =	vst v11;
	v63 =	vmul.f32 v6, v6;
	v9 =	vmul.f32 $5.000000000e-01, v9;
	v45 =	vld [tilespmem:$0x7C0];
	v11 =	vsub.s32 $0x5F3759DF, v62  }
0x109: {  	[tilespmem:$0x2D0] =	vst v35;
	v62 =	vld [tilespmem:$0x1FFB0];
	v60 =	vmul.f32 v11, v10;
	v61 =	vmul.f32 v7, v7  }
0x10a: {  	[tilespmem:$0x610] =	vst v13;
	v59 =	vld [tilespmem:$0xFC0];
	v1 =	vadd.f32 v63, v1;
	v13 =	vmul.f32 $5.000000000e-01, v57;
	v57 =	vmul.f32 v47, v55  }
0x10b: {  	v44 =	vmul.f32 v54, v44;
	[tilespmem:$0x600] =	vst v12;
	v8 =	vadd.f32 v15, v9;
	v15 =	vld [tilespmem:$0x7D0];
	v12 =	vmul.f32 v11, v60  }
0x10c: {  	[tilespmem:$0x2E0] =	vst v42;
	v38 =	vmul.f32 v54, v38;
	v1 =	vadd.f32 v61, v1;
	v57 =	vmul.f32 v57, v47  }
0x10d: {  	[tilespmem:$0x620] =	vst v32;
	v32 =	vmul.f32 v8, v8;
	v60 =	vld [tilespmem:$0xFD0];
	v9 =	vadd.f32 v58, v13;
	v12 =	vsub.f32 $1.500000000e+00, v12  }
0x10e: {  	[tilespmem:$0x2F0] =	vst v56;
	v63 =	vmul.f32 v54, v62;
	v54 =	vmul.f32 $5.000000000e-01, v45;
	v45 =	vld [tilespmem:$0x7E0];
	v61 =	vsub.f32 $1.500000000e+00, v57  }
0x10f: {  	[tilespmem:$0x690] =	vst v0;
	v1 =	vadd.f32 v32, v1;
	v32 =	vld [tilespmem:$0xFE0];
	v58 =	vmul.f32 v9, v9;
	v11 =	vmul.f32 v11, v12  }
0x110: {  	[tilespmem:$0x320] =	vst v40;
	v15 =	vmul.f32 $5.000000000e-01, v15;
	v13 =	vadd.f32 v59, v54;
	v54 =	vld [tilespmem:$0x7F0];
	v12 =	vmul.f32 v61, v47  }
0x111: {  	[tilespmem:$0x680] =	vst v46;
	v1 =	vadd.f32 v58, v1;
	v59 =	vmul.f32 v11, v10  }
0x112: {  	[tilespmem:$0x670] =	vst v63;
	v63 =	vld [tilespmem:$0xFF0];
	v15 =	vadd.f32 v60, v15;
	v62 =	vmul.f32 v13, v13;
	v61 =	vmul.f32 v12, v55  }
0x113: {  	[tilespmem:$0x650] =	vst v44;
	v58 =	vmul.f32 $5.000000000e-01, v45;
	v44 =	vmul.f32 v59, v11  }
0x114: {  	[tilespmem:$0x660] =	vst v38;
	v57 =	vld [tilespmem:$0x1FFC0];
	v60 =	vmul.f32 v15, v15;
	v1 =	vadd.f32 v62, v1;
	v38 =	vmul.f32 v61, v12  }
0x115: {  	[tilespmem:$0x6C0] =	vst v50;
	v47 =	vld [tilespmem:$0x1FFD0];
	v32 =	vadd.f32 v32, v58;
	v62 =	vmul.f32 $5.000000000e-01, v54;
	v44 =	vsub.f32 $1.500000000e+00, v44  }
0x116: {  	[tilespmem:$0x6A0] =	vst v48;
	v1 =	vadd.f32 v60, v1;
	v38 =	vsub.f32 $1.500000000e+00, v38  }
0x117: {  	[tilespmem:$0x630] =	vst v33;
	v33 =	vadd.f32 v63, v62;
	v63 =	vmul.f32 v32, v32;
	v11 =	vmul.f32 v44, v11  }
0x118: {  	[tilespmem:$0x6B0] =	vst v49;
	v38 =	vmul.f32 v38, v12  }
0x119: {  	[tilespmem:$0x6D0] =	vst v51;
	v1 =	vadd.f32 v63, v1;
	v54 =	vmul.f32 v33, v33;
	v55 =	vmul.f32 v11, v10  }
0x11a: {  	[tilespmem:$0x310] =	vst v36;
	v61 =	vld [tilespmem:$0x400];
	v58 =	vmul.f32 v38, v57;
	v59 =	vmul.f32 v38, v47  }
0x11b: {  	[tilespmem:$0x300] =	vst v39;
	v62 =	vld [tilespmem:$0x410];
	v1 =	vadd.f32 v54, v1;
	v60 =	vmul.f32 v38, v43;
	v22 =	vmul.f32 v38, v22  }
0x11c: {  	[tilespmem:$0x640] =	vst v34;
	v63 =	vld [tilespmem:$0xC00];
	v29 =	vmul.f32 v38, v29;
	v35 =	vmul.f32 v38, v35  }
0x11d: {  	[tilespmem:$0x280] =	vst v57;
	v42 =	vmul.f32 v38, v42;
	v34 =	vmul.f32 v38, v56;
	v57 =	vld [tilespmem:$0xC10];
	(xrf2) =	vadd.scan.msk.f32 $0xffff, v1  }
0x11e: {  	[tilespmem:$0x290] =	vst v47;
	v46 =	vmul.f32 v38, v46;
	v0 =	vmul.f32 v38, v0;
	v47 =	vld [tilespmem:$0x440]  }
0x11f: {  	[tilespmem:$0x6E0] =	vst v52;
	v44 =	vmul.f32 v38, v48;
	v12 =	vmul.f32 v55, v11;
	v55 =	vld [tilespmem:$0x460]  }
0x120: {  	v48 =	vmul.f32 v38, v49;
	v45 =	vmul.f32 v38, v51;
	[tilespmem:$0x280] =	vst v58;
	v58 =	vld [tilespmem:$0x420]  }
0x121: {  	v51 =	vmul.f32 v38, v52;
	[tilespmem:$0x290] =	vst v59;
	v59 =	vmul.f32 $5.000000000e-01, v61;
	v61 =	vld [tilespmem:$0x430];
	v12 =	vsub.f32 $1.500000000e+00, v12  }
0x122: {  	[tilespmem:$0x340] =	vst v18;
	v1 =	vmul.f32 v38, v50;
	v38 =	vmul.f32 v38, v53;
	v53 =	vld [tilespmem:$0x800]  }
0x123: {  	[tilespmem:$0x2A0] =	vst v60;
	v50 =	vld [tilespmem:$0xC20];
	v54 =	vmul.f32 v12, v11  }
0x124: {  	v60 =	vmul.f32 $5.000000000e-01, v62;
	[tilespmem:$0x2C0] =	vst v29;
	v29 =	vld [tilespmem:$0xC30]  }
0x125: {  	[tilespmem:$0x330] =	vst v41;
	v11 =	vadd.f32 v63, v59;
	v59 =	vld [tilespmem:$0xC40];
	v52 =	vmul.f32 $5.000000000e-01, v55;
	v10 =	vmul.f32 v54, v10  }
0x126: {  	[tilespmem:$0x2D0] =	vst v35;
	v55 =	vld [tilespmem:$0x1000];
	v56 =	vmul.f32 $5.000000000e-01, v58;
	v43 =	vmul.f32 $5.000000000e-01, v61  }
0x127: {  	[tilespmem:$0x6F0] =	vst v38;
	v61 =	vld [tilespmem:$0x450];
	v38 =	vmul.f32 $5.000000000e-01, v53;
	v35 =	vmul.f32 v10, v54;
	v10 =	vadd.f32 v57, v60;
	v62, _, _ =	vpop (xrf2)  }
0x128: {  	[tilespmem:$0x2B0] =	vst v22;
	v57 =	vmul.f32 v11, v11;
	v12 =	vadd.f32 v50, v56;
	v63 =	vbroadcast v62, $0xF  }
0x129: {  	v49 =	vld [tilespmem:$0xC50];
	[tilespmem:$0x2E0] =	vst v42;
	v22 =	vadd.f32 v29, v43;
	v58 =	vmul.f32 v10, v10;
	v35 =	vsub.f32 $1.500000000e+00, v35  }
0x12a: {  	[tilespmem:$0x2F0] =	vst v34;
	v60 =	vshra.s32 v63, $0x1;
	v42 =	vmul.f32 $5.000000000e-01, v63;
	v63 =	vmul.f32 $5.000000000e-01, v47  }
0x12b: {  	[tilespmem:$0x6B0] =	vst v48;
	v48 =	vld [tilespmem:$0xC60];
	v38 =	vadd.f32 v55, v38;
	v34 =	vadd.f32 v58, v57;
	v62 =	vmul.f32 v12, v12  }
0x12c: {  	[tilespmem:$0x690] =	vst v0;
	v0 =	vsub.s32 $0x5F3759DF, v60;
	v60 =	vmul.f32 $5.000000000e-01, v61;
	v29 =	vadd.f32 v59, v63;
	v59 =	vld [tilespmem:$0x470]  }
0x12d: {  	[tilespmem:$0x370] =	vst v16;
	v55 =	vld [tilespmem:$0x830];
	v58 =	vmul.f32 v22, v22;
	v57 =	vadd.f32 v62, v34;
	v56 =	vmul.f32 v0, v42  }
0x12e: {  	[tilespmem:$0x6D0] =	vst v45;
	v45 =	vmul.f32 v35, v54;
	v63 =	vld [tilespmem:$0xC70];
	v34 =	vadd.f32 v49, v60  }
0x12f: {  	[tilespmem:$0x6C0] =	vst v1;
	v1 =	vadd.f32 v58, v57;
	v61 =	vmul.f32 v0, v56;
	v62 =	vmul.f32 v29, v29  }
0x130: {  	[tilespmem:$0x360] =	vst v30;
	v35 =	vadd.f32 v48, v52;
	v57 =	vld [tilespmem:$0x810];
	v58 =	vmul.f32 v45, v36;
	v56 =	vmul.f32 v34, v34  }
0x131: {  	[tilespmem:$0x6A0] =	vst v44;
	v54 =	vsub.f32 $1.500000000e+00, v61;
	v1 =	vadd.f32 v62, v1;
	v61 =	vld [tilespmem:$0x820];
	v44 =	vmul.f32 $5.000000000e-01, v59  }
0x132: {  	[tilespmem:$0x350] =	vst v25;
	v48 =	vmul.f32 $5.000000000e-01, v55;
	v60 =	vmul.f32 v35, v35;
	v59 =	vld [tilespmem:$0x1010]  }
0x133: {  	[tilespmem:$0x310] =	vst v58;
	v58 =	vmul.f32 v38, v38;
	v1 =	vadd.f32 v56, v1;
	v36 =	vadd.f32 v63, v44  }
0x134: {  	[tilespmem:$0x730] =	vst v17;
	v53 =	vld [tilespmem:$0x1020];
	v62 =	vmul.f32 v45, v40;
	v0 =	vmul.f32 v0, v54  }
0x135: {  	[tilespmem:$0x700] =	vst v21;
	v54 =	vmul.f32 $5.000000000e-01, v57;
	v57 =	vld [tilespmem:$0x1030];
	v1 =	vadd.f32 v60, v1;
	v52 =	vmul.f32 v36, v36  }
0x136: {  	[tilespmem:$0x710] =	vst v19;
	v56 =	vmul.f32 v45, v18;
	v63 =	vmul.f32 v0, v42;
	v60 =	vld [tilespmem:$0x840]  }
0x137: {  	[tilespmem:$0x320] =	vst v62;
	v62 =	vld [tilespmem:$0x1040];
	v18 =	vadd.f32 v59, v54;
	v59 =	vmul.f32 $5.000000000e-01, v61;
	v1 =	vadd.f32 v52, v1  }
0x138: {  	[tilespmem:$0x720] =	vst v14;
	v40 =	vmul.f32 v63, v0;
	v61 =	vmul.f32 v45, v25;
	v52 =	vld [tilespmem:$0x850]  }
0x139: {  	[tilespmem:$0x340] =	vst v56;
	v56 =	vld [tilespmem:$0x860];
	v63 =	vmul.f32 v18, v18;
	v25 =	vadd.f32 v53, v59;
	v1 =	vadd.f32 v58, v1  }
0x13a: {  	[tilespmem:$0x740] =	vst v20;
	v55 =	vmul.f32 v45, v16;
	v54 =	vld [tilespmem:$0x1050];
	v16 =	vadd.f32 v57, v48  }
0x13b: {  	[tilespmem:$0x750] =	vst v23;
	v59 =	vld [tilespmem:$0x1060];
	v44 =	vmul.f32 $5.000000000e-01, v60;
	v53 =	vmul.f32 v25, v25;
	v1 =	vadd.f32 v63, v1  }
0x13c: {  	v57 =	vmul.f32 v45, v21;
	[tilespmem:$0x350] =	vst v61;
	v61 =	vld [tilespmem:$0x870];
	v60 =	vmul.f32 v16, v16  }
0x13d: {  	[tilespmem:$0x760] =	vst v27;
	v21 =	vadd.f32 v62, v44;
	v43 =	vmul.f32 $5.000000000e-01, v52;
	v1 =	vadd.f32 v53, v1  }
0x13e: {  	[tilespmem:$0x6E0] =	vst v51;
	v49 =	vld [tilespmem:$0x1070];
	v40 =	vsub.f32 $1.500000000e+00, v40;
	v51 =	vmul.f32 $5.000000000e-01, v56;
	v62 =	vmul.f32 v45, v19  }
0x13f: {  	[tilespmem:$0x380] =	vst v24;
	v63 =	vmul.f32 v21, v21;
	v19 =	vadd.f32 v54, v43;
	v1 =	vadd.f32 v60, v1  }
0x140: {  	[tilespmem:$0x390] =	vst v26;
	v50 =	vmul.f32 v45, v14;
	v0 =	vmul.f32 v40, v0;
	v14 =	vadd.f32 v59, v51  }
0x141: {  	[tilespmem:$0x3A0] =	vst v28;
	v54 =	vmul.f32 $5.000000000e-01, v61;
	v53 =	vmul.f32 v19, v19;
	v1 =	vadd.f32 v63, v1  }
0x142: {  	[tilespmem:$0x370] =	vst v55;
	v55 =	vmul.f32 v45, v17;
	v58 =	vmul.f32 v0, v42  }
0x143: {  	[tilespmem:$0x3B0] =	vst v37;
	v56 =	vmul.f32 v14, v14;
	v17 =	vadd.f32 v49, v54;
	v1 =	vadd.f32 v53, v1  }
0x144: {  	[tilespmem:$0x3C0] =	vst v2  }
0x145: {  	[tilespmem:$0x3D0] =	vst v3;
	v48 =	vmul.f32 v58, v0;
	v58 =	vmul.f32 v17, v17;
	v1 =	vadd.f32 v56, v1  }
0x146: {  	[tilespmem:$0x3E0] =	vst v4  }
0x147: {  	[tilespmem:$0x3F0] =	vst v5;
	v1 =	vadd.f32 v58, v1  }
0x148: {  	[tilespmem:$0x780] =	vst v6  }
0x149: {  	[tilespmem:$0x790] =	vst v7;
	(xrf2) =	vadd.scan.msk.f32 $0xffff, v1  }
0x14a: {  	[tilespmem:$0x7A0] =	vst v8;
	v52 =	vsub.f32 $1.500000000e+00, v48  }
0x14b: {  	[tilespmem:$0x7B0] =	vst v9  }
0x14c: {  	[tilespmem:$0x7C0] =	vst v13;
	v0 =	vmul.f32 v52, v0  }
0x14d: {  	[tilespmem:$0x7D0] =	vst v15  }
0x14e: {  	[tilespmem:$0x700] =	vst v57;
	v57 =	vmul.f32 v0, v42  }
0x14f: {  	[tilespmem:$0x7E0] =	vst v32;
	v23 =	vmul.f32 v45, v23  }
0x150: {  	[tilespmem:$0x680] =	vst v46;
	v20 =	vmul.f32 v45, v20;
	v59 =	vmul.f32 v57, v0  }
0x151: {  	[tilespmem:$0x400] =	vst v11  }
0x152: {  	[tilespmem:$0x740] =	vst v20;
	v20 =	vsub.f32 $1.500000000e+00, v59  }
0x153: {  	[tilespmem:$0x750] =	vst v23;
	v23, _, _ =	vpop (xrf2)  }
0x154: {  	[tilespmem:$0x410] =	vst v10;
	v0 =	vmul.f32 v20, v0;
	v1 =	vbroadcast v23, $0xF  }
0x155: {  	[tilespmem:$0x420] =	vst v12;
	v27 =	vmul.f32 v45, v27  }
0x156: {  	[tilespmem:$0x430] =	vst v22;
	v20 =	vmul.f32 v0, v26;
	v26 =	vshra.s32 v1, $0x1;
	v1 =	vmul.f32 $5.000000000e-01, v1  }
0x157: {  	[tilespmem:$0x800] =	vst v38;
	v61 =	vmul.f32 v0, v24;
	v24 =	vmul.f32 v0, v3;
	v3 =	vsub.s32 $0x5F3759DF, v26  }
0x158: {  	[tilespmem:$0x760] =	vst v27;
	v2 =	vmul.f32 v0, v2;
	v27 =	vmul.f32 v3, v1  }
0x159: {  	v39 =	vmul.f32 v45, v39;
	[tilespmem:$0x460] =	vst v35  }
0x15a: {  	v41 =	vmul.f32 v45, v41;
	[tilespmem:$0x3C0] =	vst v2;
	v2 =	vmul.f32 v3, v27  }
0x15b: {  	v30 =	vmul.f32 v45, v30;
	[tilespmem:$0x300] =	vst v39  }
0x15c: {  	[tilespmem:$0x330] =	vst v41;
	v2 =	vsub.f32 $1.500000000e+00, v2  }
0x15d: {  	[tilespmem:$0x360] =	vst v30  }
0x15e: {  	[tilespmem:$0x720] =	vst v50;
	v2 =	vmul.f32 v3, v2  }
0x15f: {  	[tilespmem:$0x440] =	vst v29  }
0x160: {  	[tilespmem:$0x730] =	vst v55;
	v39 =	vmul.f32 v2, v1  }
0x161: {  	[tilespmem:$0x450] =	vst v34  }
0x162: {  	[tilespmem:$0x470] =	vst v36;
	v3 =	vmul.f32 v39, v2  }
0x163: {  	[tilespmem:$0x710] =	vst v62;
	v60 =	vmul.f32 v45, v31;
	v62 =	vmul.f32 v0, v28  }
0x164: {  	[tilespmem:$0x810] =	vst v18;
	v63 =	vmul.f32 v0, v37;
	v4 =	vmul.f32 v0, v4;
	v3 =	vsub.f32 $1.500000000e+00, v3  }
0x165: {  	[tilespmem:$0x830] =	vst v16;
	v28 =	vmul.f32 v0, v5;
	v30 =	vmul.f32 v0, v6  }
0x166: {  	[tilespmem:$0x820] =	vst v25;
	v31 =	vmul.f32 v0, v7;
	v2 =	vmul.f32 v3, v2  }
0x167: {  	[tilespmem:$0x840] =	vst v21;
	v37 =	vmul.f32 v0, v8;
	v40 =	vmul.f32 v0, v9  }
0x168: {  	[tilespmem:$0x860] =	vst v14;
	v41 =	vmul.f32 v0, v13;
	v44 =	vmul.f32 v2, v1  }
0x169: {  	[tilespmem:$0x850] =	vst v19;
	v42 =	vmul.f32 v0, v15;
	v43 =	vmul.f32 v0, v32  }
0x16a: {  	[tilespmem:$0x770] =	vst v60;
	v0 =	vmul.f32 v0, v33;
	v45 =	vmul.f32 v44, v2  }
0x16b: {  	[tilespmem:$0x380] =	vst v61  }
0x16c: {  	[tilespmem:$0x7F0] =	vst v0;
	v0 =	vsub.f32 $1.500000000e+00, v45  }
0x16d: {  	[tilespmem:$0x390] =	vst v20  }
0x16e: {  	[tilespmem:$0x3A0] =	vst v62;
	v0 =	vmul.f32 v0, v2  }
0x16f: {  	[tilespmem:$0x3B0] =	vst v63  }
0x170: {  	[tilespmem:$0x3D0] =	vst v24;
	v1 =	vmul.f32 v0, v1  }
0x171: {  	[tilespmem:$0x3E0] =	vst v4  }
0x172: {  	[tilespmem:$0x3F0] =	vst v28;
	v1 =	vmul.f32 v1, v0  }
0x173: {  	[tilespmem:$0x780] =	vst v30  }
0x174: {  	[tilespmem:$0x790] =	vst v31;
	v1 =	vsub.f32 $1.500000000e+00, v1  }
0x175: {  	[tilespmem:$0x7A0] =	vst v37  }
0x176: {  	[tilespmem:$0x7B0] =	vst v40;
	v0 =	vmul.f32 v1, v0  }
0x177: {  	[tilespmem:$0x7C0] =	vst v41  }
0x178: {  	[tilespmem:$0x7D0] =	vst v42;
	v1 =	vmul.f32 v0, v11  }
0x179: {  	[tilespmem:$0x7E0] =	vst v43;
	v46 =	vmul.f32 v0, v10  }
0x17a: {  	v47 =	vmul.f32 v0, v12;
	[tilespmem:$0x400] =	vst v1  }
0x17b: {  	v49 =	vld.msk [tilespmem:$0x0], $0xff;
	v48 =	vmul.f32 v0, v22;
	[tilespmem:$0x410] =	vst v46  }
0x17c: {  	v50 =	vmul.f32 v0, v29;
	[tilespmem:$0x420] =	vst v47  }
0x17d: {  	v51 =	vmul.f32 v0, v34;
	[tilespmem:$0x430] =	vst v48  }
0x17e: {  	v59 =	vld [tilespmem:$0x1FFE0];
	v52 =	vmul.f32 v0, v35;
	[tilespmem:$0x440] =	vst v50  }
0x17f: {  	v53 =	vmul.f32 v0, v36;
	[tilespmem:$0x450] =	vst v51  }
0x180: {  	v55 =	vshll.u32 v49, $0x1;
	v62 =	vld [tilespmem:$0x1FFF0];
	v54 =	vmul.f32 v0, v38;
	[tilespmem:$0x460] =	vst v52  }
0x181: {  	v4 =	vand.u32 $0xFFFFFFF0, v55;
	v3 =	vand.u32 $0x7, v49;
	v56 =	vmul.f32 v0, v18;
	[tilespmem:$0x470] =	vst v53  }
0x182: {  	v3 =	vor.u32 v3, v4;
	v57 =	vmul.f32 v0, v25;
	[tilespmem:$0x800] =	vst v54  }
0x183: {  	v3 =	vperm.xlane v3, v59;
	v58 =	vmul.f32 v0, v16;
	[tilespmem:$0x810] =	vst v56  }
0x184: {  	v60 =	vmul.f32 v0, v21;
	[tilespmem:$0x820] =	vst v57  }
0x185: {  	v3 =	vadd.s32 v62, v3;
	v61 =	vmul.f32 v0, v19;
	[tilespmem:$0x830] =	vst v58  }
0x186: {  	v63 =	vmul.f32 v0, v14;
	[tilespmem:$0x840] =	vst v60  }
0x187: {  	v0 =	vmul.f32 v0, v17;
	[tilespmem:$0x850] =	vst v61  }
0x188: {  	[tilespmem:$0x860] =	vst v63  }
0x189: {  	[tilespmem:$0x870] =	vst v0  }
0x18a: {  	[hbm4b:s2+s3] =	stream.indirect_vreg.scatter [tilespmem:s29], [sflag:$0x1], $0x80, v3, vm0, $0xb8;
	[tilespmem:$0x1080] =	vst v63  }
0x18b: {  	_ =	swait.ge [sflag:s30], $0x800  }
0x18c: {  	[sflag:s30] =	ssyncset.done $0x0  }
0x18d: {  	[sflag:s30] =	ssyncadd.s32 $0xFFFFF800  }
0x18e: {  	_ =	sfence.sel $0x180000  }
0x18f: {  	[bflag:$0x0] =	sbarrier.arrive $0xFFFF  }
0x190: {  	p0 =	sne.s32 s1, $0x0;
	_ =	strace $0x90000047  }
0x191: {  	s0 =	sadd.s32 @!p0 $0x100000, s0;
	[bflag:$0x2] =	sbarrier.arrive $0xFFFF  }
0x192: {  	[sflag:s0] =	ssyncadd.tile.s32 @!p0 $0x1;
	_ =	shalt  }
.Lfunc_end2:
_tile_overlayer_lowered:
.L_overlay_start_2:
0x193: {  	(tag) =	ssettag $0x2  }
0x194: {  	s0 =	rddreg [dreg:$0x0];
	s2 =	stileid.u32  }
0x195: {  	s1 =	rddreg [dreg:$0x1];
	p0 =	sne.s32 s2, $0x0  }
0x196: {  	s3 =	rddreg [dreg:$0x2];
	[bflag:$0x3] =	sbarrier.arrive $0xFFFF;
	s2 =	simm.s32 @!p0 $0x1C03  }
0x197: {  	[timem:s3], [sflag:s2] =	dma.local @!p0 [hbm:s0], s1  }
0x198: {  	s0 =	simm.s32 @!p0 $0x3  }
0x199: {  	_ =	swait.ge @!p0 [sflag:s0], s1  }
0x19a: {  	s1 =	ssub.s32 @!p0 $0x0, s1;
	[sflag:s0] =	ssyncset.done @!p0 $0x0  }
0x19b: {  	[sflag:s0] =	ssyncadd.s32 @!p0 s1  }
0x19c: {  	[bflag:$0x3] =	sbarrier.arrive $0xFFFF  }
0x19d: {  	_ =	shalt  }

</sc_bundles>
